<compile_context>
chip_gen: v7x
topology: tpu7x:2x2x1
jax: 0.10.2.dev20260603
libtpu: 0.0.44.dev20260713+nightly
codegen_flags: <defaults>
</compile_context>

<pallas_src>
import jax
import jax.numpy as jnp
from jax import lax
from jax.experimental import pallas as pl
from jax.experimental.pallas import tpu as pltpu
from jax.experimental.pallas import tpu_sc as plsc

B, C, H, W = 32, 768, 32, 32
P = H * W
K = 8
LANES = 16
CHUNK = 128
GROUPS = CHUNK // LANES
NCHUNKS = P // CHUNK
CBATCH = C // K
NC, NS = 2, 16
CBLK = 384

_SORT8 = [[(0, 1), (2, 3), (4, 5), (6, 7)],
          [(0, 2), (1, 3), (4, 6), (5, 7)],
          [(1, 2), (5, 6)],
          [(0, 4), (1, 5), (2, 6), (3, 7)],
          [(2, 4), (3, 5)],
          [(1, 2), (3, 4), (5, 6)]]
_BITONIC8 = [[(0, 4), (1, 5), (2, 6), (3, 7)],
             [(0, 2), (1, 3), (4, 6), (5, 7)],
             [(0, 1), (2, 3), (4, 5), (6, 7)]]


def _apply_net(vals, net):
    for layer in net:
        for a, b in layer:
            hi = jnp.maximum(vals[a], vals[b])
            lo = jnp.minimum(vals[a], vals[b])
            vals[a], vals[b] = hi, lo
    return vals


CHALF = C // 2
HBATCH = CHALF // K


def _sc_thresholds(x_hbm, thr_hbm, bufs, thr_buf, state, sems, out_sem):
    wid = lax.axis_index("s") * NC + lax.axis_index("c")

    def issue(q, h):
        pltpu.async_copy(
            x_hbm.at[wid, pl.ds(h * CHALF, CHALF), pl.ds(q * CHUNK, CHUNK)],
            bufs.at[h], sems.at[h])

    def wait(q, h):
        pltpu.make_async_copy(
            x_hbm.at[wid, pl.ds(h * CHALF, CHALF), pl.ds(q * CHUNK, CHUNK)],
            bufs.at[h], sems.at[h]).wait()

    issue(0, 0)

    @pl.loop(0, NCHUNKS)
    def _chunk(q):
        for h in range(2):
            wait(q, h)
            if h == 0:
                issue(q, 1)
            else:
                @pl.when(q + 1 < NCHUNKS)
                def _refill():
                    issue(q + 1, 0)

            buf = bufs.at[h]
            neg = jnp.full((LANES,), -jnp.inf, jnp.float32)

            for gbase in range(0, GROUPS, 2):
                def batch_body(c8, ms, gbase=gbase, buf=buf):
                    ms = list(ms)
                    base = c8 * K
                    for gg in range(2):
                        g = gbase + gg
                        t = [buf[base + k, g * LANES:(g + 1) * LANES]
                             for k in range(K)]
                        t = _apply_net(t, _SORT8)
                        m = ms[gg * K:(gg + 1) * K]
                        u = [jnp.maximum(m[i], t[K - 1 - i])
                             for i in range(K)]
                        u = _apply_net(u, _BITONIC8)
                        ms[gg * K:(gg + 1) * K] = u
                    return tuple(ms)

                if h == 0:
                    init = tuple(neg for _ in range(2 * K))
                else:
                    init = tuple(
                        state[(idx % K),
                              (gbase + idx // K) * LANES:
                              (gbase + idx // K) * LANES + LANES]
                        for idx in range(2 * K))

                ms = plsc.parallel_loop(
                    0, HBATCH, carry=init)(batch_body)

                if h == 0:
                    for idx in range(2 * K):
                        state[(idx % K),
                              (gbase + idx // K) * LANES:
                              (gbase + idx // K) * LANES + LANES] = ms[idx]
                else:
                    for gg in range(2):
                        g = gbase + gg
                        thr_buf[pl.ds(q * CHUNK + g * LANES, LANES)] = (
                            ms[gg * K + K - 1])

    pltpu.async_copy(thr_buf, thr_hbm.at[wid], out_sem).wait()


def _tc_mask(x_ref, thr_ref, out_ref):
    xb = x_ref[0]
    t = thr_ref[0]
    out_ref[0] = jnp.where(xb >= t, xb, jnp.float32(0.0))


@jax.jit
def kernel(x):
    xr = x.reshape(B, C, P)
    thr = pl.kernel(
        _sc_thresholds,
        out_type=jax.ShapeDtypeStruct((B, P), jnp.float32),
        mesh=plsc.VectorSubcoreMesh(core_axis_name="c", subcore_axis_name="s"),
        scratch_types=[
            pltpu.VMEM((2, CHALF, CHUNK), jnp.float32),
            pltpu.VMEM((P,), jnp.float32),
            pltpu.VMEM((K, GROUPS * LANES), jnp.float32),
            pltpu.SemaphoreType.DMA((2,)),
            pltpu.SemaphoreType.DMA,
        ],
        compiler_params=pltpu.CompilerParams(use_tc_tiling_on_sc=True),
    )(xr)
    out = pl.pallas_call(
        _tc_mask,
        grid=(B, C // CBLK),
        in_specs=[
            pl.BlockSpec((1, CBLK, P), lambda b, cb: (b, cb, 0)),
            pl.BlockSpec((1, 1, P), lambda b, cb: (b, 0, 0)),
        ],
        out_specs=pl.BlockSpec((1, CBLK, P), lambda b, cb: (b, cb, 0)),
        out_shape=jax.ShapeDtypeStruct((B, C, P), jnp.float32),
    )(xr, thr.reshape(B, 1, P))
    return out.reshape(B, C, H, W)

# --- scband reference (transcript-rebuilt; emitter-appended) ---
"""Pipeline reference for scband-dendrite-kwinners2d-80109730005714 (READ-ONLY COPY).

The authoritative reference and input builder live on the scoring server;
editing this copy changes nothing except your own understanding.
"""

import jax, jax.numpy as jnp
import numpy as np

K = 8

def setup_inputs(seed: int = 0) -> dict:
    key = jax.random.key(seed)
    x = jax.random.normal(key, (32, 768, 32, 32), dtype=jnp.float32)
    return {"x": x}

def reference(x):
    # DendriteKWinners2dLocal.forward: top-k over channel dim (dim=1),
    # keep winning activations, zero out the rest.
    B, C, H, W = x.shape
    xt = jnp.transpose(x, (0, 2, 3, 1))  # [B, H, W, C]
    _, idx = jax.lax.top_k(jax.lax.stop_gradient(xt), K)  # idx: [B, H, W, K]
    gathered = jnp.take_along_axis(xt, idx, axis=-1)      # [B, H, W, K]
    bi = jnp.arange(B)[:, None, None, None]
    hi = jnp.arange(H)[None, :, None, None]
    wi = jnp.arange(W)[None, None, :, None]
    res_t = jnp.zeros_like(xt).at[bi, hi, wi, idx].set(gathered)
    res = jnp.transpose(res_t, (0, 3, 1, 2))  # back to [B, C, H, W]
    return res

if __name__ == "__main__":
    import jax
    _d = setup_inputs()
    print(jax.jit(kernel)(*tuple(_d.values())))

</pallas_src>

<mosaic_0001>
#map = affine_map<(d0, d1) -> (0, 0, 0)>
#map1 = affine_map<(d0, d1) -> (0, 0)>
module attributes {stable_mosaic.version = 14 : i64} {
  func.func @_sc_thresholds(%arg0: i32, %arg1: i32, %arg2: memref<32x768x1024xf32, #tpu.memory_space<hbm>>, %arg3: memref<32x1024xf32, #tpu.memory_space<hbm>>, %arg4: memref<2x384x128xf32, #tpu.memory_space<vmem>>, %arg5: memref<1024xf32, #tpu.memory_space<vmem>>, %arg6: memref<8x128xf32, #tpu.memory_space<vmem>>, %arg7: memref<2x!tpu.dma_semaphore, #tpu.memory_space<semaphore_mem>>, %arg8: memref<!tpu.dma_semaphore, #tpu.memory_space<semaphore_mem>>) attributes {dimension_semantics = [#tpu.dimension_semantics<core_parallel>, #tpu.dimension_semantics<subcore_parallel>], iteration_bounds = array<i64: 2, 16>, scalar_prefetch = 0 : i64, scratch_operands = 5 : i64, tpu.core_type = #tpu.core_type<sc_vector_subcore>, window_params = [{transform_indices = #map}, {transform_indices = #map1}]} {
    %mul3A = arith.constant 2 : i32
    %mul3A_0 = arith.muli %arg1, %mul3A : i32
    %add3A = arith.addi %mul3A_0, %arg0 : i32
    %dma_start3A = arith.constant 0 : i32
    %dma_start3A_1 = arith.constant 0 : i32
    %dma_start3A_2 = arith.constant 0 : i32
    %dma_start3A_3 = arith.constant 0 : i32
    %dma_start3A_4 = tpu.memref_slice %arg4[%dma_start3A, %dma_start3A_2, %dma_start3A_3] : memref<2x384x128xf32, #tpu.memory_space<vmem>> -> memref<1x384x128xf32, #tpu.memory_space<vmem>>
    %dma_start3A_5 = tpu.memref_squeeze %dma_start3A_4 : memref<1x384x128xf32, #tpu.memory_space<vmem>> -> memref<384x128xf32, #tpu.memory_space<vmem>>
    %dma_start3A_6 = arith.constant 0 : i32
    %dma_start3A_7 = arith.constant 0 : i32
    %dma_start3A_8 = tpu.memref_slice %arg2[%add3A, %dma_start3A_6, %dma_start3A_7] : memref<32x768x1024xf32, #tpu.memory_space<hbm>> -> memref<1x384x128xf32, #tpu.memory_space<hbm>>
    %dma_start3A_9 = tpu.memref_squeeze %dma_start3A_8 : memref<1x384x128xf32, #tpu.memory_space<hbm>> -> memref<384x128xf32, #tpu.memory_space<hbm>>
    %dma_start3A_10 = tpu.memref_slice %arg7[%dma_start3A_1] : memref<2x!tpu.dma_semaphore, #tpu.memory_space<semaphore_mem>> -> memref<1x!tpu.dma_semaphore, #tpu.memory_space<semaphore_mem>>
    %dma_start3A_11 = tpu.memref_squeeze %dma_start3A_10 : memref<1x!tpu.dma_semaphore, #tpu.memory_space<semaphore_mem>> -> memref<!tpu.dma_semaphore, #tpu.memory_space<semaphore_mem>>
    %dma_start3A_12 = arith.constant 0 : i32
    %dma_start3A_13 = arith.constant 0 : i32
    %dma_start3A_14 = tpu.memref_slice %arg4[%dma_start3A, %dma_start3A_12, %dma_start3A_13] : memref<2x384x128xf32, #tpu.memory_space<vmem>> -> memref<1x384x128xf32, #tpu.memory_space<vmem>>
    %dma_start3A_15 = tpu.memref_squeeze %dma_start3A_14 : memref<1x384x128xf32, #tpu.memory_space<vmem>> -> memref<384x128xf32, #tpu.memory_space<vmem>>
    %dma_start3A_16 = arith.constant 0 : i32
    %dma_start3A_17 = arith.constant 0 : i32
    %dma_start3A_18 = tpu.memref_slice %arg2[%add3A, %dma_start3A_16, %dma_start3A_17] : memref<32x768x1024xf32, #tpu.memory_space<hbm>> -> memref<1x384x128xf32, #tpu.memory_space<hbm>>
    %dma_start3A_19 = tpu.memref_squeeze %dma_start3A_18 : memref<1x384x128xf32, #tpu.memory_space<hbm>> -> memref<384x128xf32, #tpu.memory_space<hbm>>
    tpu.enqueue_dma source(%dma_start3A_19 : memref<384x128xf32, #tpu.memory_space<hbm>>) target(%dma_start3A_15 : memref<384x128xf32, #tpu.memory_space<vmem>>) target_semaphore(%dma_start3A_11 : memref<!tpu.dma_semaphore, #tpu.memory_space<semaphore_mem>>)
    %scan3A = arith.constant 0 : i32
    %scan3A_20 = arith.constant 8 : i32
    %scan3A_21 = arith.addi %scan3A, %scan3A_20 : i32
    %scan3A_22 = arith.constant 1 : i32
    scf.for %scan3A_35 = %scan3A to %scan3A_21 step %scan3A_22  : i32 {
      %mul3A_36 = arith.constant 1 : i32
      %mul3A_37 = arith.muli %scan3A_35, %mul3A_36 : i32
      %add3A_38 = arith.constant 0 : i32
      %add3A_39 = arith.addi %add3A_38, %mul3A_37 : i32
      %mul3A_40 = arith.constant 128 : i32
      %mul3A_41 = arith.muli %add3A_39, %mul3A_40 : i32
      %dma_wait3A_42 = arith.constant 0 : i32
      %dma_wait3A_43 = arith.constant 0 : i32
      %dma_wait3A_44 = arith.constant 0 : i32
      %dma_wait3A_45 = arith.constant 0 : i32
      %dma_wait3A_46 = tpu.memref_slice %arg4[%dma_wait3A_42, %dma_wait3A_44, %dma_wait3A_45] : memref<2x384x128xf32, #tpu.memory_space<vmem>> -> memref<1x384x128xf32, #tpu.memory_space<vmem>>
      %dma_wait3A_47 = tpu.memref_squeeze %dma_wait3A_46 : memref<1x384x128xf32, #tpu.memory_space<vmem>> -> memref<384x128xf32, #tpu.memory_space<vmem>>
      %dma_wait3A_48 = arith.constant 0 : i32
      %dma_wait3A_49 = tpu.memref_slice %arg2[%add3A, %dma_wait3A_48, %mul3A_41] : memref<32x768x1024xf32, #tpu.memory_space<hbm>> -> memref<1x384x128xf32, #tpu.memory_space<hbm>>
      %dma_wait3A_50 = tpu.memref_squeeze %dma_wait3A_49 : memref<1x384x128xf32, #tpu.memory_space<hbm>> -> memref<384x128xf32, #tpu.memory_space<hbm>>
      %dma_wait3A_51 = tpu.memref_slice %arg7[%dma_wait3A_43] : memref<2x!tpu.dma_semaphore, #tpu.memory_space<semaphore_mem>> -> memref<1x!tpu.dma_semaphore, #tpu.memory_space<semaphore_mem>>
      %dma_wait3A_52 = tpu.memref_squeeze %dma_wait3A_51 : memref<1x!tpu.dma_semaphore, #tpu.memory_space<semaphore_mem>> -> memref<!tpu.dma_semaphore, #tpu.memory_space<semaphore_mem>>
      %dma_wait3A_53 = arith.constant 0 : i32
      %dma_wait3A_54 = arith.constant 0 : i32
      %dma_wait3A_55 = tpu.memref_slice %arg4[%dma_wait3A_42, %dma_wait3A_53, %dma_wait3A_54] : memref<2x384x128xf32, #tpu.memory_space<vmem>> -> memref<1x384x128xf32, #tpu.memory_space<vmem>>
      %dma_wait3A_56 = tpu.memref_squeeze %dma_wait3A_55 : memref<1x384x128xf32, #tpu.memory_space<vmem>> -> memref<384x128xf32, #tpu.memory_space<vmem>>
      %dma_wait3A_57 = arith.constant 0 : i32
      %dma_wait3A_58 = tpu.memref_slice %arg2[%add3A, %dma_wait3A_57, %mul3A_41] : memref<32x768x1024xf32, #tpu.memory_space<hbm>> -> memref<1x384x128xf32, #tpu.memory_space<hbm>>
      %dma_wait3A_59 = tpu.memref_squeeze %dma_wait3A_58 : memref<1x384x128xf32, #tpu.memory_space<hbm>> -> memref<384x128xf32, #tpu.memory_space<hbm>>
      tpu.wait_dma2 semaphore(%dma_wait3A_52 : memref<!tpu.dma_semaphore, #tpu.memory_space<semaphore_mem>>) src(%dma_wait3A_59 : memref<384x128xf32, #tpu.memory_space<hbm>>) dst(%dma_wait3A_56 : memref<384x128xf32, #tpu.memory_space<vmem>>)
      %mul3A_60 = arith.constant 128 : i32
      %mul3A_61 = arith.muli %add3A_39, %mul3A_60 : i32
      %dma_start3A_62 = arith.constant 1 : i32
      %dma_start3A_63 = arith.constant 1 : i32
      %dma_start3A_64 = arith.constant 0 : i32
      %dma_start3A_65 = arith.constant 0 : i32
      %dma_start3A_66 = tpu.memref_slice %arg4[%dma_start3A_62, %dma_start3A_64, %dma_start3A_65] : memref<2x384x128xf32, #tpu.memory_space<vmem>> -> memref<1x384x128xf32, #tpu.memory_space<vmem>>
      %dma_start3A_67 = tpu.memref_squeeze %dma_start3A_66 : memref<1x384x128xf32, #tpu.memory_space<vmem>> -> memref<384x128xf32, #tpu.memory_space<vmem>>
      %dma_start3A_68 = arith.constant 384 : i32
      %dma_start3A_69 = tpu.memref_slice %arg2[%add3A, %dma_start3A_68, %mul3A_61] : memref<32x768x1024xf32, #tpu.memory_space<hbm>> -> memref<1x384x128xf32, #tpu.memory_space<hbm>>
      %dma_start3A_70 = tpu.memref_squeeze %dma_start3A_69 : memref<1x384x128xf32, #tpu.memory_space<hbm>> -> memref<384x128xf32, #tpu.memory_space<hbm>>
      %dma_start3A_71 = tpu.memref_slice %arg7[%dma_start3A_63] : memref<2x!tpu.dma_semaphore, #tpu.memory_space<semaphore_mem>> -> memref<1x!tpu.dma_semaphore, #tpu.memory_space<semaphore_mem>>
      %dma_start3A_72 = tpu.memref_squeeze %dma_start3A_71 : memref<1x!tpu.dma_semaphore, #tpu.memory_space<semaphore_mem>> -> memref<!tpu.dma_semaphore, #tpu.memory_space<semaphore_mem>>
      %dma_start3A_73 = arith.constant 0 : i32
      %dma_start3A_74 = arith.constant 0 : i32
      %dma_start3A_75 = tpu.memref_slice %arg4[%dma_start3A_62, %dma_start3A_73, %dma_start3A_74] : memref<2x384x128xf32, #tpu.memory_space<vmem>> -> memref<1x384x128xf32, #tpu.memory_space<vmem>>
      %dma_start3A_76 = tpu.memref_squeeze %dma_start3A_75 : memref<1x384x128xf32, #tpu.memory_space<vmem>> -> memref<384x128xf32, #tpu.memory_space<vmem>>
      %dma_start3A_77 = arith.constant 384 : i32
      %dma_start3A_78 = tpu.memref_slice %arg2[%add3A, %dma_start3A_77, %mul3A_61] : memref<32x768x1024xf32, #tpu.memory_space<hbm>> -> memref<1x384x128xf32, #tpu.memory_space<hbm>>
      %dma_start3A_79 = tpu.memref_squeeze %dma_start3A_78 : memref<1x384x128xf32, #tpu.memory_space<hbm>> -> memref<384x128xf32, #tpu.memory_space<hbm>>
      tpu.enqueue_dma source(%dma_start3A_79 : memref<384x128xf32, #tpu.memory_space<hbm>>) target(%dma_start3A_76 : memref<384x128xf32, #tpu.memory_space<vmem>>) target_semaphore(%dma_start3A_72 : memref<!tpu.dma_semaphore, #tpu.memory_space<semaphore_mem>>)
      %broadcast_in_dim3A = arith.constant 0xFF800000 : f32
      %broadcast_in_dim3A_80 = vector.broadcast %broadcast_in_dim3A : f32 to vector<16xf32>
      %parallel_loop3A = arith.constant 0 : i32
      %parallel_loop3A_81 = arith.constant 48 : i32
      %parallel_loop3A_82 = arith.constant 1 : i32
      %parallel_loop3A_83 = arith.constant 0 : i32
      %parallel_loop3A_84:16 = scf.for %parallel_loop3A_912 = %parallel_loop3A to %parallel_loop3A_81 step %parallel_loop3A_82 iter_args(%parallel_loop3A_913 = %broadcast_in_dim3A_80, %parallel_loop3A_914 = %broadcast_in_dim3A_80, %parallel_loop3A_915 = %broadcast_in_dim3A_80, %parallel_loop3A_916 = %broadcast_in_dim3A_80, %parallel_loop3A_917 = %broadcast_in_dim3A_80, %parallel_loop3A_918 = %broadcast_in_dim3A_80, %parallel_loop3A_919 = %broadcast_in_dim3A_80, %parallel_loop3A_920 = %broadcast_in_dim3A_80, %parallel_loop3A_921 = %broadcast_in_dim3A_80, %parallel_loop3A_922 = %broadcast_in_dim3A_80, %parallel_loop3A_923 = %broadcast_in_dim3A_80, %parallel_loop3A_924 = %broadcast_in_dim3A_80, %parallel_loop3A_925 = %broadcast_in_dim3A_80, %parallel_loop3A_926 = %broadcast_in_dim3A_80, %parallel_loop3A_927 = %broadcast_in_dim3A_80, %parallel_loop3A_928 = %broadcast_in_dim3A_80) -> (vector<16xf32>, vector<16xf32>, vector<16xf32>, vector<16xf32>, vector<16xf32>, vector<16xf32>, vector<16xf32>, vector<16xf32>, vector<16xf32>, vector<16xf32>, vector<16xf32>, vector<16xf32>, vector<16xf32>, vector<16xf32>, vector<16xf32>, vector<16xf32>)  : i32 {
        %parallel_loop3A_929 = arith.constant 8 : i32
        %parallel_loop3A_930 = arith.muli %parallel_loop3A_912, %parallel_loop3A_929 : i32
        %parallel_loop3A_931 = arith.constant 0 : i32
        %parallel_loop3A_932 = arith.addi %parallel_loop3A_930, %parallel_loop3A_931 : i32
        %parallel_loop3A_933 = arith.constant 0 : i32
        %parallel_loop3A_934 = arith.constant 0 : i32
        %parallel_loop3A_935 = tpu.memref_slice %arg4[%parallel_loop3A_83, %parallel_loop3A_933, %parallel_loop3A_934] : memref<2x384x128xf32, #tpu.memory_space<vmem>> -> memref<1x384x128xf32, #tpu.memory_space<vmem>>
        %parallel_loop3A_936 = tpu.memref_squeeze %parallel_loop3A_935 : memref<1x384x128xf32, #tpu.memory_space<vmem>> -> memref<384x128xf32, #tpu.memory_space<vmem>>
        %parallel_loop3A_937 = arith.index_cast %parallel_loop3A_932 : i32 to index
        %parallel_loop3A_938 = arith.constant 0 : index
        %parallel_loop3A_939 = tpu.vector_load %parallel_loop3A_936[%parallel_loop3A_937, %parallel_loop3A_938] {strides = array<i32>} : memref<384x128xf32, #tpu.memory_space<vmem>>, vector<1x16xf32>,
        %parallel_loop3A_940 = vector.shape_cast %parallel_loop3A_939 : vector<1x16xf32> to vector<16xf32>
        %parallel_loop3A_941 = arith.constant 1 : i32
        %parallel_loop3A_942 = arith.addi %parallel_loop3A_930, %parallel_loop3A_941 : i32
        %parallel_loop3A_943 = arith.constant 0 : i32
        %parallel_loop3A_944 = arith.constant 0 : i32
        %parallel_loop3A_945 = tpu.memref_slice %arg4[%parallel_loop3A_83, %parallel_loop3A_943, %parallel_loop3A_944] : memref<2x384x128xf32, #tpu.memory_space<vmem>> -> memref<1x384x128xf32, #tpu.memory_space<vmem>>
        %parallel_loop3A_946 = tpu.memref_squeeze %parallel_loop3A_945 : memref<1x384x128xf32, #tpu.memory_space<vmem>> -> memref<384x128xf32, #tpu.memory_space<vmem>>
        %parallel_loop3A_947 = arith.index_cast %parallel_loop3A_942 : i32 to index
        %parallel_loop3A_948 = arith.constant 0 : index
        %parallel_loop3A_949 = tpu.vector_load %parallel_loop3A_946[%parallel_loop3A_947, %parallel_loop3A_948] {strides = array<i32>} : memref<384x128xf32, #tpu.memory_space<vmem>>, vector<1x16xf32>,
        %parallel_loop3A_950 = vector.shape_cast %parallel_loop3A_949 : vector<1x16xf32> to vector<16xf32>
        %parallel_loop3A_951 = arith.constant 2 : i32
        %parallel_loop3A_952 = arith.addi %parallel_loop3A_930, %parallel_loop3A_951 : i32
        %parallel_loop3A_953 = arith.constant 0 : i32
        %parallel_loop3A_954 = arith.constant 0 : i32
        %parallel_loop3A_955 = tpu.memref_slice %arg4[%parallel_loop3A_83, %parallel_loop3A_953, %parallel_loop3A_954] : memref<2x384x128xf32, #tpu.memory_space<vmem>> -> memref<1x384x128xf32, #tpu.memory_space<vmem>>
        %parallel_loop3A_956 = tpu.memref_squeeze %parallel_loop3A_955 : memref<1x384x128xf32, #tpu.memory_space<vmem>> -> memref<384x128xf32, #tpu.memory_space<vmem>>
        %parallel_loop3A_957 = arith.index_cast %parallel_loop3A_952 : i32 to index
        %parallel_loop3A_958 = arith.constant 0 : index
        %parallel_loop3A_959 = tpu.vector_load %parallel_loop3A_956[%parallel_loop3A_957, %parallel_loop3A_958] {strides = array<i32>} : memref<384x128xf32, #tpu.memory_space<vmem>>, vector<1x16xf32>,
        %parallel_loop3A_960 = vector.shape_cast %parallel_loop3A_959 : vector<1x16xf32> to vector<16xf32>
        %parallel_loop3A_961 = arith.constant 3 : i32
        %parallel_loop3A_962 = arith.addi %parallel_loop3A_930, %parallel_loop3A_961 : i32
        %parallel_loop3A_963 = arith.constant 0 : i32
        %parallel_loop3A_964 = arith.constant 0 : i32
        %parallel_loop3A_965 = tpu.memref_slice %arg4[%parallel_loop3A_83, %parallel_loop3A_963, %parallel_loop3A_964] : memref<2x384x128xf32, #tpu.memory_space<vmem>> -> memref<1x384x128xf32, #tpu.memory_space<vmem>>
        %parallel_loop3A_966 = tpu.memref_squeeze %parallel_loop3A_965 : memref<1x384x128xf32, #tpu.memory_space<vmem>> -> memref<384x128xf32, #tpu.memory_space<vmem>>
        %parallel_loop3A_967 = arith.index_cast %parallel_loop3A_962 : i32 to index
        %parallel_loop3A_968 = arith.constant 0 : index
        %parallel_loop3A_969 = tpu.vector_load %parallel_loop3A_966[%parallel_loop3A_967, %parallel_loop3A_968] {strides = array<i32>} : memref<384x128xf32, #tpu.memory_space<vmem>>, vector<1x16xf32>,
        %parallel_loop3A_970 = vector.shape_cast %parallel_loop3A_969 : vector<1x16xf32> to vector<16xf32>
        %parallel_loop3A_971 = arith.constant 4 : i32
        %parallel_loop3A_972 = arith.addi %parallel_loop3A_930, %parallel_loop3A_971 : i32
        %parallel_loop3A_973 = arith.constant 0 : i32
        %parallel_loop3A_974 = arith.constant 0 : i32
        %parallel_loop3A_975 = tpu.memref_slice %arg4[%parallel_loop3A_83, %parallel_loop3A_973, %parallel_loop3A_974] : memref<2x384x128xf32, #tpu.memory_space<vmem>> -> memref<1x384x128xf32, #tpu.memory_space<vmem>>
        %parallel_loop3A_976 = tpu.memref_squeeze %parallel_loop3A_975 : memref<1x384x128xf32, #tpu.memory_space<vmem>> -> memref<384x128xf32, #tpu.memory_space<vmem>>
        %parallel_loop3A_977 = arith.index_cast %parallel_loop3A_972 : i32 to index
        %parallel_loop3A_978 = arith.constant 0 : index
        %parallel_loop3A_979 = tpu.vector_load %parallel_loop3A_976[%parallel_loop3A_977, %parallel_loop3A_978] {strides = array<i32>} : memref<384x128xf32, #tpu.memory_space<vmem>>, vector<1x16xf32>,
        %parallel_loop3A_980 = vector.shape_cast %parallel_loop3A_979 : vector<1x16xf32> to vector<16xf32>
        %parallel_loop3A_981 = arith.constant 5 : i32
        %parallel_loop3A_982 = arith.addi %parallel_loop3A_930, %parallel_loop3A_981 : i32
        %parallel_loop3A_983 = arith.constant 0 : i32
        %parallel_loop3A_984 = arith.constant 0 : i32
        %parallel_loop3A_985 = tpu.memref_slice %arg4[%parallel_loop3A_83, %parallel_loop3A_983, %parallel_loop3A_984] : memref<2x384x128xf32, #tpu.memory_space<vmem>> -> memref<1x384x128xf32, #tpu.memory_space<vmem>>
        %parallel_loop3A_986 = tpu.memref_squeeze %parallel_loop3A_985 : memref<1x384x128xf32, #tpu.memory_space<vmem>> -> memref<384x128xf32, #tpu.memory_space<vmem>>
        %parallel_loop3A_987 = arith.index_cast %parallel_loop3A_982 : i32 to index
        %parallel_loop3A_988 = arith.constant 0 : index
        %parallel_loop3A_989 = tpu.vector_load %parallel_loop3A_986[%parallel_loop3A_987, %parallel_loop3A_988] {strides = array<i32>} : memref<384x128xf32, #tpu.memory_space<vmem>>, vector<1x16xf32>,
        %parallel_loop3A_990 = vector.shape_cast %parallel_loop3A_989 : vector<1x16xf32> to vector<16xf32>
        %parallel_loop3A_991 = arith.constant 6 : i32
        %parallel_loop3A_992 = arith.addi %parallel_loop3A_930, %parallel_loop3A_991 : i32
        %parallel_loop3A_993 = arith.constant 0 : i32
        %parallel_loop3A_994 = arith.constant 0 : i32
        %parallel_loop3A_995 = tpu.memref_slice %arg4[%parallel_loop3A_83, %parallel_loop3A_993, %parallel_loop3A_994] : memref<2x384x128xf32, #tpu.memory_space<vmem>> -> memref<1x384x128xf32, #tpu.memory_space<vmem>>
        %parallel_loop3A_996 = tpu.memref_squeeze %parallel_loop3A_995 : memref<1x384x128xf32, #tpu.memory_space<vmem>> -> memref<384x128xf32, #tpu.memory_space<vmem>>
        %parallel_loop3A_997 = arith.index_cast %parallel_loop3A_992 : i32 to index
        %parallel_loop3A_998 = arith.constant 0 : index
        %parallel_loop3A_999 = tpu.vector_load %parallel_loop3A_996[%parallel_loop3A_997, %parallel_loop3A_998] {strides = array<i32>} : memref<384x128xf32, #tpu.memory_space<vmem>>, vector<1x16xf32>,
        %parallel_loop3A_1000 = vector.shape_cast %parallel_loop3A_999 : vector<1x16xf32> to vector<16xf32>
        %parallel_loop3A_1001 = arith.constant 7 : i32
        %parallel_loop3A_1002 = arith.addi %parallel_loop3A_930, %parallel_loop3A_1001 : i32
        %parallel_loop3A_1003 = arith.constant 0 : i32
        %parallel_loop3A_1004 = arith.constant 0 : i32
        %parallel_loop3A_1005 = tpu.memref_slice %arg4[%parallel_loop3A_83, %parallel_loop3A_1003, %parallel_loop3A_1004] : memref<2x384x128xf32, #tpu.memory_space<vmem>> -> memref<1x384x128xf32, #tpu.memory_space<vmem>>
        %parallel_loop3A_1006 = tpu.memref_squeeze %parallel_loop3A_1005 : memref<1x384x128xf32, #tpu.memory_space<vmem>> -> memref<384x128xf32, #tpu.memory_space<vmem>>
        %parallel_loop3A_1007 = arith.index_cast %parallel_loop3A_1002 : i32 to index
        %parallel_loop3A_1008 = arith.constant 0 : index
        %parallel_loop3A_1009 = tpu.vector_load %parallel_loop3A_1006[%parallel_loop3A_1007, %parallel_loop3A_1008] {strides = array<i32>} : memref<384x128xf32, #tpu.memory_space<vmem>>, vector<1x16xf32>,
        %parallel_loop3A_1010 = vector.shape_cast %parallel_loop3A_1009 : vector<1x16xf32> to vector<16xf32>
        %parallel_loop3A_1011 = arith.maximumf %parallel_loop3A_940, %parallel_loop3A_950 : vector<16xf32>
        %parallel_loop3A_1012 = arith.minimumf %parallel_loop3A_940, %parallel_loop3A_950 : vector<16xf32>
        %parallel_loop3A_1013 = arith.maximumf %parallel_loop3A_960, %parallel_loop3A_970 : vector<16xf32>
        %parallel_loop3A_1014 = arith.minimumf %parallel_loop3A_960, %parallel_loop3A_970 : vector<16xf32>
        %parallel_loop3A_1015 = arith.maximumf %parallel_loop3A_980, %parallel_loop3A_990 : vector<16xf32>
        %parallel_loop3A_1016 = arith.minimumf %parallel_loop3A_980, %parallel_loop3A_990 : vector<16xf32>
        %parallel_loop3A_1017 = arith.maximumf %parallel_loop3A_1000, %parallel_loop3A_1010 : vector<16xf32>
        %parallel_loop3A_1018 = arith.minimumf %parallel_loop3A_1000, %parallel_loop3A_1010 : vector<16xf32>
        %parallel_loop3A_1019 = arith.maximumf %parallel_loop3A_1011, %parallel_loop3A_1013 : vector<16xf32>
        %parallel_loop3A_1020 = arith.minimumf %parallel_loop3A_1011, %parallel_loop3A_1013 : vector<16xf32>
        %parallel_loop3A_1021 = arith.maximumf %parallel_loop3A_1012, %parallel_loop3A_1014 : vector<16xf32>
        %parallel_loop3A_1022 = arith.minimumf %parallel_loop3A_1012, %parallel_loop3A_1014 : vector<16xf32>
        %parallel_loop3A_1023 = arith.maximumf %parallel_loop3A_1015, %parallel_loop3A_1017 : vector<16xf32>
        %parallel_loop3A_1024 = arith.minimumf %parallel_loop3A_1015, %parallel_loop3A_1017 : vector<16xf32>
        %parallel_loop3A_1025 = arith.maximumf %parallel_loop3A_1016, %parallel_loop3A_1018 : vector<16xf32>
        %parallel_loop3A_1026 = arith.minimumf %parallel_loop3A_1016, %parallel_loop3A_1018 : vector<16xf32>
        %parallel_loop3A_1027 = arith.maximumf %parallel_loop3A_1021, %parallel_loop3A_1020 : vector<16xf32>
        %parallel_loop3A_1028 = arith.minimumf %parallel_loop3A_1021, %parallel_loop3A_1020 : vector<16xf32>
        %parallel_loop3A_1029 = arith.maximumf %parallel_loop3A_1025, %parallel_loop3A_1024 : vector<16xf32>
        %parallel_loop3A_1030 = arith.minimumf %parallel_loop3A_1025, %parallel_loop3A_1024 : vector<16xf32>
        %parallel_loop3A_1031 = arith.maximumf %parallel_loop3A_1019, %parallel_loop3A_1023 : vector<16xf32>
        %parallel_loop3A_1032 = arith.minimumf %parallel_loop3A_1019, %parallel_loop3A_1023 : vector<16xf32>
        %parallel_loop3A_1033 = arith.maximumf %parallel_loop3A_1027, %parallel_loop3A_1029 : vector<16xf32>
        %parallel_loop3A_1034 = arith.minimumf %parallel_loop3A_1027, %parallel_loop3A_1029 : vector<16xf32>
        %parallel_loop3A_1035 = arith.maximumf %parallel_loop3A_1028, %parallel_loop3A_1030 : vector<16xf32>
        %parallel_loop3A_1036 = arith.minimumf %parallel_loop3A_1028, %parallel_loop3A_1030 : vector<16xf32>
        %parallel_loop3A_1037 = arith.maximumf %parallel_loop3A_1022, %parallel_loop3A_1026 : vector<16xf32>
        %parallel_loop3A_1038 = arith.minimumf %parallel_loop3A_1022, %parallel_loop3A_1026 : vector<16xf32>
        %parallel_loop3A_1039 = arith.maximumf %parallel_loop3A_1035, %parallel_loop3A_1032 : vector<16xf32>
        %parallel_loop3A_1040 = arith.minimumf %parallel_loop3A_1035, %parallel_loop3A_1032 : vector<16xf32>
        %parallel_loop3A_1041 = arith.maximumf %parallel_loop3A_1037, %parallel_loop3A_1034 : vector<16xf32>
        %parallel_loop3A_1042 = arith.minimumf %parallel_loop3A_1037, %parallel_loop3A_1034 : vector<16xf32>
        %parallel_loop3A_1043 = arith.maximumf %parallel_loop3A_1033, %parallel_loop3A_1039 : vector<16xf32>
        %parallel_loop3A_1044 = arith.minimumf %parallel_loop3A_1033, %parallel_loop3A_1039 : vector<16xf32>
        %parallel_loop3A_1045 = arith.maximumf %parallel_loop3A_1041, %parallel_loop3A_1040 : vector<16xf32>
        %parallel_loop3A_1046 = arith.minimumf %parallel_loop3A_1041, %parallel_loop3A_1040 : vector<16xf32>
        %parallel_loop3A_1047 = arith.maximumf %parallel_loop3A_1042, %parallel_loop3A_1036 : vector<16xf32>
        %parallel_loop3A_1048 = arith.minimumf %parallel_loop3A_1042, %parallel_loop3A_1036 : vector<16xf32>
        %parallel_loop3A_1049 = arith.maximumf %parallel_loop3A_913, %parallel_loop3A_1038 : vector<16xf32>
        %parallel_loop3A_1050 = arith.maximumf %parallel_loop3A_914, %parallel_loop3A_1048 : vector<16xf32>
        %parallel_loop3A_1051 = arith.maximumf %parallel_loop3A_915, %parallel_loop3A_1047 : vector<16xf32>
        %parallel_loop3A_1052 = arith.maximumf %parallel_loop3A_916, %parallel_loop3A_1046 : vector<16xf32>
        %parallel_loop3A_1053 = arith.maximumf %parallel_loop3A_917, %parallel_loop3A_1045 : vector<16xf32>
        %parallel_loop3A_1054 = arith.maximumf %parallel_loop3A_918, %parallel_loop3A_1044 : vector<16xf32>
        %parallel_loop3A_1055 = arith.maximumf %parallel_loop3A_919, %parallel_loop3A_1043 : vector<16xf32>
        %parallel_loop3A_1056 = arith.maximumf %parallel_loop3A_920, %parallel_loop3A_1031 : vector<16xf32>
        %parallel_loop3A_1057 = arith.maximumf %parallel_loop3A_1049, %parallel_loop3A_1053 : vector<16xf32>
        %parallel_loop3A_1058 = arith.minimumf %parallel_loop3A_1049, %parallel_loop3A_1053 : vector<16xf32>
        %parallel_loop3A_1059 = arith.maximumf %parallel_loop3A_1050, %parallel_loop3A_1054 : vector<16xf32>
        %parallel_loop3A_1060 = arith.minimumf %parallel_loop3A_1050, %parallel_loop3A_1054 : vector<16xf32>
        %parallel_loop3A_1061 = arith.maximumf %parallel_loop3A_1051, %parallel_loop3A_1055 : vector<16xf32>
        %parallel_loop3A_1062 = arith.minimumf %parallel_loop3A_1051, %parallel_loop3A_1055 : vector<16xf32>
        %parallel_loop3A_1063 = arith.maximumf %parallel_loop3A_1052, %parallel_loop3A_1056 : vector<16xf32>
        %parallel_loop3A_1064 = arith.minimumf %parallel_loop3A_1052, %parallel_loop3A_1056 : vector<16xf32>
        %parallel_loop3A_1065 = arith.maximumf %parallel_loop3A_1057, %parallel_loop3A_1061 : vector<16xf32>
        %parallel_loop3A_1066 = arith.minimumf %parallel_loop3A_1057, %parallel_loop3A_1061 : vector<16xf32>
        %parallel_loop3A_1067 = arith.maximumf %parallel_loop3A_1059, %parallel_loop3A_1063 : vector<16xf32>
        %parallel_loop3A_1068 = arith.minimumf %parallel_loop3A_1059, %parallel_loop3A_1063 : vector<16xf32>
        %parallel_loop3A_1069 = arith.maximumf %parallel_loop3A_1058, %parallel_loop3A_1062 : vector<16xf32>
        %parallel_loop3A_1070 = arith.minimumf %parallel_loop3A_1058, %parallel_loop3A_1062 : vector<16xf32>
        %parallel_loop3A_1071 = arith.maximumf %parallel_loop3A_1060, %parallel_loop3A_1064 : vector<16xf32>
        %parallel_loop3A_1072 = arith.minimumf %parallel_loop3A_1060, %parallel_loop3A_1064 : vector<16xf32>
        %parallel_loop3A_1073 = arith.maximumf %parallel_loop3A_1065, %parallel_loop3A_1067 : vector<16xf32>
        %parallel_loop3A_1074 = arith.minimumf %parallel_loop3A_1065, %parallel_loop3A_1067 : vector<16xf32>
        %parallel_loop3A_1075 = arith.maximumf %parallel_loop3A_1066, %parallel_loop3A_1068 : vector<16xf32>
        %parallel_loop3A_1076 = arith.minimumf %parallel_loop3A_1066, %parallel_loop3A_1068 : vector<16xf32>
        %parallel_loop3A_1077 = arith.maximumf %parallel_loop3A_1069, %parallel_loop3A_1071 : vector<16xf32>
        %parallel_loop3A_1078 = arith.minimumf %parallel_loop3A_1069, %parallel_loop3A_1071 : vector<16xf32>
        %parallel_loop3A_1079 = arith.maximumf %parallel_loop3A_1070, %parallel_loop3A_1072 : vector<16xf32>
        %parallel_loop3A_1080 = arith.minimumf %parallel_loop3A_1070, %parallel_loop3A_1072 : vector<16xf32>
        %parallel_loop3A_1081 = arith.constant 0 : i32
        %parallel_loop3A_1082 = arith.addi %parallel_loop3A_930, %parallel_loop3A_1081 : i32
        %parallel_loop3A_1083 = arith.constant 0 : i32
        %parallel_loop3A_1084 = arith.constant 0 : i32
        %parallel_loop3A_1085 = tpu.memref_slice %arg4[%parallel_loop3A_83, %parallel_loop3A_1083, %parallel_loop3A_1084] : memref<2x384x128xf32, #tpu.memory_space<vmem>> -> memref<1x384x128xf32, #tpu.memory_space<vmem>>
        %parallel_loop3A_1086 = tpu.memref_squeeze %parallel_loop3A_1085 : memref<1x384x128xf32, #tpu.memory_space<vmem>> -> memref<384x128xf32, #tpu.memory_space<vmem>>
        %parallel_loop3A_1087 = arith.index_cast %parallel_loop3A_1082 : i32 to index
        %parallel_loop3A_1088 = arith.constant 16 : index
        %parallel_loop3A_1089 = tpu.vector_load %parallel_loop3A_1086[%parallel_loop3A_1087, %parallel_loop3A_1088] {strides = array<i32>} : memref<384x128xf32, #tpu.memory_space<vmem>>, vector<1x16xf32>,
        %parallel_loop3A_1090 = vector.shape_cast %parallel_loop3A_1089 : vector<1x16xf32> to vector<16xf32>
        %parallel_loop3A_1091 = arith.constant 1 : i32
        %parallel_loop3A_1092 = arith.addi %parallel_loop3A_930, %parallel_loop3A_1091 : i32
        %parallel_loop3A_1093 = arith.constant 0 : i32
        %parallel_loop3A_1094 = arith.constant 0 : i32
        %parallel_loop3A_1095 = tpu.memref_slice %arg4[%parallel_loop3A_83, %parallel_loop3A_1093, %parallel_loop3A_1094] : memref<2x384x128xf32, #tpu.memory_space<vmem>> -> memref<1x384x128xf32, #tpu.memory_space<vmem>>
        %parallel_loop3A_1096 = tpu.memref_squeeze %parallel_loop3A_1095 : memref<1x384x128xf32, #tpu.memory_space<vmem>> -> memref<384x128xf32, #tpu.memory_space<vmem>>
        %parallel_loop3A_1097 = arith.index_cast %parallel_loop3A_1092 : i32 to index
        %parallel_loop3A_1098 = arith.constant 16 : index
        %parallel_loop3A_1099 = tpu.vector_load %parallel_loop3A_1096[%parallel_loop3A_1097, %parallel_loop3A_1098] {strides = array<i32>} : memref<384x128xf32, #tpu.memory_space<vmem>>, vector<1x16xf32>,
        %parallel_loop3A_1100 = vector.shape_cast %parallel_loop3A_1099 : vector<1x16xf32> to vector<16xf32>
        %parallel_loop3A_1101 = arith.constant 2 : i32
        %parallel_loop3A_1102 = arith.addi %parallel_loop3A_930, %parallel_loop3A_1101 : i32
        %parallel_loop3A_1103 = arith.constant 0 : i32
        %parallel_loop3A_1104 = arith.constant 0 : i32
        %parallel_loop3A_1105 = tpu.memref_slice %arg4[%parallel_loop3A_83, %parallel_loop3A_1103, %parallel_loop3A_1104] : memref<2x384x128xf32, #tpu.memory_space<vmem>> -> memref<1x384x128xf32, #tpu.memory_space<vmem>>
        %parallel_loop3A_1106 = tpu.memref_squeeze %parallel_loop3A_1105 : memref<1x384x128xf32, #tpu.memory_space<vmem>> -> memref<384x128xf32, #tpu.memory_space<vmem>>
        %parallel_loop3A_1107 = arith.index_cast %parallel_loop3A_1102 : i32 to index
        %parallel_loop3A_1108 = arith.constant 16 : index
        %parallel_loop3A_1109 = tpu.vector_load %parallel_loop3A_1106[%parallel_loop3A_1107, %parallel_loop3A_1108] {strides = array<i32>} : memref<384x128xf32, #tpu.memory_space<vmem>>, vector<1x16xf32>,
        %parallel_loop3A_1110 = vector.shape_cast %parallel_loop3A_1109 : vector<1x16xf32> to vector<16xf32>
        %parallel_loop3A_1111 = arith.constant 3 : i32
        %parallel_loop3A_1112 = arith.addi %parallel_loop3A_930, %parallel_loop3A_1111 : i32
        %parallel_loop3A_1113 = arith.constant 0 : i32
        %parallel_loop3A_1114 = arith.constant 0 : i32
        %parallel_loop3A_1115 = tpu.memref_slice %arg4[%parallel_loop3A_83, %parallel_loop3A_1113, %parallel_loop3A_1114] : memref<2x384x128xf32, #tpu.memory_space<vmem>> -> memref<1x384x128xf32, #tpu.memory_space<vmem>>
        %parallel_loop3A_1116 = tpu.memref_squeeze %parallel_loop3A_1115 : memref<1x384x128xf32, #tpu.memory_space<vmem>> -> memref<384x128xf32, #tpu.memory_space<vmem>>
        %parallel_loop3A_1117 = arith.index_cast %parallel_loop3A_1112 : i32 to index
        %parallel_loop3A_1118 = arith.constant 16 : index
        %parallel_loop3A_1119 = tpu.vector_load %parallel_loop3A_1116[%parallel_loop3A_1117, %parallel_loop3A_1118] {strides = array<i32>} : memref<384x128xf32, #tpu.memory_space<vmem>>, vector<1x16xf32>,
        %parallel_loop3A_1120 = vector.shape_cast %parallel_loop3A_1119 : vector<1x16xf32> to vector<16xf32>
        %parallel_loop3A_1121 = arith.constant 4 : i32
        %parallel_loop3A_1122 = arith.addi %parallel_loop3A_930, %parallel_loop3A_1121 : i32
        %parallel_loop3A_1123 = arith.constant 0 : i32
        %parallel_loop3A_1124 = arith.constant 0 : i32
        %parallel_loop3A_1125 = tpu.memref_slice %arg4[%parallel_loop3A_83, %parallel_loop3A_1123, %parallel_loop3A_1124] : memref<2x384x128xf32, #tpu.memory_space<vmem>> -> memref<1x384x128xf32, #tpu.memory_space<vmem>>
        %parallel_loop3A_1126 = tpu.memref_squeeze %parallel_loop3A_1125 : memref<1x384x128xf32, #tpu.memory_space<vmem>> -> memref<384x128xf32, #tpu.memory_space<vmem>>
        %parallel_loop3A_1127 = arith.index_cast %parallel_loop3A_1122 : i32 to index
        %parallel_loop3A_1128 = arith.constant 16 : index
        %parallel_loop3A_1129 = tpu.vector_load %parallel_loop3A_1126[%parallel_loop3A_1127, %parallel_loop3A_1128] {strides = array<i32>} : memref<384x128xf32, #tpu.memory_space<vmem>>, vector<1x16xf32>,
        %parallel_loop3A_1130 = vector.shape_cast %parallel_loop3A_1129 : vector<1x16xf32> to vector<16xf32>
        %parallel_loop3A_1131 = arith.constant 5 : i32
        %parallel_loop3A_1132 = arith.addi %parallel_loop3A_930, %parallel_loop3A_1131 : i32
        %parallel_loop3A_1133 = arith.constant 0 : i32
        %parallel_loop3A_1134 = arith.constant 0 : i32
        %parallel_loop3A_1135 = tpu.memref_slice %arg4[%parallel_loop3A_83, %parallel_loop3A_1133, %parallel_loop3A_1134] : memref<2x384x128xf32, #tpu.memory_space<vmem>> -> memref<1x384x128xf32, #tpu.memory_space<vmem>>
        %parallel_loop3A_1136 = tpu.memref_squeeze %parallel_loop3A_1135 : memref<1x384x128xf32, #tpu.memory_space<vmem>> -> memref<384x128xf32, #tpu.memory_space<vmem>>
        %parallel_loop3A_1137 = arith.index_cast %parallel_loop3A_1132 : i32 to index
        %parallel_loop3A_1138 = arith.constant 16 : index
        %parallel_loop3A_1139 = tpu.vector_load %parallel_loop3A_1136[%parallel_loop3A_1137, %parallel_loop3A_1138] {strides = array<i32>} : memref<384x128xf32, #tpu.memory_space<vmem>>, vector<1x16xf32>,
        %parallel_loop3A_1140 = vector.shape_cast %parallel_loop3A_1139 : vector<1x16xf32> to vector<16xf32>
        %parallel_loop3A_1141 = arith.constant 6 : i32
        %parallel_loop3A_1142 = arith.addi %parallel_loop3A_930, %parallel_loop3A_1141 : i32
        %parallel_loop3A_1143 = arith.constant 0 : i32
        %parallel_loop3A_1144 = arith.constant 0 : i32
        %parallel_loop3A_1145 = tpu.memref_slice %arg4[%parallel_loop3A_83, %parallel_loop3A_1143, %parallel_loop3A_1144] : memref<2x384x128xf32, #tpu.memory_space<vmem>> -> memref<1x384x128xf32, #tpu.memory_space<vmem>>
        %parallel_loop3A_1146 = tpu.memref_squeeze %parallel_loop3A_1145 : memref<1x384x128xf32, #tpu.memory_space<vmem>> -> memref<384x128xf32, #tpu.memory_space<vmem>>
        %parallel_loop3A_1147 = arith.index_cast %parallel_loop3A_1142 : i32 to index
        %parallel_loop3A_1148 = arith.constant 16 : index
        %parallel_loop3A_1149 = tpu.vector_load %parallel_loop3A_1146[%parallel_loop3A_1147, %parallel_loop3A_1148] {strides = array<i32>} : memref<384x128xf32, #tpu.memory_space<vmem>>, vector<1x16xf32>,
        %parallel_loop3A_1150 = vector.shape_cast %parallel_loop3A_1149 : vector<1x16xf32> to vector<16xf32>
        %parallel_loop3A_1151 = arith.constant 7 : i32
        %parallel_loop3A_1152 = arith.addi %parallel_loop3A_930, %parallel_loop3A_1151 : i32
        %parallel_loop3A_1153 = arith.constant 0 : i32
        %parallel_loop3A_1154 = arith.constant 0 : i32
        %parallel_loop3A_1155 = tpu.memref_slice %arg4[%parallel_loop3A_83, %parallel_loop3A_1153, %parallel_loop3A_1154] : memref<2x384x128xf32, #tpu.memory_space<vmem>> -> memref<1x384x128xf32, #tpu.memory_space<vmem>>
        %parallel_loop3A_1156 = tpu.memref_squeeze %parallel_loop3A_1155 : memref<1x384x128xf32, #tpu.memory_space<vmem>> -> memref<384x128xf32, #tpu.memory_space<vmem>>
        %parallel_loop3A_1157 = arith.index_cast %parallel_loop3A_1152 : i32 to index
        %parallel_loop3A_1158 = arith.constant 16 : index
        %parallel_loop3A_1159 = tpu.vector_load %parallel_loop3A_1156[%parallel_loop3A_1157, %parallel_loop3A_1158] {strides = array<i32>} : memref<384x128xf32, #tpu.memory_space<vmem>>, vector<1x16xf32>,
        %parallel_loop3A_1160 = vector.shape_cast %parallel_loop3A_1159 : vector<1x16xf32> to vector<16xf32>
        %parallel_loop3A_1161 = arith.maximumf %parallel_loop3A_1090, %parallel_loop3A_1100 : vector<16xf32>
        %parallel_loop3A_1162 = arith.minimumf %parallel_loop3A_1090, %parallel_loop3A_1100 : vector<16xf32>
        %parallel_loop3A_1163 = arith.maximumf %parallel_loop3A_1110, %parallel_loop3A_1120 : vector<16xf32>
        %parallel_loop3A_1164 = arith.minimumf %parallel_loop3A_1110, %parallel_loop3A_1120 : vector<16xf32>
        %parallel_loop3A_1165 = arith.maximumf %parallel_loop3A_1130, %parallel_loop3A_1140 : vector<16xf32>
        %parallel_loop3A_1166 = arith.minimumf %parallel_loop3A_1130, %parallel_loop3A_1140 : vector<16xf32>
        %parallel_loop3A_1167 = arith.maximumf %parallel_loop3A_1150, %parallel_loop3A_1160 : vector<16xf32>
        %parallel_loop3A_1168 = arith.minimumf %parallel_loop3A_1150, %parallel_loop3A_1160 : vector<16xf32>
        %parallel_loop3A_1169 = arith.maximumf %parallel_loop3A_1161, %parallel_loop3A_1163 : vector<16xf32>
        %parallel_loop3A_1170 = arith.minimumf %parallel_loop3A_1161, %parallel_loop3A_1163 : vector<16xf32>
        %parallel_loop3A_1171 = arith.maximumf %parallel_loop3A_1162, %parallel_loop3A_1164 : vector<16xf32>
        %parallel_loop3A_1172 = arith.minimumf %parallel_loop3A_1162, %parallel_loop3A_1164 : vector<16xf32>
        %parallel_loop3A_1173 = arith.maximumf %parallel_loop3A_1165, %parallel_loop3A_1167 : vector<16xf32>
        %parallel_loop3A_1174 = arith.minimumf %parallel_loop3A_1165, %parallel_loop3A_1167 : vector<16xf32>
        %parallel_loop3A_1175 = arith.maximumf %parallel_loop3A_1166, %parallel_loop3A_1168 : vector<16xf32>
        %parallel_loop3A_1176 = arith.minimumf %parallel_loop3A_1166, %parallel_loop3A_1168 : vector<16xf32>
        %parallel_loop3A_1177 = arith.maximumf %parallel_loop3A_1171, %parallel_loop3A_1170 : vector<16xf32>
        %parallel_loop3A_1178 = arith.minimumf %parallel_loop3A_1171, %parallel_loop3A_1170 : vector<16xf32>
        %parallel_loop3A_1179 = arith.maximumf %parallel_loop3A_1175, %parallel_loop3A_1174 : vector<16xf32>
        %parallel_loop3A_1180 = arith.minimumf %parallel_loop3A_1175, %parallel_loop3A_1174 : vector<16xf32>
        %parallel_loop3A_1181 = arith.maximumf %parallel_loop3A_1169, %parallel_loop3A_1173 : vector<16xf32>
        %parallel_loop3A_1182 = arith.minimumf %parallel_loop3A_1169, %parallel_loop3A_1173 : vector<16xf32>
        %parallel_loop3A_1183 = arith.maximumf %parallel_loop3A_1177, %parallel_loop3A_1179 : vector<16xf32>
        %parallel_loop3A_1184 = arith.minimumf %parallel_loop3A_1177, %parallel_loop3A_1179 : vector<16xf32>
        %parallel_loop3A_1185 = arith.maximumf %parallel_loop3A_1178, %parallel_loop3A_1180 : vector<16xf32>
        %parallel_loop3A_1186 = arith.minimumf %parallel_loop3A_1178, %parallel_loop3A_1180 : vector<16xf32>
        %parallel_loop3A_1187 = arith.maximumf %parallel_loop3A_1172, %parallel_loop3A_1176 : vector<16xf32>
        %parallel_loop3A_1188 = arith.minimumf %parallel_loop3A_1172, %parallel_loop3A_1176 : vector<16xf32>
        %parallel_loop3A_1189 = arith.maximumf %parallel_loop3A_1185, %parallel_loop3A_1182 : vector<16xf32>
        %parallel_loop3A_1190 = arith.minimumf %parallel_loop3A_1185, %parallel_loop3A_1182 : vector<16xf32>
        %parallel_loop3A_1191 = arith.maximumf %parallel_loop3A_1187, %parallel_loop3A_1184 : vector<16xf32>
        %parallel_loop3A_1192 = arith.minimumf %parallel_loop3A_1187, %parallel_loop3A_1184 : vector<16xf32>
        %parallel_loop3A_1193 = arith.maximumf %parallel_loop3A_1183, %parallel_loop3A_1189 : vector<16xf32>
        %parallel_loop3A_1194 = arith.minimumf %parallel_loop3A_1183, %parallel_loop3A_1189 : vector<16xf32>
        %parallel_loop3A_1195 = arith.maximumf %parallel_loop3A_1191, %parallel_loop3A_1190 : vector<16xf32>
        %parallel_loop3A_1196 = arith.minimumf %parallel_loop3A_1191, %parallel_loop3A_1190 : vector<16xf32>
        %parallel_loop3A_1197 = arith.maximumf %parallel_loop3A_1192, %parallel_loop3A_1186 : vector<16xf32>
        %parallel_loop3A_1198 = arith.minimumf %parallel_loop3A_1192, %parallel_loop3A_1186 : vector<16xf32>
        %parallel_loop3A_1199 = arith.maximumf %parallel_loop3A_921, %parallel_loop3A_1188 : vector<16xf32>
        %parallel_loop3A_1200 = arith.maximumf %parallel_loop3A_922, %parallel_loop3A_1198 : vector<16xf32>
        %parallel_loop3A_1201 = arith.maximumf %parallel_loop3A_923, %parallel_loop3A_1197 : vector<16xf32>
        %parallel_loop3A_1202 = arith.maximumf %parallel_loop3A_924, %parallel_loop3A_1196 : vector<16xf32>
        %parallel_loop3A_1203 = arith.maximumf %parallel_loop3A_925, %parallel_loop3A_1195 : vector<16xf32>
        %parallel_loop3A_1204 = arith.maximumf %parallel_loop3A_926, %parallel_loop3A_1194 : vector<16xf32>
        %parallel_loop3A_1205 = arith.maximumf %parallel_loop3A_927, %parallel_loop3A_1193 : vector<16xf32>
        %parallel_loop3A_1206 = arith.maximumf %parallel_loop3A_928, %parallel_loop3A_1181 : vector<16xf32>
        %parallel_loop3A_1207 = arith.maximumf %parallel_loop3A_1199, %parallel_loop3A_1203 : vector<16xf32>
        %parallel_loop3A_1208 = arith.minimumf %parallel_loop3A_1199, %parallel_loop3A_1203 : vector<16xf32>
        %parallel_loop3A_1209 = arith.maximumf %parallel_loop3A_1200, %parallel_loop3A_1204 : vector<16xf32>
        %parallel_loop3A_1210 = arith.minimumf %parallel_loop3A_1200, %parallel_loop3A_1204 : vector<16xf32>
        %parallel_loop3A_1211 = arith.maximumf %parallel_loop3A_1201, %parallel_loop3A_1205 : vector<16xf32>
        %parallel_loop3A_1212 = arith.minimumf %parallel_loop3A_1201, %parallel_loop3A_1205 : vector<16xf32>
        %parallel_loop3A_1213 = arith.maximumf %parallel_loop3A_1202, %parallel_loop3A_1206 : vector<16xf32>
        %parallel_loop3A_1214 = arith.minimumf %parallel_loop3A_1202, %parallel_loop3A_1206 : vector<16xf32>
        %parallel_loop3A_1215 = arith.maximumf %parallel_loop3A_1207, %parallel_loop3A_1211 : vector<16xf32>
        %parallel_loop3A_1216 = arith.minimumf %parallel_loop3A_1207, %parallel_loop3A_1211 : vector<16xf32>
        %parallel_loop3A_1217 = arith.maximumf %parallel_loop3A_1209, %parallel_loop3A_1213 : vector<16xf32>
        %parallel_loop3A_1218 = arith.minimumf %parallel_loop3A_1209, %parallel_loop3A_1213 : vector<16xf32>
        %parallel_loop3A_1219 = arith.maximumf %parallel_loop3A_1208, %parallel_loop3A_1212 : vector<16xf32>
        %parallel_loop3A_1220 = arith.minimumf %parallel_loop3A_1208, %parallel_loop3A_1212 : vector<16xf32>
        %parallel_loop3A_1221 = arith.maximumf %parallel_loop3A_1210, %parallel_loop3A_1214 : vector<16xf32>
        %parallel_loop3A_1222 = arith.minimumf %parallel_loop3A_1210, %parallel_loop3A_1214 : vector<16xf32>
        %parallel_loop3A_1223 = arith.maximumf %parallel_loop3A_1215, %parallel_loop3A_1217 : vector<16xf32>
        %parallel_loop3A_1224 = arith.minimumf %parallel_loop3A_1215, %parallel_loop3A_1217 : vector<16xf32>
        %parallel_loop3A_1225 = arith.maximumf %parallel_loop3A_1216, %parallel_loop3A_1218 : vector<16xf32>
        %parallel_loop3A_1226 = arith.minimumf %parallel_loop3A_1216, %parallel_loop3A_1218 : vector<16xf32>
        %parallel_loop3A_1227 = arith.maximumf %parallel_loop3A_1219, %parallel_loop3A_1221 : vector<16xf32>
        %parallel_loop3A_1228 = arith.minimumf %parallel_loop3A_1219, %parallel_loop3A_1221 : vector<16xf32>
        %parallel_loop3A_1229 = arith.maximumf %parallel_loop3A_1220, %parallel_loop3A_1222 : vector<16xf32>
        %parallel_loop3A_1230 = arith.minimumf %parallel_loop3A_1220, %parallel_loop3A_1222 : vector<16xf32>
        scf.yield %parallel_loop3A_1073, %parallel_loop3A_1074, %parallel_loop3A_1075, %parallel_loop3A_1076, %parallel_loop3A_1077, %parallel_loop3A_1078, %parallel_loop3A_1079, %parallel_loop3A_1080, %parallel_loop3A_1223, %parallel_loop3A_1224, %parallel_loop3A_1225, %parallel_loop3A_1226, %parallel_loop3A_1227, %parallel_loop3A_1228, %parallel_loop3A_1229, %parallel_loop3A_1230 : vector<16xf32>, vector<16xf32>, vector<16xf32>, vector<16xf32>, vector<16xf32>, vector<16xf32>, vector<16xf32>, vector<16xf32>, vector<16xf32>, vector<16xf32>, vector<16xf32>, vector<16xf32>, vector<16xf32>, vector<16xf32>, vector<16xf32>, vector<16xf32>
      } {sc.loop_unroll_factor = 1 : i64, sc.parallel_access}
      %swap3A = arith.constant 0 : i32
      %swap3A_85 = arith.index_cast %swap3A : i32 to index
      %swap3A_86 = arith.constant 0 : index
      %swap3A_87 = tpu.vector_load %arg6[%swap3A_85, %swap3A_86] {strides = array<i32>} : memref<8x128xf32, #tpu.memory_space<vmem>>, vector<1x16xf32>,
      %swap3A_88 = vector.shape_cast %swap3A_87 : vector<1x16xf32> to vector<16xf32>
      %swap3A_89 = vector.shape_cast %parallel_loop3A_84#0 : vector<16xf32> to vector<1x16xf32>
      tpu.vector_store %arg6[%swap3A_85, %swap3A_86], %swap3A_89 {strides = array<i32>} : memref<8x128xf32, #tpu.memory_space<vmem>>, vector<1x16xf32>,
      %swap3A_90 = arith.constant 1 : i32
      %swap3A_91 = arith.index_cast %swap3A_90 : i32 to index
      %swap3A_92 = arith.constant 0 : index
      %swap3A_93 = tpu.vector_load %arg6[%swap3A_91, %swap3A_92] {strides = array<i32>} : memref<8x128xf32, #tpu.memory_space<vmem>>, vector<1x16xf32>,
      %swap3A_94 = vector.shape_cast %swap3A_93 : vector<1x16xf32> to vector<16xf32>
      %swap3A_95 = vector.shape_cast %parallel_loop3A_84#1 : vector<16xf32> to vector<1x16xf32>
      tpu.vector_store %arg6[%swap3A_91, %swap3A_92], %swap3A_95 {strides = array<i32>} : memref<8x128xf32, #tpu.memory_space<vmem>>, vector<1x16xf32>,
      %swap3A_96 = arith.constant 2 : i32
      %swap3A_97 = arith.index_cast %swap3A_96 : i32 to index
      %swap3A_98 = arith.constant 0 : index
      %swap3A_99 = tpu.vector_load %arg6[%swap3A_97, %swap3A_98] {strides = array<i32>} : memref<8x128xf32, #tpu.memory_space<vmem>>, vector<1x16xf32>,
      %swap3A_100 = vector.shape_cast %swap3A_99 : vector<1x16xf32> to vector<16xf32>
      %swap3A_101 = vector.shape_cast %parallel_loop3A_84#2 : vector<16xf32> to vector<1x16xf32>
      tpu.vector_store %arg6[%swap3A_97, %swap3A_98], %swap3A_101 {strides = array<i32>} : memref<8x128xf32, #tpu.memory_space<vmem>>, vector<1x16xf32>,
      %swap3A_102 = arith.constant 3 : i32
      %swap3A_103 = arith.index_cast %swap3A_102 : i32 to index
      %swap3A_104 = arith.constant 0 : index
      %swap3A_105 = tpu.vector_load %arg6[%swap3A_103, %swap3A_104] {strides = array<i32>} : memref<8x128xf32, #tpu.memory_space<vmem>>, vector<1x16xf32>,
      %swap3A_106 = vector.shape_cast %swap3A_105 : vector<1x16xf32> to vector<16xf32>
      %swap3A_107 = vector.shape_cast %parallel_loop3A_84#3 : vector<16xf32> to vector<1x16xf32>
      tpu.vector_store %arg6[%swap3A_103, %swap3A_104], %swap3A_107 {strides = array<i32>} : memref<8x128xf32, #tpu.memory_space<vmem>>, vector<1x16xf32>,
      %swap3A_108 = arith.constant 4 : i32
      %swap3A_109 = arith.index_cast %swap3A_108 : i32 to index
      %swap3A_110 = arith.constant 0 : index
      %swap3A_111 = tpu.vector_load %arg6[%swap3A_109, %swap3A_110] {strides = array<i32>} : memref<8x128xf32, #tpu.memory_space<vmem>>, vector<1x16xf32>,
      %swap3A_112 = vector.shape_cast %swap3A_111 : vector<1x16xf32> to vector<16xf32>
      %swap3A_113 = vector.shape_cast %parallel_loop3A_84#4 : vector<16xf32> to vector<1x16xf32>
      tpu.vector_store %arg6[%swap3A_109, %swap3A_110], %swap3A_113 {strides = array<i32>} : memref<8x128xf32, #tpu.memory_space<vmem>>, vector<1x16xf32>,
      %swap3A_114 = arith.constant 5 : i32
      %swap3A_115 = arith.index_cast %swap3A_114 : i32 to index
      %swap3A_116 = arith.constant 0 : index
      %swap3A_117 = tpu.vector_load %arg6[%swap3A_115, %swap3A_116] {strides = array<i32>} : memref<8x128xf32, #tpu.memory_space<vmem>>, vector<1x16xf32>,
      %swap3A_118 = vector.shape_cast %swap3A_117 : vector<1x16xf32> to vector<16xf32>
      %swap3A_119 = vector.shape_cast %parallel_loop3A_84#5 : vector<16xf32> to vector<1x16xf32>
      tpu.vector_store %arg6[%swap3A_115, %swap3A_116], %swap3A_119 {strides = array<i32>} : memref<8x128xf32, #tpu.memory_space<vmem>>, vector<1x16xf32>,
      %swap3A_120 = arith.constant 6 : i32
      %swap3A_121 = arith.index_cast %swap3A_120 : i32 to index
      %swap3A_122 = arith.constant 0 : index
      %swap3A_123 = tpu.vector_load %arg6[%swap3A_121, %swap3A_122] {strides = array<i32>} : memref<8x128xf32, #tpu.memory_space<vmem>>, vector<1x16xf32>,
      %swap3A_124 = vector.shape_cast %swap3A_123 : vector<1x16xf32> to vector<16xf32>
      %swap3A_125 = vector.shape_cast %parallel_loop3A_84#6 : vector<16xf32> to vector<1x16xf32>
      tpu.vector_store %arg6[%swap3A_121, %swap3A_122], %swap3A_125 {strides = array<i32>} : memref<8x128xf32, #tpu.memory_space<vmem>>, vector<1x16xf32>,
      %swap3A_126 = arith.constant 7 : i32
      %swap3A_127 = arith.index_cast %swap3A_126 : i32 to index
      %swap3A_128 = arith.constant 0 : index
      %swap3A_129 = tpu.vector_load %arg6[%swap3A_127, %swap3A_128] {strides = array<i32>} : memref<8x128xf32, #tpu.memory_space<vmem>>, vector<1x16xf32>,
      %swap3A_130 = vector.shape_cast %swap3A_129 : vector<1x16xf32> to vector<16xf32>
      %swap3A_131 = vector.shape_cast %parallel_loop3A_84#7 : vector<16xf32> to vector<1x16xf32>
      tpu.vector_store %arg6[%swap3A_127, %swap3A_128], %swap3A_131 {strides = array<i32>} : memref<8x128xf32, #tpu.memory_space<vmem>>, vector<1x16xf32>,
      %swap3A_132 = arith.constant 0 : i32
      %swap3A_133 = arith.index_cast %swap3A_132 : i32 to index
      %swap3A_134 = arith.constant 16 : index
      %swap3A_135 = tpu.vector_load %arg6[%swap3A_133, %swap3A_134] {strides = array<i32>} : memref<8x128xf32, #tpu.memory_space<vmem>>, vector<1x16xf32>,
      %swap3A_136 = vector.shape_cast %swap3A_135 : vector<1x16xf32> to vector<16xf32>
      %swap3A_137 = vector.shape_cast %parallel_loop3A_84#8 : vector<16xf32> to vector<1x16xf32>
      tpu.vector_store %arg6[%swap3A_133, %swap3A_134], %swap3A_137 {strides = array<i32>} : memref<8x128xf32, #tpu.memory_space<vmem>>, vector<1x16xf32>,
      %swap3A_138 = arith.constant 1 : i32
      %swap3A_139 = arith.index_cast %swap3A_138 : i32 to index
      %swap3A_140 = arith.constant 16 : index
      %swap3A_141 = tpu.vector_load %arg6[%swap3A_139, %swap3A_140] {strides = array<i32>} : memref<8x128xf32, #tpu.memory_space<vmem>>, vector<1x16xf32>,
      %swap3A_142 = vector.shape_cast %swap3A_141 : vector<1x16xf32> to vector<16xf32>
      %swap3A_143 = vector.shape_cast %parallel_loop3A_84#9 : vector<16xf32> to vector<1x16xf32>
      tpu.vector_store %arg6[%swap3A_139, %swap3A_140], %swap3A_143 {strides = array<i32>} : memref<8x128xf32, #tpu.memory_space<vmem>>, vector<1x16xf32>,
      %swap3A_144 = arith.constant 2 : i32
      %swap3A_145 = arith.index_cast %swap3A_144 : i32 to index
      %swap3A_146 = arith.constant 16 : index
      %swap3A_147 = tpu.vector_load %arg6[%swap3A_145, %swap3A_146] {strides = array<i32>} : memref<8x128xf32, #tpu.memory_space<vmem>>, vector<1x16xf32>,
      %swap3A_148 = vector.shape_cast %swap3A_147 : vector<1x16xf32> to vector<16xf32>
      %swap3A_149 = vector.shape_cast %parallel_loop3A_84#10 : vector<16xf32> to vector<1x16xf32>
      tpu.vector_store %arg6[%swap3A_145, %swap3A_146], %swap3A_149 {strides = array<i32>} : memref<8x128xf32, #tpu.memory_space<vmem>>, vector<1x16xf32>,
      %swap3A_150 = arith.constant 3 : i32
      %swap3A_151 = arith.index_cast %swap3A_150 : i32 to index
      %swap3A_152 = arith.constant 16 : index
      %swap3A_153 = tpu.vector_load %arg6[%swap3A_151, %swap3A_152] {strides = array<i32>} : memref<8x128xf32, #tpu.memory_space<vmem>>, vector<1x16xf32>,
      %swap3A_154 = vector.shape_cast %swap3A_153 : vector<1x16xf32> to vector<16xf32>
      %swap3A_155 = vector.shape_cast %parallel_loop3A_84#11 : vector<16xf32> to vector<1x16xf32>
      tpu.vector_store %arg6[%swap3A_151, %swap3A_152], %swap3A_155 {strides = array<i32>} : memref<8x128xf32, #tpu.memory_space<vmem>>, vector<1x16xf32>,
      %swap3A_156 = arith.constant 4 : i32
      %swap3A_157 = arith.index_cast %swap3A_156 : i32 to index
      %swap3A_158 = arith.constant 16 : index
      %swap3A_159 = tpu.vector_load %arg6[%swap3A_157, %swap3A_158] {strides = array<i32>} : memref<8x128xf32, #tpu.memory_space<vmem>>, vector<1x16xf32>,
      %swap3A_160 = vector.shape_cast %swap3A_159 : vector<1x16xf32> to vector<16xf32>
      %swap3A_161 = vector.shape_cast %parallel_loop3A_84#12 : vector<16xf32> to vector<1x16xf32>
      tpu.vector_store %arg6[%swap3A_157, %swap3A_158], %swap3A_161 {strides = array<i32>} : memref<8x128xf32, #tpu.memory_space<vmem>>, vector<1x16xf32>,
      %swap3A_162 = arith.constant 5 : i32
      %swap3A_163 = arith.index_cast %swap3A_162 : i32 to index
      %swap3A_164 = arith.constant 16 : index
      %swap3A_165 = tpu.vector_load %arg6[%swap3A_163, %swap3A_164] {strides = array<i32>} : memref<8x128xf32, #tpu.memory_space<vmem>>, vector<1x16xf32>,
      %swap3A_166 = vector.shape_cast %swap3A_165 : vector<1x16xf32> to vector<16xf32>
      %swap3A_167 = vector.shape_cast %parallel_loop3A_84#13 : vector<16xf32> to vector<1x16xf32>
      tpu.vector_store %arg6[%swap3A_163, %swap3A_164], %swap3A_167 {strides = array<i32>} : memref<8x128xf32, #tpu.memory_space<vmem>>, vector<1x16xf32>,
      %swap3A_168 = arith.constant 6 : i32
      %swap3A_169 = arith.index_cast %swap3A_168 : i32 to index
      %swap3A_170 = arith.constant 16 : index
      %swap3A_171 = tpu.vector_load %arg6[%swap3A_169, %swap3A_170] {strides = array<i32>} : memref<8x128xf32, #tpu.memory_space<vmem>>, vector<1x16xf32>,
      %swap3A_172 = vector.shape_cast %swap3A_171 : vector<1x16xf32> to vector<16xf32>
      %swap3A_173 = vector.shape_cast %parallel_loop3A_84#14 : vector<16xf32> to vector<1x16xf32>
      tpu.vector_store %arg6[%swap3A_169, %swap3A_170], %swap3A_173 {strides = array<i32>} : memref<8x128xf32, #tpu.memory_space<vmem>>, vector<1x16xf32>,
      %swap3A_174 = arith.constant 7 : i32
      %swap3A_175 = arith.index_cast %swap3A_174 : i32 to index
      %swap3A_176 = arith.constant 16 : index
      %swap3A_177 = tpu.vector_load %arg6[%swap3A_175, %swap3A_176] {strides = array<i32>} : memref<8x128xf32, #tpu.memory_space<vmem>>, vector<1x16xf32>,
      %swap3A_178 = vector.shape_cast %swap3A_177 : vector<1x16xf32> to vector<16xf32>
      %swap3A_179 = vector.shape_cast %parallel_loop3A_84#15 : vector<16xf32> to vector<1x16xf32>
      tpu.vector_store %arg6[%swap3A_175, %swap3A_176], %swap3A_179 {strides = array<i32>} : memref<8x128xf32, #tpu.memory_space<vmem>>, vector<1x16xf32>,
      %parallel_loop3A_180 = arith.constant 0 : i32
      %parallel_loop3A_181 = arith.constant 48 : i32
      %parallel_loop3A_182 = arith.constant 1 : i32
      %parallel_loop3A_183 = arith.constant 0 : i32
      %parallel_loop3A_184:16 = scf.for %parallel_loop3A_912 = %parallel_loop3A_180 to %parallel_loop3A_181 step %parallel_loop3A_182 iter_args(%parallel_loop3A_913 = %broadcast_in_dim3A_80, %parallel_loop3A_914 = %broadcast_in_dim3A_80, %parallel_loop3A_915 = %broadcast_in_dim3A_80, %parallel_loop3A_916 = %broadcast_in_dim3A_80, %parallel_loop3A_917 = %broadcast_in_dim3A_80, %parallel_loop3A_918 = %broadcast_in_dim3A_80, %parallel_loop3A_919 = %broadcast_in_dim3A_80, %parallel_loop3A_920 = %broadcast_in_dim3A_80, %parallel_loop3A_921 = %broadcast_in_dim3A_80, %parallel_loop3A_922 = %broadcast_in_dim3A_80, %parallel_loop3A_923 = %broadcast_in_dim3A_80, %parallel_loop3A_924 = %broadcast_in_dim3A_80, %parallel_loop3A_925 = %broadcast_in_dim3A_80, %parallel_loop3A_926 = %broadcast_in_dim3A_80, %parallel_loop3A_927 = %broadcast_in_dim3A_80, %parallel_loop3A_928 = %broadcast_in_dim3A_80) -> (vector<16xf32>, vector<16xf32>, vector<16xf32>, vector<16xf32>, vector<16xf32>, vector<16xf32>, vector<16xf32>, vector<16xf32>, vector<16xf32>, vector<16xf32>, vector<16xf32>, vector<16xf32>, vector<16xf32>, vector<16xf32>, vector<16xf32>, vector<16xf32>)  : i32 {
        %parallel_loop3A_929 = arith.constant 8 : i32
        %parallel_loop3A_930 = arith.muli %parallel_loop3A_912, %parallel_loop3A_929 : i32
        %parallel_loop3A_931 = arith.constant 0 : i32
        %parallel_loop3A_932 = arith.addi %parallel_loop3A_930, %parallel_loop3A_931 : i32
        %parallel_loop3A_933 = arith.constant 0 : i32
        %parallel_loop3A_934 = arith.constant 0 : i32
        %parallel_loop3A_935 = tpu.memref_slice %arg4[%parallel_loop3A_183, %parallel_loop3A_933, %parallel_loop3A_934] : memref<2x384x128xf32, #tpu.memory_space<vmem>> -> memref<1x384x128xf32, #tpu.memory_space<vmem>>
        %parallel_loop3A_936 = tpu.memref_squeeze %parallel_loop3A_935 : memref<1x384x128xf32, #tpu.memory_space<vmem>> -> memref<384x128xf32, #tpu.memory_space<vmem>>
        %parallel_loop3A_937 = arith.index_cast %parallel_loop3A_932 : i32 to index
        %parallel_loop3A_938 = arith.constant 32 : index
        %parallel_loop3A_939 = tpu.vector_load %parallel_loop3A_936[%parallel_loop3A_937, %parallel_loop3A_938] {strides = array<i32>} : memref<384x128xf32, #tpu.memory_space<vmem>>, vector<1x16xf32>,
        %parallel_loop3A_940 = vector.shape_cast %parallel_loop3A_939 : vector<1x16xf32> to vector<16xf32>
        %parallel_loop3A_941 = arith.constant 1 : i32
        %parallel_loop3A_942 = arith.addi %parallel_loop3A_930, %parallel_loop3A_941 : i32
        %parallel_loop3A_943 = arith.constant 0 : i32
        %parallel_loop3A_944 = arith.constant 0 : i32
        %parallel_loop3A_945 = tpu.memref_slice %arg4[%parallel_loop3A_183, %parallel_loop3A_943, %parallel_loop3A_944] : memref<2x384x128xf32, #tpu.memory_space<vmem>> -> memref<1x384x128xf32, #tpu.memory_space<vmem>>
        %parallel_loop3A_946 = tpu.memref_squeeze %parallel_loop3A_945 : memref<1x384x128xf32, #tpu.memory_space<vmem>> -> memref<384x128xf32, #tpu.memory_space<vmem>>
        %parallel_loop3A_947 = arith.index_cast %parallel_loop3A_942 : i32 to index
        %parallel_loop3A_948 = arith.constant 32 : index
        %parallel_loop3A_949 = tpu.vector_load %parallel_loop3A_946[%parallel_loop3A_947, %parallel_loop3A_948] {strides = array<i32>} : memref<384x128xf32, #tpu.memory_space<vmem>>, vector<1x16xf32>,
        %parallel_loop3A_950 = vector.shape_cast %parallel_loop3A_949 : vector<1x16xf32> to vector<16xf32>
        %parallel_loop3A_951 = arith.constant 2 : i32
        %parallel_loop3A_952 = arith.addi %parallel_loop3A_930, %parallel_loop3A_951 : i32
        %parallel_loop3A_953 = arith.constant 0 : i32
        %parallel_loop3A_954 = arith.constant 0 : i32
        %parallel_loop3A_955 = tpu.memref_slice %arg4[%parallel_loop3A_183, %parallel_loop3A_953, %parallel_loop3A_954] : memref<2x384x128xf32, #tpu.memory_space<vmem>> -> memref<1x384x128xf32, #tpu.memory_space<vmem>>
        %parallel_loop3A_956 = tpu.memref_squeeze %parallel_loop3A_955 : memref<1x384x128xf32, #tpu.memory_space<vmem>> -> memref<384x128xf32, #tpu.memory_space<vmem>>
        %parallel_loop3A_957 = arith.index_cast %parallel_loop3A_952 : i32 to index
        %parallel_loop3A_958 = arith.constant 32 : index
        %parallel_loop3A_959 = tpu.vector_load %parallel_loop3A_956[%parallel_loop3A_957, %parallel_loop3A_958] {strides = array<i32>} : memref<384x128xf32, #tpu.memory_space<vmem>>, vector<1x16xf32>,
        %parallel_loop3A_960 = vector.shape_cast %parallel_loop3A_959 : vector<1x16xf32> to vector<16xf32>
        %parallel_loop3A_961 = arith.constant 3 : i32
        %parallel_loop3A_962 = arith.addi %parallel_loop3A_930, %parallel_loop3A_961 : i32
        %parallel_loop3A_963 = arith.constant 0 : i32
        %parallel_loop3A_964 = arith.constant 0 : i32
        %parallel_loop3A_965 = tpu.memref_slice %arg4[%parallel_loop3A_183, %parallel_loop3A_963, %parallel_loop3A_964] : memref<2x384x128xf32, #tpu.memory_space<vmem>> -> memref<1x384x128xf32, #tpu.memory_space<vmem>>
        %parallel_loop3A_966 = tpu.memref_squeeze %parallel_loop3A_965 : memref<1x384x128xf32, #tpu.memory_space<vmem>> -> memref<384x128xf32, #tpu.memory_space<vmem>>
        %parallel_loop3A_967 = arith.index_cast %parallel_loop3A_962 : i32 to index
        %parallel_loop3A_968 = arith.constant 32 : index
        %parallel_loop3A_969 = tpu.vector_load %parallel_loop3A_966[%parallel_loop3A_967, %parallel_loop3A_968] {strides = array<i32>} : memref<384x128xf32, #tpu.memory_space<vmem>>, vector<1x16xf32>,
        %parallel_loop3A_970 = vector.shape_cast %parallel_loop3A_969 : vector<1x16xf32> to vector<16xf32>
        %parallel_loop3A_971 = arith.constant 4 : i32
        %parallel_loop3A_972 = arith.addi %parallel_loop3A_930, %parallel_loop3A_971 : i32
        %parallel_loop3A_973 = arith.constant 0 : i32
        %parallel_loop3A_974 = arith.constant 0 : i32
        %parallel_loop3A_975 = tpu.memref_slice %arg4[%parallel_loop3A_183, %parallel_loop3A_973, %parallel_loop3A_974] : memref<2x384x128xf32, #tpu.memory_space<vmem>> -> memref<1x384x128xf32, #tpu.memory_space<vmem>>
        %parallel_loop3A_976 = tpu.memref_squeeze %parallel_loop3A_975 : memref<1x384x128xf32, #tpu.memory_space<vmem>> -> memref<384x128xf32, #tpu.memory_space<vmem>>
        %parallel_loop3A_977 = arith.index_cast %parallel_loop3A_972 : i32 to index
        %parallel_loop3A_978 = arith.constant 32 : index
        %parallel_loop3A_979 = tpu.vector_load %parallel_loop3A_976[%parallel_loop3A_977, %parallel_loop3A_978] {strides = array<i32>} : memref<384x128xf32, #tpu.memory_space<vmem>>, vector<1x16xf32>,
        %parallel_loop3A_980 = vector.shape_cast %parallel_loop3A_979 : vector<1x16xf32> to vector<16xf32>
        %parallel_loop3A_981 = arith.constant 5 : i32
        %parallel_loop3A_982 = arith.addi %parallel_loop3A_930, %parallel_loop3A_981 : i32
        %parallel_loop3A_983 = arith.constant 0 : i32
        %parallel_loop3A_984 = arith.constant 0 : i32
        %parallel_loop3A_985 = tpu.memref_slice %arg4[%parallel_loop3A_183, %parallel_loop3A_983, %parallel_loop3A_984] : memref<2x384x128xf32, #tpu.memory_space<vmem>> -> memref<1x384x128xf32, #tpu.memory_space<vmem>>
        %parallel_loop3A_986 = tpu.memref_squeeze %parallel_loop3A_985 : memref<1x384x128xf32, #tpu.memory_space<vmem>> -> memref<384x128xf32, #tpu.memory_space<vmem>>
        %parallel_loop3A_987 = arith.index_cast %parallel_loop3A_982 : i32 to index
        %parallel_loop3A_988 = arith.constant 32 : index
        %parallel_loop3A_989 = tpu.vector_load %parallel_loop3A_986[%parallel_loop3A_987, %parallel_loop3A_988] {strides = array<i32>} : memref<384x128xf32, #tpu.memory_space<vmem>>, vector<1x16xf32>,
        %parallel_loop3A_990 = vector.shape_cast %parallel_loop3A_989 : vector<1x16xf32> to vector<16xf32>
        %parallel_loop3A_991 = arith.constant 6 : i32
        %parallel_loop3A_992 = arith.addi %parallel_loop3A_930, %parallel_loop3A_991 : i32
        %parallel_loop3A_993 = arith.constant 0 : i32
        %parallel_loop3A_994 = arith.constant 0 : i32
        %parallel_loop3A_995 = tpu.memref_slice %arg4[%parallel_loop3A_183, %parallel_loop3A_993, %parallel_loop3A_994] : memref<2x384x128xf32, #tpu.memory_space<vmem>> -> memref<1x384x128xf32, #tpu.memory_space<vmem>>
        %parallel_loop3A_996 = tpu.memref_squeeze %parallel_loop3A_995 : memref<1x384x128xf32, #tpu.memory_space<vmem>> -> memref<384x128xf32, #tpu.memory_space<vmem>>
        %parallel_loop3A_997 = arith.index_cast %parallel_loop3A_992 : i32 to index
        %parallel_loop3A_998 = arith.constant 32 : index
        %parallel_loop3A_999 = tpu.vector_load %parallel_loop3A_996[%parallel_loop3A_997, %parallel_loop3A_998] {strides = array<i32>} : memref<384x128xf32, #tpu.memory_space<vmem>>, vector<1x16xf32>,
        %parallel_loop3A_1000 = vector.shape_cast %parallel_loop3A_999 : vector<1x16xf32> to vector<16xf32>
        %parallel_loop3A_1001 = arith.constant 7 : i32
        %parallel_loop3A_1002 = arith.addi %parallel_loop3A_930, %parallel_loop3A_1001 : i32
        %parallel_loop3A_1003 = arith.constant 0 : i32
        %parallel_loop3A_1004 = arith.constant 0 : i32
        %parallel_loop3A_1005 = tpu.memref_slice %arg4[%parallel_loop3A_183, %parallel_loop3A_1003, %parallel_loop3A_1004] : memref<2x384x128xf32, #tpu.memory_space<vmem>> -> memref<1x384x128xf32, #tpu.memory_space<vmem>>
        %parallel_loop3A_1006 = tpu.memref_squeeze %parallel_loop3A_1005 : memref<1x384x128xf32, #tpu.memory_space<vmem>> -> memref<384x128xf32, #tpu.memory_space<vmem>>
        %parallel_loop3A_1007 = arith.index_cast %parallel_loop3A_1002 : i32 to index
        %parallel_loop3A_1008 = arith.constant 32 : index
        %parallel_loop3A_1009 = tpu.vector_load %parallel_loop3A_1006[%parallel_loop3A_1007, %parallel_loop3A_1008] {strides = array<i32>} : memref<384x128xf32, #tpu.memory_space<vmem>>, vector<1x16xf32>,
        %parallel_loop3A_1010 = vector.shape_cast %parallel_loop3A_1009 : vector<1x16xf32> to vector<16xf32>
        %parallel_loop3A_1011 = arith.maximumf %parallel_loop3A_940, %parallel_loop3A_950 : vector<16xf32>
        %parallel_loop3A_1012 = arith.minimumf %parallel_loop3A_940, %parallel_loop3A_950 : vector<16xf32>
        %parallel_loop3A_1013 = arith.maximumf %parallel_loop3A_960, %parallel_loop3A_970 : vector<16xf32>
        %parallel_loop3A_1014 = arith.minimumf %parallel_loop3A_960, %parallel_loop3A_970 : vector<16xf32>
        %parallel_loop3A_1015 = arith.maximumf %parallel_loop3A_980, %parallel_loop3A_990 : vector<16xf32>
        %parallel_loop3A_1016 = arith.minimumf %parallel_loop3A_980, %parallel_loop3A_990 : vector<16xf32>
        %parallel_loop3A_1017 = arith.maximumf %parallel_loop3A_1000, %parallel_loop3A_1010 : vector<16xf32>
        %parallel_loop3A_1018 = arith.minimumf %parallel_loop3A_1000, %parallel_loop3A_1010 : vector<16xf32>
        %parallel_loop3A_1019 = arith.maximumf %parallel_loop3A_1011, %parallel_loop3A_1013 : vector<16xf32>
        %parallel_loop3A_1020 = arith.minimumf %parallel_loop3A_1011, %parallel_loop3A_1013 : vector<16xf32>
        %parallel_loop3A_1021 = arith.maximumf %parallel_loop3A_1012, %parallel_loop3A_1014 : vector<16xf32>
        %parallel_loop3A_1022 = arith.minimumf %parallel_loop3A_1012, %parallel_loop3A_1014 : vector<16xf32>
        %parallel_loop3A_1023 = arith.maximumf %parallel_loop3A_1015, %parallel_loop3A_1017 : vector<16xf32>
        %parallel_loop3A_1024 = arith.minimumf %parallel_loop3A_1015, %parallel_loop3A_1017 : vector<16xf32>
        %parallel_loop3A_1025 = arith.maximumf %parallel_loop3A_1016, %parallel_loop3A_1018 : vector<16xf32>
        %parallel_loop3A_1026 = arith.minimumf %parallel_loop3A_1016, %parallel_loop3A_1018 : vector<16xf32>
        %parallel_loop3A_1027 = arith.maximumf %parallel_loop3A_1021, %parallel_loop3A_1020 : vector<16xf32>
        %parallel_loop3A_1028 = arith.minimumf %parallel_loop3A_1021, %parallel_loop3A_1020 : vector<16xf32>
        %parallel_loop3A_1029 = arith.maximumf %parallel_loop3A_1025, %parallel_loop3A_1024 : vector<16xf32>
        %parallel_loop3A_1030 = arith.minimumf %parallel_loop3A_1025, %parallel_loop3A_1024 : vector<16xf32>
        %parallel_loop3A_1031 = arith.maximumf %parallel_loop3A_1019, %parallel_loop3A_1023 : vector<16xf32>
        %parallel_loop3A_1032 = arith.minimumf %parallel_loop3A_1019, %parallel_loop3A_1023 : vector<16xf32>
        %parallel_loop3A_1033 = arith.maximumf %parallel_loop3A_1027, %parallel_loop3A_1029 : vector<16xf32>
        %parallel_loop3A_1034 = arith.minimumf %parallel_loop3A_1027, %parallel_loop3A_1029 : vector<16xf32>
        %parallel_loop3A_1035 = arith.maximumf %parallel_loop3A_1028, %parallel_loop3A_1030 : vector<16xf32>
        %parallel_loop3A_1036 = arith.minimumf %parallel_loop3A_1028, %parallel_loop3A_1030 : vector<16xf32>
        %parallel_loop3A_1037 = arith.maximumf %parallel_loop3A_1022, %parallel_loop3A_1026 : vector<16xf32>
        %parallel_loop3A_1038 = arith.minimumf %parallel_loop3A_1022, %parallel_loop3A_1026 : vector<16xf32>
        %parallel_loop3A_1039 = arith.maximumf %parallel_loop3A_1035, %parallel_loop3A_1032 : vector<16xf32>
        %parallel_loop3A_1040 = arith.minimumf %parallel_loop3A_1035, %parallel_loop3A_1032 : vector<16xf32>
        %parallel_loop3A_1041 = arith.maximumf %parallel_loop3A_1037, %parallel_loop3A_1034 : vector<16xf32>
        %parallel_loop3A_1042 = arith.minimumf %parallel_loop3A_1037, %parallel_loop3A_1034 : vector<16xf32>
        %parallel_loop3A_1043 = arith.maximumf %parallel_loop3A_1033, %parallel_loop3A_1039 : vector<16xf32>
        %parallel_loop3A_1044 = arith.minimumf %parallel_loop3A_1033, %parallel_loop3A_1039 : vector<16xf32>
        %parallel_loop3A_1045 = arith.maximumf %parallel_loop3A_1041, %parallel_loop3A_1040 : vector<16xf32>
        %parallel_loop3A_1046 = arith.minimumf %parallel_loop3A_1041, %parallel_loop3A_1040 : vector<16xf32>
        %parallel_loop3A_1047 = arith.maximumf %parallel_loop3A_1042, %parallel_loop3A_1036 : vector<16xf32>
        %parallel_loop3A_1048 = arith.minimumf %parallel_loop3A_1042, %parallel_loop3A_1036 : vector<16xf32>
        %parallel_loop3A_1049 = arith.maximumf %parallel_loop3A_913, %parallel_loop3A_1038 : vector<16xf32>
        %parallel_loop3A_1050 = arith.maximumf %parallel_loop3A_914, %parallel_loop3A_1048 : vector<16xf32>
        %parallel_loop3A_1051 = arith.maximumf %parallel_loop3A_915, %parallel_loop3A_1047 : vector<16xf32>
        %parallel_loop3A_1052 = arith.maximumf %parallel_loop3A_916, %parallel_loop3A_1046 : vector<16xf32>
        %parallel_loop3A_1053 = arith.maximumf %parallel_loop3A_917, %parallel_loop3A_1045 : vector<16xf32>
        %parallel_loop3A_1054 = arith.maximumf %parallel_loop3A_918, %parallel_loop3A_1044 : vector<16xf32>
        %parallel_loop3A_1055 = arith.maximumf %parallel_loop3A_919, %parallel_loop3A_1043 : vector<16xf32>
        %parallel_loop3A_1056 = arith.maximumf %parallel_loop3A_920, %parallel_loop3A_1031 : vector<16xf32>
        %parallel_loop3A_1057 = arith.maximumf %parallel_loop3A_1049, %parallel_loop3A_1053 : vector<16xf32>
        %parallel_loop3A_1058 = arith.minimumf %parallel_loop3A_1049, %parallel_loop3A_1053 : vector<16xf32>
        %parallel_loop3A_1059 = arith.maximumf %parallel_loop3A_1050, %parallel_loop3A_1054 : vector<16xf32>
        %parallel_loop3A_1060 = arith.minimumf %parallel_loop3A_1050, %parallel_loop3A_1054 : vector<16xf32>
        %parallel_loop3A_1061 = arith.maximumf %parallel_loop3A_1051, %parallel_loop3A_1055 : vector<16xf32>
        %parallel_loop3A_1062 = arith.minimumf %parallel_loop3A_1051, %parallel_loop3A_1055 : vector<16xf32>
        %parallel_loop3A_1063 = arith.maximumf %parallel_loop3A_1052, %parallel_loop3A_1056 : vector<16xf32>
        %parallel_loop3A_1064 = arith.minimumf %parallel_loop3A_1052, %parallel_loop3A_1056 : vector<16xf32>
        %parallel_loop3A_1065 = arith.maximumf %parallel_loop3A_1057, %parallel_loop3A_1061 : vector<16xf32>
        %parallel_loop3A_1066 = arith.minimumf %parallel_loop3A_1057, %parallel_loop3A_1061 : vector<16xf32>
        %parallel_loop3A_1067 = arith.maximumf %parallel_loop3A_1059, %parallel_loop3A_1063 : vector<16xf32>
        %parallel_loop3A_1068 = arith.minimumf %parallel_loop3A_1059, %parallel_loop3A_1063 : vector<16xf32>
        %parallel_loop3A_1069 = arith.maximumf %parallel_loop3A_1058, %parallel_loop3A_1062 : vector<16xf32>
        %parallel_loop3A_1070 = arith.minimumf %parallel_loop3A_1058, %parallel_loop3A_1062 : vector<16xf32>
        %parallel_loop3A_1071 = arith.maximumf %parallel_loop3A_1060, %parallel_loop3A_1064 : vector<16xf32>
        %parallel_loop3A_1072 = arith.minimumf %parallel_loop3A_1060, %parallel_loop3A_1064 : vector<16xf32>
        %parallel_loop3A_1073 = arith.maximumf %parallel_loop3A_1065, %parallel_loop3A_1067 : vector<16xf32>
        %parallel_loop3A_1074 = arith.minimumf %parallel_loop3A_1065, %parallel_loop3A_1067 : vector<16xf32>
        %parallel_loop3A_1075 = arith.maximumf %parallel_loop3A_1066, %parallel_loop3A_1068 : vector<16xf32>
        %parallel_loop3A_1076 = arith.minimumf %parallel_loop3A_1066, %parallel_loop3A_1068 : vector<16xf32>
        %parallel_loop3A_1077 = arith.maximumf %parallel_loop3A_1069, %parallel_loop3A_1071 : vector<16xf32>
        %parallel_loop3A_1078 = arith.minimumf %parallel_loop3A_1069, %parallel_loop3A_1071 : vector<16xf32>
        %parallel_loop3A_1079 = arith.maximumf %parallel_loop3A_1070, %parallel_loop3A_1072 : vector<16xf32>
        %parallel_loop3A_1080 = arith.minimumf %parallel_loop3A_1070, %parallel_loop3A_1072 : vector<16xf32>
        %parallel_loop3A_1081 = arith.constant 0 : i32
        %parallel_loop3A_1082 = arith.addi %parallel_loop3A_930, %parallel_loop3A_1081 : i32
        %parallel_loop3A_1083 = arith.constant 0 : i32
        %parallel_loop3A_1084 = arith.constant 0 : i32
        %parallel_loop3A_1085 = tpu.memref_slice %arg4[%parallel_loop3A_183, %parallel_loop3A_1083, %parallel_loop3A_1084] : memref<2x384x128xf32, #tpu.memory_space<vmem>> -> memref<1x384x128xf32, #tpu.memory_space<vmem>>
        %parallel_loop3A_1086 = tpu.memref_squeeze %parallel_loop3A_1085 : memref<1x384x128xf32, #tpu.memory_space<vmem>> -> memref<384x128xf32, #tpu.memory_space<vmem>>
        %parallel_loop3A_1087 = arith.index_cast %parallel_loop3A_1082 : i32 to index
        %parallel_loop3A_1088 = arith.constant 48 : index
        %parallel_loop3A_1089 = tpu.vector_load %parallel_loop3A_1086[%parallel_loop3A_1087, %parallel_loop3A_1088] {strides = array<i32>} : memref<384x128xf32, #tpu.memory_space<vmem>>, vector<1x16xf32>,
        %parallel_loop3A_1090 = vector.shape_cast %parallel_loop3A_1089 : vector<1x16xf32> to vector<16xf32>
        %parallel_loop3A_1091 = arith.constant 1 : i32
        %parallel_loop3A_1092 = arith.addi %parallel_loop3A_930, %parallel_loop3A_1091 : i32
        %parallel_loop3A_1093 = arith.constant 0 : i32
        %parallel_loop3A_1094 = arith.constant 0 : i32
        %parallel_loop3A_1095 = tpu.memref_slice %arg4[%parallel_loop3A_183, %parallel_loop3A_1093, %parallel_loop3A_1094] : memref<2x384x128xf32, #tpu.memory_space<vmem>> -> memref<1x384x128xf32, #tpu.memory_space<vmem>>
        %parallel_loop3A_1096 = tpu.memref_squeeze %parallel_loop3A_1095 : memref<1x384x128xf32, #tpu.memory_space<vmem>> -> memref<384x128xf32, #tpu.memory_space<vmem>>
        %parallel_loop3A_1097 = arith.index_cast %parallel_loop3A_1092 : i32 to index
        %parallel_loop3A_1098 = arith.constant 48 : index
        %parallel_loop3A_1099 = tpu.vector_load %parallel_loop3A_1096[%parallel_loop3A_1097, %parallel_loop3A_1098] {strides = array<i32>} : memref<384x128xf32, #tpu.memory_space<vmem>>, vector<1x16xf32>,
        %parallel_loop3A_1100 = vector.shape_cast %parallel_loop3A_1099 : vector<1x16xf32> to vector<16xf32>
        %parallel_loop3A_1101 = arith.constant 2 : i32
        %parallel_loop3A_1102 = arith.addi %parallel_loop3A_930, %parallel_loop3A_1101 : i32
        %parallel_loop3A_1103 = arith.constant 0 : i32
        %parallel_loop3A_1104 = arith.constant 0 : i32
        %parallel_loop3A_1105 = tpu.memref_slice %arg4[%parallel_loop3A_183, %parallel_loop3A_1103, %parallel_loop3A_1104] : memref<2x384x128xf32, #tpu.memory_space<vmem>> -> memref<1x384x128xf32, #tpu.memory_space<vmem>>
        %parallel_loop3A_1106 = tpu.memref_squeeze %parallel_loop3A_1105 : memref<1x384x128xf32, #tpu.memory_space<vmem>> -> memref<384x128xf32, #tpu.memory_space<vmem>>
        %parallel_loop3A_1107 = arith.index_cast %parallel_loop3A_1102 : i32 to index
        %parallel_loop3A_1108 = arith.constant 48 : index
        %parallel_loop3A_1109 = tpu.vector_load %parallel_loop3A_1106[%parallel_loop3A_1107, %parallel_loop3A_1108] {strides = array<i32>} : memref<384x128xf32, #tpu.memory_space<vmem>>, vector<1x16xf32>,
        %parallel_loop3A_1110 = vector.shape_cast %parallel_loop3A_1109 : vector<1x16xf32> to vector<16xf32>
        %parallel_loop3A_1111 = arith.constant 3 : i32
        %parallel_loop3A_1112 = arith.addi %parallel_loop3A_930, %parallel_loop3A_1111 : i32
        %parallel_loop3A_1113 = arith.constant 0 : i32
        %parallel_loop3A_1114 = arith.constant 0 : i32
        %parallel_loop3A_1115 = tpu.memref_slice %arg4[%parallel_loop3A_183, %parallel_loop3A_1113, %parallel_loop3A_1114] : memref<2x384x128xf32, #tpu.memory_space<vmem>> -> memref<1x384x128xf32, #tpu.memory_space<vmem>>
        %parallel_loop3A_1116 = tpu.memref_squeeze %parallel_loop3A_1115 : memref<1x384x128xf32, #tpu.memory_space<vmem>> -> memref<384x128xf32, #tpu.memory_space<vmem>>
        %parallel_loop3A_1117 = arith.index_cast %parallel_loop3A_1112 : i32 to index
        %parallel_loop3A_1118 = arith.constant 48 : index
        %parallel_loop3A_1119 = tpu.vector_load %parallel_loop3A_1116[%parallel_loop3A_1117, %parallel_loop3A_1118] {strides = array<i32>} : memref<384x128xf32, #tpu.memory_space<vmem>>, vector<1x16xf32>,
        %parallel_loop3A_1120 = vector.shape_cast %parallel_loop3A_1119 : vector<1x16xf32> to vector<16xf32>
        %parallel_loop3A_1121 = arith.constant 4 : i32
        %parallel_loop3A_1122 = arith.addi %parallel_loop3A_930, %parallel_loop3A_1121 : i32
        %parallel_loop3A_1123 = arith.constant 0 : i32
        %parallel_loop3A_1124 = arith.constant 0 : i32
        %parallel_loop3A_1125 = tpu.memref_slice %arg4[%parallel_loop3A_183, %parallel_loop3A_1123, %parallel_loop3A_1124] : memref<2x384x128xf32, #tpu.memory_space<vmem>> -> memref<1x384x128xf32, #tpu.memory_space<vmem>>
        %parallel_loop3A_1126 = tpu.memref_squeeze %parallel_loop3A_1125 : memref<1x384x128xf32, #tpu.memory_space<vmem>> -> memref<384x128xf32, #tpu.memory_space<vmem>>
        %parallel_loop3A_1127 = arith.index_cast %parallel_loop3A_1122 : i32 to index
        %parallel_loop3A_1128 = arith.constant 48 : index
        %parallel_loop3A_1129 = tpu.vector_load %parallel_loop3A_1126[%parallel_loop3A_1127, %parallel_loop3A_1128] {strides = array<i32>} : memref<384x128xf32, #tpu.memory_space<vmem>>, vector<1x16xf32>,
        %parallel_loop3A_1130 = vector.shape_cast %parallel_loop3A_1129 : vector<1x16xf32> to vector<16xf32>
        %parallel_loop3A_1131 = arith.constant 5 : i32
        %parallel_loop3A_1132 = arith.addi %parallel_loop3A_930, %parallel_loop3A_1131 : i32
        %parallel_loop3A_1133 = arith.constant 0 : i32
        %parallel_loop3A_1134 = arith.constant 0 : i32
        %parallel_loop3A_1135 = tpu.memref_slice %arg4[%parallel_loop3A_183, %parallel_loop3A_1133, %parallel_loop3A_1134] : memref<2x384x128xf32, #tpu.memory_space<vmem>> -> memref<1x384x128xf32, #tpu.memory_space<vmem>>
        %parallel_loop3A_1136 = tpu.memref_squeeze %parallel_loop3A_1135 : memref<1x384x128xf32, #tpu.memory_space<vmem>> -> memref<384x128xf32, #tpu.memory_space<vmem>>
        %parallel_loop3A_1137 = arith.index_cast %parallel_loop3A_1132 : i32 to index
        %parallel_loop3A_1138 = arith.constant 48 : index
        %parallel_loop3A_1139 = tpu.vector_load %parallel_loop3A_1136[%parallel_loop3A_1137, %parallel_loop3A_1138] {strides = array<i32>} : memref<384x128xf32, #tpu.memory_space<vmem>>, vector<1x16xf32>,
        %parallel_loop3A_1140 = vector.shape_cast %parallel_loop3A_1139 : vector<1x16xf32> to vector<16xf32>
        %parallel_loop3A_1141 = arith.constant 6 : i32
        %parallel_loop3A_1142 = arith.addi %parallel_loop3A_930, %parallel_loop3A_1141 : i32
        %parallel_loop3A_1143 = arith.constant 0 : i32
        %parallel_loop3A_1144 = arith.constant 0 : i32
        %parallel_loop3A_1145 = tpu.memref_slice %arg4[%parallel_loop3A_183, %parallel_loop3A_1143, %parallel_loop3A_1144] : memref<2x384x128xf32, #tpu.memory_space<vmem>> -> memref<1x384x128xf32, #tpu.memory_space<vmem>>
        %parallel_loop3A_1146 = tpu.memref_squeeze %parallel_loop3A_1145 : memref<1x384x128xf32, #tpu.memory_space<vmem>> -> memref<384x128xf32, #tpu.memory_space<vmem>>
        %parallel_loop3A_1147 = arith.index_cast %parallel_loop3A_1142 : i32 to index
        %parallel_loop3A_1148 = arith.constant 48 : index
        %parallel_loop3A_1149 = tpu.vector_load %parallel_loop3A_1146[%parallel_loop3A_1147, %parallel_loop3A_1148] {strides = array<i32>} : memref<384x128xf32, #tpu.memory_space<vmem>>, vector<1x16xf32>,
        %parallel_loop3A_1150 = vector.shape_cast %parallel_loop3A_1149 : vector<1x16xf32> to vector<16xf32>
        %parallel_loop3A_1151 = arith.constant 7 : i32
        %parallel_loop3A_1152 = arith.addi %parallel_loop3A_930, %parallel_loop3A_1151 : i32
        %parallel_loop3A_1153 = arith.constant 0 : i32
        %parallel_loop3A_1154 = arith.constant 0 : i32
        %parallel_loop3A_1155 = tpu.memref_slice %arg4[%parallel_loop3A_183, %parallel_loop3A_1153, %parallel_loop3A_1154] : memref<2x384x128xf32, #tpu.memory_space<vmem>> -> memref<1x384x128xf32, #tpu.memory_space<vmem>>
        %parallel_loop3A_1156 = tpu.memref_squeeze %parallel_loop3A_1155 : memref<1x384x128xf32, #tpu.memory_space<vmem>> -> memref<384x128xf32, #tpu.memory_space<vmem>>
        %parallel_loop3A_1157 = arith.index_cast %parallel_loop3A_1152 : i32 to index
        %parallel_loop3A_1158 = arith.constant 48 : index
        %parallel_loop3A_1159 = tpu.vector_load %parallel_loop3A_1156[%parallel_loop3A_1157, %parallel_loop3A_1158] {strides = array<i32>} : memref<384x128xf32, #tpu.memory_space<vmem>>, vector<1x16xf32>,
        %parallel_loop3A_1160 = vector.shape_cast %parallel_loop3A_1159 : vector<1x16xf32> to vector<16xf32>
        %parallel_loop3A_1161 = arith.maximumf %parallel_loop3A_1090, %parallel_loop3A_1100 : vector<16xf32>
        %parallel_loop3A_1162 = arith.minimumf %parallel_loop3A_1090, %parallel_loop3A_1100 : vector<16xf32>
        %parallel_loop3A_1163 = arith.maximumf %parallel_loop3A_1110, %parallel_loop3A_1120 : vector<16xf32>
        %parallel_loop3A_1164 = arith.minimumf %parallel_loop3A_1110, %parallel_loop3A_1120 : vector<16xf32>
        %parallel_loop3A_1165 = arith.maximumf %parallel_loop3A_1130, %parallel_loop3A_1140 : vector<16xf32>
        %parallel_loop3A_1166 = arith.minimumf %parallel_loop3A_1130, %parallel_loop3A_1140 : vector<16xf32>
        %parallel_loop3A_1167 = arith.maximumf %parallel_loop3A_1150, %parallel_loop3A_1160 : vector<16xf32>
        %parallel_loop3A_1168 = arith.minimumf %parallel_loop3A_1150, %parallel_loop3A_1160 : vector<16xf32>
        %parallel_loop3A_1169 = arith.maximumf %parallel_loop3A_1161, %parallel_loop3A_1163 : vector<16xf32>
        %parallel_loop3A_1170 = arith.minimumf %parallel_loop3A_1161, %parallel_loop3A_1163 : vector<16xf32>
        %parallel_loop3A_1171 = arith.maximumf %parallel_loop3A_1162, %parallel_loop3A_1164 : vector<16xf32>
        %parallel_loop3A_1172 = arith.minimumf %parallel_loop3A_1162, %parallel_loop3A_1164 : vector<16xf32>
        %parallel_loop3A_1173 = arith.maximumf %parallel_loop3A_1165, %parallel_loop3A_1167 : vector<16xf32>
        %parallel_loop3A_1174 = arith.minimumf %parallel_loop3A_1165, %parallel_loop3A_1167 : vector<16xf32>
        %parallel_loop3A_1175 = arith.maximumf %parallel_loop3A_1166, %parallel_loop3A_1168 : vector<16xf32>
        %parallel_loop3A_1176 = arith.minimumf %parallel_loop3A_1166, %parallel_loop3A_1168 : vector<16xf32>
        %parallel_loop3A_1177 = arith.maximumf %parallel_loop3A_1171, %parallel_loop3A_1170 : vector<16xf32>
        %parallel_loop3A_1178 = arith.minimumf %parallel_loop3A_1171, %parallel_loop3A_1170 : vector<16xf32>
        %parallel_loop3A_1179 = arith.maximumf %parallel_loop3A_1175, %parallel_loop3A_1174 : vector<16xf32>
        %parallel_loop3A_1180 = arith.minimumf %parallel_loop3A_1175, %parallel_loop3A_1174 : vector<16xf32>
        %parallel_loop3A_1181 = arith.maximumf %parallel_loop3A_1169, %parallel_loop3A_1173 : vector<16xf32>
        %parallel_loop3A_1182 = arith.minimumf %parallel_loop3A_1169, %parallel_loop3A_1173 : vector<16xf32>
        %parallel_loop3A_1183 = arith.maximumf %parallel_loop3A_1177, %parallel_loop3A_1179 : vector<16xf32>
        %parallel_loop3A_1184 = arith.minimumf %parallel_loop3A_1177, %parallel_loop3A_1179 : vector<16xf32>
        %parallel_loop3A_1185 = arith.maximumf %parallel_loop3A_1178, %parallel_loop3A_1180 : vector<16xf32>
        %parallel_loop3A_1186 = arith.minimumf %parallel_loop3A_1178, %parallel_loop3A_1180 : vector<16xf32>
        %parallel_loop3A_1187 = arith.maximumf %parallel_loop3A_1172, %parallel_loop3A_1176 : vector<16xf32>
        %parallel_loop3A_1188 = arith.minimumf %parallel_loop3A_1172, %parallel_loop3A_1176 : vector<16xf32>
        %parallel_loop3A_1189 = arith.maximumf %parallel_loop3A_1185, %parallel_loop3A_1182 : vector<16xf32>
        %parallel_loop3A_1190 = arith.minimumf %parallel_loop3A_1185, %parallel_loop3A_1182 : vector<16xf32>
        %parallel_loop3A_1191 = arith.maximumf %parallel_loop3A_1187, %parallel_loop3A_1184 : vector<16xf32>
        %parallel_loop3A_1192 = arith.minimumf %parallel_loop3A_1187, %parallel_loop3A_1184 : vector<16xf32>
        %parallel_loop3A_1193 = arith.maximumf %parallel_loop3A_1183, %parallel_loop3A_1189 : vector<16xf32>
        %parallel_loop3A_1194 = arith.minimumf %parallel_loop3A_1183, %parallel_loop3A_1189 : vector<16xf32>
        %parallel_loop3A_1195 = arith.maximumf %parallel_loop3A_1191, %parallel_loop3A_1190 : vector<16xf32>
        %parallel_loop3A_1196 = arith.minimumf %parallel_loop3A_1191, %parallel_loop3A_1190 : vector<16xf32>
        %parallel_loop3A_1197 = arith.maximumf %parallel_loop3A_1192, %parallel_loop3A_1186 : vector<16xf32>
        %parallel_loop3A_1198 = arith.minimumf %parallel_loop3A_1192, %parallel_loop3A_1186 : vector<16xf32>
        %parallel_loop3A_1199 = arith.maximumf %parallel_loop3A_921, %parallel_loop3A_1188 : vector<16xf32>
        %parallel_loop3A_1200 = arith.maximumf %parallel_loop3A_922, %parallel_loop3A_1198 : vector<16xf32>
        %parallel_loop3A_1201 = arith.maximumf %parallel_loop3A_923, %parallel_loop3A_1197 : vector<16xf32>
        %parallel_loop3A_1202 = arith.maximumf %parallel_loop3A_924, %parallel_loop3A_1196 : vector<16xf32>
        %parallel_loop3A_1203 = arith.maximumf %parallel_loop3A_925, %parallel_loop3A_1195 : vector<16xf32>
        %parallel_loop3A_1204 = arith.maximumf %parallel_loop3A_926, %parallel_loop3A_1194 : vector<16xf32>
        %parallel_loop3A_1205 = arith.maximumf %parallel_loop3A_927, %parallel_loop3A_1193 : vector<16xf32>
        %parallel_loop3A_1206 = arith.maximumf %parallel_loop3A_928, %parallel_loop3A_1181 : vector<16xf32>
        %parallel_loop3A_1207 = arith.maximumf %parallel_loop3A_1199, %parallel_loop3A_1203 : vector<16xf32>
        %parallel_loop3A_1208 = arith.minimumf %parallel_loop3A_1199, %parallel_loop3A_1203 : vector<16xf32>
        %parallel_loop3A_1209 = arith.maximumf %parallel_loop3A_1200, %parallel_loop3A_1204 : vector<16xf32>
        %parallel_loop3A_1210 = arith.minimumf %parallel_loop3A_1200, %parallel_loop3A_1204 : vector<16xf32>
        %parallel_loop3A_1211 = arith.maximumf %parallel_loop3A_1201, %parallel_loop3A_1205 : vector<16xf32>
        %parallel_loop3A_1212 = arith.minimumf %parallel_loop3A_1201, %parallel_loop3A_1205 : vector<16xf32>
        %parallel_loop3A_1213 = arith.maximumf %parallel_loop3A_1202, %parallel_loop3A_1206 : vector<16xf32>
        %parallel_loop3A_1214 = arith.minimumf %parallel_loop3A_1202, %parallel_loop3A_1206 : vector<16xf32>
        %parallel_loop3A_1215 = arith.maximumf %parallel_loop3A_1207, %parallel_loop3A_1211 : vector<16xf32>
        %parallel_loop3A_1216 = arith.minimumf %parallel_loop3A_1207, %parallel_loop3A_1211 : vector<16xf32>
        %parallel_loop3A_1217 = arith.maximumf %parallel_loop3A_1209, %parallel_loop3A_1213 : vector<16xf32>
        %parallel_loop3A_1218 = arith.minimumf %parallel_loop3A_1209, %parallel_loop3A_1213 : vector<16xf32>
        %parallel_loop3A_1219 = arith.maximumf %parallel_loop3A_1208, %parallel_loop3A_1212 : vector<16xf32>
        %parallel_loop3A_1220 = arith.minimumf %parallel_loop3A_1208, %parallel_loop3A_1212 : vector<16xf32>
        %parallel_loop3A_1221 = arith.maximumf %parallel_loop3A_1210, %parallel_loop3A_1214 : vector<16xf32>
        %parallel_loop3A_1222 = arith.minimumf %parallel_loop3A_1210, %parallel_loop3A_1214 : vector<16xf32>
        %parallel_loop3A_1223 = arith.maximumf %parallel_loop3A_1215, %parallel_loop3A_1217 : vector<16xf32>
        %parallel_loop3A_1224 = arith.minimumf %parallel_loop3A_1215, %parallel_loop3A_1217 : vector<16xf32>
        %parallel_loop3A_1225 = arith.maximumf %parallel_loop3A_1216, %parallel_loop3A_1218 : vector<16xf32>
        %parallel_loop3A_1226 = arith.minimumf %parallel_loop3A_1216, %parallel_loop3A_1218 : vector<16xf32>
        %parallel_loop3A_1227 = arith.maximumf %parallel_loop3A_1219, %parallel_loop3A_1221 : vector<16xf32>
        %parallel_loop3A_1228 = arith.minimumf %parallel_loop3A_1219, %parallel_loop3A_1221 : vector<16xf32>
        %parallel_loop3A_1229 = arith.maximumf %parallel_loop3A_1220, %parallel_loop3A_1222 : vector<16xf32>
        %parallel_loop3A_1230 = arith.minimumf %parallel_loop3A_1220, %parallel_loop3A_1222 : vector<16xf32>
        scf.yield %parallel_loop3A_1073, %parallel_loop3A_1074, %parallel_loop3A_1075, %parallel_loop3A_1076, %parallel_loop3A_1077, %parallel_loop3A_1078, %parallel_loop3A_1079, %parallel_loop3A_1080, %parallel_loop3A_1223, %parallel_loop3A_1224, %parallel_loop3A_1225, %parallel_loop3A_1226, %parallel_loop3A_1227, %parallel_loop3A_1228, %parallel_loop3A_1229, %parallel_loop3A_1230 : vector<16xf32>, vector<16xf32>, vector<16xf32>, vector<16xf32>, vector<16xf32>, vector<16xf32>, vector<16xf32>, vector<16xf32>, vector<16xf32>, vector<16xf32>, vector<16xf32>, vector<16xf32>, vector<16xf32>, vector<16xf32>, vector<16xf32>, vector<16xf32>
      } {sc.loop_unroll_factor = 1 : i64, sc.parallel_access}
      %swap3A_185 = arith.constant 0 : i32
      %swap3A_186 = arith.index_cast %swap3A_185 : i32 to index
      %swap3A_187 = arith.constant 32 : index
      %swap3A_188 = tpu.vector_load %arg6[%swap3A_186, %swap3A_187] {strides = array<i32>} : memref<8x128xf32, #tpu.memory_space<vmem>>, vector<1x16xf32>,
      %swap3A_189 = vector.shape_cast %swap3A_188 : vector<1x16xf32> to vector<16xf32>
      %swap3A_190 = vector.shape_cast %parallel_loop3A_184#0 : vector<16xf32> to vector<1x16xf32>
      tpu.vector_store %arg6[%swap3A_186, %swap3A_187], %swap3A_190 {strides = array<i32>} : memref<8x128xf32, #tpu.memory_space<vmem>>, vector<1x16xf32>,
      %swap3A_191 = arith.constant 1 : i32
      %swap3A_192 = arith.index_cast %swap3A_191 : i32 to index
      %swap3A_193 = arith.constant 32 : index
      %swap3A_194 = tpu.vector_load %arg6[%swap3A_192, %swap3A_193] {strides = array<i32>} : memref<8x128xf32, #tpu.memory_space<vmem>>, vector<1x16xf32>,
      %swap3A_195 = vector.shape_cast %swap3A_194 : vector<1x16xf32> to vector<16xf32>
      %swap3A_196 = vector.shape_cast %parallel_loop3A_184#1 : vector<16xf32> to vector<1x16xf32>
      tpu.vector_store %arg6[%swap3A_192, %swap3A_193], %swap3A_196 {strides = array<i32>} : memref<8x128xf32, #tpu.memory_space<vmem>>, vector<1x16xf32>,
      %swap3A_197 = arith.constant 2 : i32
      %swap3A_198 = arith.index_cast %swap3A_197 : i32 to index
      %swap3A_199 = arith.constant 32 : index
      %swap3A_200 = tpu.vector_load %arg6[%swap3A_198, %swap3A_199] {strides = array<i32>} : memref<8x128xf32, #tpu.memory_space<vmem>>, vector<1x16xf32>,
      %swap3A_201 = vector.shape_cast %swap3A_200 : vector<1x16xf32> to vector<16xf32>
      %swap3A_202 = vector.shape_cast %parallel_loop3A_184#2 : vector<16xf32> to vector<1x16xf32>
      tpu.vector_store %arg6[%swap3A_198, %swap3A_199], %swap3A_202 {strides = array<i32>} : memref<8x128xf32, #tpu.memory_space<vmem>>, vector<1x16xf32>,
      %swap3A_203 = arith.constant 3 : i32
      %swap3A_204 = arith.index_cast %swap3A_203 : i32 to index
      %swap3A_205 = arith.constant 32 : index
      %swap3A_206 = tpu.vector_load %arg6[%swap3A_204, %swap3A_205] {strides = array<i32>} : memref<8x128xf32, #tpu.memory_space<vmem>>, vector<1x16xf32>,
      %swap3A_207 = vector.shape_cast %swap3A_206 : vector<1x16xf32> to vector<16xf32>
      %swap3A_208 = vector.shape_cast %parallel_loop3A_184#3 : vector<16xf32> to vector<1x16xf32>
      tpu.vector_store %arg6[%swap3A_204, %swap3A_205], %swap3A_208 {strides = array<i32>} : memref<8x128xf32, #tpu.memory_space<vmem>>, vector<1x16xf32>,
      %swap3A_209 = arith.constant 4 : i32
      %swap3A_210 = arith.index_cast %swap3A_209 : i32 to index
      %swap3A_211 = arith.constant 32 : index
      %swap3A_212 = tpu.vector_load %arg6[%swap3A_210, %swap3A_211] {strides = array<i32>} : memref<8x128xf32, #tpu.memory_space<vmem>>, vector<1x16xf32>,
      %swap3A_213 = vector.shape_cast %swap3A_212 : vector<1x16xf32> to vector<16xf32>
      %swap3A_214 = vector.shape_cast %parallel_loop3A_184#4 : vector<16xf32> to vector<1x16xf32>
      tpu.vector_store %arg6[%swap3A_210, %swap3A_211], %swap3A_214 {strides = array<i32>} : memref<8x128xf32, #tpu.memory_space<vmem>>, vector<1x16xf32>,
      %swap3A_215 = arith.constant 5 : i32
      %swap3A_216 = arith.index_cast %swap3A_215 : i32 to index
      %swap3A_217 = arith.constant 32 : index
      %swap3A_218 = tpu.vector_load %arg6[%swap3A_216, %swap3A_217] {strides = array<i32>} : memref<8x128xf32, #tpu.memory_space<vmem>>, vector<1x16xf32>,
      %swap3A_219 = vector.shape_cast %swap3A_218 : vector<1x16xf32> to vector<16xf32>
      %swap3A_220 = vector.shape_cast %parallel_loop3A_184#5 : vector<16xf32> to vector<1x16xf32>
      tpu.vector_store %arg6[%swap3A_216, %swap3A_217], %swap3A_220 {strides = array<i32>} : memref<8x128xf32, #tpu.memory_space<vmem>>, vector<1x16xf32>,
      %swap3A_221 = arith.constant 6 : i32
      %swap3A_222 = arith.index_cast %swap3A_221 : i32 to index
      %swap3A_223 = arith.constant 32 : index
      %swap3A_224 = tpu.vector_load %arg6[%swap3A_222, %swap3A_223] {strides = array<i32>} : memref<8x128xf32, #tpu.memory_space<vmem>>, vector<1x16xf32>,
      %swap3A_225 = vector.shape_cast %swap3A_224 : vector<1x16xf32> to vector<16xf32>
      %swap3A_226 = vector.shape_cast %parallel_loop3A_184#6 : vector<16xf32> to vector<1x16xf32>
      tpu.vector_store %arg6[%swap3A_222, %swap3A_223], %swap3A_226 {strides = array<i32>} : memref<8x128xf32, #tpu.memory_space<vmem>>, vector<1x16xf32>,
      %swap3A_227 = arith.constant 7 : i32
      %swap3A_228 = arith.index_cast %swap3A_227 : i32 to index
      %swap3A_229 = arith.constant 32 : index
      %swap3A_230 = tpu.vector_load %arg6[%swap3A_228, %swap3A_229] {strides = array<i32>} : memref<8x128xf32, #tpu.memory_space<vmem>>, vector<1x16xf32>,
      %swap3A_231 = vector.shape_cast %swap3A_230 : vector<1x16xf32> to vector<16xf32>
      %swap3A_232 = vector.shape_cast %parallel_loop3A_184#7 : vector<16xf32> to vector<1x16xf32>
      tpu.vector_store %arg6[%swap3A_228, %swap3A_229], %swap3A_232 {strides = array<i32>} : memref<8x128xf32, #tpu.memory_space<vmem>>, vector<1x16xf32>,
      %swap3A_233 = arith.constant 0 : i32
      %swap3A_234 = arith.index_cast %swap3A_233 : i32 to index
      %swap3A_235 = arith.constant 48 : index
      %swap3A_236 = tpu.vector_load %arg6[%swap3A_234, %swap3A_235] {strides = array<i32>} : memref<8x128xf32, #tpu.memory_space<vmem>>, vector<1x16xf32>,
      %swap3A_237 = vector.shape_cast %swap3A_236 : vector<1x16xf32> to vector<16xf32>
      %swap3A_238 = vector.shape_cast %parallel_loop3A_184#8 : vector<16xf32> to vector<1x16xf32>
      tpu.vector_store %arg6[%swap3A_234, %swap3A_235], %swap3A_238 {strides = array<i32>} : memref<8x128xf32, #tpu.memory_space<vmem>>, vector<1x16xf32>,
      %swap3A_239 = arith.constant 1 : i32
      %swap3A_240 = arith.index_cast %swap3A_239 : i32 to index
      %swap3A_241 = arith.constant 48 : index
      %swap3A_242 = tpu.vector_load %arg6[%swap3A_240, %swap3A_241] {strides = array<i32>} : memref<8x128xf32, #tpu.memory_space<vmem>>, vector<1x16xf32>,
      %swap3A_243 = vector.shape_cast %swap3A_242 : vector<1x16xf32> to vector<16xf32>
      %swap3A_244 = vector.shape_cast %parallel_loop3A_184#9 : vector<16xf32> to vector<1x16xf32>
      tpu.vector_store %arg6[%swap3A_240, %swap3A_241], %swap3A_244 {strides = array<i32>} : memref<8x128xf32, #tpu.memory_space<vmem>>, vector<1x16xf32>,
      %swap3A_245 = arith.constant 2 : i32
      %swap3A_246 = arith.index_cast %swap3A_245 : i32 to index
      %swap3A_247 = arith.constant 48 : index
      %swap3A_248 = tpu.vector_load %arg6[%swap3A_246, %swap3A_247] {strides = array<i32>} : memref<8x128xf32, #tpu.memory_space<vmem>>, vector<1x16xf32>,
      %swap3A_249 = vector.shape_cast %swap3A_248 : vector<1x16xf32> to vector<16xf32>
      %swap3A_250 = vector.shape_cast %parallel_loop3A_184#10 : vector<16xf32> to vector<1x16xf32>
      tpu.vector_store %arg6[%swap3A_246, %swap3A_247], %swap3A_250 {strides = array<i32>} : memref<8x128xf32, #tpu.memory_space<vmem>>, vector<1x16xf32>,
      %swap3A_251 = arith.constant 3 : i32
      %swap3A_252 = arith.index_cast %swap3A_251 : i32 to index
      %swap3A_253 = arith.constant 48 : index
      %swap3A_254 = tpu.vector_load %arg6[%swap3A_252, %swap3A_253] {strides = array<i32>} : memref<8x128xf32, #tpu.memory_space<vmem>>, vector<1x16xf32>,
      %swap3A_255 = vector.shape_cast %swap3A_254 : vector<1x16xf32> to vector<16xf32>
      %swap3A_256 = vector.shape_cast %parallel_loop3A_184#11 : vector<16xf32> to vector<1x16xf32>
      tpu.vector_store %arg6[%swap3A_252, %swap3A_253], %swap3A_256 {strides = array<i32>} : memref<8x128xf32, #tpu.memory_space<vmem>>, vector<1x16xf32>,
      %swap3A_257 = arith.constant 4 : i32
      %swap3A_258 = arith.index_cast %swap3A_257 : i32 to index
      %swap3A_259 = arith.constant 48 : index
      %swap3A_260 = tpu.vector_load %arg6[%swap3A_258, %swap3A_259] {strides = array<i32>} : memref<8x128xf32, #tpu.memory_space<vmem>>, vector<1x16xf32>,
      %swap3A_261 = vector.shape_cast %swap3A_260 : vector<1x16xf32> to vector<16xf32>
      %swap3A_262 = vector.shape_cast %parallel_loop3A_184#12 : vector<16xf32> to vector<1x16xf32>
      tpu.vector_store %arg6[%swap3A_258, %swap3A_259], %swap3A_262 {strides = array<i32>} : memref<8x128xf32, #tpu.memory_space<vmem>>, vector<1x16xf32>,
      %swap3A_263 = arith.constant 5 : i32
      %swap3A_264 = arith.index_cast %swap3A_263 : i32 to index
      %swap3A_265 = arith.constant 48 : index
      %swap3A_266 = tpu.vector_load %arg6[%swap3A_264, %swap3A_265] {strides = array<i32>} : memref<8x128xf32, #tpu.memory_space<vmem>>, vector<1x16xf32>,
      %swap3A_267 = vector.shape_cast %swap3A_266 : vector<1x16xf32> to vector<16xf32>
      %swap3A_268 = vector.shape_cast %parallel_loop3A_184#13 : vector<16xf32> to vector<1x16xf32>
      tpu.vector_store %arg6[%swap3A_264, %swap3A_265], %swap3A_268 {strides = array<i32>} : memref<8x128xf32, #tpu.memory_space<vmem>>, vector<1x16xf32>,
      %swap3A_269 = arith.constant 6 : i32
      %swap3A_270 = arith.index_cast %swap3A_269 : i32 to index
      %swap3A_271 = arith.constant 48 : index
      %swap3A_272 = tpu.vector_load %arg6[%swap3A_270, %swap3A_271] {strides = array<i32>} : memref<8x128xf32, #tpu.memory_space<vmem>>, vector<1x16xf32>,
      %swap3A_273 = vector.shape_cast %swap3A_272 : vector<1x16xf32> to vector<16xf32>
      %swap3A_274 = vector.shape_cast %parallel_loop3A_184#14 : vector<16xf32> to vector<1x16xf32>
      tpu.vector_store %arg6[%swap3A_270, %swap3A_271], %swap3A_274 {strides = array<i32>} : memref<8x128xf32, #tpu.memory_space<vmem>>, vector<1x16xf32>,
      %swap3A_275 = arith.constant 7 : i32
      %swap3A_276 = arith.index_cast %swap3A_275 : i32 to index
      %swap3A_277 = arith.constant 48 : index
      %swap3A_278 = tpu.vector_load %arg6[%swap3A_276, %swap3A_277] {strides = array<i32>} : memref<8x128xf32, #tpu.memory_space<vmem>>, vector<1x16xf32>,
      %swap3A_279 = vector.shape_cast %swap3A_278 : vector<1x16xf32> to vector<16xf32>
      %swap3A_280 = vector.shape_cast %parallel_loop3A_184#15 : vector<16xf32> to vector<1x16xf32>
      tpu.vector_store %arg6[%swap3A_276, %swap3A_277], %swap3A_280 {strides = array<i32>} : memref<8x128xf32, #tpu.memory_space<vmem>>, vector<1x16xf32>,
      %parallel_loop3A_281 = arith.constant 0 : i32
      %parallel_loop3A_282 = arith.constant 48 : i32
      %parallel_loop3A_283 = arith.constant 1 : i32
      %parallel_loop3A_284 = arith.constant 0 : i32
      %parallel_loop3A_285:16 = scf.for %parallel_loop3A_912 = %parallel_loop3A_281 to %parallel_loop3A_282 step %parallel_loop3A_283 iter_args(%parallel_loop3A_913 = %broadcast_in_dim3A_80, %parallel_loop3A_914 = %broadcast_in_dim3A_80, %parallel_loop3A_915 = %broadcast_in_dim3A_80, %parallel_loop3A_916 = %broadcast_in_dim3A_80, %parallel_loop3A_917 = %broadcast_in_dim3A_80, %parallel_loop3A_918 = %broadcast_in_dim3A_80, %parallel_loop3A_919 = %broadcast_in_dim3A_80, %parallel_loop3A_920 = %broadcast_in_dim3A_80, %parallel_loop3A_921 = %broadcast_in_dim3A_80, %parallel_loop3A_922 = %broadcast_in_dim3A_80, %parallel_loop3A_923 = %broadcast_in_dim3A_80, %parallel_loop3A_924 = %broadcast_in_dim3A_80, %parallel_loop3A_925 = %broadcast_in_dim3A_80, %parallel_loop3A_926 = %broadcast_in_dim3A_80, %parallel_loop3A_927 = %broadcast_in_dim3A_80, %parallel_loop3A_928 = %broadcast_in_dim3A_80) -> (vector<16xf32>, vector<16xf32>, vector<16xf32>, vector<16xf32>, vector<16xf32>, vector<16xf32>, vector<16xf32>, vector<16xf32>, vector<16xf32>, vector<16xf32>, vector<16xf32>, vector<16xf32>, vector<16xf32>, vector<16xf32>, vector<16xf32>, vector<16xf32>)  : i32 {
        %parallel_loop3A_929 = arith.constant 8 : i32
        %parallel_loop3A_930 = arith.muli %parallel_loop3A_912, %parallel_loop3A_929 : i32
        %parallel_loop3A_931 = arith.constant 0 : i32
        %parallel_loop3A_932 = arith.addi %parallel_loop3A_930, %parallel_loop3A_931 : i32
        %parallel_loop3A_933 = arith.constant 0 : i32
        %parallel_loop3A_934 = arith.constant 0 : i32
        %parallel_loop3A_935 = tpu.memref_slice %arg4[%parallel_loop3A_284, %parallel_loop3A_933, %parallel_loop3A_934] : memref<2x384x128xf32, #tpu.memory_space<vmem>> -> memref<1x384x128xf32, #tpu.memory_space<vmem>>
        %parallel_loop3A_936 = tpu.memref_squeeze %parallel_loop3A_935 : memref<1x384x128xf32, #tpu.memory_space<vmem>> -> memref<384x128xf32, #tpu.memory_space<vmem>>
        %parallel_loop3A_937 = arith.index_cast %parallel_loop3A_932 : i32 to index
        %parallel_loop3A_938 = arith.constant 64 : index
        %parallel_loop3A_939 = tpu.vector_load %parallel_loop3A_936[%parallel_loop3A_937, %parallel_loop3A_938] {strides = array<i32>} : memref<384x128xf32, #tpu.memory_space<vmem>>, vector<1x16xf32>,
        %parallel_loop3A_940 = vector.shape_cast %parallel_loop3A_939 : vector<1x16xf32> to vector<16xf32>
        %parallel_loop3A_941 = arith.constant 1 : i32
        %parallel_loop3A_942 = arith.addi %parallel_loop3A_930, %parallel_loop3A_941 : i32
        %parallel_loop3A_943 = arith.constant 0 : i32
        %parallel_loop3A_944 = arith.constant 0 : i32
        %parallel_loop3A_945 = tpu.memref_slice %arg4[%parallel_loop3A_284, %parallel_loop3A_943, %parallel_loop3A_944] : memref<2x384x128xf32, #tpu.memory_space<vmem>> -> memref<1x384x128xf32, #tpu.memory_space<vmem>>
        %parallel_loop3A_946 = tpu.memref_squeeze %parallel_loop3A_945 : memref<1x384x128xf32, #tpu.memory_space<vmem>> -> memref<384x128xf32, #tpu.memory_space<vmem>>
        %parallel_loop3A_947 = arith.index_cast %parallel_loop3A_942 : i32 to index
        %parallel_loop3A_948 = arith.constant 64 : index
        %parallel_loop3A_949 = tpu.vector_load %parallel_loop3A_946[%parallel_loop3A_947, %parallel_loop3A_948] {strides = array<i32>} : memref<384x128xf32, #tpu.memory_space<vmem>>, vector<1x16xf32>,
        %parallel_loop3A_950 = vector.shape_cast %parallel_loop3A_949 : vector<1x16xf32> to vector<16xf32>
        %parallel_loop3A_951 = arith.constant 2 : i32
        %parallel_loop3A_952 = arith.addi %parallel_loop3A_930, %parallel_loop3A_951 : i32
        %parallel_loop3A_953 = arith.constant 0 : i32
        %parallel_loop3A_954 = arith.constant 0 : i32
        %parallel_loop3A_955 = tpu.memref_slice %arg4[%parallel_loop3A_284, %parallel_loop3A_953, %parallel_loop3A_954] : memref<2x384x128xf32, #tpu.memory_space<vmem>> -> memref<1x384x128xf32, #tpu.memory_space<vmem>>
        %parallel_loop3A_956 = tpu.memref_squeeze %parallel_loop3A_955 : memref<1x384x128xf32, #tpu.memory_space<vmem>> -> memref<384x128xf32, #tpu.memory_space<vmem>>
        %parallel_loop3A_957 = arith.index_cast %parallel_loop3A_952 : i32 to index
        %parallel_loop3A_958 = arith.constant 64 : index
        %parallel_loop3A_959 = tpu.vector_load %parallel_loop3A_956[%parallel_loop3A_957, %parallel_loop3A_958] {strides = array<i32>} : memref<384x128xf32, #tpu.memory_space<vmem>>, vector<1x16xf32>,
        %parallel_loop3A_960 = vector.shape_cast %parallel_loop3A_959 : vector<1x16xf32> to vector<16xf32>
        %parallel_loop3A_961 = arith.constant 3 : i32
        %parallel_loop3A_962 = arith.addi %parallel_loop3A_930, %parallel_loop3A_961 : i32
        %parallel_loop3A_963 = arith.constant 0 : i32
        %parallel_loop3A_964 = arith.constant 0 : i32
        %parallel_loop3A_965 = tpu.memref_slice %arg4[%parallel_loop3A_284, %parallel_loop3A_963, %parallel_loop3A_964] : memref<2x384x128xf32, #tpu.memory_space<vmem>> -> memref<1x384x128xf32, #tpu.memory_space<vmem>>
        %parallel_loop3A_966 = tpu.memref_squeeze %parallel_loop3A_965 : memref<1x384x128xf32, #tpu.memory_space<vmem>> -> memref<384x128xf32, #tpu.memory_space<vmem>>
        %parallel_loop3A_967 = arith.index_cast %parallel_loop3A_962 : i32 to index
        %parallel_loop3A_968 = arith.constant 64 : index
        %parallel_loop3A_969 = tpu.vector_load %parallel_loop3A_966[%parallel_loop3A_967, %parallel_loop3A_968] {strides = array<i32>} : memref<384x128xf32, #tpu.memory_space<vmem>>, vector<1x16xf32>,
        %parallel_loop3A_970 = vector.shape_cast %parallel_loop3A_969 : vector<1x16xf32> to vector<16xf32>
        %parallel_loop3A_971 = arith.constant 4 : i32
        %parallel_loop3A_972 = arith.addi %parallel_loop3A_930, %parallel_loop3A_971 : i32
        %parallel_loop3A_973 = arith.constant 0 : i32
        %parallel_loop3A_974 = arith.constant 0 : i32
        %parallel_loop3A_975 = tpu.memref_slice %arg4[%parallel_loop3A_284, %parallel_loop3A_973, %parallel_loop3A_974] : memref<2x384x128xf32, #tpu.memory_space<vmem>> -> memref<1x384x128xf32, #tpu.memory_space<vmem>>
        %parallel_loop3A_976 = tpu.memref_squeeze %parallel_loop3A_975 : memref<1x384x128xf32, #tpu.memory_space<vmem>> -> memref<384x128xf32, #tpu.memory_space<vmem>>
        %parallel_loop3A_977 = arith.index_cast %parallel_loop3A_972 : i32 to index
        %parallel_loop3A_978 = arith.constant 64 : index
        %parallel_loop3A_979 = tpu.vector_load %parallel_loop3A_976[%parallel_loop3A_977, %parallel_loop3A_978] {strides = array<i32>} : memref<384x128xf32, #tpu.memory_space<vmem>>, vector<1x16xf32>,
        %parallel_loop3A_980 = vector.shape_cast %parallel_loop3A_979 : vector<1x16xf32> to vector<16xf32>
        %parallel_loop3A_981 = arith.constant 5 : i32
        %parallel_loop3A_982 = arith.addi %parallel_loop3A_930, %parallel_loop3A_981 : i32
        %parallel_loop3A_983 = arith.constant 0 : i32
        %parallel_loop3A_984 = arith.constant 0 : i32
        %parallel_loop3A_985 = tpu.memref_slice %arg4[%parallel_loop3A_284, %parallel_loop3A_983, %parallel_loop3A_984] : memref<2x384x128xf32, #tpu.memory_space<vmem>> -> memref<1x384x128xf32, #tpu.memory_space<vmem>>
        %parallel_loop3A_986 = tpu.memref_squeeze %parallel_loop3A_985 : memref<1x384x128xf32, #tpu.memory_space<vmem>> -> memref<384x128xf32, #tpu.memory_space<vmem>>
        %parallel_loop3A_987 = arith.index_cast %parallel_loop3A_982 : i32 to index
        %parallel_loop3A_988 = arith.constant 64 : index
        %parallel_loop3A_989 = tpu.vector_load %parallel_loop3A_986[%parallel_loop3A_987, %parallel_loop3A_988] {strides = array<i32>} : memref<384x128xf32, #tpu.memory_space<vmem>>, vector<1x16xf32>,
        %parallel_loop3A_990 = vector.shape_cast %parallel_loop3A_989 : vector<1x16xf32> to vector<16xf32>
        %parallel_loop3A_991 = arith.constant 6 : i32
        %parallel_loop3A_992 = arith.addi %parallel_loop3A_930, %parallel_loop3A_991 : i32
        %parallel_loop3A_993 = arith.constant 0 : i32
        %parallel_loop3A_994 = arith.constant 0 : i32
        %parallel_loop3A_995 = tpu.memref_slice %arg4[%parallel_loop3A_284, %parallel_loop3A_993, %parallel_loop3A_994] : memref<2x384x128xf32, #tpu.memory_space<vmem>> -> memref<1x384x128xf32, #tpu.memory_space<vmem>>
        %parallel_loop3A_996 = tpu.memref_squeeze %parallel_loop3A_995 : memref<1x384x128xf32, #tpu.memory_space<vmem>> -> memref<384x128xf32, #tpu.memory_space<vmem>>
        %parallel_loop3A_997 = arith.index_cast %parallel_loop3A_992 : i32 to index
        %parallel_loop3A_998 = arith.constant 64 : index
        %parallel_loop3A_999 = tpu.vector_load %parallel_loop3A_996[%parallel_loop3A_997, %parallel_loop3A_998] {strides = array<i32>} : memref<384x128xf32, #tpu.memory_space<vmem>>, vector<1x16xf32>,
        %parallel_loop3A_1000 = vector.shape_cast %parallel_loop3A_999 : vector<1x16xf32> to vector<16xf32>
        %parallel_loop3A_1001 = arith.constant 7 : i32
        %parallel_loop3A_1002 = arith.addi %parallel_loop3A_930, %parallel_loop3A_1001 : i32
        %parallel_loop3A_1003 = arith.constant 0 : i32
        %parallel_loop3A_1004 = arith.constant 0 : i32
        %parallel_loop3A_1005 = tpu.memref_slice %arg4[%parallel_loop3A_284, %parallel_loop3A_1003, %parallel_loop3A_1004] : memref<2x384x128xf32, #tpu.memory_space<vmem>> -> memref<1x384x128xf32, #tpu.memory_space<vmem>>
        %parallel_loop3A_1006 = tpu.memref_squeeze %parallel_loop3A_1005 : memref<1x384x128xf32, #tpu.memory_space<vmem>> -> memref<384x128xf32, #tpu.memory_space<vmem>>
        %parallel_loop3A_1007 = arith.index_cast %parallel_loop3A_1002 : i32 to index
        %parallel_loop3A_1008 = arith.constant 64 : index
        %parallel_loop3A_1009 = tpu.vector_load %parallel_loop3A_1006[%parallel_loop3A_1007, %parallel_loop3A_1008] {strides = array<i32>} : memref<384x128xf32, #tpu.memory_space<vmem>>, vector<1x16xf32>,
        %parallel_loop3A_1010 = vector.shape_cast %parallel_loop3A_1009 : vector<1x16xf32> to vector<16xf32>
        %parallel_loop3A_1011 = arith.maximumf %parallel_loop3A_940, %parallel_loop3A_950 : vector<16xf32>
        %parallel_loop3A_1012 = arith.minimumf %parallel_loop3A_940, %parallel_loop3A_950 : vector<16xf32>
        %parallel_loop3A_1013 = arith.maximumf %parallel_loop3A_960, %parallel_loop3A_970 : vector<16xf32>
        %parallel_loop3A_1014 = arith.minimumf %parallel_loop3A_960, %parallel_loop3A_970 : vector<16xf32>
        %parallel_loop3A_1015 = arith.maximumf %parallel_loop3A_980, %parallel_loop3A_990 : vector<16xf32>
        %parallel_loop3A_1016 = arith.minimumf %parallel_loop3A_980, %parallel_loop3A_990 : vector<16xf32>
        %parallel_loop3A_1017 = arith.maximumf %parallel_loop3A_1000, %parallel_loop3A_1010 : vector<16xf32>
        %parallel_loop3A_1018 = arith.minimumf %parallel_loop3A_1000, %parallel_loop3A_1010 : vector<16xf32>
        %parallel_loop3A_1019 = arith.maximumf %parallel_loop3A_1011, %parallel_loop3A_1013 : vector<16xf32>
        %parallel_loop3A_1020 = arith.minimumf %parallel_loop3A_1011, %parallel_loop3A_1013 : vector<16xf32>
        %parallel_loop3A_1021 = arith.maximumf %parallel_loop3A_1012, %parallel_loop3A_1014 : vector<16xf32>
        %parallel_loop3A_1022 = arith.minimumf %parallel_loop3A_1012, %parallel_loop3A_1014 : vector<16xf32>
        %parallel_loop3A_1023 = arith.maximumf %parallel_loop3A_1015, %parallel_loop3A_1017 : vector<16xf32>
        %parallel_loop3A_1024 = arith.minimumf %parallel_loop3A_1015, %parallel_loop3A_1017 : vector<16xf32>
        %parallel_loop3A_1025 = arith.maximumf %parallel_loop3A_1016, %parallel_loop3A_1018 : vector<16xf32>
        %parallel_loop3A_1026 = arith.minimumf %parallel_loop3A_1016, %parallel_loop3A_1018 : vector<16xf32>
        %parallel_loop3A_1027 = arith.maximumf %parallel_loop3A_1021, %parallel_loop3A_1020 : vector<16xf32>
        %parallel_loop3A_1028 = arith.minimumf %parallel_loop3A_1021, %parallel_loop3A_1020 : vector<16xf32>
        %parallel_loop3A_1029 = arith.maximumf %parallel_loop3A_1025, %parallel_loop3A_1024 : vector<16xf32>
        %parallel_loop3A_1030 = arith.minimumf %parallel_loop3A_1025, %parallel_loop3A_1024 : vector<16xf32>
        %parallel_loop3A_1031 = arith.maximumf %parallel_loop3A_1019, %parallel_loop3A_1023 : vector<16xf32>
        %parallel_loop3A_1032 = arith.minimumf %parallel_loop3A_1019, %parallel_loop3A_1023 : vector<16xf32>
        %parallel_loop3A_1033 = arith.maximumf %parallel_loop3A_1027, %parallel_loop3A_1029 : vector<16xf32>
        %parallel_loop3A_1034 = arith.minimumf %parallel_loop3A_1027, %parallel_loop3A_1029 : vector<16xf32>
        %parallel_loop3A_1035 = arith.maximumf %parallel_loop3A_1028, %parallel_loop3A_1030 : vector<16xf32>
        %parallel_loop3A_1036 = arith.minimumf %parallel_loop3A_1028, %parallel_loop3A_1030 : vector<16xf32>
        %parallel_loop3A_1037 = arith.maximumf %parallel_loop3A_1022, %parallel_loop3A_1026 : vector<16xf32>
        %parallel_loop3A_1038 = arith.minimumf %parallel_loop3A_1022, %parallel_loop3A_1026 : vector<16xf32>
        %parallel_loop3A_1039 = arith.maximumf %parallel_loop3A_1035, %parallel_loop3A_1032 : vector<16xf32>
        %parallel_loop3A_1040 = arith.minimumf %parallel_loop3A_1035, %parallel_loop3A_1032 : vector<16xf32>
        %parallel_loop3A_1041 = arith.maximumf %parallel_loop3A_1037, %parallel_loop3A_1034 : vector<16xf32>
        %parallel_loop3A_1042 = arith.minimumf %parallel_loop3A_1037, %parallel_loop3A_1034 : vector<16xf32>
        %parallel_loop3A_1043 = arith.maximumf %parallel_loop3A_1033, %parallel_loop3A_1039 : vector<16xf32>
        %parallel_loop3A_1044 = arith.minimumf %parallel_loop3A_1033, %parallel_loop3A_1039 : vector<16xf32>
        %parallel_loop3A_1045 = arith.maximumf %parallel_loop3A_1041, %parallel_loop3A_1040 : vector<16xf32>
        %parallel_loop3A_1046 = arith.minimumf %parallel_loop3A_1041, %parallel_loop3A_1040 : vector<16xf32>
        %parallel_loop3A_1047 = arith.maximumf %parallel_loop3A_1042, %parallel_loop3A_1036 : vector<16xf32>
        %parallel_loop3A_1048 = arith.minimumf %parallel_loop3A_1042, %parallel_loop3A_1036 : vector<16xf32>
        %parallel_loop3A_1049 = arith.maximumf %parallel_loop3A_913, %parallel_loop3A_1038 : vector<16xf32>
        %parallel_loop3A_1050 = arith.maximumf %parallel_loop3A_914, %parallel_loop3A_1048 : vector<16xf32>
        %parallel_loop3A_1051 = arith.maximumf %parallel_loop3A_915, %parallel_loop3A_1047 : vector<16xf32>
        %parallel_loop3A_1052 = arith.maximumf %parallel_loop3A_916, %parallel_loop3A_1046 : vector<16xf32>
        %parallel_loop3A_1053 = arith.maximumf %parallel_loop3A_917, %parallel_loop3A_1045 : vector<16xf32>
        %parallel_loop3A_1054 = arith.maximumf %parallel_loop3A_918, %parallel_loop3A_1044 : vector<16xf32>
        %parallel_loop3A_1055 = arith.maximumf %parallel_loop3A_919, %parallel_loop3A_1043 : vector<16xf32>
        %parallel_loop3A_1056 = arith.maximumf %parallel_loop3A_920, %parallel_loop3A_1031 : vector<16xf32>
        %parallel_loop3A_1057 = arith.maximumf %parallel_loop3A_1049, %parallel_loop3A_1053 : vector<16xf32>
        %parallel_loop3A_1058 = arith.minimumf %parallel_loop3A_1049, %parallel_loop3A_1053 : vector<16xf32>
        %parallel_loop3A_1059 = arith.maximumf %parallel_loop3A_1050, %parallel_loop3A_1054 : vector<16xf32>
        %parallel_loop3A_1060 = arith.minimumf %parallel_loop3A_1050, %parallel_loop3A_1054 : vector<16xf32>
        %parallel_loop3A_1061 = arith.maximumf %parallel_loop3A_1051, %parallel_loop3A_1055 : vector<16xf32>
        %parallel_loop3A_1062 = arith.minimumf %parallel_loop3A_1051, %parallel_loop3A_1055 : vector<16xf32>
        %parallel_loop3A_1063 = arith.maximumf %parallel_loop3A_1052, %parallel_loop3A_1056 : vector<16xf32>
        %parallel_loop3A_1064 = arith.minimumf %parallel_loop3A_1052, %parallel_loop3A_1056 : vector<16xf32>
        %parallel_loop3A_1065 = arith.maximumf %parallel_loop3A_1057, %parallel_loop3A_1061 : vector<16xf32>
        %parallel_loop3A_1066 = arith.minimumf %parallel_loop3A_1057, %parallel_loop3A_1061 : vector<16xf32>
        %parallel_loop3A_1067 = arith.maximumf %parallel_loop3A_1059, %parallel_loop3A_1063 : vector<16xf32>
        %parallel_loop3A_1068 = arith.minimumf %parallel_loop3A_1059, %parallel_loop3A_1063 : vector<16xf32>
        %parallel_loop3A_1069 = arith.maximumf %parallel_loop3A_1058, %parallel_loop3A_1062 : vector<16xf32>
        %parallel_loop3A_1070 = arith.minimumf %parallel_loop3A_1058, %parallel_loop3A_1062 : vector<16xf32>
        %parallel_loop3A_1071 = arith.maximumf %parallel_loop3A_1060, %parallel_loop3A_1064 : vector<16xf32>
        %parallel_loop3A_1072 = arith.minimumf %parallel_loop3A_1060, %parallel_loop3A_1064 : vector<16xf32>
        %parallel_loop3A_1073 = arith.maximumf %parallel_loop3A_1065, %parallel_loop3A_1067 : vector<16xf32>
        %parallel_loop3A_1074 = arith.minimumf %parallel_loop3A_1065, %parallel_loop3A_1067 : vector<16xf32>
        %parallel_loop3A_1075 = arith.maximumf %parallel_loop3A_1066, %parallel_loop3A_1068 : vector<16xf32>
        %parallel_loop3A_1076 = arith.minimumf %parallel_loop3A_1066, %parallel_loop3A_1068 : vector<16xf32>
        %parallel_loop3A_1077 = arith.maximumf %parallel_loop3A_1069, %parallel_loop3A_1071 : vector<16xf32>
        %parallel_loop3A_1078 = arith.minimumf %parallel_loop3A_1069, %parallel_loop3A_1071 : vector<16xf32>
        %parallel_loop3A_1079 = arith.maximumf %parallel_loop3A_1070, %parallel_loop3A_1072 : vector<16xf32>
        %parallel_loop3A_1080 = arith.minimumf %parallel_loop3A_1070, %parallel_loop3A_1072 : vector<16xf32>
        %parallel_loop3A_1081 = arith.constant 0 : i32
        %parallel_loop3A_1082 = arith.addi %parallel_loop3A_930, %parallel_loop3A_1081 : i32
        %parallel_loop3A_1083 = arith.constant 0 : i32
        %parallel_loop3A_1084 = arith.constant 0 : i32
        %parallel_loop3A_1085 = tpu.memref_slice %arg4[%parallel_loop3A_284, %parallel_loop3A_1083, %parallel_loop3A_1084] : memref<2x384x128xf32, #tpu.memory_space<vmem>> -> memref<1x384x128xf32, #tpu.memory_space<vmem>>
        %parallel_loop3A_1086 = tpu.memref_squeeze %parallel_loop3A_1085 : memref<1x384x128xf32, #tpu.memory_space<vmem>> -> memref<384x128xf32, #tpu.memory_space<vmem>>
        %parallel_loop3A_1087 = arith.index_cast %parallel_loop3A_1082 : i32 to index
        %parallel_loop3A_1088 = arith.constant 80 : index
        %parallel_loop3A_1089 = tpu.vector_load %parallel_loop3A_1086[%parallel_loop3A_1087, %parallel_loop3A_1088] {strides = array<i32>} : memref<384x128xf32, #tpu.memory_space<vmem>>, vector<1x16xf32>,
        %parallel_loop3A_1090 = vector.shape_cast %parallel_loop3A_1089 : vector<1x16xf32> to vector<16xf32>
        %parallel_loop3A_1091 = arith.constant 1 : i32
        %parallel_loop3A_1092 = arith.addi %parallel_loop3A_930, %parallel_loop3A_1091 : i32
        %parallel_loop3A_1093 = arith.constant 0 : i32
        %parallel_loop3A_1094 = arith.constant 0 : i32
        %parallel_loop3A_1095 = tpu.memref_slice %arg4[%parallel_loop3A_284, %parallel_loop3A_1093, %parallel_loop3A_1094] : memref<2x384x128xf32, #tpu.memory_space<vmem>> -> memref<1x384x128xf32, #tpu.memory_space<vmem>>
        %parallel_loop3A_1096 = tpu.memref_squeeze %parallel_loop3A_1095 : memref<1x384x128xf32, #tpu.memory_space<vmem>> -> memref<384x128xf32, #tpu.memory_space<vmem>>
        %parallel_loop3A_1097 = arith.index_cast %parallel_loop3A_1092 : i32 to index
        %parallel_loop3A_1098 = arith.constant 80 : index
        %parallel_loop3A_1099 = tpu.vector_load %parallel_loop3A_1096[%parallel_loop3A_1097, %parallel_loop3A_1098] {strides = array<i32>} : memref<384x128xf32, #tpu.memory_space<vmem>>, vector<1x16xf32>,
        %parallel_loop3A_1100 = vector.shape_cast %parallel_loop3A_1099 : vector<1x16xf32> to vector<16xf32>
        %parallel_loop3A_1101 = arith.constant 2 : i32
        %parallel_loop3A_1102 = arith.addi %parallel_loop3A_930, %parallel_loop3A_1101 : i32
        %parallel_loop3A_1103 = arith.constant 0 : i32
        %parallel_loop3A_1104 = arith.constant 0 : i32
        %parallel_loop3A_1105 = tpu.memref_slice %arg4[%parallel_loop3A_284, %parallel_loop3A_1103, %parallel_loop3A_1104] : memref<2x384x128xf32, #tpu.memory_space<vmem>> -> memref<1x384x128xf32, #tpu.memory_space<vmem>>
        %parallel_loop3A_1106 = tpu.memref_squeeze %parallel_loop3A_1105 : memref<1x384x128xf32, #tpu.memory_space<vmem>> -> memref<384x128xf32, #tpu.memory_space<vmem>>
        %parallel_loop3A_1107 = arith.index_cast %parallel_loop3A_1102 : i32 to index
        %parallel_loop3A_1108 = arith.constant 80 : index
        %parallel_loop3A_1109 = tpu.vector_load %parallel_loop3A_1106[%parallel_loop3A_1107, %parallel_loop3A_1108] {strides = array<i32>} : memref<384x128xf32, #tpu.memory_space<vmem>>, vector<1x16xf32>,
        %parallel_loop3A_1110 = vector.shape_cast %parallel_loop3A_1109 : vector<1x16xf32> to vector<16xf32>
        %parallel_loop3A_1111 = arith.constant 3 : i32
        %parallel_loop3A_1112 = arith.addi %parallel_loop3A_930, %parallel_loop3A_1111 : i32
        %parallel_loop3A_1113 = arith.constant 0 : i32
        %parallel_loop3A_1114 = arith.constant 0 : i32
        %parallel_loop3A_1115 = tpu.memref_slice %arg4[%parallel_loop3A_284, %parallel_loop3A_1113, %parallel_loop3A_1114] : memref<2x384x128xf32, #tpu.memory_space<vmem>> -> memref<1x384x128xf32, #tpu.memory_space<vmem>>
        %parallel_loop3A_1116 = tpu.memref_squeeze %parallel_loop3A_1115 : memref<1x384x128xf32, #tpu.memory_space<vmem>> -> memref<384x128xf32, #tpu.memory_space<vmem>>
        %parallel_loop3A_1117 = arith.index_cast %parallel_loop3A_1112 : i32 to index
        %parallel_loop3A_1118 = arith.constant 80 : index
        %parallel_loop3A_1119 = tpu.vector_load %parallel_loop3A_1116[%parallel_loop3A_1117, %parallel_loop3A_1118] {strides = array<i32>} : memref<384x128xf32, #tpu.memory_space<vmem>>, vector<1x16xf32>,
        %parallel_loop3A_1120 = vector.shape_cast %parallel_loop3A_1119 : vector<1x16xf32> to vector<16xf32>
        %parallel_loop3A_1121 = arith.constant 4 : i32
        %parallel_loop3A_1122 = arith.addi %parallel_loop3A_930, %parallel_loop3A_1121 : i32
        %parallel_loop3A_1123 = arith.constant 0 : i32
        %parallel_loop3A_1124 = arith.constant 0 : i32
        %parallel_loop3A_1125 = tpu.memref_slice %arg4[%parallel_loop3A_284, %parallel_loop3A_1123, %parallel_loop3A_1124] : memref<2x384x128xf32, #tpu.memory_space<vmem>> -> memref<1x384x128xf32, #tpu.memory_space<vmem>>
        %parallel_loop3A_1126 = tpu.memref_squeeze %parallel_loop3A_1125 : memref<1x384x128xf32, #tpu.memory_space<vmem>> -> memref<384x128xf32, #tpu.memory_space<vmem>>
        %parallel_loop3A_1127 = arith.index_cast %parallel_loop3A_1122 : i32 to index
        %parallel_loop3A_1128 = arith.constant 80 : index
        %parallel_loop3A_1129 = tpu.vector_load %parallel_loop3A_1126[%parallel_loop3A_1127, %parallel_loop3A_1128] {strides = array<i32>} : memref<384x128xf32, #tpu.memory_space<vmem>>, vector<1x16xf32>,
        %parallel_loop3A_1130 = vector.shape_cast %parallel_loop3A_1129 : vector<1x16xf32> to vector<16xf32>
        %parallel_loop3A_1131 = arith.constant 5 : i32
        %parallel_loop3A_1132 = arith.addi %parallel_loop3A_930, %parallel_loop3A_1131 : i32
        %parallel_loop3A_1133 = arith.constant 0 : i32
        %parallel_loop3A_1134 = arith.constant 0 : i32
        %parallel_loop3A_1135 = tpu.memref_slice %arg4[%parallel_loop3A_284, %parallel_loop3A_1133, %parallel_loop3A_1134] : memref<2x384x128xf32, #tpu.memory_space<vmem>> -> memref<1x384x128xf32, #tpu.memory_space<vmem>>
        %parallel_loop3A_1136 = tpu.memref_squeeze %parallel_loop3A_1135 : memref<1x384x128xf32, #tpu.memory_space<vmem>> -> memref<384x128xf32, #tpu.memory_space<vmem>>
        %parallel_loop3A_1137 = arith.index_cast %parallel_loop3A_1132 : i32 to index
        %parallel_loop3A_1138 = arith.constant 80 : index
        %parallel_loop3A_1139 = tpu.vector_load %parallel_loop3A_1136[%parallel_loop3A_1137, %parallel_loop3A_1138] {strides = array<i32>} : memref<384x128xf32, #tpu.memory_space<vmem>>, vector<1x16xf32>,
        %parallel_loop3A_1140 = vector.shape_cast %parallel_loop3A_1139 : vector<1x16xf32> to vector<16xf32>
        %parallel_loop3A_1141 = arith.constant 6 : i32
        %parallel_loop3A_1142 = arith.addi %parallel_loop3A_930, %parallel_loop3A_1141 : i32
        %parallel_loop3A_1143 = arith.constant 0 : i32
        %parallel_loop3A_1144 = arith.constant 0 : i32
        %parallel_loop3A_1145 = tpu.memref_slice %arg4[%parallel_loop3A_284, %parallel_loop3A_1143, %parallel_loop3A_1144] : memref<2x384x128xf32, #tpu.memory_space<vmem>> -> memref<1x384x128xf32, #tpu.memory_space<vmem>>
        %parallel_loop3A_1146 = tpu.memref_squeeze %parallel_loop3A_1145 : memref<1x384x128xf32, #tpu.memory_space<vmem>> -> memref<384x128xf32, #tpu.memory_space<vmem>>
        %parallel_loop3A_1147 = arith.index_cast %parallel_loop3A_1142 : i32 to index
        %parallel_loop3A_1148 = arith.constant 80 : index
        %parallel_loop3A_1149 = tpu.vector_load %parallel_loop3A_1146[%parallel_loop3A_1147, %parallel_loop3A_1148] {strides = array<i32>} : memref<384x128xf32, #tpu.memory_space<vmem>>, vector<1x16xf32>,
        %parallel_loop3A_1150 = vector.shape_cast %parallel_loop3A_1149 : vector<1x16xf32> to vector<16xf32>
        %parallel_loop3A_1151 = arith.constant 7 : i32
        %parallel_loop3A_1152 = arith.addi %parallel_loop3A_930, %parallel_loop3A_1151 : i32
        %parallel_loop3A_1153 = arith.constant 0 : i32
        %parallel_loop3A_1154 = arith.constant 0 : i32
        %parallel_loop3A_1155 = tpu.memref_slice %arg4[%parallel_loop3A_284, %parallel_loop3A_1153, %parallel_loop3A_1154] : memref<2x384x128xf32, #tpu.memory_space<vmem>> -> memref<1x384x128xf32, #tpu.memory_space<vmem>>
        %parallel_loop3A_1156 = tpu.memref_squeeze %parallel_loop3A_1155 : memref<1x384x128xf32, #tpu.memory_space<vmem>> -> memref<384x128xf32, #tpu.memory_space<vmem>>
        %parallel_loop3A_1157 = arith.index_cast %parallel_loop3A_1152 : i32 to index
        %parallel_loop3A_1158 = arith.constant 80 : index
        %parallel_loop3A_1159 = tpu.vector_load %parallel_loop3A_1156[%parallel_loop3A_1157, %parallel_loop3A_1158] {strides = array<i32>} : memref<384x128xf32, #tpu.memory_space<vmem>>, vector<1x16xf32>,
        %parallel_loop3A_1160 = vector.shape_cast %parallel_loop3A_1159 : vector<1x16xf32> to vector<16xf32>
        %parallel_loop3A_1161 = arith.maximumf %parallel_loop3A_1090, %parallel_loop3A_1100 : vector<16xf32>
        %parallel_loop3A_1162 = arith.minimumf %parallel_loop3A_1090, %parallel_loop3A_1100 : vector<16xf32>
        %parallel_loop3A_1163 = arith.maximumf %parallel_loop3A_1110, %parallel_loop3A_1120 : vector<16xf32>
        %parallel_loop3A_1164 = arith.minimumf %parallel_loop3A_1110, %parallel_loop3A_1120 : vector<16xf32>
        %parallel_loop3A_1165 = arith.maximumf %parallel_loop3A_1130, %parallel_loop3A_1140 : vector<16xf32>
        %parallel_loop3A_1166 = arith.minimumf %parallel_loop3A_1130, %parallel_loop3A_1140 : vector<16xf32>
        %parallel_loop3A_1167 = arith.maximumf %parallel_loop3A_1150, %parallel_loop3A_1160 : vector<16xf32>
        %parallel_loop3A_1168 = arith.minimumf %parallel_loop3A_1150, %parallel_loop3A_1160 : vector<16xf32>
        %parallel_loop3A_1169 = arith.maximumf %parallel_loop3A_1161, %parallel_loop3A_1163 : vector<16xf32>
        %parallel_loop3A_1170 = arith.minimumf %parallel_loop3A_1161, %parallel_loop3A_1163 : vector<16xf32>
        %parallel_loop3A_1171 = arith.maximumf %parallel_loop3A_1162, %parallel_loop3A_1164 : vector<16xf32>
        %parallel_loop3A_1172 = arith.minimumf %parallel_loop3A_1162, %parallel_loop3A_1164 : vector<16xf32>
        %parallel_loop3A_1173 = arith.maximumf %parallel_loop3A_1165, %parallel_loop3A_1167 : vector<16xf32>
        %parallel_loop3A_1174 = arith.minimumf %parallel_loop3A_1165, %parallel_loop3A_1167 : vector<16xf32>
        %parallel_loop3A_1175 = arith.maximumf %parallel_loop3A_1166, %parallel_loop3A_1168 : vector<16xf32>
        %parallel_loop3A_1176 = arith.minimumf %parallel_loop3A_1166, %parallel_loop3A_1168 : vector<16xf32>
        %parallel_loop3A_1177 = arith.maximumf %parallel_loop3A_1171, %parallel_loop3A_1170 : vector<16xf32>
        %parallel_loop3A_1178 = arith.minimumf %parallel_loop3A_1171, %parallel_loop3A_1170 : vector<16xf32>
        %parallel_loop3A_1179 = arith.maximumf %parallel_loop3A_1175, %parallel_loop3A_1174 : vector<16xf32>
        %parallel_loop3A_1180 = arith.minimumf %parallel_loop3A_1175, %parallel_loop3A_1174 : vector<16xf32>
        %parallel_loop3A_1181 = arith.maximumf %parallel_loop3A_1169, %parallel_loop3A_1173 : vector<16xf32>
        %parallel_loop3A_1182 = arith.minimumf %parallel_loop3A_1169, %parallel_loop3A_1173 : vector<16xf32>
        %parallel_loop3A_1183 = arith.maximumf %parallel_loop3A_1177, %parallel_loop3A_1179 : vector<16xf32>
        %parallel_loop3A_1184 = arith.minimumf %parallel_loop3A_1177, %parallel_loop3A_1179 : vector<16xf32>
        %parallel_loop3A_1185 = arith.maximumf %parallel_loop3A_1178, %parallel_loop3A_1180 : vector<16xf32>
        %parallel_loop3A_1186 = arith.minimumf %parallel_loop3A_1178, %parallel_loop3A_1180 : vector<16xf32>
        %parallel_loop3A_1187 = arith.maximumf %parallel_loop3A_1172, %parallel_loop3A_1176 : vector<16xf32>
        %parallel_loop3A_1188 = arith.minimumf %parallel_loop3A_1172, %parallel_loop3A_1176 : vector<16xf32>
        %parallel_loop3A_1189 = arith.maximumf %parallel_loop3A_1185, %parallel_loop3A_1182 : vector<16xf32>
        %parallel_loop3A_1190 = arith.minimumf %parallel_loop3A_1185, %parallel_loop3A_1182 : vector<16xf32>
        %parallel_loop3A_1191 = arith.maximumf %parallel_loop3A_1187, %parallel_loop3A_1184 : vector<16xf32>
        %parallel_loop3A_1192 = arith.minimumf %parallel_loop3A_1187, %parallel_loop3A_1184 : vector<16xf32>
        %parallel_loop3A_1193 = arith.maximumf %parallel_loop3A_1183, %parallel_loop3A_1189 : vector<16xf32>
        %parallel_loop3A_1194 = arith.minimumf %parallel_loop3A_1183, %parallel_loop3A_1189 : vector<16xf32>
        %parallel_loop3A_1195 = arith.maximumf %parallel_loop3A_1191, %parallel_loop3A_1190 : vector<16xf32>
        %parallel_loop3A_1196 = arith.minimumf %parallel_loop3A_1191, %parallel_loop3A_1190 : vector<16xf32>
        %parallel_loop3A_1197 = arith.maximumf %parallel_loop3A_1192, %parallel_loop3A_1186 : vector<16xf32>
        %parallel_loop3A_1198 = arith.minimumf %parallel_loop3A_1192, %parallel_loop3A_1186 : vector<16xf32>
        %parallel_loop3A_1199 = arith.maximumf %parallel_loop3A_921, %parallel_loop3A_1188 : vector<16xf32>
        %parallel_loop3A_1200 = arith.maximumf %parallel_loop3A_922, %parallel_loop3A_1198 : vector<16xf32>
        %parallel_loop3A_1201 = arith.maximumf %parallel_loop3A_923, %parallel_loop3A_1197 : vector<16xf32>
        %parallel_loop3A_1202 = arith.maximumf %parallel_loop3A_924, %parallel_loop3A_1196 : vector<16xf32>
        %parallel_loop3A_1203 = arith.maximumf %parallel_loop3A_925, %parallel_loop3A_1195 : vector<16xf32>
        %parallel_loop3A_1204 = arith.maximumf %parallel_loop3A_926, %parallel_loop3A_1194 : vector<16xf32>
        %parallel_loop3A_1205 = arith.maximumf %parallel_loop3A_927, %parallel_loop3A_1193 : vector<16xf32>
        %parallel_loop3A_1206 = arith.maximumf %parallel_loop3A_928, %parallel_loop3A_1181 : vector<16xf32>
        %parallel_loop3A_1207 = arith.maximumf %parallel_loop3A_1199, %parallel_loop3A_1203 : vector<16xf32>
        %parallel_loop3A_1208 = arith.minimumf %parallel_loop3A_1199, %parallel_loop3A_1203 : vector<16xf32>
        %parallel_loop3A_1209 = arith.maximumf %parallel_loop3A_1200, %parallel_loop3A_1204 : vector<16xf32>
        %parallel_loop3A_1210 = arith.minimumf %parallel_loop3A_1200, %parallel_loop3A_1204 : vector<16xf32>
        %parallel_loop3A_1211 = arith.maximumf %parallel_loop3A_1201, %parallel_loop3A_1205 : vector<16xf32>
        %parallel_loop3A_1212 = arith.minimumf %parallel_loop3A_1201, %parallel_loop3A_1205 : vector<16xf32>
        %parallel_loop3A_1213 = arith.maximumf %parallel_loop3A_1202, %parallel_loop3A_1206 : vector<16xf32>
        %parallel_loop3A_1214 = arith.minimumf %parallel_loop3A_1202, %parallel_loop3A_1206 : vector<16xf32>
        %parallel_loop3A_1215 = arith.maximumf %parallel_loop3A_1207, %parallel_loop3A_1211 : vector<16xf32>
        %parallel_loop3A_1216 = arith.minimumf %parallel_loop3A_1207, %parallel_loop3A_1211 : vector<16xf32>
        %parallel_loop3A_1217 = arith.maximumf %parallel_loop3A_1209, %parallel_loop3A_1213 : vector<16xf32>
        %parallel_loop3A_1218 = arith.minimumf %parallel_loop3A_1209, %parallel_loop3A_1213 : vector<16xf32>
        %parallel_loop3A_1219 = arith.maximumf %parallel_loop3A_1208, %parallel_loop3A_1212 : vector<16xf32>
        %parallel_loop3A_1220 = arith.minimumf %parallel_loop3A_1208, %parallel_loop3A_1212 : vector<16xf32>
        %parallel_loop3A_1221 = arith.maximumf %parallel_loop3A_1210, %parallel_loop3A_1214 : vector<16xf32>
        %parallel_loop3A_1222 = arith.minimumf %parallel_loop3A_1210, %parallel_loop3A_1214 : vector<16xf32>
        %parallel_loop3A_1223 = arith.maximumf %parallel_loop3A_1215, %parallel_loop3A_1217 : vector<16xf32>
        %parallel_loop3A_1224 = arith.minimumf %parallel_loop3A_1215, %parallel_loop3A_1217 : vector<16xf32>
        %parallel_loop3A_1225 = arith.maximumf %parallel_loop3A_1216, %parallel_loop3A_1218 : vector<16xf32>
        %parallel_loop3A_1226 = arith.minimumf %parallel_loop3A_1216, %parallel_loop3A_1218 : vector<16xf32>
        %parallel_loop3A_1227 = arith.maximumf %parallel_loop3A_1219, %parallel_loop3A_1221 : vector<16xf32>
        %parallel_loop3A_1228 = arith.minimumf %parallel_loop3A_1219, %parallel_loop3A_1221 : vector<16xf32>
        %parallel_loop3A_1229 = arith.maximumf %parallel_loop3A_1220, %parallel_loop3A_1222 : vector<16xf32>
        %parallel_loop3A_1230 = arith.minimumf %parallel_loop3A_1220, %parallel_loop3A_1222 : vector<16xf32>
        scf.yield %parallel_loop3A_1073, %parallel_loop3A_1074, %parallel_loop3A_1075, %parallel_loop3A_1076, %parallel_loop3A_1077, %parallel_loop3A_1078, %parallel_loop3A_1079, %parallel_loop3A_1080, %parallel_loop3A_1223, %parallel_loop3A_1224, %parallel_loop3A_1225, %parallel_loop3A_1226, %parallel_loop3A_1227, %parallel_loop3A_1228, %parallel_loop3A_1229, %parallel_loop3A_1230 : vector<16xf32>, vector<16xf32>, vector<16xf32>, vector<16xf32>, vector<16xf32>, vector<16xf32>, vector<16xf32>, vector<16xf32>, vector<16xf32>, vector<16xf32>, vector<16xf32>, vector<16xf32>, vector<16xf32>, vector<16xf32>, vector<16xf32>, vector<16xf32>
      } {sc.loop_unroll_factor = 1 : i64, sc.parallel_access}
      %swap3A_286 = arith.constant 0 : i32
      %swap3A_287 = arith.index_cast %swap3A_286 : i32 to index
      %swap3A_288 = arith.constant 64 : index
      %swap3A_289 = tpu.vector_load %arg6[%swap3A_287, %swap3A_288] {strides = array<i32>} : memref<8x128xf32, #tpu.memory_space<vmem>>, vector<1x16xf32>,
      %swap3A_290 = vector.shape_cast %swap3A_289 : vector<1x16xf32> to vector<16xf32>
      %swap3A_291 = vector.shape_cast %parallel_loop3A_285#0 : vector<16xf32> to vector<1x16xf32>
      tpu.vector_store %arg6[%swap3A_287, %swap3A_288], %swap3A_291 {strides = array<i32>} : memref<8x128xf32, #tpu.memory_space<vmem>>, vector<1x16xf32>,
      %swap3A_292 = arith.constant 1 : i32
      %swap3A_293 = arith.index_cast %swap3A_292 : i32 to index
      %swap3A_294 = arith.constant 64 : index
      %swap3A_295 = tpu.vector_load %arg6[%swap3A_293, %swap3A_294] {strides = array<i32>} : memref<8x128xf32, #tpu.memory_space<vmem>>, vector<1x16xf32>,
      %swap3A_296 = vector.shape_cast %swap3A_295 : vector<1x16xf32> to vector<16xf32>
      %swap3A_297 = vector.shape_cast %parallel_loop3A_285#1 : vector<16xf32> to vector<1x16xf32>
      tpu.vector_store %arg6[%swap3A_293, %swap3A_294], %swap3A_297 {strides = array<i32>} : memref<8x128xf32, #tpu.memory_space<vmem>>, vector<1x16xf32>,
      %swap3A_298 = arith.constant 2 : i32
      %swap3A_299 = arith.index_cast %swap3A_298 : i32 to index
      %swap3A_300 = arith.constant 64 : index
      %swap3A_301 = tpu.vector_load %arg6[%swap3A_299, %swap3A_300] {strides = array<i32>} : memref<8x128xf32, #tpu.memory_space<vmem>>, vector<1x16xf32>,
      %swap3A_302 = vector.shape_cast %swap3A_301 : vector<1x16xf32> to vector<16xf32>
      %swap3A_303 = vector.shape_cast %parallel_loop3A_285#2 : vector<16xf32> to vector<1x16xf32>
      tpu.vector_store %arg6[%swap3A_299, %swap3A_300], %swap3A_303 {strides = array<i32>} : memref<8x128xf32, #tpu.memory_space<vmem>>, vector<1x16xf32>,
      %swap3A_304 = arith.constant 3 : i32
      %swap3A_305 = arith.index_cast %swap3A_304 : i32 to index
      %swap3A_306 = arith.constant 64 : index
      %swap3A_307 = tpu.vector_load %arg6[%swap3A_305, %swap3A_306] {strides = array<i32>} : memref<8x128xf32, #tpu.memory_space<vmem>>, vector<1x16xf32>,
      %swap3A_308 = vector.shape_cast %swap3A_307 : vector<1x16xf32> to vector<16xf32>
      %swap3A_309 = vector.shape_cast %parallel_loop3A_285#3 : vector<16xf32> to vector<1x16xf32>
      tpu.vector_store %arg6[%swap3A_305, %swap3A_306], %swap3A_309 {strides = array<i32>} : memref<8x128xf32, #tpu.memory_space<vmem>>, vector<1x16xf32>,
      %swap3A_310 = arith.constant 4 : i32
      %swap3A_311 = arith.index_cast %swap3A_310 : i32 to index
      %swap3A_312 = arith.constant 64 : index
      %swap3A_313 = tpu.vector_load %arg6[%swap3A_311, %swap3A_312] {strides = array<i32>} : memref<8x128xf32, #tpu.memory_space<vmem>>, vector<1x16xf32>,
      %swap3A_314 = vector.shape_cast %swap3A_313 : vector<1x16xf32> to vector<16xf32>
      %swap3A_315 = vector.shape_cast %parallel_loop3A_285#4 : vector<16xf32> to vector<1x16xf32>
      tpu.vector_store %arg6[%swap3A_311, %swap3A_312], %swap3A_315 {strides = array<i32>} : memref<8x128xf32, #tpu.memory_space<vmem>>, vector<1x16xf32>,
      %swap3A_316 = arith.constant 5 : i32
      %swap3A_317 = arith.index_cast %swap3A_316 : i32 to index
      %swap3A_318 = arith.constant 64 : index
      %swap3A_319 = tpu.vector_load %arg6[%swap3A_317, %swap3A_318] {strides = array<i32>} : memref<8x128xf32, #tpu.memory_space<vmem>>, vector<1x16xf32>,
      %swap3A_320 = vector.shape_cast %swap3A_319 : vector<1x16xf32> to vector<16xf32>
      %swap3A_321 = vector.shape_cast %parallel_loop3A_285#5 : vector<16xf32> to vector<1x16xf32>
      tpu.vector_store %arg6[%swap3A_317, %swap3A_318], %swap3A_321 {strides = array<i32>} : memref<8x128xf32, #tpu.memory_space<vmem>>, vector<1x16xf32>,
      %swap3A_322 = arith.constant 6 : i32
      %swap3A_323 = arith.index_cast %swap3A_322 : i32 to index
      %swap3A_324 = arith.constant 64 : index
      %swap3A_325 = tpu.vector_load %arg6[%swap3A_323, %swap3A_324] {strides = array<i32>} : memref<8x128xf32, #tpu.memory_space<vmem>>, vector<1x16xf32>,
      %swap3A_326 = vector.shape_cast %swap3A_325 : vector<1x16xf32> to vector<16xf32>
      %swap3A_327 = vector.shape_cast %parallel_loop3A_285#6 : vector<16xf32> to vector<1x16xf32>
      tpu.vector_store %arg6[%swap3A_323, %swap3A_324], %swap3A_327 {strides = array<i32>} : memref<8x128xf32, #tpu.memory_space<vmem>>, vector<1x16xf32>,
      %swap3A_328 = arith.constant 7 : i32
      %swap3A_329 = arith.index_cast %swap3A_328 : i32 to index
      %swap3A_330 = arith.constant 64 : index
      %swap3A_331 = tpu.vector_load %arg6[%swap3A_329, %swap3A_330] {strides = array<i32>} : memref<8x128xf32, #tpu.memory_space<vmem>>, vector<1x16xf32>,
      %swap3A_332 = vector.shape_cast %swap3A_331 : vector<1x16xf32> to vector<16xf32>
      %swap3A_333 = vector.shape_cast %parallel_loop3A_285#7 : vector<16xf32> to vector<1x16xf32>
      tpu.vector_store %arg6[%swap3A_329, %swap3A_330], %swap3A_333 {strides = array<i32>} : memref<8x128xf32, #tpu.memory_space<vmem>>, vector<1x16xf32>,
      %swap3A_334 = arith.constant 0 : i32
      %swap3A_335 = arith.index_cast %swap3A_334 : i32 to index
      %swap3A_336 = arith.constant 80 : index
      %swap3A_337 = tpu.vector_load %arg6[%swap3A_335, %swap3A_336] {strides = array<i32>} : memref<8x128xf32, #tpu.memory_space<vmem>>, vector<1x16xf32>,
      %swap3A_338 = vector.shape_cast %swap3A_337 : vector<1x16xf32> to vector<16xf32>
      %swap3A_339 = vector.shape_cast %parallel_loop3A_285#8 : vector<16xf32> to vector<1x16xf32>
      tpu.vector_store %arg6[%swap3A_335, %swap3A_336], %swap3A_339 {strides = array<i32>} : memref<8x128xf32, #tpu.memory_space<vmem>>, vector<1x16xf32>,
      %swap3A_340 = arith.constant 1 : i32
      %swap3A_341 = arith.index_cast %swap3A_340 : i32 to index
      %swap3A_342 = arith.constant 80 : index
      %swap3A_343 = tpu.vector_load %arg6[%swap3A_341, %swap3A_342] {strides = array<i32>} : memref<8x128xf32, #tpu.memory_space<vmem>>, vector<1x16xf32>,
      %swap3A_344 = vector.shape_cast %swap3A_343 : vector<1x16xf32> to vector<16xf32>
      %swap3A_345 = vector.shape_cast %parallel_loop3A_285#9 : vector<16xf32> to vector<1x16xf32>
      tpu.vector_store %arg6[%swap3A_341, %swap3A_342], %swap3A_345 {strides = array<i32>} : memref<8x128xf32, #tpu.memory_space<vmem>>, vector<1x16xf32>,
      %swap3A_346 = arith.constant 2 : i32
      %swap3A_347 = arith.index_cast %swap3A_346 : i32 to index
      %swap3A_348 = arith.constant 80 : index
      %swap3A_349 = tpu.vector_load %arg6[%swap3A_347, %swap3A_348] {strides = array<i32>} : memref<8x128xf32, #tpu.memory_space<vmem>>, vector<1x16xf32>,
      %swap3A_350 = vector.shape_cast %swap3A_349 : vector<1x16xf32> to vector<16xf32>
      %swap3A_351 = vector.shape_cast %parallel_loop3A_285#10 : vector<16xf32> to vector<1x16xf32>
      tpu.vector_store %arg6[%swap3A_347, %swap3A_348], %swap3A_351 {strides = array<i32>} : memref<8x128xf32, #tpu.memory_space<vmem>>, vector<1x16xf32>,
      %swap3A_352 = arith.constant 3 : i32
      %swap3A_353 = arith.index_cast %swap3A_352 : i32 to index
      %swap3A_354 = arith.constant 80 : index
      %swap3A_355 = tpu.vector_load %arg6[%swap3A_353, %swap3A_354] {strides = array<i32>} : memref<8x128xf32, #tpu.memory_space<vmem>>, vector<1x16xf32>,
      %swap3A_356 = vector.shape_cast %swap3A_355 : vector<1x16xf32> to vector<16xf32>
      %swap3A_357 = vector.shape_cast %parallel_loop3A_285#11 : vector<16xf32> to vector<1x16xf32>
      tpu.vector_store %arg6[%swap3A_353, %swap3A_354], %swap3A_357 {strides = array<i32>} : memref<8x128xf32, #tpu.memory_space<vmem>>, vector<1x16xf32>,
      %swap3A_358 = arith.constant 4 : i32
      %swap3A_359 = arith.index_cast %swap3A_358 : i32 to index
      %swap3A_360 = arith.constant 80 : index
      %swap3A_361 = tpu.vector_load %arg6[%swap3A_359, %swap3A_360] {strides = array<i32>} : memref<8x128xf32, #tpu.memory_space<vmem>>, vector<1x16xf32>,
      %swap3A_362 = vector.shape_cast %swap3A_361 : vector<1x16xf32> to vector<16xf32>
      %swap3A_363 = vector.shape_cast %parallel_loop3A_285#12 : vector<16xf32> to vector<1x16xf32>
      tpu.vector_store %arg6[%swap3A_359, %swap3A_360], %swap3A_363 {strides = array<i32>} : memref<8x128xf32, #tpu.memory_space<vmem>>, vector<1x16xf32>,
      %swap3A_364 = arith.constant 5 : i32
      %swap3A_365 = arith.index_cast %swap3A_364 : i32 to index
      %swap3A_366 = arith.constant 80 : index
      %swap3A_367 = tpu.vector_load %arg6[%swap3A_365, %swap3A_366] {strides = array<i32>} : memref<8x128xf32, #tpu.memory_space<vmem>>, vector<1x16xf32>,
      %swap3A_368 = vector.shape_cast %swap3A_367 : vector<1x16xf32> to vector<16xf32>
      %swap3A_369 = vector.shape_cast %parallel_loop3A_285#13 : vector<16xf32> to vector<1x16xf32>
      tpu.vector_store %arg6[%swap3A_365, %swap3A_366], %swap3A_369 {strides = array<i32>} : memref<8x128xf32, #tpu.memory_space<vmem>>, vector<1x16xf32>,
      %swap3A_370 = arith.constant 6 : i32
      %swap3A_371 = arith.index_cast %swap3A_370 : i32 to index
      %swap3A_372 = arith.constant 80 : index
      %swap3A_373 = tpu.vector_load %arg6[%swap3A_371, %swap3A_372] {strides = array<i32>} : memref<8x128xf32, #tpu.memory_space<vmem>>, vector<1x16xf32>,
      %swap3A_374 = vector.shape_cast %swap3A_373 : vector<1x16xf32> to vector<16xf32>
      %swap3A_375 = vector.shape_cast %parallel_loop3A_285#14 : vector<16xf32> to vector<1x16xf32>
      tpu.vector_store %arg6[%swap3A_371, %swap3A_372], %swap3A_375 {strides = array<i32>} : memref<8x128xf32, #tpu.memory_space<vmem>>, vector<1x16xf32>,
      %swap3A_376 = arith.constant 7 : i32
      %swap3A_377 = arith.index_cast %swap3A_376 : i32 to index
      %swap3A_378 = arith.constant 80 : index
      %swap3A_379 = tpu.vector_load %arg6[%swap3A_377, %swap3A_378] {strides = array<i32>} : memref<8x128xf32, #tpu.memory_space<vmem>>, vector<1x16xf32>,
      %swap3A_380 = vector.shape_cast %swap3A_379 : vector<1x16xf32> to vector<16xf32>
      %swap3A_381 = vector.shape_cast %parallel_loop3A_285#15 : vector<16xf32> to vector<1x16xf32>
      tpu.vector_store %arg6[%swap3A_377, %swap3A_378], %swap3A_381 {strides = array<i32>} : memref<8x128xf32, #tpu.memory_space<vmem>>, vector<1x16xf32>,
      %parallel_loop3A_382 = arith.constant 0 : i32
      %parallel_loop3A_383 = arith.constant 48 : i32
      %parallel_loop3A_384 = arith.constant 1 : i32
      %parallel_loop3A_385 = arith.constant 0 : i32
      %parallel_loop3A_386:16 = scf.for %parallel_loop3A_912 = %parallel_loop3A_382 to %parallel_loop3A_383 step %parallel_loop3A_384 iter_args(%parallel_loop3A_913 = %broadcast_in_dim3A_80, %parallel_loop3A_914 = %broadcast_in_dim3A_80, %parallel_loop3A_915 = %broadcast_in_dim3A_80, %parallel_loop3A_916 = %broadcast_in_dim3A_80, %parallel_loop3A_917 = %broadcast_in_dim3A_80, %parallel_loop3A_918 = %broadcast_in_dim3A_80, %parallel_loop3A_919 = %broadcast_in_dim3A_80, %parallel_loop3A_920 = %broadcast_in_dim3A_80, %parallel_loop3A_921 = %broadcast_in_dim3A_80, %parallel_loop3A_922 = %broadcast_in_dim3A_80, %parallel_loop3A_923 = %broadcast_in_dim3A_80, %parallel_loop3A_924 = %broadcast_in_dim3A_80, %parallel_loop3A_925 = %broadcast_in_dim3A_80, %parallel_loop3A_926 = %broadcast_in_dim3A_80, %parallel_loop3A_927 = %broadcast_in_dim3A_80, %parallel_loop3A_928 = %broadcast_in_dim3A_80) -> (vector<16xf32>, vector<16xf32>, vector<16xf32>, vector<16xf32>, vector<16xf32>, vector<16xf32>, vector<16xf32>, vector<16xf32>, vector<16xf32>, vector<16xf32>, vector<16xf32>, vector<16xf32>, vector<16xf32>, vector<16xf32>, vector<16xf32>, vector<16xf32>)  : i32 {
        %parallel_loop3A_929 = arith.constant 8 : i32
        %parallel_loop3A_930 = arith.muli %parallel_loop3A_912, %parallel_loop3A_929 : i32
        %parallel_loop3A_931 = arith.constant 0 : i32
        %parallel_loop3A_932 = arith.addi %parallel_loop3A_930, %parallel_loop3A_931 : i32
        %parallel_loop3A_933 = arith.constant 0 : i32
        %parallel_loop3A_934 = arith.constant 0 : i32
        %parallel_loop3A_935 = tpu.memref_slice %arg4[%parallel_loop3A_385, %parallel_loop3A_933, %parallel_loop3A_934] : memref<2x384x128xf32, #tpu.memory_space<vmem>> -> memref<1x384x128xf32, #tpu.memory_space<vmem>>
        %parallel_loop3A_936 = tpu.memref_squeeze %parallel_loop3A_935 : memref<1x384x128xf32, #tpu.memory_space<vmem>> -> memref<384x128xf32, #tpu.memory_space<vmem>>
        %parallel_loop3A_937 = arith.index_cast %parallel_loop3A_932 : i32 to index
        %parallel_loop3A_938 = arith.constant 96 : index
        %parallel_loop3A_939 = tpu.vector_load %parallel_loop3A_936[%parallel_loop3A_937, %parallel_loop3A_938] {strides = array<i32>} : memref<384x128xf32, #tpu.memory_space<vmem>>, vector<1x16xf32>,
        %parallel_loop3A_940 = vector.shape_cast %parallel_loop3A_939 : vector<1x16xf32> to vector<16xf32>
        %parallel_loop3A_941 = arith.constant 1 : i32
        %parallel_loop3A_942 = arith.addi %parallel_loop3A_930, %parallel_loop3A_941 : i32
        %parallel_loop3A_943 = arith.constant 0 : i32
        %parallel_loop3A_944 = arith.constant 0 : i32
        %parallel_loop3A_945 = tpu.memref_slice %arg4[%parallel_loop3A_385, %parallel_loop3A_943, %parallel_loop3A_944] : memref<2x384x128xf32, #tpu.memory_space<vmem>> -> memref<1x384x128xf32, #tpu.memory_space<vmem>>
        %parallel_loop3A_946 = tpu.memref_squeeze %parallel_loop3A_945 : memref<1x384x128xf32, #tpu.memory_space<vmem>> -> memref<384x128xf32, #tpu.memory_space<vmem>>
        %parallel_loop3A_947 = arith.index_cast %parallel_loop3A_942 : i32 to index
        %parallel_loop3A_948 = arith.constant 96 : index
        %parallel_loop3A_949 = tpu.vector_load %parallel_loop3A_946[%parallel_loop3A_947, %parallel_loop3A_948] {strides = array<i32>} : memref<384x128xf32, #tpu.memory_space<vmem>>, vector<1x16xf32>,
        %parallel_loop3A_950 = vector.shape_cast %parallel_loop3A_949 : vector<1x16xf32> to vector<16xf32>
        %parallel_loop3A_951 = arith.constant 2 : i32
        %parallel_loop3A_952 = arith.addi %parallel_loop3A_930, %parallel_loop3A_951 : i32
        %parallel_loop3A_953 = arith.constant 0 : i32
        %parallel_loop3A_954 = arith.constant 0 : i32
        %parallel_loop3A_955 = tpu.memref_slice %arg4[%parallel_loop3A_385, %parallel_loop3A_953, %parallel_loop3A_954] : memref<2x384x128xf32, #tpu.memory_space<vmem>> -> memref<1x384x128xf32, #tpu.memory_space<vmem>>
        %parallel_loop3A_956 = tpu.memref_squeeze %parallel_loop3A_955 : memref<1x384x128xf32, #tpu.memory_space<vmem>> -> memref<384x128xf32, #tpu.memory_space<vmem>>
        %parallel_loop3A_957 = arith.index_cast %parallel_loop3A_952 : i32 to index
        %parallel_loop3A_958 = arith.constant 96 : index
        %parallel_loop3A_959 = tpu.vector_load %parallel_loop3A_956[%parallel_loop3A_957, %parallel_loop3A_958] {strides = array<i32>} : memref<384x128xf32, #tpu.memory_space<vmem>>, vector<1x16xf32>,
        %parallel_loop3A_960 = vector.shape_cast %parallel_loop3A_959 : vector<1x16xf32> to vector<16xf32>
        %parallel_loop3A_961 = arith.constant 3 : i32
        %parallel_loop3A_962 = arith.addi %parallel_loop3A_930, %parallel_loop3A_961 : i32
        %parallel_loop3A_963 = arith.constant 0 : i32
        %parallel_loop3A_964 = arith.constant 0 : i32
        %parallel_loop3A_965 = tpu.memref_slice %arg4[%parallel_loop3A_385, %parallel_loop3A_963, %parallel_loop3A_964] : memref<2x384x128xf32, #tpu.memory_space<vmem>> -> memref<1x384x128xf32, #tpu.memory_space<vmem>>
        %parallel_loop3A_966 = tpu.memref_squeeze %parallel_loop3A_965 : memref<1x384x128xf32, #tpu.memory_space<vmem>> -> memref<384x128xf32, #tpu.memory_space<vmem>>
        %parallel_loop3A_967 = arith.index_cast %parallel_loop3A_962 : i32 to index
        %parallel_loop3A_968 = arith.constant 96 : index
        %parallel_loop3A_969 = tpu.vector_load %parallel_loop3A_966[%parallel_loop3A_967, %parallel_loop3A_968] {strides = array<i32>} : memref<384x128xf32, #tpu.memory_space<vmem>>, vector<1x16xf32>,
        %parallel_loop3A_970 = vector.shape_cast %parallel_loop3A_969 : vector<1x16xf32> to vector<16xf32>
        %parallel_loop3A_971 = arith.constant 4 : i32
        %parallel_loop3A_972 = arith.addi %parallel_loop3A_930, %parallel_loop3A_971 : i32
        %parallel_loop3A_973 = arith.constant 0 : i32
        %parallel_loop3A_974 = arith.constant 0 : i32
        %parallel_loop3A_975 = tpu.memref_slice %arg4[%parallel_loop3A_385, %parallel_loop3A_973, %parallel_loop3A_974] : memref<2x384x128xf32, #tpu.memory_space<vmem>> -> memref<1x384x128xf32, #tpu.memory_space<vmem>>
        %parallel_loop3A_976 = tpu.memref_squeeze %parallel_loop3A_975 : memref<1x384x128xf32, #tpu.memory_space<vmem>> -> memref<384x128xf32, #tpu.memory_space<vmem>>
        %parallel_loop3A_977 = arith.index_cast %parallel_loop3A_972 : i32 to index
        %parallel_loop3A_978 = arith.constant 96 : index
        %parallel_loop3A_979 = tpu.vector_load %parallel_loop3A_976[%parallel_loop3A_977, %parallel_loop3A_978] {strides = array<i32>} : memref<384x128xf32, #tpu.memory_space<vmem>>, vector<1x16xf32>,
        %parallel_loop3A_980 = vector.shape_cast %parallel_loop3A_979 : vector<1x16xf32> to vector<16xf32>
        %parallel_loop3A_981 = arith.constant 5 : i32
        %parallel_loop3A_982 = arith.addi %parallel_loop3A_930, %parallel_loop3A_981 : i32
        %parallel_loop3A_983 = arith.constant 0 : i32
        %parallel_loop3A_984 = arith.constant 0 : i32
        %parallel_loop3A_985 = tpu.memref_slice %arg4[%parallel_loop3A_385, %parallel_loop3A_983, %parallel_loop3A_984] : memref<2x384x128xf32, #tpu.memory_space<vmem>> -> memref<1x384x128xf32, #tpu.memory_space<vmem>>
        %parallel_loop3A_986 = tpu.memref_squeeze %parallel_loop3A_985 : memref<1x384x128xf32, #tpu.memory_space<vmem>> -> memref<384x128xf32, #tpu.memory_space<vmem>>
        %parallel_loop3A_987 = arith.index_cast %parallel_loop3A_982 : i32 to index
        %parallel_loop3A_988 = arith.constant 96 : index
        %parallel_loop3A_989 = tpu.vector_load %parallel_loop3A_986[%parallel_loop3A_987, %parallel_loop3A_988] {strides = array<i32>} : memref<384x128xf32, #tpu.memory_space<vmem>>, vector<1x16xf32>,
        %parallel_loop3A_990 = vector.shape_cast %parallel_loop3A_989 : vector<1x16xf32> to vector<16xf32>
        %parallel_loop3A_991 = arith.constant 6 : i32
        %parallel_loop3A_992 = arith.addi %parallel_loop3A_930, %parallel_loop3A_991 : i32
        %parallel_loop3A_993 = arith.constant 0 : i32
        %parallel_loop3A_994 = arith.constant 0 : i32
        %parallel_loop3A_995 = tpu.memref_slice %arg4[%parallel_loop3A_385, %parallel_loop3A_993, %parallel_loop3A_994] : memref<2x384x128xf32, #tpu.memory_space<vmem>> -> memref<1x384x128xf32, #tpu.memory_space<vmem>>
        %parallel_loop3A_996 = tpu.memref_squeeze %parallel_loop3A_995 : memref<1x384x128xf32, #tpu.memory_space<vmem>> -> memref<384x128xf32, #tpu.memory_space<vmem>>
        %parallel_loop3A_997 = arith.index_cast %parallel_loop3A_992 : i32 to index
        %parallel_loop3A_998 = arith.constant 96 : index
        %parallel_loop3A_999 = tpu.vector_load %parallel_loop3A_996[%parallel_loop3A_997, %parallel_loop3A_998] {strides = array<i32>} : memref<384x128xf32, #tpu.memory_space<vmem>>, vector<1x16xf32>,
        %parallel_loop3A_1000 = vector.shape_cast %parallel_loop3A_999 : vector<1x16xf32> to vector<16xf32>
        %parallel_loop3A_1001 = arith.constant 7 : i32
        %parallel_loop3A_1002 = arith.addi %parallel_loop3A_930, %parallel_loop3A_1001 : i32
        %parallel_loop3A_1003 = arith.constant 0 : i32
        %parallel_loop3A_1004 = arith.constant 0 : i32
        %parallel_loop3A_1005 = tpu.memref_slice %arg4[%parallel_loop3A_385, %parallel_loop3A_1003, %parallel_loop3A_1004] : memref<2x384x128xf32, #tpu.memory_space<vmem>> -> memref<1x384x128xf32, #tpu.memory_space<vmem>>
        %parallel_loop3A_1006 = tpu.memref_squeeze %parallel_loop3A_1005 : memref<1x384x128xf32, #tpu.memory_space<vmem>> -> memref<384x128xf32, #tpu.memory_space<vmem>>
        %parallel_loop3A_1007 = arith.index_cast %parallel_loop3A_1002 : i32 to index
        %parallel_loop3A_1008 = arith.constant 96 : index
        %parallel_loop3A_1009 = tpu.vector_load %parallel_loop3A_1006[%parallel_loop3A_1007, %parallel_loop3A_1008] {strides = array<i32>} : memref<384x128xf32, #tpu.memory_space<vmem>>, vector<1x16xf32>,
        %parallel_loop3A_1010 = vector.shape_cast %parallel_loop3A_1009 : vector<1x16xf32> to vector<16xf32>
        %parallel_loop3A_1011 = arith.maximumf %parallel_loop3A_940, %parallel_loop3A_950 : vector<16xf32>
        %parallel_loop3A_1012 = arith.minimumf %parallel_loop3A_940, %parallel_loop3A_950 : vector<16xf32>
        %parallel_loop3A_1013 = arith.maximumf %parallel_loop3A_960, %parallel_loop3A_970 : vector<16xf32>
        %parallel_loop3A_1014 = arith.minimumf %parallel_loop3A_960, %parallel_loop3A_970 : vector<16xf32>
        %parallel_loop3A_1015 = arith.maximumf %parallel_loop3A_980, %parallel_loop3A_990 : vector<16xf32>
        %parallel_loop3A_1016 = arith.minimumf %parallel_loop3A_980, %parallel_loop3A_990 : vector<16xf32>
        %parallel_loop3A_1017 = arith.maximumf %parallel_loop3A_1000, %parallel_loop3A_1010 : vector<16xf32>
        %parallel_loop3A_1018 = arith.minimumf %parallel_loop3A_1000, %parallel_loop3A_1010 : vector<16xf32>
        %parallel_loop3A_1019 = arith.maximumf %parallel_loop3A_1011, %parallel_loop3A_1013 : vector<16xf32>
        %parallel_loop3A_1020 = arith.minimumf %parallel_loop3A_1011, %parallel_loop3A_1013 : vector<16xf32>
        %parallel_loop3A_1021 = arith.maximumf %parallel_loop3A_1012, %parallel_loop3A_1014 : vector<16xf32>
        %parallel_loop3A_1022 = arith.minimumf %parallel_loop3A_1012, %parallel_loop3A_1014 : vector<16xf32>
        %parallel_loop3A_1023 = arith.maximumf %parallel_loop3A_1015, %parallel_loop3A_1017 : vector<16xf32>
        %parallel_loop3A_1024 = arith.minimumf %parallel_loop3A_1015, %parallel_loop3A_1017 : vector<16xf32>
        %parallel_loop3A_1025 = arith.maximumf %parallel_loop3A_1016, %parallel_loop3A_1018 : vector<16xf32>
        %parallel_loop3A_1026 = arith.minimumf %parallel_loop3A_1016, %parallel_loop3A_1018 : vector<16xf32>
        %parallel_loop3A_1027 = arith.maximumf %parallel_loop3A_1021, %parallel_loop3A_1020 : vector<16xf32>
        %parallel_loop3A_1028 = arith.minimumf %parallel_loop3A_1021, %parallel_loop3A_1020 : vector<16xf32>
        %parallel_loop3A_1029 = arith.maximumf %parallel_loop3A_1025, %parallel_loop3A_1024 : vector<16xf32>
        %parallel_loop3A_1030 = arith.minimumf %parallel_loop3A_1025, %parallel_loop3A_1024 : vector<16xf32>
        %parallel_loop3A_1031 = arith.maximumf %parallel_loop3A_1019, %parallel_loop3A_1023 : vector<16xf32>
        %parallel_loop3A_1032 = arith.minimumf %parallel_loop3A_1019, %parallel_loop3A_1023 : vector<16xf32>
        %parallel_loop3A_1033 = arith.maximumf %parallel_loop3A_1027, %parallel_loop3A_1029 : vector<16xf32>
        %parallel_loop3A_1034 = arith.minimumf %parallel_loop3A_1027, %parallel_loop3A_1029 : vector<16xf32>
        %parallel_loop3A_1035 = arith.maximumf %parallel_loop3A_1028, %parallel_loop3A_1030 : vector<16xf32>
        %parallel_loop3A_1036 = arith.minimumf %parallel_loop3A_1028, %parallel_loop3A_1030 : vector<16xf32>
        %parallel_loop3A_1037 = arith.maximumf %parallel_loop3A_1022, %parallel_loop3A_1026 : vector<16xf32>
        %parallel_loop3A_1038 = arith.minimumf %parallel_loop3A_1022, %parallel_loop3A_1026 : vector<16xf32>
        %parallel_loop3A_1039 = arith.maximumf %parallel_loop3A_1035, %parallel_loop3A_1032 : vector<16xf32>
        %parallel_loop3A_1040 = arith.minimumf %parallel_loop3A_1035, %parallel_loop3A_1032 : vector<16xf32>
        %parallel_loop3A_1041 = arith.maximumf %parallel_loop3A_1037, %parallel_loop3A_1034 : vector<16xf32>
        %parallel_loop3A_1042 = arith.minimumf %parallel_loop3A_1037, %parallel_loop3A_1034 : vector<16xf32>
        %parallel_loop3A_1043 = arith.maximumf %parallel_loop3A_1033, %parallel_loop3A_1039 : vector<16xf32>
        %parallel_loop3A_1044 = arith.minimumf %parallel_loop3A_1033, %parallel_loop3A_1039 : vector<16xf32>
        %parallel_loop3A_1045 = arith.maximumf %parallel_loop3A_1041, %parallel_loop3A_1040 : vector<16xf32>
        %parallel_loop3A_1046 = arith.minimumf %parallel_loop3A_1041, %parallel_loop3A_1040 : vector<16xf32>
        %parallel_loop3A_1047 = arith.maximumf %parallel_loop3A_1042, %parallel_loop3A_1036 : vector<16xf32>
        %parallel_loop3A_1048 = arith.minimumf %parallel_loop3A_1042, %parallel_loop3A_1036 : vector<16xf32>
        %parallel_loop3A_1049 = arith.maximumf %parallel_loop3A_913, %parallel_loop3A_1038 : vector<16xf32>
        %parallel_loop3A_1050 = arith.maximumf %parallel_loop3A_914, %parallel_loop3A_1048 : vector<16xf32>
        %parallel_loop3A_1051 = arith.maximumf %parallel_loop3A_915, %parallel_loop3A_1047 : vector<16xf32>
        %parallel_loop3A_1052 = arith.maximumf %parallel_loop3A_916, %parallel_loop3A_1046 : vector<16xf32>
        %parallel_loop3A_1053 = arith.maximumf %parallel_loop3A_917, %parallel_loop3A_1045 : vector<16xf32>
        %parallel_loop3A_1054 = arith.maximumf %parallel_loop3A_918, %parallel_loop3A_1044 : vector<16xf32>
        %parallel_loop3A_1055 = arith.maximumf %parallel_loop3A_919, %parallel_loop3A_1043 : vector<16xf32>
        %parallel_loop3A_1056 = arith.maximumf %parallel_loop3A_920, %parallel_loop3A_1031 : vector<16xf32>
        %parallel_loop3A_1057 = arith.maximumf %parallel_loop3A_1049, %parallel_loop3A_1053 : vector<16xf32>
        %parallel_loop3A_1058 = arith.minimumf %parallel_loop3A_1049, %parallel_loop3A_1053 : vector<16xf32>
        %parallel_loop3A_1059 = arith.maximumf %parallel_loop3A_1050, %parallel_loop3A_1054 : vector<16xf32>
        %parallel_loop3A_1060 = arith.minimumf %parallel_loop3A_1050, %parallel_loop3A_1054 : vector<16xf32>
        %parallel_loop3A_1061 = arith.maximumf %parallel_loop3A_1051, %parallel_loop3A_1055 : vector<16xf32>
        %parallel_loop3A_1062 = arith.minimumf %parallel_loop3A_1051, %parallel_loop3A_1055 : vector<16xf32>
        %parallel_loop3A_1063 = arith.maximumf %parallel_loop3A_1052, %parallel_loop3A_1056 : vector<16xf32>
        %parallel_loop3A_1064 = arith.minimumf %parallel_loop3A_1052, %parallel_loop3A_1056 : vector<16xf32>
        %parallel_loop3A_1065 = arith.maximumf %parallel_loop3A_1057, %parallel_loop3A_1061 : vector<16xf32>
        %parallel_loop3A_1066 = arith.minimumf %parallel_loop3A_1057, %parallel_loop3A_1061 : vector<16xf32>
        %parallel_loop3A_1067 = arith.maximumf %parallel_loop3A_1059, %parallel_loop3A_1063 : vector<16xf32>
        %parallel_loop3A_1068 = arith.minimumf %parallel_loop3A_1059, %parallel_loop3A_1063 : vector<16xf32>
        %parallel_loop3A_1069 = arith.maximumf %parallel_loop3A_1058, %parallel_loop3A_1062 : vector<16xf32>
        %parallel_loop3A_1070 = arith.minimumf %parallel_loop3A_1058, %parallel_loop3A_1062 : vector<16xf32>
        %parallel_loop3A_1071 = arith.maximumf %parallel_loop3A_1060, %parallel_loop3A_1064 : vector<16xf32>
        %parallel_loop3A_1072 = arith.minimumf %parallel_loop3A_1060, %parallel_loop3A_1064 : vector<16xf32>
        %parallel_loop3A_1073 = arith.maximumf %parallel_loop3A_1065, %parallel_loop3A_1067 : vector<16xf32>
        %parallel_loop3A_1074 = arith.minimumf %parallel_loop3A_1065, %parallel_loop3A_1067 : vector<16xf32>
        %parallel_loop3A_1075 = arith.maximumf %parallel_loop3A_1066, %parallel_loop3A_1068 : vector<16xf32>
        %parallel_loop3A_1076 = arith.minimumf %parallel_loop3A_1066, %parallel_loop3A_1068 : vector<16xf32>
        %parallel_loop3A_1077 = arith.maximumf %parallel_loop3A_1069, %parallel_loop3A_1071 : vector<16xf32>
        %parallel_loop3A_1078 = arith.minimumf %parallel_loop3A_1069, %parallel_loop3A_1071 : vector<16xf32>
        %parallel_loop3A_1079 = arith.maximumf %parallel_loop3A_1070, %parallel_loop3A_1072 : vector<16xf32>
        %parallel_loop3A_1080 = arith.minimumf %parallel_loop3A_1070, %parallel_loop3A_1072 : vector<16xf32>
        %parallel_loop3A_1081 = arith.constant 0 : i32
        %parallel_loop3A_1082 = arith.addi %parallel_loop3A_930, %parallel_loop3A_1081 : i32
        %parallel_loop3A_1083 = arith.constant 0 : i32
        %parallel_loop3A_1084 = arith.constant 0 : i32
        %parallel_loop3A_1085 = tpu.memref_slice %arg4[%parallel_loop3A_385, %parallel_loop3A_1083, %parallel_loop3A_1084] : memref<2x384x128xf32, #tpu.memory_space<vmem>> -> memref<1x384x128xf32, #tpu.memory_space<vmem>>
        %parallel_loop3A_1086 = tpu.memref_squeeze %parallel_loop3A_1085 : memref<1x384x128xf32, #tpu.memory_space<vmem>> -> memref<384x128xf32, #tpu.memory_space<vmem>>
        %parallel_loop3A_1087 = arith.index_cast %parallel_loop3A_1082 : i32 to index
        %parallel_loop3A_1088 = arith.constant 112 : index
        %parallel_loop3A_1089 = tpu.vector_load %parallel_loop3A_1086[%parallel_loop3A_1087, %parallel_loop3A_1088] {strides = array<i32>} : memref<384x128xf32, #tpu.memory_space<vmem>>, vector<1x16xf32>,
        %parallel_loop3A_1090 = vector.shape_cast %parallel_loop3A_1089 : vector<1x16xf32> to vector<16xf32>
        %parallel_loop3A_1091 = arith.constant 1 : i32
        %parallel_loop3A_1092 = arith.addi %parallel_loop3A_930, %parallel_loop3A_1091 : i32
        %parallel_loop3A_1093 = arith.constant 0 : i32
        %parallel_loop3A_1094 = arith.constant 0 : i32
        %parallel_loop3A_1095 = tpu.memref_slice %arg4[%parallel_loop3A_385, %parallel_loop3A_1093, %parallel_loop3A_1094] : memref<2x384x128xf32, #tpu.memory_space<vmem>> -> memref<1x384x128xf32, #tpu.memory_space<vmem>>
        %parallel_loop3A_1096 = tpu.memref_squeeze %parallel_loop3A_1095 : memref<1x384x128xf32, #tpu.memory_space<vmem>> -> memref<384x128xf32, #tpu.memory_space<vmem>>
        %parallel_loop3A_1097 = arith.index_cast %parallel_loop3A_1092 : i32 to index
        %parallel_loop3A_1098 = arith.constant 112 : index
        %parallel_loop3A_1099 = tpu.vector_load %parallel_loop3A_1096[%parallel_loop3A_1097, %parallel_loop3A_1098] {strides = array<i32>} : memref<384x128xf32, #tpu.memory_space<vmem>>, vector<1x16xf32>,
        %parallel_loop3A_1100 = vector.shape_cast %parallel_loop3A_1099 : vector<1x16xf32> to vector<16xf32>
        %parallel_loop3A_1101 = arith.constant 2 : i32
        %parallel_loop3A_1102 = arith.addi %parallel_loop3A_930, %parallel_loop3A_1101 : i32
        %parallel_loop3A_1103 = arith.constant 0 : i32
        %parallel_loop3A_1104 = arith.constant 0 : i32
        %parallel_loop3A_1105 = tpu.memref_slice %arg4[%parallel_loop3A_385, %parallel_loop3A_1103, %parallel_loop3A_1104] : memref<2x384x128xf32, #tpu.memory_space<vmem>> -> memref<1x384x128xf32, #tpu.memory_space<vmem>>
        %parallel_loop3A_1106 = tpu.memref_squeeze %parallel_loop3A_1105 : memref<1x384x128xf32, #tpu.memory_space<vmem>> -> memref<384x128xf32, #tpu.memory_space<vmem>>
        %parallel_loop3A_1107 = arith.index_cast %parallel_loop3A_1102 : i32 to index
        %parallel_loop3A_1108 = arith.constant 112 : index
        %parallel_loop3A_1109 = tpu.vector_load %parallel_loop3A_1106[%parallel_loop3A_1107, %parallel_loop3A_1108] {strides = array<i32>} : memref<384x128xf32, #tpu.memory_space<vmem>>, vector<1x16xf32>,
        %parallel_loop3A_1110 = vector.shape_cast %parallel_loop3A_1109 : vector<1x16xf32> to vector<16xf32>
        %parallel_loop3A_1111 = arith.constant 3 : i32
        %parallel_loop3A_1112 = arith.addi %parallel_loop3A_930, %parallel_loop3A_1111 : i32
        %parallel_loop3A_1113 = arith.constant 0 : i32
        %parallel_loop3A_1114 = arith.constant 0 : i32
        %parallel_loop3A_1115 = tpu.memref_slice %arg4[%parallel_loop3A_385, %parallel_loop3A_1113, %parallel_loop3A_1114] : memref<2x384x128xf32, #tpu.memory_space<vmem>> -> memref<1x384x128xf32, #tpu.memory_space<vmem>>
        %parallel_loop3A_1116 = tpu.memref_squeeze %parallel_loop3A_1115 : memref<1x384x128xf32, #tpu.memory_space<vmem>> -> memref<384x128xf32, #tpu.memory_space<vmem>>
        %parallel_loop3A_1117 = arith.index_cast %parallel_loop3A_1112 : i32 to index
        %parallel_loop3A_1118 = arith.constant 112 : index
        %parallel_loop3A_1119 = tpu.vector_load %parallel_loop3A_1116[%parallel_loop3A_1117, %parallel_loop3A_1118] {strides = array<i32>} : memref<384x128xf32, #tpu.memory_space<vmem>>, vector<1x16xf32>,
        %parallel_loop3A_1120 = vector.shape_cast %parallel_loop3A_1119 : vector<1x16xf32> to vector<16xf32>
        %parallel_loop3A_1121 = arith.constant 4 : i32
        %parallel_loop3A_1122 = arith.addi %parallel_loop3A_930, %parallel_loop3A_1121 : i32
        %parallel_loop3A_1123 = arith.constant 0 : i32
        %parallel_loop3A_1124 = arith.constant 0 : i32
        %parallel_loop3A_1125 = tpu.memref_slice %arg4[%parallel_loop3A_385, %parallel_loop3A_1123, %parallel_loop3A_1124] : memref<2x384x128xf32, #tpu.memory_space<vmem>> -> memref<1x384x128xf32, #tpu.memory_space<vmem>>
        %parallel_loop3A_1126 = tpu.memref_squeeze %parallel_loop3A_1125 : memref<1x384x128xf32, #tpu.memory_space<vmem>> -> memref<384x128xf32, #tpu.memory_space<vmem>>
        %parallel_loop3A_1127 = arith.index_cast %parallel_loop3A_1122 : i32 to index
        %parallel_loop3A_1128 = arith.constant 112 : index
        %parallel_loop3A_1129 = tpu.vector_load %parallel_loop3A_1126[%parallel_loop3A_1127, %parallel_loop3A_1128] {strides = array<i32>} : memref<384x128xf32, #tpu.memory_space<vmem>>, vector<1x16xf32>,
        %parallel_loop3A_1130 = vector.shape_cast %parallel_loop3A_1129 : vector<1x16xf32> to vector<16xf32>
        %parallel_loop3A_1131 = arith.constant 5 : i32
        %parallel_loop3A_1132 = arith.addi %parallel_loop3A_930, %parallel_loop3A_1131 : i32
        %parallel_loop3A_1133 = arith.constant 0 : i32
        %parallel_loop3A_1134 = arith.constant 0 : i32
        %parallel_loop3A_1135 = tpu.memref_slice %arg4[%parallel_loop3A_385, %parallel_loop3A_1133, %parallel_loop3A_1134] : memref<2x384x128xf32, #tpu.memory_space<vmem>> -> memref<1x384x128xf32, #tpu.memory_space<vmem>>
        %parallel_loop3A_1136 = tpu.memref_squeeze %parallel_loop3A_1135 : memref<1x384x128xf32, #tpu.memory_space<vmem>> -> memref<384x128xf32, #tpu.memory_space<vmem>>
        %parallel_loop3A_1137 = arith.index_cast %parallel_loop3A_1132 : i32 to index
        %parallel_loop3A_1138 = arith.constant 112 : index
        %parallel_loop3A_1139 = tpu.vector_load %parallel_loop3A_1136[%parallel_loop3A_1137, %parallel_loop3A_1138] {strides = array<i32>} : memref<384x128xf32, #tpu.memory_space<vmem>>, vector<1x16xf32>,
        %parallel_loop3A_1140 = vector.shape_cast %parallel_loop3A_1139 : vector<1x16xf32> to vector<16xf32>
        %parallel_loop3A_1141 = arith.constant 6 : i32
        %parallel_loop3A_1142 = arith.addi %parallel_loop3A_930, %parallel_loop3A_1141 : i32
        %parallel_loop3A_1143 = arith.constant 0 : i32
        %parallel_loop3A_1144 = arith.constant 0 : i32
        %parallel_loop3A_1145 = tpu.memref_slice %arg4[%parallel_loop3A_385, %parallel_loop3A_1143, %parallel_loop3A_1144] : memref<2x384x128xf32, #tpu.memory_space<vmem>> -> memref<1x384x128xf32, #tpu.memory_space<vmem>>
        %parallel_loop3A_1146 = tpu.memref_squeeze %parallel_loop3A_1145 : memref<1x384x128xf32, #tpu.memory_space<vmem>> -> memref<384x128xf32, #tpu.memory_space<vmem>>
        %parallel_loop3A_1147 = arith.index_cast %parallel_loop3A_1142 : i32 to index
        %parallel_loop3A_1148 = arith.constant 112 : index
        %parallel_loop3A_1149 = tpu.vector_load %parallel_loop3A_1146[%parallel_loop3A_1147, %parallel_loop3A_1148] {strides = array<i32>} : memref<384x128xf32, #tpu.memory_space<vmem>>, vector<1x16xf32>,
        %parallel_loop3A_1150 = vector.shape_cast %parallel_loop3A_1149 : vector<1x16xf32> to vector<16xf32>
        %parallel_loop3A_1151 = arith.constant 7 : i32
        %parallel_loop3A_1152 = arith.addi %parallel_loop3A_930, %parallel_loop3A_1151 : i32
        %parallel_loop3A_1153 = arith.constant 0 : i32
        %parallel_loop3A_1154 = arith.constant 0 : i32
        %parallel_loop3A_1155 = tpu.memref_slice %arg4[%parallel_loop3A_385, %parallel_loop3A_1153, %parallel_loop3A_1154] : memref<2x384x128xf32, #tpu.memory_space<vmem>> -> memref<1x384x128xf32, #tpu.memory_space<vmem>>
        %parallel_loop3A_1156 = tpu.memref_squeeze %parallel_loop3A_1155 : memref<1x384x128xf32, #tpu.memory_space<vmem>> -> memref<384x128xf32, #tpu.memory_space<vmem>>
        %parallel_loop3A_1157 = arith.index_cast %parallel_loop3A_1152 : i32 to index
        %parallel_loop3A_1158 = arith.constant 112 : index
        %parallel_loop3A_1159 = tpu.vector_load %parallel_loop3A_1156[%parallel_loop3A_1157, %parallel_loop3A_1158] {strides = array<i32>} : memref<384x128xf32, #tpu.memory_space<vmem>>, vector<1x16xf32>,
        %parallel_loop3A_1160 = vector.shape_cast %parallel_loop3A_1159 : vector<1x16xf32> to vector<16xf32>
        %parallel_loop3A_1161 = arith.maximumf %parallel_loop3A_1090, %parallel_loop3A_1100 : vector<16xf32>
        %parallel_loop3A_1162 = arith.minimumf %parallel_loop3A_1090, %parallel_loop3A_1100 : vector<16xf32>
        %parallel_loop3A_1163 = arith.maximumf %parallel_loop3A_1110, %parallel_loop3A_1120 : vector<16xf32>
        %parallel_loop3A_1164 = arith.minimumf %parallel_loop3A_1110, %parallel_loop3A_1120 : vector<16xf32>
        %parallel_loop3A_1165 = arith.maximumf %parallel_loop3A_1130, %parallel_loop3A_1140 : vector<16xf32>
        %parallel_loop3A_1166 = arith.minimumf %parallel_loop3A_1130, %parallel_loop3A_1140 : vector<16xf32>
        %parallel_loop3A_1167 = arith.maximumf %parallel_loop3A_1150, %parallel_loop3A_1160 : vector<16xf32>
        %parallel_loop3A_1168 = arith.minimumf %parallel_loop3A_1150, %parallel_loop3A_1160 : vector<16xf32>
        %parallel_loop3A_1169 = arith.maximumf %parallel_loop3A_1161, %parallel_loop3A_1163 : vector<16xf32>
        %parallel_loop3A_1170 = arith.minimumf %parallel_loop3A_1161, %parallel_loop3A_1163 : vector<16xf32>
        %parallel_loop3A_1171 = arith.maximumf %parallel_loop3A_1162, %parallel_loop3A_1164 : vector<16xf32>
        %parallel_loop3A_1172 = arith.minimumf %parallel_loop3A_1162, %parallel_loop3A_1164 : vector<16xf32>
        %parallel_loop3A_1173 = arith.maximumf %parallel_loop3A_1165, %parallel_loop3A_1167 : vector<16xf32>
        %parallel_loop3A_1174 = arith.minimumf %parallel_loop3A_1165, %parallel_loop3A_1167 : vector<16xf32>
        %parallel_loop3A_1175 = arith.maximumf %parallel_loop3A_1166, %parallel_loop3A_1168 : vector<16xf32>
        %parallel_loop3A_1176 = arith.minimumf %parallel_loop3A_1166, %parallel_loop3A_1168 : vector<16xf32>
        %parallel_loop3A_1177 = arith.maximumf %parallel_loop3A_1171, %parallel_loop3A_1170 : vector<16xf32>
        %parallel_loop3A_1178 = arith.minimumf %parallel_loop3A_1171, %parallel_loop3A_1170 : vector<16xf32>
        %parallel_loop3A_1179 = arith.maximumf %parallel_loop3A_1175, %parallel_loop3A_1174 : vector<16xf32>
        %parallel_loop3A_1180 = arith.minimumf %parallel_loop3A_1175, %parallel_loop3A_1174 : vector<16xf32>
        %parallel_loop3A_1181 = arith.maximumf %parallel_loop3A_1169, %parallel_loop3A_1173 : vector<16xf32>
        %parallel_loop3A_1182 = arith.minimumf %parallel_loop3A_1169, %parallel_loop3A_1173 : vector<16xf32>
        %parallel_loop3A_1183 = arith.maximumf %parallel_loop3A_1177, %parallel_loop3A_1179 : vector<16xf32>
        %parallel_loop3A_1184 = arith.minimumf %parallel_loop3A_1177, %parallel_loop3A_1179 : vector<16xf32>
        %parallel_loop3A_1185 = arith.maximumf %parallel_loop3A_1178, %parallel_loop3A_1180 : vector<16xf32>
        %parallel_loop3A_1186 = arith.minimumf %parallel_loop3A_1178, %parallel_loop3A_1180 : vector<16xf32>
        %parallel_loop3A_1187 = arith.maximumf %parallel_loop3A_1172, %parallel_loop3A_1176 : vector<16xf32>
        %parallel_loop3A_1188 = arith.minimumf %parallel_loop3A_1172, %parallel_loop3A_1176 : vector<16xf32>
        %parallel_loop3A_1189 = arith.maximumf %parallel_loop3A_1185, %parallel_loop3A_1182 : vector<16xf32>
        %parallel_loop3A_1190 = arith.minimumf %parallel_loop3A_1185, %parallel_loop3A_1182 : vector<16xf32>
        %parallel_loop3A_1191 = arith.maximumf %parallel_loop3A_1187, %parallel_loop3A_1184 : vector<16xf32>
        %parallel_loop3A_1192 = arith.minimumf %parallel_loop3A_1187, %parallel_loop3A_1184 : vector<16xf32>
        %parallel_loop3A_1193 = arith.maximumf %parallel_loop3A_1183, %parallel_loop3A_1189 : vector<16xf32>
        %parallel_loop3A_1194 = arith.minimumf %parallel_loop3A_1183, %parallel_loop3A_1189 : vector<16xf32>
        %parallel_loop3A_1195 = arith.maximumf %parallel_loop3A_1191, %parallel_loop3A_1190 : vector<16xf32>
        %parallel_loop3A_1196 = arith.minimumf %parallel_loop3A_1191, %parallel_loop3A_1190 : vector<16xf32>
        %parallel_loop3A_1197 = arith.maximumf %parallel_loop3A_1192, %parallel_loop3A_1186 : vector<16xf32>
        %parallel_loop3A_1198 = arith.minimumf %parallel_loop3A_1192, %parallel_loop3A_1186 : vector<16xf32>
        %parallel_loop3A_1199 = arith.maximumf %parallel_loop3A_921, %parallel_loop3A_1188 : vector<16xf32>
        %parallel_loop3A_1200 = arith.maximumf %parallel_loop3A_922, %parallel_loop3A_1198 : vector<16xf32>
        %parallel_loop3A_1201 = arith.maximumf %parallel_loop3A_923, %parallel_loop3A_1197 : vector<16xf32>
        %parallel_loop3A_1202 = arith.maximumf %parallel_loop3A_924, %parallel_loop3A_1196 : vector<16xf32>
        %parallel_loop3A_1203 = arith.maximumf %parallel_loop3A_925, %parallel_loop3A_1195 : vector<16xf32>
        %parallel_loop3A_1204 = arith.maximumf %parallel_loop3A_926, %parallel_loop3A_1194 : vector<16xf32>
        %parallel_loop3A_1205 = arith.maximumf %parallel_loop3A_927, %parallel_loop3A_1193 : vector<16xf32>
        %parallel_loop3A_1206 = arith.maximumf %parallel_loop3A_928, %parallel_loop3A_1181 : vector<16xf32>
        %parallel_loop3A_1207 = arith.maximumf %parallel_loop3A_1199, %parallel_loop3A_1203 : vector<16xf32>
        %parallel_loop3A_1208 = arith.minimumf %parallel_loop3A_1199, %parallel_loop3A_1203 : vector<16xf32>
        %parallel_loop3A_1209 = arith.maximumf %parallel_loop3A_1200, %parallel_loop3A_1204 : vector<16xf32>
        %parallel_loop3A_1210 = arith.minimumf %parallel_loop3A_1200, %parallel_loop3A_1204 : vector<16xf32>
        %parallel_loop3A_1211 = arith.maximumf %parallel_loop3A_1201, %parallel_loop3A_1205 : vector<16xf32>
        %parallel_loop3A_1212 = arith.minimumf %parallel_loop3A_1201, %parallel_loop3A_1205 : vector<16xf32>
        %parallel_loop3A_1213 = arith.maximumf %parallel_loop3A_1202, %parallel_loop3A_1206 : vector<16xf32>
        %parallel_loop3A_1214 = arith.minimumf %parallel_loop3A_1202, %parallel_loop3A_1206 : vector<16xf32>
        %parallel_loop3A_1215 = arith.maximumf %parallel_loop3A_1207, %parallel_loop3A_1211 : vector<16xf32>
        %parallel_loop3A_1216 = arith.minimumf %parallel_loop3A_1207, %parallel_loop3A_1211 : vector<16xf32>
        %parallel_loop3A_1217 = arith.maximumf %parallel_loop3A_1209, %parallel_loop3A_1213 : vector<16xf32>
        %parallel_loop3A_1218 = arith.minimumf %parallel_loop3A_1209, %parallel_loop3A_1213 : vector<16xf32>
        %parallel_loop3A_1219 = arith.maximumf %parallel_loop3A_1208, %parallel_loop3A_1212 : vector<16xf32>
        %parallel_loop3A_1220 = arith.minimumf %parallel_loop3A_1208, %parallel_loop3A_1212 : vector<16xf32>
        %parallel_loop3A_1221 = arith.maximumf %parallel_loop3A_1210, %parallel_loop3A_1214 : vector<16xf32>
        %parallel_loop3A_1222 = arith.minimumf %parallel_loop3A_1210, %parallel_loop3A_1214 : vector<16xf32>
        %parallel_loop3A_1223 = arith.maximumf %parallel_loop3A_1215, %parallel_loop3A_1217 : vector<16xf32>
        %parallel_loop3A_1224 = arith.minimumf %parallel_loop3A_1215, %parallel_loop3A_1217 : vector<16xf32>
        %parallel_loop3A_1225 = arith.maximumf %parallel_loop3A_1216, %parallel_loop3A_1218 : vector<16xf32>
        %parallel_loop3A_1226 = arith.minimumf %parallel_loop3A_1216, %parallel_loop3A_1218 : vector<16xf32>
        %parallel_loop3A_1227 = arith.maximumf %parallel_loop3A_1219, %parallel_loop3A_1221 : vector<16xf32>
        %parallel_loop3A_1228 = arith.minimumf %parallel_loop3A_1219, %parallel_loop3A_1221 : vector<16xf32>
        %parallel_loop3A_1229 = arith.maximumf %parallel_loop3A_1220, %parallel_loop3A_1222 : vector<16xf32>
        %parallel_loop3A_1230 = arith.minimumf %parallel_loop3A_1220, %parallel_loop3A_1222 : vector<16xf32>
        scf.yield %parallel_loop3A_1073, %parallel_loop3A_1074, %parallel_loop3A_1075, %parallel_loop3A_1076, %parallel_loop3A_1077, %parallel_loop3A_1078, %parallel_loop3A_1079, %parallel_loop3A_1080, %parallel_loop3A_1223, %parallel_loop3A_1224, %parallel_loop3A_1225, %parallel_loop3A_1226, %parallel_loop3A_1227, %parallel_loop3A_1228, %parallel_loop3A_1229, %parallel_loop3A_1230 : vector<16xf32>, vector<16xf32>, vector<16xf32>, vector<16xf32>, vector<16xf32>, vector<16xf32>, vector<16xf32>, vector<16xf32>, vector<16xf32>, vector<16xf32>, vector<16xf32>, vector<16xf32>, vector<16xf32>, vector<16xf32>, vector<16xf32>, vector<16xf32>
      } {sc.loop_unroll_factor = 1 : i64, sc.parallel_access}
      %swap3A_387 = arith.constant 0 : i32
      %swap3A_388 = arith.index_cast %swap3A_387 : i32 to index
      %swap3A_389 = arith.constant 96 : index
      %swap3A_390 = tpu.vector_load %arg6[%swap3A_388, %swap3A_389] {strides = array<i32>} : memref<8x128xf32, #tpu.memory_space<vmem>>, vector<1x16xf32>,
      %swap3A_391 = vector.shape_cast %swap3A_390 : vector<1x16xf32> to vector<16xf32>
      %swap3A_392 = vector.shape_cast %parallel_loop3A_386#0 : vector<16xf32> to vector<1x16xf32>
      tpu.vector_store %arg6[%swap3A_388, %swap3A_389], %swap3A_392 {strides = array<i32>} : memref<8x128xf32, #tpu.memory_space<vmem>>, vector<1x16xf32>,
      %swap3A_393 = arith.constant 1 : i32
      %swap3A_394 = arith.index_cast %swap3A_393 : i32 to index
      %swap3A_395 = arith.constant 96 : index
      %swap3A_396 = tpu.vector_load %arg6[%swap3A_394, %swap3A_395] {strides = array<i32>} : memref<8x128xf32, #tpu.memory_space<vmem>>, vector<1x16xf32>,
      %swap3A_397 = vector.shape_cast %swap3A_396 : vector<1x16xf32> to vector<16xf32>
      %swap3A_398 = vector.shape_cast %parallel_loop3A_386#1 : vector<16xf32> to vector<1x16xf32>
      tpu.vector_store %arg6[%swap3A_394, %swap3A_395], %swap3A_398 {strides = array<i32>} : memref<8x128xf32, #tpu.memory_space<vmem>>, vector<1x16xf32>,
      %swap3A_399 = arith.constant 2 : i32
      %swap3A_400 = arith.index_cast %swap3A_399 : i32 to index
      %swap3A_401 = arith.constant 96 : index
      %swap3A_402 = tpu.vector_load %arg6[%swap3A_400, %swap3A_401] {strides = array<i32>} : memref<8x128xf32, #tpu.memory_space<vmem>>, vector<1x16xf32>,
      %swap3A_403 = vector.shape_cast %swap3A_402 : vector<1x16xf32> to vector<16xf32>
      %swap3A_404 = vector.shape_cast %parallel_loop3A_386#2 : vector<16xf32> to vector<1x16xf32>
      tpu.vector_store %arg6[%swap3A_400, %swap3A_401], %swap3A_404 {strides = array<i32>} : memref<8x128xf32, #tpu.memory_space<vmem>>, vector<1x16xf32>,
      %swap3A_405 = arith.constant 3 : i32
      %swap3A_406 = arith.index_cast %swap3A_405 : i32 to index
      %swap3A_407 = arith.constant 96 : index
      %swap3A_408 = tpu.vector_load %arg6[%swap3A_406, %swap3A_407] {strides = array<i32>} : memref<8x128xf32, #tpu.memory_space<vmem>>, vector<1x16xf32>,
      %swap3A_409 = vector.shape_cast %swap3A_408 : vector<1x16xf32> to vector<16xf32>
      %swap3A_410 = vector.shape_cast %parallel_loop3A_386#3 : vector<16xf32> to vector<1x16xf32>
      tpu.vector_store %arg6[%swap3A_406, %swap3A_407], %swap3A_410 {strides = array<i32>} : memref<8x128xf32, #tpu.memory_space<vmem>>, vector<1x16xf32>,
      %swap3A_411 = arith.constant 4 : i32
      %swap3A_412 = arith.index_cast %swap3A_411 : i32 to index
      %swap3A_413 = arith.constant 96 : index
      %swap3A_414 = tpu.vector_load %arg6[%swap3A_412, %swap3A_413] {strides = array<i32>} : memref<8x128xf32, #tpu.memory_space<vmem>>, vector<1x16xf32>,
      %swap3A_415 = vector.shape_cast %swap3A_414 : vector<1x16xf32> to vector<16xf32>
      %swap3A_416 = vector.shape_cast %parallel_loop3A_386#4 : vector<16xf32> to vector<1x16xf32>
      tpu.vector_store %arg6[%swap3A_412, %swap3A_413], %swap3A_416 {strides = array<i32>} : memref<8x128xf32, #tpu.memory_space<vmem>>, vector<1x16xf32>,
      %swap3A_417 = arith.constant 5 : i32
      %swap3A_418 = arith.index_cast %swap3A_417 : i32 to index
      %swap3A_419 = arith.constant 96 : index
      %swap3A_420 = tpu.vector_load %arg6[%swap3A_418, %swap3A_419] {strides = array<i32>} : memref<8x128xf32, #tpu.memory_space<vmem>>, vector<1x16xf32>,
      %swap3A_421 = vector.shape_cast %swap3A_420 : vector<1x16xf32> to vector<16xf32>
      %swap3A_422 = vector.shape_cast %parallel_loop3A_386#5 : vector<16xf32> to vector<1x16xf32>
      tpu.vector_store %arg6[%swap3A_418, %swap3A_419], %swap3A_422 {strides = array<i32>} : memref<8x128xf32, #tpu.memory_space<vmem>>, vector<1x16xf32>,
      %swap3A_423 = arith.constant 6 : i32
      %swap3A_424 = arith.index_cast %swap3A_423 : i32 to index
      %swap3A_425 = arith.constant 96 : index
      %swap3A_426 = tpu.vector_load %arg6[%swap3A_424, %swap3A_425] {strides = array<i32>} : memref<8x128xf32, #tpu.memory_space<vmem>>, vector<1x16xf32>,
      %swap3A_427 = vector.shape_cast %swap3A_426 : vector<1x16xf32> to vector<16xf32>
      %swap3A_428 = vector.shape_cast %parallel_loop3A_386#6 : vector<16xf32> to vector<1x16xf32>
      tpu.vector_store %arg6[%swap3A_424, %swap3A_425], %swap3A_428 {strides = array<i32>} : memref<8x128xf32, #tpu.memory_space<vmem>>, vector<1x16xf32>,
      %swap3A_429 = arith.constant 7 : i32
      %swap3A_430 = arith.index_cast %swap3A_429 : i32 to index
      %swap3A_431 = arith.constant 96 : index
      %swap3A_432 = tpu.vector_load %arg6[%swap3A_430, %swap3A_431] {strides = array<i32>} : memref<8x128xf32, #tpu.memory_space<vmem>>, vector<1x16xf32>,
      %swap3A_433 = vector.shape_cast %swap3A_432 : vector<1x16xf32> to vector<16xf32>
      %swap3A_434 = vector.shape_cast %parallel_loop3A_386#7 : vector<16xf32> to vector<1x16xf32>
      tpu.vector_store %arg6[%swap3A_430, %swap3A_431], %swap3A_434 {strides = array<i32>} : memref<8x128xf32, #tpu.memory_space<vmem>>, vector<1x16xf32>,
      %swap3A_435 = arith.constant 0 : i32
      %swap3A_436 = arith.index_cast %swap3A_435 : i32 to index
      %swap3A_437 = arith.constant 112 : index
      %swap3A_438 = tpu.vector_load %arg6[%swap3A_436, %swap3A_437] {strides = array<i32>} : memref<8x128xf32, #tpu.memory_space<vmem>>, vector<1x16xf32>,
      %swap3A_439 = vector.shape_cast %swap3A_438 : vector<1x16xf32> to vector<16xf32>
      %swap3A_440 = vector.shape_cast %parallel_loop3A_386#8 : vector<16xf32> to vector<1x16xf32>
      tpu.vector_store %arg6[%swap3A_436, %swap3A_437], %swap3A_440 {strides = array<i32>} : memref<8x128xf32, #tpu.memory_space<vmem>>, vector<1x16xf32>,
      %swap3A_441 = arith.constant 1 : i32
      %swap3A_442 = arith.index_cast %swap3A_441 : i32 to index
      %swap3A_443 = arith.constant 112 : index
      %swap3A_444 = tpu.vector_load %arg6[%swap3A_442, %swap3A_443] {strides = array<i32>} : memref<8x128xf32, #tpu.memory_space<vmem>>, vector<1x16xf32>,
      %swap3A_445 = vector.shape_cast %swap3A_444 : vector<1x16xf32> to vector<16xf32>
      %swap3A_446 = vector.shape_cast %parallel_loop3A_386#9 : vector<16xf32> to vector<1x16xf32>
      tpu.vector_store %arg6[%swap3A_442, %swap3A_443], %swap3A_446 {strides = array<i32>} : memref<8x128xf32, #tpu.memory_space<vmem>>, vector<1x16xf32>,
      %swap3A_447 = arith.constant 2 : i32
      %swap3A_448 = arith.index_cast %swap3A_447 : i32 to index
      %swap3A_449 = arith.constant 112 : index
      %swap3A_450 = tpu.vector_load %arg6[%swap3A_448, %swap3A_449] {strides = array<i32>} : memref<8x128xf32, #tpu.memory_space<vmem>>, vector<1x16xf32>,
      %swap3A_451 = vector.shape_cast %swap3A_450 : vector<1x16xf32> to vector<16xf32>
      %swap3A_452 = vector.shape_cast %parallel_loop3A_386#10 : vector<16xf32> to vector<1x16xf32>
      tpu.vector_store %arg6[%swap3A_448, %swap3A_449], %swap3A_452 {strides = array<i32>} : memref<8x128xf32, #tpu.memory_space<vmem>>, vector<1x16xf32>,
      %swap3A_453 = arith.constant 3 : i32
      %swap3A_454 = arith.index_cast %swap3A_453 : i32 to index
      %swap3A_455 = arith.constant 112 : index
      %swap3A_456 = tpu.vector_load %arg6[%swap3A_454, %swap3A_455] {strides = array<i32>} : memref<8x128xf32, #tpu.memory_space<vmem>>, vector<1x16xf32>,
      %swap3A_457 = vector.shape_cast %swap3A_456 : vector<1x16xf32> to vector<16xf32>
      %swap3A_458 = vector.shape_cast %parallel_loop3A_386#11 : vector<16xf32> to vector<1x16xf32>
      tpu.vector_store %arg6[%swap3A_454, %swap3A_455], %swap3A_458 {strides = array<i32>} : memref<8x128xf32, #tpu.memory_space<vmem>>, vector<1x16xf32>,
      %swap3A_459 = arith.constant 4 : i32
      %swap3A_460 = arith.index_cast %swap3A_459 : i32 to index
      %swap3A_461 = arith.constant 112 : index
      %swap3A_462 = tpu.vector_load %arg6[%swap3A_460, %swap3A_461] {strides = array<i32>} : memref<8x128xf32, #tpu.memory_space<vmem>>, vector<1x16xf32>,
      %swap3A_463 = vector.shape_cast %swap3A_462 : vector<1x16xf32> to vector<16xf32>
      %swap3A_464 = vector.shape_cast %parallel_loop3A_386#12 : vector<16xf32> to vector<1x16xf32>
      tpu.vector_store %arg6[%swap3A_460, %swap3A_461], %swap3A_464 {strides = array<i32>} : memref<8x128xf32, #tpu.memory_space<vmem>>, vector<1x16xf32>,
      %swap3A_465 = arith.constant 5 : i32
      %swap3A_466 = arith.index_cast %swap3A_465 : i32 to index
      %swap3A_467 = arith.constant 112 : index
      %swap3A_468 = tpu.vector_load %arg6[%swap3A_466, %swap3A_467] {strides = array<i32>} : memref<8x128xf32, #tpu.memory_space<vmem>>, vector<1x16xf32>,
      %swap3A_469 = vector.shape_cast %swap3A_468 : vector<1x16xf32> to vector<16xf32>
      %swap3A_470 = vector.shape_cast %parallel_loop3A_386#13 : vector<16xf32> to vector<1x16xf32>
      tpu.vector_store %arg6[%swap3A_466, %swap3A_467], %swap3A_470 {strides = array<i32>} : memref<8x128xf32, #tpu.memory_space<vmem>>, vector<1x16xf32>,
      %swap3A_471 = arith.constant 6 : i32
      %swap3A_472 = arith.index_cast %swap3A_471 : i32 to index
      %swap3A_473 = arith.constant 112 : index
      %swap3A_474 = tpu.vector_load %arg6[%swap3A_472, %swap3A_473] {strides = array<i32>} : memref<8x128xf32, #tpu.memory_space<vmem>>, vector<1x16xf32>,
      %swap3A_475 = vector.shape_cast %swap3A_474 : vector<1x16xf32> to vector<16xf32>
      %swap3A_476 = vector.shape_cast %parallel_loop3A_386#14 : vector<16xf32> to vector<1x16xf32>
      tpu.vector_store %arg6[%swap3A_472, %swap3A_473], %swap3A_476 {strides = array<i32>} : memref<8x128xf32, #tpu.memory_space<vmem>>, vector<1x16xf32>,
      %swap3A_477 = arith.constant 7 : i32
      %swap3A_478 = arith.index_cast %swap3A_477 : i32 to index
      %swap3A_479 = arith.constant 112 : index
      %swap3A_480 = tpu.vector_load %arg6[%swap3A_478, %swap3A_479] {strides = array<i32>} : memref<8x128xf32, #tpu.memory_space<vmem>>, vector<1x16xf32>,
      %swap3A_481 = vector.shape_cast %swap3A_480 : vector<1x16xf32> to vector<16xf32>
      %swap3A_482 = vector.shape_cast %parallel_loop3A_386#15 : vector<16xf32> to vector<1x16xf32>
      tpu.vector_store %arg6[%swap3A_478, %swap3A_479], %swap3A_482 {strides = array<i32>} : memref<8x128xf32, #tpu.memory_space<vmem>>, vector<1x16xf32>,
      %mul3A_483 = arith.constant 128 : i32
      %mul3A_484 = arith.muli %add3A_39, %mul3A_483 : i32
      %dma_wait3A_485 = arith.constant 1 : i32
      %dma_wait3A_486 = arith.constant 1 : i32
      %dma_wait3A_487 = arith.constant 0 : i32
      %dma_wait3A_488 = arith.constant 0 : i32
      %dma_wait3A_489 = tpu.memref_slice %arg4[%dma_wait3A_485, %dma_wait3A_487, %dma_wait3A_488] : memref<2x384x128xf32, #tpu.memory_space<vmem>> -> memref<1x384x128xf32, #tpu.memory_space<vmem>>
      %dma_wait3A_490 = tpu.memref_squeeze %dma_wait3A_489 : memref<1x384x128xf32, #tpu.memory_space<vmem>> -> memref<384x128xf32, #tpu.memory_space<vmem>>
      %dma_wait3A_491 = arith.constant 384 : i32
      %dma_wait3A_492 = tpu.memref_slice %arg2[%add3A, %dma_wait3A_491, %mul3A_484] : memref<32x768x1024xf32, #tpu.memory_space<hbm>> -> memref<1x384x128xf32, #tpu.memory_space<hbm>>
      %dma_wait3A_493 = tpu.memref_squeeze %dma_wait3A_492 : memref<1x384x128xf32, #tpu.memory_space<hbm>> -> memref<384x128xf32, #tpu.memory_space<hbm>>
      %dma_wait3A_494 = tpu.memref_slice %arg7[%dma_wait3A_486] : memref<2x!tpu.dma_semaphore, #tpu.memory_space<semaphore_mem>> -> memref<1x!tpu.dma_semaphore, #tpu.memory_space<semaphore_mem>>
      %dma_wait3A_495 = tpu.memref_squeeze %dma_wait3A_494 : memref<1x!tpu.dma_semaphore, #tpu.memory_space<semaphore_mem>> -> memref<!tpu.dma_semaphore, #tpu.memory_space<semaphore_mem>>
      %dma_wait3A_496 = arith.constant 0 : i32
      %dma_wait3A_497 = arith.constant 0 : i32
      %dma_wait3A_498 = tpu.memref_slice %arg4[%dma_wait3A_485, %dma_wait3A_496, %dma_wait3A_497] : memref<2x384x128xf32, #tpu.memory_space<vmem>> -> memref<1x384x128xf32, #tpu.memory_space<vmem>>
      %dma_wait3A_499 = tpu.memref_squeeze %dma_wait3A_498 : memref<1x384x128xf32, #tpu.memory_space<vmem>> -> memref<384x128xf32, #tpu.memory_space<vmem>>
      %dma_wait3A_500 = arith.constant 384 : i32
      %dma_wait3A_501 = tpu.memref_slice %arg2[%add3A, %dma_wait3A_500, %mul3A_484] : memref<32x768x1024xf32, #tpu.memory_space<hbm>> -> memref<1x384x128xf32, #tpu.memory_space<hbm>>
      %dma_wait3A_502 = tpu.memref_squeeze %dma_wait3A_501 : memref<1x384x128xf32, #tpu.memory_space<hbm>> -> memref<384x128xf32, #tpu.memory_space<hbm>>
      tpu.wait_dma2 semaphore(%dma_wait3A_495 : memref<!tpu.dma_semaphore, #tpu.memory_space<semaphore_mem>>) src(%dma_wait3A_502 : memref<384x128xf32, #tpu.memory_space<hbm>>) dst(%dma_wait3A_499 : memref<384x128xf32, #tpu.memory_space<vmem>>)
      %add3A_503 = arith.constant 1 : i32
      %add3A_504 = arith.addi %add3A_39, %add3A_503 : i32
      %lt3A = arith.constant 8 : i32
      %lt3A_505 = arith.cmpi slt, %add3A_504, %lt3A : i32
      %convert_element_type3A = arith.extui %lt3A_505 : i1 to i32
      %cond3A = arith.constant 0 : i32
      %cond3A_506 = arith.cmpi ne, %convert_element_type3A, %cond3A : i32
      scf.if %cond3A_506 {
        %add3A_912 = arith.constant 1 : i32
        %add3A_913 = arith.addi %add3A_39, %add3A_912 : i32
        %mul3A_914 = arith.constant 128 : i32
        %mul3A_915 = arith.muli %add3A_913, %mul3A_914 : i32
        %dma_start3A_916 = arith.constant 0 : i32
        %dma_start3A_917 = arith.constant 0 : i32
        %dma_start3A_918 = arith.constant 0 : i32
        %dma_start3A_919 = arith.constant 0 : i32
        %dma_start3A_920 = tpu.memref_slice %arg4[%dma_start3A_916, %dma_start3A_918, %dma_start3A_919] : memref<2x384x128xf32, #tpu.memory_space<vmem>> -> memref<1x384x128xf32, #tpu.memory_space<vmem>>
        %dma_start3A_921 = tpu.memref_squeeze %dma_start3A_920 : memref<1x384x128xf32, #tpu.memory_space<vmem>> -> memref<384x128xf32, #tpu.memory_space<vmem>>
        %dma_start3A_922 = arith.constant 0 : i32
        %dma_start3A_923 = tpu.memref_slice %arg2[%add3A, %dma_start3A_922, %mul3A_915] : memref<32x768x1024xf32, #tpu.memory_space<hbm>> -> memref<1x384x128xf32, #tpu.memory_space<hbm>>
        %dma_start3A_924 = tpu.memref_squeeze %dma_start3A_923 : memref<1x384x128xf32, #tpu.memory_space<hbm>> -> memref<384x128xf32, #tpu.memory_space<hbm>>
        %dma_start3A_925 = tpu.memref_slice %arg7[%dma_start3A_917] : memref<2x!tpu.dma_semaphore, #tpu.memory_space<semaphore_mem>> -> memref<1x!tpu.dma_semaphore, #tpu.memory_space<semaphore_mem>>
        %dma_start3A_926 = tpu.memref_squeeze %dma_start3A_925 : memref<1x!tpu.dma_semaphore, #tpu.memory_space<semaphore_mem>> -> memref<!tpu.dma_semaphore, #tpu.memory_space<semaphore_mem>>
        %dma_start3A_927 = arith.constant 0 : i32
        %dma_start3A_928 = arith.constant 0 : i32
        %dma_start3A_929 = tpu.memref_slice %arg4[%dma_start3A_916, %dma_start3A_927, %dma_start3A_928] : memref<2x384x128xf32, #tpu.memory_space<vmem>> -> memref<1x384x128xf32, #tpu.memory_space<vmem>>
        %dma_start3A_930 = tpu.memref_squeeze %dma_start3A_929 : memref<1x384x128xf32, #tpu.memory_space<vmem>> -> memref<384x128xf32, #tpu.memory_space<vmem>>
        %dma_start3A_931 = arith.constant 0 : i32
        %dma_start3A_932 = tpu.memref_slice %arg2[%add3A, %dma_start3A_931, %mul3A_915] : memref<32x768x1024xf32, #tpu.memory_space<hbm>> -> memref<1x384x128xf32, #tpu.memory_space<hbm>>
        %dma_start3A_933 = tpu.memref_squeeze %dma_start3A_932 : memref<1x384x128xf32, #tpu.memory_space<hbm>> -> memref<384x128xf32, #tpu.memory_space<hbm>>
        tpu.enqueue_dma source(%dma_start3A_933 : memref<384x128xf32, #tpu.memory_space<hbm>>) target(%dma_start3A_930 : memref<384x128xf32, #tpu.memory_space<vmem>>) target_semaphore(%dma_start3A_926 : memref<!tpu.dma_semaphore, #tpu.memory_space<semaphore_mem>>)
      } else {
      }
      %broadcast_in_dim3A_507 = arith.constant 0xFF800000 : f32
      %broadcast_in_dim3A_508 = vector.broadcast %broadcast_in_dim3A_507 : f32 to vector<16xf32>
      %get3A = arith.constant 0 : i32
      %get3A_509 = arith.index_cast %get3A : i32 to index
      %get3A_510 = arith.constant 0 : index
      %get3A_511 = tpu.vector_load %arg6[%get3A_509, %get3A_510] {strides = array<i32>} : memref<8x128xf32, #tpu.memory_space<vmem>>, vector<1x16xf32>,
      %get3A_512 = vector.shape_cast %get3A_511 : vector<1x16xf32> to vector<16xf32>
      %get3A_513 = arith.constant 1 : i32
      %get3A_514 = arith.index_cast %get3A_513 : i32 to index
      %get3A_515 = arith.constant 0 : index
      %get3A_516 = tpu.vector_load %arg6[%get3A_514, %get3A_515] {strides = array<i32>} : memref<8x128xf32, #tpu.memory_space<vmem>>, vector<1x16xf32>,
      %get3A_517 = vector.shape_cast %get3A_516 : vector<1x16xf32> to vector<16xf32>
      %get3A_518 = arith.constant 2 : i32
      %get3A_519 = arith.index_cast %get3A_518 : i32 to index
      %get3A_520 = arith.constant 0 : index
      %get3A_521 = tpu.vector_load %arg6[%get3A_519, %get3A_520] {strides = array<i32>} : memref<8x128xf32, #tpu.memory_space<vmem>>, vector<1x16xf32>,
      %get3A_522 = vector.shape_cast %get3A_521 : vector<1x16xf32> to vector<16xf32>
      %get3A_523 = arith.constant 3 : i32
      %get3A_524 = arith.index_cast %get3A_523 : i32 to index
      %get3A_525 = arith.constant 0 : index
      %get3A_526 = tpu.vector_load %arg6[%get3A_524, %get3A_525] {strides = array<i32>} : memref<8x128xf32, #tpu.memory_space<vmem>>, vector<1x16xf32>,
      %get3A_527 = vector.shape_cast %get3A_526 : vector<1x16xf32> to vector<16xf32>
      %get3A_528 = arith.constant 4 : i32
      %get3A_529 = arith.index_cast %get3A_528 : i32 to index
      %get3A_530 = arith.constant 0 : index
      %get3A_531 = tpu.vector_load %arg6[%get3A_529, %get3A_530] {strides = array<i32>} : memref<8x128xf32, #tpu.memory_space<vmem>>, vector<1x16xf32>,
      %get3A_532 = vector.shape_cast %get3A_531 : vector<1x16xf32> to vector<16xf32>
      %get3A_533 = arith.constant 5 : i32
      %get3A_534 = arith.index_cast %get3A_533 : i32 to index
      %get3A_535 = arith.constant 0 : index
      %get3A_536 = tpu.vector_load %arg6[%get3A_534, %get3A_535] {strides = array<i32>} : memref<8x128xf32, #tpu.memory_space<vmem>>, vector<1x16xf32>,
      %get3A_537 = vector.shape_cast %get3A_536 : vector<1x16xf32> to vector<16xf32>
      %get3A_538 = arith.constant 6 : i32
      %get3A_539 = arith.index_cast %get3A_538 : i32 to index
      %get3A_540 = arith.constant 0 : index
      %get3A_541 = tpu.vector_load %arg6[%get3A_539, %get3A_540] {strides = array<i32>} : memref<8x128xf32, #tpu.memory_space<vmem>>, vector<1x16xf32>,
      %get3A_542 = vector.shape_cast %get3A_541 : vector<1x16xf32> to vector<16xf32>
      %get3A_543 = arith.constant 7 : i32
      %get3A_544 = arith.index_cast %get3A_543 : i32 to index
      %get3A_545 = arith.constant 0 : index
      %get3A_546 = tpu.vector_load %arg6[%get3A_544, %get3A_545] {strides = array<i32>} : memref<8x128xf32, #tpu.memory_space<vmem>>, vector<1x16xf32>,
      %get3A_547 = vector.shape_cast %get3A_546 : vector<1x16xf32> to vector<16xf32>
      %get3A_548 = arith.constant 0 : i32
      %get3A_549 = arith.index_cast %get3A_548 : i32 to index
      %get3A_550 = arith.constant 16 : index
      %get3A_551 = tpu.vector_load %arg6[%get3A_549, %get3A_550] {strides = array<i32>} : memref<8x128xf32, #tpu.memory_space<vmem>>, vector<1x16xf32>,
      %get3A_552 = vector.shape_cast %get3A_551 : vector<1x16xf32> to vector<16xf32>
      %get3A_553 = arith.constant 1 : i32
      %get3A_554 = arith.index_cast %get3A_553 : i32 to index
      %get3A_555 = arith.constant 16 : index
      %get3A_556 = tpu.vector_load %arg6[%get3A_554, %get3A_555] {strides = array<i32>} : memref<8x128xf32, #tpu.memory_space<vmem>>, vector<1x16xf32>,
      %get3A_557 = vector.shape_cast %get3A_556 : vector<1x16xf32> to vector<16xf32>
      %get3A_558 = arith.constant 2 : i32
      %get3A_559 = arith.index_cast %get3A_558 : i32 to index
      %get3A_560 = arith.constant 16 : index
      %get3A_561 = tpu.vector_load %arg6[%get3A_559, %get3A_560] {strides = array<i32>} : memref<8x128xf32, #tpu.memory_space<vmem>>, vector<1x16xf32>,
      %get3A_562 = vector.shape_cast %get3A_561 : vector<1x16xf32> to vector<16xf32>
      %get3A_563 = arith.constant 3 : i32
      %get3A_564 = arith.index_cast %get3A_563 : i32 to index
      %get3A_565 = arith.constant 16 : index
      %get3A_566 = tpu.vector_load %arg6[%get3A_564, %get3A_565] {strides = array<i32>} : memref<8x128xf32, #tpu.memory_space<vmem>>, vector<1x16xf32>,
      %get3A_567 = vector.shape_cast %get3A_566 : vector<1x16xf32> to vector<16xf32>
      %get3A_568 = arith.constant 4 : i32
      %get3A_569 = arith.index_cast %get3A_568 : i32 to index
      %get3A_570 = arith.constant 16 : index
      %get3A_571 = tpu.vector_load %arg6[%get3A_569, %get3A_570] {strides = array<i32>} : memref<8x128xf32, #tpu.memory_space<vmem>>, vector<1x16xf32>,
      %get3A_572 = vector.shape_cast %get3A_571 : vector<1x16xf32> to vector<16xf32>
      %get3A_573 = arith.constant 5 : i32
      %get3A_574 = arith.index_cast %get3A_573 : i32 to index
      %get3A_575 = arith.constant 16 : index
      %get3A_576 = tpu.vector_load %arg6[%get3A_574, %get3A_575] {strides = array<i32>} : memref<8x128xf32, #tpu.memory_space<vmem>>, vector<1x16xf32>,
      %get3A_577 = vector.shape_cast %get3A_576 : vector<1x16xf32> to vector<16xf32>
      %get3A_578 = arith.constant 6 : i32
      %get3A_579 = arith.index_cast %get3A_578 : i32 to index
      %get3A_580 = arith.constant 16 : index
      %get3A_581 = tpu.vector_load %arg6[%get3A_579, %get3A_580] {strides = array<i32>} : memref<8x128xf32, #tpu.memory_space<vmem>>, vector<1x16xf32>,
      %get3A_582 = vector.shape_cast %get3A_581 : vector<1x16xf32> to vector<16xf32>
      %get3A_583 = arith.constant 7 : i32
      %get3A_584 = arith.index_cast %get3A_583 : i32 to index
      %get3A_585 = arith.constant 16 : index
      %get3A_586 = tpu.vector_load %arg6[%get3A_584, %get3A_585] {strides = array<i32>} : memref<8x128xf32, #tpu.memory_space<vmem>>, vector<1x16xf32>,
      %get3A_587 = vector.shape_cast %get3A_586 : vector<1x16xf32> to vector<16xf32>
      %parallel_loop3A_588 = arith.constant 0 : i32
      %parallel_loop3A_589 = arith.constant 48 : i32
      %parallel_loop3A_590 = arith.constant 1 : i32
      %parallel_loop3A_591 = arith.constant 1 : i32
      %parallel_loop3A_592:16 = scf.for %parallel_loop3A_912 = %parallel_loop3A_588 to %parallel_loop3A_589 step %parallel_loop3A_590 iter_args(%parallel_loop3A_913 = %get3A_512, %parallel_loop3A_914 = %get3A_517, %parallel_loop3A_915 = %get3A_522, %parallel_loop3A_916 = %get3A_527, %parallel_loop3A_917 = %get3A_532, %parallel_loop3A_918 = %get3A_537, %parallel_loop3A_919 = %get3A_542, %parallel_loop3A_920 = %get3A_547, %parallel_loop3A_921 = %get3A_552, %parallel_loop3A_922 = %get3A_557, %parallel_loop3A_923 = %get3A_562, %parallel_loop3A_924 = %get3A_567, %parallel_loop3A_925 = %get3A_572, %parallel_loop3A_926 = %get3A_577, %parallel_loop3A_927 = %get3A_582, %parallel_loop3A_928 = %get3A_587) -> (vector<16xf32>, vector<16xf32>, vector<16xf32>, vector<16xf32>, vector<16xf32>, vector<16xf32>, vector<16xf32>, vector<16xf32>, vector<16xf32>, vector<16xf32>, vector<16xf32>, vector<16xf32>, vector<16xf32>, vector<16xf32>, vector<16xf32>, vector<16xf32>)  : i32 {
        %parallel_loop3A_929 = arith.constant 8 : i32
        %parallel_loop3A_930 = arith.muli %parallel_loop3A_912, %parallel_loop3A_929 : i32
        %parallel_loop3A_931 = arith.constant 0 : i32
        %parallel_loop3A_932 = arith.addi %parallel_loop3A_930, %parallel_loop3A_931 : i32
        %parallel_loop3A_933 = arith.constant 0 : i32
        %parallel_loop3A_934 = arith.constant 0 : i32
        %parallel_loop3A_935 = tpu.memref_slice %arg4[%parallel_loop3A_591, %parallel_loop3A_933, %parallel_loop3A_934] : memref<2x384x128xf32, #tpu.memory_space<vmem>> -> memref<1x384x128xf32, #tpu.memory_space<vmem>>
        %parallel_loop3A_936 = tpu.memref_squeeze %parallel_loop3A_935 : memref<1x384x128xf32, #tpu.memory_space<vmem>> -> memref<384x128xf32, #tpu.memory_space<vmem>>
        %parallel_loop3A_937 = arith.index_cast %parallel_loop3A_932 : i32 to index
        %parallel_loop3A_938 = arith.constant 0 : index
        %parallel_loop3A_939 = tpu.vector_load %parallel_loop3A_936[%parallel_loop3A_937, %parallel_loop3A_938] {strides = array<i32>} : memref<384x128xf32, #tpu.memory_space<vmem>>, vector<1x16xf32>,
        %parallel_loop3A_940 = vector.shape_cast %parallel_loop3A_939 : vector<1x16xf32> to vector<16xf32>
        %parallel_loop3A_941 = arith.constant 1 : i32
        %parallel_loop3A_942 = arith.addi %parallel_loop3A_930, %parallel_loop3A_941 : i32
        %parallel_loop3A_943 = arith.constant 0 : i32
        %parallel_loop3A_944 = arith.constant 0 : i32
        %parallel_loop3A_945 = tpu.memref_slice %arg4[%parallel_loop3A_591, %parallel_loop3A_943, %parallel_loop3A_944] : memref<2x384x128xf32, #tpu.memory_space<vmem>> -> memref<1x384x128xf32, #tpu.memory_space<vmem>>
        %parallel_loop3A_946 = tpu.memref_squeeze %parallel_loop3A_945 : memref<1x384x128xf32, #tpu.memory_space<vmem>> -> memref<384x128xf32, #tpu.memory_space<vmem>>
        %parallel_loop3A_947 = arith.index_cast %parallel_loop3A_942 : i32 to index
        %parallel_loop3A_948 = arith.constant 0 : index
        %parallel_loop3A_949 = tpu.vector_load %parallel_loop3A_946[%parallel_loop3A_947, %parallel_loop3A_948] {strides = array<i32>} : memref<384x128xf32, #tpu.memory_space<vmem>>, vector<1x16xf32>,
        %parallel_loop3A_950 = vector.shape_cast %parallel_loop3A_949 : vector<1x16xf32> to vector<16xf32>
        %parallel_loop3A_951 = arith.constant 2 : i32
        %parallel_loop3A_952 = arith.addi %parallel_loop3A_930, %parallel_loop3A_951 : i32
        %parallel_loop3A_953 = arith.constant 0 : i32
        %parallel_loop3A_954 = arith.constant 0 : i32
        %parallel_loop3A_955 = tpu.memref_slice %arg4[%parallel_loop3A_591, %parallel_loop3A_953, %parallel_loop3A_954] : memref<2x384x128xf32, #tpu.memory_space<vmem>> -> memref<1x384x128xf32, #tpu.memory_space<vmem>>
        %parallel_loop3A_956 = tpu.memref_squeeze %parallel_loop3A_955 : memref<1x384x128xf32, #tpu.memory_space<vmem>> -> memref<384x128xf32, #tpu.memory_space<vmem>>
        %parallel_loop3A_957 = arith.index_cast %parallel_loop3A_952 : i32 to index
        %parallel_loop3A_958 = arith.constant 0 : index
        %parallel_loop3A_959 = tpu.vector_load %parallel_loop3A_956[%parallel_loop3A_957, %parallel_loop3A_958] {strides = array<i32>} : memref<384x128xf32, #tpu.memory_space<vmem>>, vector<1x16xf32>,
        %parallel_loop3A_960 = vector.shape_cast %parallel_loop3A_959 : vector<1x16xf32> to vector<16xf32>
        %parallel_loop3A_961 = arith.constant 3 : i32
        %parallel_loop3A_962 = arith.addi %parallel_loop3A_930, %parallel_loop3A_961 : i32
        %parallel_loop3A_963 = arith.constant 0 : i32
        %parallel_loop3A_964 = arith.constant 0 : i32
        %parallel_loop3A_965 = tpu.memref_slice %arg4[%parallel_loop3A_591, %parallel_loop3A_963, %parallel_loop3A_964] : memref<2x384x128xf32, #tpu.memory_space<vmem>> -> memref<1x384x128xf32, #tpu.memory_space<vmem>>
        %parallel_loop3A_966 = tpu.memref_squeeze %parallel_loop3A_965 : memref<1x384x128xf32, #tpu.memory_space<vmem>> -> memref<384x128xf32, #tpu.memory_space<vmem>>
        %parallel_loop3A_967 = arith.index_cast %parallel_loop3A_962 : i32 to index
        %parallel_loop3A_968 = arith.constant 0 : index
        %parallel_loop3A_969 = tpu.vector_load %parallel_loop3A_966[%parallel_loop3A_967, %parallel_loop3A_968] {strides = array<i32>} : memref<384x128xf32, #tpu.memory_space<vmem>>, vector<1x16xf32>,
        %parallel_loop3A_970 = vector.shape_cast %parallel_loop3A_969 : vector<1x16xf32> to vector<16xf32>
        %parallel_loop3A_971 = arith.constant 4 : i32
        %parallel_loop3A_972 = arith.addi %parallel_loop3A_930, %parallel_loop3A_971 : i32
        %parallel_loop3A_973 = arith.constant 0 : i32
        %parallel_loop3A_974 = arith.constant 0 : i32
        %parallel_loop3A_975 = tpu.memref_slice %arg4[%parallel_loop3A_591, %parallel_loop3A_973, %parallel_loop3A_974] : memref<2x384x128xf32, #tpu.memory_space<vmem>> -> memref<1x384x128xf32, #tpu.memory_space<vmem>>
        %parallel_loop3A_976 = tpu.memref_squeeze %parallel_loop3A_975 : memref<1x384x128xf32, #tpu.memory_space<vmem>> -> memref<384x128xf32, #tpu.memory_space<vmem>>
        %parallel_loop3A_977 = arith.index_cast %parallel_loop3A_972 : i32 to index
        %parallel_loop3A_978 = arith.constant 0 : index
        %parallel_loop3A_979 = tpu.vector_load %parallel_loop3A_976[%parallel_loop3A_977, %parallel_loop3A_978] {strides = array<i32>} : memref<384x128xf32, #tpu.memory_space<vmem>>, vector<1x16xf32>,
        %parallel_loop3A_980 = vector.shape_cast %parallel_loop3A_979 : vector<1x16xf32> to vector<16xf32>
        %parallel_loop3A_981 = arith.constant 5 : i32
        %parallel_loop3A_982 = arith.addi %parallel_loop3A_930, %parallel_loop3A_981 : i32
        %parallel_loop3A_983 = arith.constant 0 : i32
        %parallel_loop3A_984 = arith.constant 0 : i32
        %parallel_loop3A_985 = tpu.memref_slice %arg4[%parallel_loop3A_591, %parallel_loop3A_983, %parallel_loop3A_984] : memref<2x384x128xf32, #tpu.memory_space<vmem>> -> memref<1x384x128xf32, #tpu.memory_space<vmem>>
        %parallel_loop3A_986 = tpu.memref_squeeze %parallel_loop3A_985 : memref<1x384x128xf32, #tpu.memory_space<vmem>> -> memref<384x128xf32, #tpu.memory_space<vmem>>
        %parallel_loop3A_987 = arith.index_cast %parallel_loop3A_982 : i32 to index
        %parallel_loop3A_988 = arith.constant 0 : index
        %parallel_loop3A_989 = tpu.vector_load %parallel_loop3A_986[%parallel_loop3A_987, %parallel_loop3A_988] {strides = array<i32>} : memref<384x128xf32, #tpu.memory_space<vmem>>, vector<1x16xf32>,
        %parallel_loop3A_990 = vector.shape_cast %parallel_loop3A_989 : vector<1x16xf32> to vector<16xf32>
        %parallel_loop3A_991 = arith.constant 6 : i32
        %parallel_loop3A_992 = arith.addi %parallel_loop3A_930, %parallel_loop3A_991 : i32
        %parallel_loop3A_993 = arith.constant 0 : i32
        %parallel_loop3A_994 = arith.constant 0 : i32
        %parallel_loop3A_995 = tpu.memref_slice %arg4[%parallel_loop3A_591, %parallel_loop3A_993, %parallel_loop3A_994] : memref<2x384x128xf32, #tpu.memory_space<vmem>> -> memref<1x384x128xf32, #tpu.memory_space<vmem>>
        %parallel_loop3A_996 = tpu.memref_squeeze %parallel_loop3A_995 : memref<1x384x128xf32, #tpu.memory_space<vmem>> -> memref<384x128xf32, #tpu.memory_space<vmem>>
        %parallel_loop3A_997 = arith.index_cast %parallel_loop3A_992 : i32 to index
        %parallel_loop3A_998 = arith.constant 0 : index
        %parallel_loop3A_999 = tpu.vector_load %parallel_loop3A_996[%parallel_loop3A_997, %parallel_loop3A_998] {strides = array<i32>} : memref<384x128xf32, #tpu.memory_space<vmem>>, vector<1x16xf32>,
        %parallel_loop3A_1000 = vector.shape_cast %parallel_loop3A_999 : vector<1x16xf32> to vector<16xf32>
        %parallel_loop3A_1001 = arith.constant 7 : i32
        %parallel_loop3A_1002 = arith.addi %parallel_loop3A_930, %parallel_loop3A_1001 : i32
        %parallel_loop3A_1003 = arith.constant 0 : i32
        %parallel_loop3A_1004 = arith.constant 0 : i32
        %parallel_loop3A_1005 = tpu.memref_slice %arg4[%parallel_loop3A_591, %parallel_loop3A_1003, %parallel_loop3A_1004] : memref<2x384x128xf32, #tpu.memory_space<vmem>> -> memref<1x384x128xf32, #tpu.memory_space<vmem>>
        %parallel_loop3A_1006 = tpu.memref_squeeze %parallel_loop3A_1005 : memref<1x384x128xf32, #tpu.memory_space<vmem>> -> memref<384x128xf32, #tpu.memory_space<vmem>>
        %parallel_loop3A_1007 = arith.index_cast %parallel_loop3A_1002 : i32 to index
        %parallel_loop3A_1008 = arith.constant 0 : index
        %parallel_loop3A_1009 = tpu.vector_load %parallel_loop3A_1006[%parallel_loop3A_1007, %parallel_loop3A_1008] {strides = array<i32>} : memref<384x128xf32, #tpu.memory_space<vmem>>, vector<1x16xf32>,
        %parallel_loop3A_1010 = vector.shape_cast %parallel_loop3A_1009 : vector<1x16xf32> to vector<16xf32>
        %parallel_loop3A_1011 = arith.maximumf %parallel_loop3A_940, %parallel_loop3A_950 : vector<16xf32>
        %parallel_loop3A_1012 = arith.minimumf %parallel_loop3A_940, %parallel_loop3A_950 : vector<16xf32>
        %parallel_loop3A_1013 = arith.maximumf %parallel_loop3A_960, %parallel_loop3A_970 : vector<16xf32>
        %parallel_loop3A_1014 = arith.minimumf %parallel_loop3A_960, %parallel_loop3A_970 : vector<16xf32>
        %parallel_loop3A_1015 = arith.maximumf %parallel_loop3A_980, %parallel_loop3A_990 : vector<16xf32>
        %parallel_loop3A_1016 = arith.minimumf %parallel_loop3A_980, %parallel_loop3A_990 : vector<16xf32>
        %parallel_loop3A_1017 = arith.maximumf %parallel_loop3A_1000, %parallel_loop3A_1010 : vector<16xf32>
        %parallel_loop3A_1018 = arith.minimumf %parallel_loop3A_1000, %parallel_loop3A_1010 : vector<16xf32>
        %parallel_loop3A_1019 = arith.maximumf %parallel_loop3A_1011, %parallel_loop3A_1013 : vector<16xf32>
        %parallel_loop3A_1020 = arith.minimumf %parallel_loop3A_1011, %parallel_loop3A_1013 : vector<16xf32>
        %parallel_loop3A_1021 = arith.maximumf %parallel_loop3A_1012, %parallel_loop3A_1014 : vector<16xf32>
        %parallel_loop3A_1022 = arith.minimumf %parallel_loop3A_1012, %parallel_loop3A_1014 : vector<16xf32>
        %parallel_loop3A_1023 = arith.maximumf %parallel_loop3A_1015, %parallel_loop3A_1017 : vector<16xf32>
        %parallel_loop3A_1024 = arith.minimumf %parallel_loop3A_1015, %parallel_loop3A_1017 : vector<16xf32>
        %parallel_loop3A_1025 = arith.maximumf %parallel_loop3A_1016, %parallel_loop3A_1018 : vector<16xf32>
        %parallel_loop3A_1026 = arith.minimumf %parallel_loop3A_1016, %parallel_loop3A_1018 : vector<16xf32>
        %parallel_loop3A_1027 = arith.maximumf %parallel_loop3A_1021, %parallel_loop3A_1020 : vector<16xf32>
        %parallel_loop3A_1028 = arith.minimumf %parallel_loop3A_1021, %parallel_loop3A_1020 : vector<16xf32>
        %parallel_loop3A_1029 = arith.maximumf %parallel_loop3A_1025, %parallel_loop3A_1024 : vector<16xf32>
        %parallel_loop3A_1030 = arith.minimumf %parallel_loop3A_1025, %parallel_loop3A_1024 : vector<16xf32>
        %parallel_loop3A_1031 = arith.maximumf %parallel_loop3A_1019, %parallel_loop3A_1023 : vector<16xf32>
        %parallel_loop3A_1032 = arith.minimumf %parallel_loop3A_1019, %parallel_loop3A_1023 : vector<16xf32>
        %parallel_loop3A_1033 = arith.maximumf %parallel_loop3A_1027, %parallel_loop3A_1029 : vector<16xf32>
        %parallel_loop3A_1034 = arith.minimumf %parallel_loop3A_1027, %parallel_loop3A_1029 : vector<16xf32>
        %parallel_loop3A_1035 = arith.maximumf %parallel_loop3A_1028, %parallel_loop3A_1030 : vector<16xf32>
        %parallel_loop3A_1036 = arith.minimumf %parallel_loop3A_1028, %parallel_loop3A_1030 : vector<16xf32>
        %parallel_loop3A_1037 = arith.maximumf %parallel_loop3A_1022, %parallel_loop3A_1026 : vector<16xf32>
        %parallel_loop3A_1038 = arith.minimumf %parallel_loop3A_1022, %parallel_loop3A_1026 : vector<16xf32>
        %parallel_loop3A_1039 = arith.maximumf %parallel_loop3A_1035, %parallel_loop3A_1032 : vector<16xf32>
        %parallel_loop3A_1040 = arith.minimumf %parallel_loop3A_1035, %parallel_loop3A_1032 : vector<16xf32>
        %parallel_loop3A_1041 = arith.maximumf %parallel_loop3A_1037, %parallel_loop3A_1034 : vector<16xf32>
        %parallel_loop3A_1042 = arith.minimumf %parallel_loop3A_1037, %parallel_loop3A_1034 : vector<16xf32>
        %parallel_loop3A_1043 = arith.maximumf %parallel_loop3A_1033, %parallel_loop3A_1039 : vector<16xf32>
        %parallel_loop3A_1044 = arith.minimumf %parallel_loop3A_1033, %parallel_loop3A_1039 : vector<16xf32>
        %parallel_loop3A_1045 = arith.maximumf %parallel_loop3A_1041, %parallel_loop3A_1040 : vector<16xf32>
        %parallel_loop3A_1046 = arith.minimumf %parallel_loop3A_1041, %parallel_loop3A_1040 : vector<16xf32>
        %parallel_loop3A_1047 = arith.maximumf %parallel_loop3A_1042, %parallel_loop3A_1036 : vector<16xf32>
        %parallel_loop3A_1048 = arith.minimumf %parallel_loop3A_1042, %parallel_loop3A_1036 : vector<16xf32>
        %parallel_loop3A_1049 = arith.maximumf %parallel_loop3A_913, %parallel_loop3A_1038 : vector<16xf32>
        %parallel_loop3A_1050 = arith.maximumf %parallel_loop3A_914, %parallel_loop3A_1048 : vector<16xf32>
        %parallel_loop3A_1051 = arith.maximumf %parallel_loop3A_915, %parallel_loop3A_1047 : vector<16xf32>
        %parallel_loop3A_1052 = arith.maximumf %parallel_loop3A_916, %parallel_loop3A_1046 : vector<16xf32>
        %parallel_loop3A_1053 = arith.maximumf %parallel_loop3A_917, %parallel_loop3A_1045 : vector<16xf32>
        %parallel_loop3A_1054 = arith.maximumf %parallel_loop3A_918, %parallel_loop3A_1044 : vector<16xf32>
        %parallel_loop3A_1055 = arith.maximumf %parallel_loop3A_919, %parallel_loop3A_1043 : vector<16xf32>
        %parallel_loop3A_1056 = arith.maximumf %parallel_loop3A_920, %parallel_loop3A_1031 : vector<16xf32>
        %parallel_loop3A_1057 = arith.maximumf %parallel_loop3A_1049, %parallel_loop3A_1053 : vector<16xf32>
        %parallel_loop3A_1058 = arith.minimumf %parallel_loop3A_1049, %parallel_loop3A_1053 : vector<16xf32>
        %parallel_loop3A_1059 = arith.maximumf %parallel_loop3A_1050, %parallel_loop3A_1054 : vector<16xf32>
        %parallel_loop3A_1060 = arith.minimumf %parallel_loop3A_1050, %parallel_loop3A_1054 : vector<16xf32>
        %parallel_loop3A_1061 = arith.maximumf %parallel_loop3A_1051, %parallel_loop3A_1055 : vector<16xf32>
        %parallel_loop3A_1062 = arith.minimumf %parallel_loop3A_1051, %parallel_loop3A_1055 : vector<16xf32>
        %parallel_loop3A_1063 = arith.maximumf %parallel_loop3A_1052, %parallel_loop3A_1056 : vector<16xf32>
        %parallel_loop3A_1064 = arith.minimumf %parallel_loop3A_1052, %parallel_loop3A_1056 : vector<16xf32>
        %parallel_loop3A_1065 = arith.maximumf %parallel_loop3A_1057, %parallel_loop3A_1061 : vector<16xf32>
        %parallel_loop3A_1066 = arith.minimumf %parallel_loop3A_1057, %parallel_loop3A_1061 : vector<16xf32>
        %parallel_loop3A_1067 = arith.maximumf %parallel_loop3A_1059, %parallel_loop3A_1063 : vector<16xf32>
        %parallel_loop3A_1068 = arith.minimumf %parallel_loop3A_1059, %parallel_loop3A_1063 : vector<16xf32>
        %parallel_loop3A_1069 = arith.maximumf %parallel_loop3A_1058, %parallel_loop3A_1062 : vector<16xf32>
        %parallel_loop3A_1070 = arith.minimumf %parallel_loop3A_1058, %parallel_loop3A_1062 : vector<16xf32>
        %parallel_loop3A_1071 = arith.maximumf %parallel_loop3A_1060, %parallel_loop3A_1064 : vector<16xf32>
        %parallel_loop3A_1072 = arith.minimumf %parallel_loop3A_1060, %parallel_loop3A_1064 : vector<16xf32>
        %parallel_loop3A_1073 = arith.maximumf %parallel_loop3A_1065, %parallel_loop3A_1067 : vector<16xf32>
        %parallel_loop3A_1074 = arith.minimumf %parallel_loop3A_1065, %parallel_loop3A_1067 : vector<16xf32>
        %parallel_loop3A_1075 = arith.maximumf %parallel_loop3A_1066, %parallel_loop3A_1068 : vector<16xf32>
        %parallel_loop3A_1076 = arith.minimumf %parallel_loop3A_1066, %parallel_loop3A_1068 : vector<16xf32>
        %parallel_loop3A_1077 = arith.maximumf %parallel_loop3A_1069, %parallel_loop3A_1071 : vector<16xf32>
        %parallel_loop3A_1078 = arith.minimumf %parallel_loop3A_1069, %parallel_loop3A_1071 : vector<16xf32>
        %parallel_loop3A_1079 = arith.maximumf %parallel_loop3A_1070, %parallel_loop3A_1072 : vector<16xf32>
        %parallel_loop3A_1080 = arith.minimumf %parallel_loop3A_1070, %parallel_loop3A_1072 : vector<16xf32>
        %parallel_loop3A_1081 = arith.constant 0 : i32
        %parallel_loop3A_1082 = arith.addi %parallel_loop3A_930, %parallel_loop3A_1081 : i32
        %parallel_loop3A_1083 = arith.constant 0 : i32
        %parallel_loop3A_1084 = arith.constant 0 : i32
        %parallel_loop3A_1085 = tpu.memref_slice %arg4[%parallel_loop3A_591, %parallel_loop3A_1083, %parallel_loop3A_1084] : memref<2x384x128xf32, #tpu.memory_space<vmem>> -> memref<1x384x128xf32, #tpu.memory_space<vmem>>
        %parallel_loop3A_1086 = tpu.memref_squeeze %parallel_loop3A_1085 : memref<1x384x128xf32, #tpu.memory_space<vmem>> -> memref<384x128xf32, #tpu.memory_space<vmem>>
        %parallel_loop3A_1087 = arith.index_cast %parallel_loop3A_1082 : i32 to index
        %parallel_loop3A_1088 = arith.constant 16 : index
        %parallel_loop3A_1089 = tpu.vector_load %parallel_loop3A_1086[%parallel_loop3A_1087, %parallel_loop3A_1088] {strides = array<i32>} : memref<384x128xf32, #tpu.memory_space<vmem>>, vector<1x16xf32>,
        %parallel_loop3A_1090 = vector.shape_cast %parallel_loop3A_1089 : vector<1x16xf32> to vector<16xf32>
        %parallel_loop3A_1091 = arith.constant 1 : i32
        %parallel_loop3A_1092 = arith.addi %parallel_loop3A_930, %parallel_loop3A_1091 : i32
        %parallel_loop3A_1093 = arith.constant 0 : i32
        %parallel_loop3A_1094 = arith.constant 0 : i32
        %parallel_loop3A_1095 = tpu.memref_slice %arg4[%parallel_loop3A_591, %parallel_loop3A_1093, %parallel_loop3A_1094] : memref<2x384x128xf32, #tpu.memory_space<vmem>> -> memref<1x384x128xf32, #tpu.memory_space<vmem>>
        %parallel_loop3A_1096 = tpu.memref_squeeze %parallel_loop3A_1095 : memref<1x384x128xf32, #tpu.memory_space<vmem>> -> memref<384x128xf32, #tpu.memory_space<vmem>>
        %parallel_loop3A_1097 = arith.index_cast %parallel_loop3A_1092 : i32 to index
        %parallel_loop3A_1098 = arith.constant 16 : index
        %parallel_loop3A_1099 = tpu.vector_load %parallel_loop3A_1096[%parallel_loop3A_1097, %parallel_loop3A_1098] {strides = array<i32>} : memref<384x128xf32, #tpu.memory_space<vmem>>, vector<1x16xf32>,
        %parallel_loop3A_1100 = vector.shape_cast %parallel_loop3A_1099 : vector<1x16xf32> to vector<16xf32>
        %parallel_loop3A_1101 = arith.constant 2 : i32
        %parallel_loop3A_1102 = arith.addi %parallel_loop3A_930, %parallel_loop3A_1101 : i32
        %parallel_loop3A_1103 = arith.constant 0 : i32
        %parallel_loop3A_1104 = arith.constant 0 : i32
        %parallel_loop3A_1105 = tpu.memref_slice %arg4[%parallel_loop3A_591, %parallel_loop3A_1103, %parallel_loop3A_1104] : memref<2x384x128xf32, #tpu.memory_space<vmem>> -> memref<1x384x128xf32, #tpu.memory_space<vmem>>
        %parallel_loop3A_1106 = tpu.memref_squeeze %parallel_loop3A_1105 : memref<1x384x128xf32, #tpu.memory_space<vmem>> -> memref<384x128xf32, #tpu.memory_space<vmem>>
        %parallel_loop3A_1107 = arith.index_cast %parallel_loop3A_1102 : i32 to index
        %parallel_loop3A_1108 = arith.constant 16 : index
        %parallel_loop3A_1109 = tpu.vector_load %parallel_loop3A_1106[%parallel_loop3A_1107, %parallel_loop3A_1108] {strides = array<i32>} : memref<384x128xf32, #tpu.memory_space<vmem>>, vector<1x16xf32>,
        %parallel_loop3A_1110 = vector.shape_cast %parallel_loop3A_1109 : vector<1x16xf32> to vector<16xf32>
        %parallel_loop3A_1111 = arith.constant 3 : i32
        %parallel_loop3A_1112 = arith.addi %parallel_loop3A_930, %parallel_loop3A_1111 : i32
        %parallel_loop3A_1113 = arith.constant 0 : i32
        %parallel_loop3A_1114 = arith.constant 0 : i32
        %parallel_loop3A_1115 = tpu.memref_slice %arg4[%parallel_loop3A_591, %parallel_loop3A_1113, %parallel_loop3A_1114] : memref<2x384x128xf32, #tpu.memory_space<vmem>> -> memref<1x384x128xf32, #tpu.memory_space<vmem>>
        %parallel_loop3A_1116 = tpu.memref_squeeze %parallel_loop3A_1115 : memref<1x384x128xf32, #tpu.memory_space<vmem>> -> memref<384x128xf32, #tpu.memory_space<vmem>>
        %parallel_loop3A_1117 = arith.index_cast %parallel_loop3A_1112 : i32 to index
        %parallel_loop3A_1118 = arith.constant 16 : index
        %parallel_loop3A_1119 = tpu.vector_load %parallel_loop3A_1116[%parallel_loop3A_1117, %parallel_loop3A_1118] {strides = array<i32>} : memref<384x128xf32, #tpu.memory_space<vmem>>, vector<1x16xf32>,
        %parallel_loop3A_1120 = vector.shape_cast %parallel_loop3A_1119 : vector<1x16xf32> to vector<16xf32>
        %parallel_loop3A_1121 = arith.constant 4 : i32
        %parallel_loop3A_1122 = arith.addi %parallel_loop3A_930, %parallel_loop3A_1121 : i32
        %parallel_loop3A_1123 = arith.constant 0 : i32
        %parallel_loop3A_1124 = arith.constant 0 : i32
        %parallel_loop3A_1125 = tpu.memref_slice %arg4[%parallel_loop3A_591, %parallel_loop3A_1123, %parallel_loop3A_1124] : memref<2x384x128xf32, #tpu.memory_space<vmem>> -> memref<1x384x128xf32, #tpu.memory_space<vmem>>
        %parallel_loop3A_1126 = tpu.memref_squeeze %parallel_loop3A_1125 : memref<1x384x128xf32, #tpu.memory_space<vmem>> -> memref<384x128xf32, #tpu.memory_space<vmem>>
        %parallel_loop3A_1127 = arith.index_cast %parallel_loop3A_1122 : i32 to index
        %parallel_loop3A_1128 = arith.constant 16 : index
        %parallel_loop3A_1129 = tpu.vector_load %parallel_loop3A_1126[%parallel_loop3A_1127, %parallel_loop3A_1128] {strides = array<i32>} : memref<384x128xf32, #tpu.memory_space<vmem>>, vector<1x16xf32>,
        %parallel_loop3A_1130 = vector.shape_cast %parallel_loop3A_1129 : vector<1x16xf32> to vector<16xf32>
        %parallel_loop3A_1131 = arith.constant 5 : i32
        %parallel_loop3A_1132 = arith.addi %parallel_loop3A_930, %parallel_loop3A_1131 : i32
        %parallel_loop3A_1133 = arith.constant 0 : i32
        %parallel_loop3A_1134 = arith.constant 0 : i32
        %parallel_loop3A_1135 = tpu.memref_slice %arg4[%parallel_loop3A_591, %parallel_loop3A_1133, %parallel_loop3A_1134] : memref<2x384x128xf32, #tpu.memory_space<vmem>> -> memref<1x384x128xf32, #tpu.memory_space<vmem>>
        %parallel_loop3A_1136 = tpu.memref_squeeze %parallel_loop3A_1135 : memref<1x384x128xf32, #tpu.memory_space<vmem>> -> memref<384x128xf32, #tpu.memory_space<vmem>>
        %parallel_loop3A_1137 = arith.index_cast %parallel_loop3A_1132 : i32 to index
        %parallel_loop3A_1138 = arith.constant 16 : index
        %parallel_loop3A_1139 = tpu.vector_load %parallel_loop3A_1136[%parallel_loop3A_1137, %parallel_loop3A_1138] {strides = array<i32>} : memref<384x128xf32, #tpu.memory_space<vmem>>, vector<1x16xf32>,
        %parallel_loop3A_1140 = vector.shape_cast %parallel_loop3A_1139 : vector<1x16xf32> to vector<16xf32>
        %parallel_loop3A_1141 = arith.constant 6 : i32
        %parallel_loop3A_1142 = arith.addi %parallel_loop3A_930, %parallel_loop3A_1141 : i32
        %parallel_loop3A_1143 = arith.constant 0 : i32
        %parallel_loop3A_1144 = arith.constant 0 : i32
        %parallel_loop3A_1145 = tpu.memref_slice %arg4[%parallel_loop3A_591, %parallel_loop3A_1143, %parallel_loop3A_1144] : memref<2x384x128xf32, #tpu.memory_space<vmem>> -> memref<1x384x128xf32, #tpu.memory_space<vmem>>
        %parallel_loop3A_1146 = tpu.memref_squeeze %parallel_loop3A_1145 : memref<1x384x128xf32, #tpu.memory_space<vmem>> -> memref<384x128xf32, #tpu.memory_space<vmem>>
        %parallel_loop3A_1147 = arith.index_cast %parallel_loop3A_1142 : i32 to index
        %parallel_loop3A_1148 = arith.constant 16 : index
        %parallel_loop3A_1149 = tpu.vector_load %parallel_loop3A_1146[%parallel_loop3A_1147, %parallel_loop3A_1148] {strides = array<i32>} : memref<384x128xf32, #tpu.memory_space<vmem>>, vector<1x16xf32>,
        %parallel_loop3A_1150 = vector.shape_cast %parallel_loop3A_1149 : vector<1x16xf32> to vector<16xf32>
        %parallel_loop3A_1151 = arith.constant 7 : i32
        %parallel_loop3A_1152 = arith.addi %parallel_loop3A_930, %parallel_loop3A_1151 : i32
        %parallel_loop3A_1153 = arith.constant 0 : i32
        %parallel_loop3A_1154 = arith.constant 0 : i32
        %parallel_loop3A_1155 = tpu.memref_slice %arg4[%parallel_loop3A_591, %parallel_loop3A_1153, %parallel_loop3A_1154] : memref<2x384x128xf32, #tpu.memory_space<vmem>> -> memref<1x384x128xf32, #tpu.memory_space<vmem>>
        %parallel_loop3A_1156 = tpu.memref_squeeze %parallel_loop3A_1155 : memref<1x384x128xf32, #tpu.memory_space<vmem>> -> memref<384x128xf32, #tpu.memory_space<vmem>>
        %parallel_loop3A_1157 = arith.index_cast %parallel_loop3A_1152 : i32 to index
        %parallel_loop3A_1158 = arith.constant 16 : index
        %parallel_loop3A_1159 = tpu.vector_load %parallel_loop3A_1156[%parallel_loop3A_1157, %parallel_loop3A_1158] {strides = array<i32>} : memref<384x128xf32, #tpu.memory_space<vmem>>, vector<1x16xf32>,
        %parallel_loop3A_1160 = vector.shape_cast %parallel_loop3A_1159 : vector<1x16xf32> to vector<16xf32>
        %parallel_loop3A_1161 = arith.maximumf %parallel_loop3A_1090, %parallel_loop3A_1100 : vector<16xf32>
        %parallel_loop3A_1162 = arith.minimumf %parallel_loop3A_1090, %parallel_loop3A_1100 : vector<16xf32>
        %parallel_loop3A_1163 = arith.maximumf %parallel_loop3A_1110, %parallel_loop3A_1120 : vector<16xf32>
        %parallel_loop3A_1164 = arith.minimumf %parallel_loop3A_1110, %parallel_loop3A_1120 : vector<16xf32>
        %parallel_loop3A_1165 = arith.maximumf %parallel_loop3A_1130, %parallel_loop3A_1140 : vector<16xf32>
        %parallel_loop3A_1166 = arith.minimumf %parallel_loop3A_1130, %parallel_loop3A_1140 : vector<16xf32>
        %parallel_loop3A_1167 = arith.maximumf %parallel_loop3A_1150, %parallel_loop3A_1160 : vector<16xf32>
        %parallel_loop3A_1168 = arith.minimumf %parallel_loop3A_1150, %parallel_loop3A_1160 : vector<16xf32>
        %parallel_loop3A_1169 = arith.maximumf %parallel_loop3A_1161, %parallel_loop3A_1163 : vector<16xf32>
        %parallel_loop3A_1170 = arith.minimumf %parallel_loop3A_1161, %parallel_loop3A_1163 : vector<16xf32>
        %parallel_loop3A_1171 = arith.maximumf %parallel_loop3A_1162, %parallel_loop3A_1164 : vector<16xf32>
        %parallel_loop3A_1172 = arith.minimumf %parallel_loop3A_1162, %parallel_loop3A_1164 : vector<16xf32>
        %parallel_loop3A_1173 = arith.maximumf %parallel_loop3A_1165, %parallel_loop3A_1167 : vector<16xf32>
        %parallel_loop3A_1174 = arith.minimumf %parallel_loop3A_1165, %parallel_loop3A_1167 : vector<16xf32>
        %parallel_loop3A_1175 = arith.maximumf %parallel_loop3A_1166, %parallel_loop3A_1168 : vector<16xf32>
        %parallel_loop3A_1176 = arith.minimumf %parallel_loop3A_1166, %parallel_loop3A_1168 : vector<16xf32>
        %parallel_loop3A_1177 = arith.maximumf %parallel_loop3A_1171, %parallel_loop3A_1170 : vector<16xf32>
        %parallel_loop3A_1178 = arith.minimumf %parallel_loop3A_1171, %parallel_loop3A_1170 : vector<16xf32>
        %parallel_loop3A_1179 = arith.maximumf %parallel_loop3A_1175, %parallel_loop3A_1174 : vector<16xf32>
        %parallel_loop3A_1180 = arith.minimumf %parallel_loop3A_1175, %parallel_loop3A_1174 : vector<16xf32>
        %parallel_loop3A_1181 = arith.maximumf %parallel_loop3A_1169, %parallel_loop3A_1173 : vector<16xf32>
        %parallel_loop3A_1182 = arith.minimumf %parallel_loop3A_1169, %parallel_loop3A_1173 : vector<16xf32>
        %parallel_loop3A_1183 = arith.maximumf %parallel_loop3A_1177, %parallel_loop3A_1179 : vector<16xf32>
        %parallel_loop3A_1184 = arith.minimumf %parallel_loop3A_1177, %parallel_loop3A_1179 : vector<16xf32>
        %parallel_loop3A_1185 = arith.maximumf %parallel_loop3A_1178, %parallel_loop3A_1180 : vector<16xf32>
        %parallel_loop3A_1186 = arith.minimumf %parallel_loop3A_1178, %parallel_loop3A_1180 : vector<16xf32>
        %parallel_loop3A_1187 = arith.maximumf %parallel_loop3A_1172, %parallel_loop3A_1176 : vector<16xf32>
        %parallel_loop3A_1188 = arith.minimumf %parallel_loop3A_1172, %parallel_loop3A_1176 : vector<16xf32>
        %parallel_loop3A_1189 = arith.maximumf %parallel_loop3A_1185, %parallel_loop3A_1182 : vector<16xf32>
        %parallel_loop3A_1190 = arith.minimumf %parallel_loop3A_1185, %parallel_loop3A_1182 : vector<16xf32>
        %parallel_loop3A_1191 = arith.maximumf %parallel_loop3A_1187, %parallel_loop3A_1184 : vector<16xf32>
        %parallel_loop3A_1192 = arith.minimumf %parallel_loop3A_1187, %parallel_loop3A_1184 : vector<16xf32>
        %parallel_loop3A_1193 = arith.maximumf %parallel_loop3A_1183, %parallel_loop3A_1189 : vector<16xf32>
        %parallel_loop3A_1194 = arith.minimumf %parallel_loop3A_1183, %parallel_loop3A_1189 : vector<16xf32>
        %parallel_loop3A_1195 = arith.maximumf %parallel_loop3A_1191, %parallel_loop3A_1190 : vector<16xf32>
        %parallel_loop3A_1196 = arith.minimumf %parallel_loop3A_1191, %parallel_loop3A_1190 : vector<16xf32>
        %parallel_loop3A_1197 = arith.maximumf %parallel_loop3A_1192, %parallel_loop3A_1186 : vector<16xf32>
        %parallel_loop3A_1198 = arith.minimumf %parallel_loop3A_1192, %parallel_loop3A_1186 : vector<16xf32>
        %parallel_loop3A_1199 = arith.maximumf %parallel_loop3A_921, %parallel_loop3A_1188 : vector<16xf32>
        %parallel_loop3A_1200 = arith.maximumf %parallel_loop3A_922, %parallel_loop3A_1198 : vector<16xf32>
        %parallel_loop3A_1201 = arith.maximumf %parallel_loop3A_923, %parallel_loop3A_1197 : vector<16xf32>
        %parallel_loop3A_1202 = arith.maximumf %parallel_loop3A_924, %parallel_loop3A_1196 : vector<16xf32>
        %parallel_loop3A_1203 = arith.maximumf %parallel_loop3A_925, %parallel_loop3A_1195 : vector<16xf32>
        %parallel_loop3A_1204 = arith.maximumf %parallel_loop3A_926, %parallel_loop3A_1194 : vector<16xf32>
        %parallel_loop3A_1205 = arith.maximumf %parallel_loop3A_927, %parallel_loop3A_1193 : vector<16xf32>
        %parallel_loop3A_1206 = arith.maximumf %parallel_loop3A_928, %parallel_loop3A_1181 : vector<16xf32>
        %parallel_loop3A_1207 = arith.maximumf %parallel_loop3A_1199, %parallel_loop3A_1203 : vector<16xf32>
        %parallel_loop3A_1208 = arith.minimumf %parallel_loop3A_1199, %parallel_loop3A_1203 : vector<16xf32>
        %parallel_loop3A_1209 = arith.maximumf %parallel_loop3A_1200, %parallel_loop3A_1204 : vector<16xf32>
        %parallel_loop3A_1210 = arith.minimumf %parallel_loop3A_1200, %parallel_loop3A_1204 : vector<16xf32>
        %parallel_loop3A_1211 = arith.maximumf %parallel_loop3A_1201, %parallel_loop3A_1205 : vector<16xf32>
        %parallel_loop3A_1212 = arith.minimumf %parallel_loop3A_1201, %parallel_loop3A_1205 : vector<16xf32>
        %parallel_loop3A_1213 = arith.maximumf %parallel_loop3A_1202, %parallel_loop3A_1206 : vector<16xf32>
        %parallel_loop3A_1214 = arith.minimumf %parallel_loop3A_1202, %parallel_loop3A_1206 : vector<16xf32>
        %parallel_loop3A_1215 = arith.maximumf %parallel_loop3A_1207, %parallel_loop3A_1211 : vector<16xf32>
        %parallel_loop3A_1216 = arith.minimumf %parallel_loop3A_1207, %parallel_loop3A_1211 : vector<16xf32>
        %parallel_loop3A_1217 = arith.maximumf %parallel_loop3A_1209, %parallel_loop3A_1213 : vector<16xf32>
        %parallel_loop3A_1218 = arith.minimumf %parallel_loop3A_1209, %parallel_loop3A_1213 : vector<16xf32>
        %parallel_loop3A_1219 = arith.maximumf %parallel_loop3A_1208, %parallel_loop3A_1212 : vector<16xf32>
        %parallel_loop3A_1220 = arith.minimumf %parallel_loop3A_1208, %parallel_loop3A_1212 : vector<16xf32>
        %parallel_loop3A_1221 = arith.maximumf %parallel_loop3A_1210, %parallel_loop3A_1214 : vector<16xf32>
        %parallel_loop3A_1222 = arith.minimumf %parallel_loop3A_1210, %parallel_loop3A_1214 : vector<16xf32>
        %parallel_loop3A_1223 = arith.maximumf %parallel_loop3A_1215, %parallel_loop3A_1217 : vector<16xf32>
        %parallel_loop3A_1224 = arith.minimumf %parallel_loop3A_1215, %parallel_loop3A_1217 : vector<16xf32>
        %parallel_loop3A_1225 = arith.maximumf %parallel_loop3A_1216, %parallel_loop3A_1218 : vector<16xf32>
        %parallel_loop3A_1226 = arith.minimumf %parallel_loop3A_1216, %parallel_loop3A_1218 : vector<16xf32>
        %parallel_loop3A_1227 = arith.maximumf %parallel_loop3A_1219, %parallel_loop3A_1221 : vector<16xf32>
        %parallel_loop3A_1228 = arith.minimumf %parallel_loop3A_1219, %parallel_loop3A_1221 : vector<16xf32>
        %parallel_loop3A_1229 = arith.maximumf %parallel_loop3A_1220, %parallel_loop3A_1222 : vector<16xf32>
        %parallel_loop3A_1230 = arith.minimumf %parallel_loop3A_1220, %parallel_loop3A_1222 : vector<16xf32>
        scf.yield %parallel_loop3A_1073, %parallel_loop3A_1074, %parallel_loop3A_1075, %parallel_loop3A_1076, %parallel_loop3A_1077, %parallel_loop3A_1078, %parallel_loop3A_1079, %parallel_loop3A_1080, %parallel_loop3A_1223, %parallel_loop3A_1224, %parallel_loop3A_1225, %parallel_loop3A_1226, %parallel_loop3A_1227, %parallel_loop3A_1228, %parallel_loop3A_1229, %parallel_loop3A_1230 : vector<16xf32>, vector<16xf32>, vector<16xf32>, vector<16xf32>, vector<16xf32>, vector<16xf32>, vector<16xf32>, vector<16xf32>, vector<16xf32>, vector<16xf32>, vector<16xf32>, vector<16xf32>, vector<16xf32>, vector<16xf32>, vector<16xf32>, vector<16xf32>
      } {sc.loop_unroll_factor = 1 : i64, sc.parallel_access}
      %mul3A_593 = arith.constant 128 : i32
      %mul3A_594 = arith.muli %add3A_39, %mul3A_593 : i32
      %add3A_595 = arith.constant 0 : i32
      %add3A_596 = arith.addi %mul3A_594, %add3A_595 : i32
      %swap3A_597 = arith.index_cast %add3A_596 : i32 to index
      %swap3A_598 = tpu.vector_load %arg5[%swap3A_597] {strides = array<i32>} : memref<1024xf32, #tpu.memory_space<vmem>>, vector<16xf32>,
      %swap3A_599 = vector.shape_cast %swap3A_598 : vector<16xf32> to vector<16xf32>
      %swap3A_600 = vector.shape_cast %parallel_loop3A_592#7 : vector<16xf32> to vector<16xf32>
      tpu.vector_store %arg5[%swap3A_597], %swap3A_600 {strides = array<i32>} : memref<1024xf32, #tpu.memory_space<vmem>>, vector<16xf32>,
      %mul3A_601 = arith.constant 128 : i32
      %mul3A_602 = arith.muli %add3A_39, %mul3A_601 : i32
      %add3A_603 = arith.constant 16 : i32
      %add3A_604 = arith.addi %mul3A_602, %add3A_603 : i32
      %swap3A_605 = arith.index_cast %add3A_604 : i32 to index
      %swap3A_606 = tpu.vector_load %arg5[%swap3A_605] {strides = array<i32>} : memref<1024xf32, #tpu.memory_space<vmem>>, vector<16xf32>,
      %swap3A_607 = vector.shape_cast %swap3A_606 : vector<16xf32> to vector<16xf32>
      %swap3A_608 = vector.shape_cast %parallel_loop3A_592#15 : vector<16xf32> to vector<16xf32>
      tpu.vector_store %arg5[%swap3A_605], %swap3A_608 {strides = array<i32>} : memref<1024xf32, #tpu.memory_space<vmem>>, vector<16xf32>,
      %get3A_609 = arith.constant 0 : i32
      %get3A_610 = arith.index_cast %get3A_609 : i32 to index
      %get3A_611 = arith.constant 32 : index
      %get3A_612 = tpu.vector_load %arg6[%get3A_610, %get3A_611] {strides = array<i32>} : memref<8x128xf32, #tpu.memory_space<vmem>>, vector<1x16xf32>,
      %get3A_613 = vector.shape_cast %get3A_612 : vector<1x16xf32> to vector<16xf32>
      %get3A_614 = arith.constant 1 : i32
      %get3A_615 = arith.index_cast %get3A_614 : i32 to index
      %get3A_616 = arith.constant 32 : index
      %get3A_617 = tpu.vector_load %arg6[%get3A_615, %get3A_616] {strides = array<i32>} : memref<8x128xf32, #tpu.memory_space<vmem>>, vector<1x16xf32>,
      %get3A_618 = vector.shape_cast %get3A_617 : vector<1x16xf32> to vector<16xf32>
      %get3A_619 = arith.constant 2 : i32
      %get3A_620 = arith.index_cast %get3A_619 : i32 to index
      %get3A_621 = arith.constant 32 : index
      %get3A_622 = tpu.vector_load %arg6[%get3A_620, %get3A_621] {strides = array<i32>} : memref<8x128xf32, #tpu.memory_space<vmem>>, vector<1x16xf32>,
      %get3A_623 = vector.shape_cast %get3A_622 : vector<1x16xf32> to vector<16xf32>
      %get3A_624 = arith.constant 3 : i32
      %get3A_625 = arith.index_cast %get3A_624 : i32 to index
      %get3A_626 = arith.constant 32 : index
      %get3A_627 = tpu.vector_load %arg6[%get3A_625, %get3A_626] {strides = array<i32>} : memref<8x128xf32, #tpu.memory_space<vmem>>, vector<1x16xf32>,
      %get3A_628 = vector.shape_cast %get3A_627 : vector<1x16xf32> to vector<16xf32>
      %get3A_629 = arith.constant 4 : i32
      %get3A_630 = arith.index_cast %get3A_629 : i32 to index
      %get3A_631 = arith.constant 32 : index
      %get3A_632 = tpu.vector_load %arg6[%get3A_630, %get3A_631] {strides = array<i32>} : memref<8x128xf32, #tpu.memory_space<vmem>>, vector<1x16xf32>,
      %get3A_633 = vector.shape_cast %get3A_632 : vector<1x16xf32> to vector<16xf32>
      %get3A_634 = arith.constant 5 : i32
      %get3A_635 = arith.index_cast %get3A_634 : i32 to index
      %get3A_636 = arith.constant 32 : index
      %get3A_637 = tpu.vector_load %arg6[%get3A_635, %get3A_636] {strides = array<i32>} : memref<8x128xf32, #tpu.memory_space<vmem>>, vector<1x16xf32>,
      %get3A_638 = vector.shape_cast %get3A_637 : vector<1x16xf32> to vector<16xf32>
      %get3A_639 = arith.constant 6 : i32
      %get3A_640 = arith.index_cast %get3A_639 : i32 to index
      %get3A_641 = arith.constant 32 : index
      %get3A_642 = tpu.vector_load %arg6[%get3A_640, %get3A_641] {strides = array<i32>} : memref<8x128xf32, #tpu.memory_space<vmem>>, vector<1x16xf32>,
      %get3A_643 = vector.shape_cast %get3A_642 : vector<1x16xf32> to vector<16xf32>
      %get3A_644 = arith.constant 7 : i32
      %get3A_645 = arith.index_cast %get3A_644 : i32 to index
      %get3A_646 = arith.constant 32 : index
      %get3A_647 = tpu.vector_load %arg6[%get3A_645, %get3A_646] {strides = array<i32>} : memref<8x128xf32, #tpu.memory_space<vmem>>, vector<1x16xf32>,
      %get3A_648 = vector.shape_cast %get3A_647 : vector<1x16xf32> to vector<16xf32>
      %get3A_649 = arith.constant 0 : i32
      %get3A_650 = arith.index_cast %get3A_649 : i32 to index
      %get3A_651 = arith.constant 48 : index
      %get3A_652 = tpu.vector_load %arg6[%get3A_650, %get3A_651] {strides = array<i32>} : memref<8x128xf32, #tpu.memory_space<vmem>>, vector<1x16xf32>,
      %get3A_653 = vector.shape_cast %get3A_652 : vector<1x16xf32> to vector<16xf32>
      %get3A_654 = arith.constant 1 : i32
      %get3A_655 = arith.index_cast %get3A_654 : i32 to index
      %get3A_656 = arith.constant 48 : index
      %get3A_657 = tpu.vector_load %arg6[%get3A_655, %get3A_656] {strides = array<i32>} : memref<8x128xf32, #tpu.memory_space<vmem>>, vector<1x16xf32>,
      %get3A_658 = vector.shape_cast %get3A_657 : vector<1x16xf32> to vector<16xf32>
      %get3A_659 = arith.constant 2 : i32
      %get3A_660 = arith.index_cast %get3A_659 : i32 to index
      %get3A_661 = arith.constant 48 : index
      %get3A_662 = tpu.vector_load %arg6[%get3A_660, %get3A_661] {strides = array<i32>} : memref<8x128xf32, #tpu.memory_space<vmem>>, vector<1x16xf32>,
      %get3A_663 = vector.shape_cast %get3A_662 : vector<1x16xf32> to vector<16xf32>
      %get3A_664 = arith.constant 3 : i32
      %get3A_665 = arith.index_cast %get3A_664 : i32 to index
      %get3A_666 = arith.constant 48 : index
      %get3A_667 = tpu.vector_load %arg6[%get3A_665, %get3A_666] {strides = array<i32>} : memref<8x128xf32, #tpu.memory_space<vmem>>, vector<1x16xf32>,
      %get3A_668 = vector.shape_cast %get3A_667 : vector<1x16xf32> to vector<16xf32>
      %get3A_669 = arith.constant 4 : i32
      %get3A_670 = arith.index_cast %get3A_669 : i32 to index
      %get3A_671 = arith.constant 48 : index
      %get3A_672 = tpu.vector_load %arg6[%get3A_670, %get3A_671] {strides = array<i32>} : memref<8x128xf32, #tpu.memory_space<vmem>>, vector<1x16xf32>,
      %get3A_673 = vector.shape_cast %get3A_672 : vector<1x16xf32> to vector<16xf32>
      %get3A_674 = arith.constant 5 : i32
      %get3A_675 = arith.index_cast %get3A_674 : i32 to index
      %get3A_676 = arith.constant 48 : index
      %get3A_677 = tpu.vector_load %arg6[%get3A_675, %get3A_676] {strides = array<i32>} : memref<8x128xf32, #tpu.memory_space<vmem>>, vector<1x16xf32>,
      %get3A_678 = vector.shape_cast %get3A_677 : vector<1x16xf32> to vector<16xf32>
      %get3A_679 = arith.constant 6 : i32
      %get3A_680 = arith.index_cast %get3A_679 : i32 to index
      %get3A_681 = arith.constant 48 : index
      %get3A_682 = tpu.vector_load %arg6[%get3A_680, %get3A_681] {strides = array<i32>} : memref<8x128xf32, #tpu.memory_space<vmem>>, vector<1x16xf32>,
      %get3A_683 = vector.shape_cast %get3A_682 : vector<1x16xf32> to vector<16xf32>
      %get3A_684 = arith.constant 7 : i32
      %get3A_685 = arith.index_cast %get3A_684 : i32 to index
      %get3A_686 = arith.constant 48 : index
      %get3A_687 = tpu.vector_load %arg6[%get3A_685, %get3A_686] {strides = array<i32>} : memref<8x128xf32, #tpu.memory_space<vmem>>, vector<1x16xf32>,
      %get3A_688 = vector.shape_cast %get3A_687 : vector<1x16xf32> to vector<16xf32>
      %parallel_loop3A_689 = arith.constant 0 : i32
      %parallel_loop3A_690 = arith.constant 48 : i32
      %parallel_loop3A_691 = arith.constant 1 : i32
      %parallel_loop3A_692 = arith.constant 1 : i32
      %parallel_loop3A_693:16 = scf.for %parallel_loop3A_912 = %parallel_loop3A_689 to %parallel_loop3A_690 step %parallel_loop3A_691 iter_args(%parallel_loop3A_913 = %get3A_613, %parallel_loop3A_914 = %get3A_618, %parallel_loop3A_915 = %get3A_623, %parallel_loop3A_916 = %get3A_628, %parallel_loop3A_917 = %get3A_633, %parallel_loop3A_918 = %get3A_638, %parallel_loop3A_919 = %get3A_643, %parallel_loop3A_920 = %get3A_648, %parallel_loop3A_921 = %get3A_653, %parallel_loop3A_922 = %get3A_658, %parallel_loop3A_923 = %get3A_663, %parallel_loop3A_924 = %get3A_668, %parallel_loop3A_925 = %get3A_673, %parallel_loop3A_926 = %get3A_678, %parallel_loop3A_927 = %get3A_683, %parallel_loop3A_928 = %get3A_688) -> (vector<16xf32>, vector<16xf32>, vector<16xf32>, vector<16xf32>, vector<16xf32>, vector<16xf32>, vector<16xf32>, vector<16xf32>, vector<16xf32>, vector<16xf32>, vector<16xf32>, vector<16xf32>, vector<16xf32>, vector<16xf32>, vector<16xf32>, vector<16xf32>)  : i32 {
        %parallel_loop3A_929 = arith.constant 8 : i32
        %parallel_loop3A_930 = arith.muli %parallel_loop3A_912, %parallel_loop3A_929 : i32
        %parallel_loop3A_931 = arith.constant 0 : i32
        %parallel_loop3A_932 = arith.addi %parallel_loop3A_930, %parallel_loop3A_931 : i32
        %parallel_loop3A_933 = arith.constant 0 : i32
        %parallel_loop3A_934 = arith.constant 0 : i32
        %parallel_loop3A_935 = tpu.memref_slice %arg4[%parallel_loop3A_692, %parallel_loop3A_933, %parallel_loop3A_934] : memref<2x384x128xf32, #tpu.memory_space<vmem>> -> memref<1x384x128xf32, #tpu.memory_space<vmem>>
        %parallel_loop3A_936 = tpu.memref_squeeze %parallel_loop3A_935 : memref<1x384x128xf32, #tpu.memory_space<vmem>> -> memref<384x128xf32, #tpu.memory_space<vmem>>
        %parallel_loop3A_937 = arith.index_cast %parallel_loop3A_932 : i32 to index
        %parallel_loop3A_938 = arith.constant 32 : index
        %parallel_loop3A_939 = tpu.vector_load %parallel_loop3A_936[%parallel_loop3A_937, %parallel_loop3A_938] {strides = array<i32>} : memref<384x128xf32, #tpu.memory_space<vmem>>, vector<1x16xf32>,
        %parallel_loop3A_940 = vector.shape_cast %parallel_loop3A_939 : vector<1x16xf32> to vector<16xf32>
        %parallel_loop3A_941 = arith.constant 1 : i32
        %parallel_loop3A_942 = arith.addi %parallel_loop3A_930, %parallel_loop3A_941 : i32
        %parallel_loop3A_943 = arith.constant 0 : i32
        %parallel_loop3A_944 = arith.constant 0 : i32
        %parallel_loop3A_945 = tpu.memref_slice %arg4[%parallel_loop3A_692, %parallel_loop3A_943, %parallel_loop3A_944] : memref<2x384x128xf32, #tpu.memory_space<vmem>> -> memref<1x384x128xf32, #tpu.memory_space<vmem>>
        %parallel_loop3A_946 = tpu.memref_squeeze %parallel_loop3A_945 : memref<1x384x128xf32, #tpu.memory_space<vmem>> -> memref<384x128xf32, #tpu.memory_space<vmem>>
        %parallel_loop3A_947 = arith.index_cast %parallel_loop3A_942 : i32 to index
        %parallel_loop3A_948 = arith.constant 32 : index
        %parallel_loop3A_949 = tpu.vector_load %parallel_loop3A_946[%parallel_loop3A_947, %parallel_loop3A_948] {strides = array<i32>} : memref<384x128xf32, #tpu.memory_space<vmem>>, vector<1x16xf32>,
        %parallel_loop3A_950 = vector.shape_cast %parallel_loop3A_949 : vector<1x16xf32> to vector<16xf32>
        %parallel_loop3A_951 = arith.constant 2 : i32
        %parallel_loop3A_952 = arith.addi %parallel_loop3A_930, %parallel_loop3A_951 : i32
        %parallel_loop3A_953 = arith.constant 0 : i32
        %parallel_loop3A_954 = arith.constant 0 : i32
        %parallel_loop3A_955 = tpu.memref_slice %arg4[%parallel_loop3A_692, %parallel_loop3A_953, %parallel_loop3A_954] : memref<2x384x128xf32, #tpu.memory_space<vmem>> -> memref<1x384x128xf32, #tpu.memory_space<vmem>>
        %parallel_loop3A_956 = tpu.memref_squeeze %parallel_loop3A_955 : memref<1x384x128xf32, #tpu.memory_space<vmem>> -> memref<384x128xf32, #tpu.memory_space<vmem>>
        %parallel_loop3A_957 = arith.index_cast %parallel_loop3A_952 : i32 to index
        %parallel_loop3A_958 = arith.constant 32 : index
        %parallel_loop3A_959 = tpu.vector_load %parallel_loop3A_956[%parallel_loop3A_957, %parallel_loop3A_958] {strides = array<i32>} : memref<384x128xf32, #tpu.memory_space<vmem>>, vector<1x16xf32>,
        %parallel_loop3A_960 = vector.shape_cast %parallel_loop3A_959 : vector<1x16xf32> to vector<16xf32>
        %parallel_loop3A_961 = arith.constant 3 : i32
        %parallel_loop3A_962 = arith.addi %parallel_loop3A_930, %parallel_loop3A_961 : i32
        %parallel_loop3A_963 = arith.constant 0 : i32
        %parallel_loop3A_964 = arith.constant 0 : i32
        %parallel_loop3A_965 = tpu.memref_slice %arg4[%parallel_loop3A_692, %parallel_loop3A_963, %parallel_loop3A_964] : memref<2x384x128xf32, #tpu.memory_space<vmem>> -> memref<1x384x128xf32, #tpu.memory_space<vmem>>
        %parallel_loop3A_966 = tpu.memref_squeeze %parallel_loop3A_965 : memref<1x384x128xf32, #tpu.memory_space<vmem>> -> memref<384x128xf32, #tpu.memory_space<vmem>>
        %parallel_loop3A_967 = arith.index_cast %parallel_loop3A_962 : i32 to index
        %parallel_loop3A_968 = arith.constant 32 : index
        %parallel_loop3A_969 = tpu.vector_load %parallel_loop3A_966[%parallel_loop3A_967, %parallel_loop3A_968] {strides = array<i32>} : memref<384x128xf32, #tpu.memory_space<vmem>>, vector<1x16xf32>,
        %parallel_loop3A_970 = vector.shape_cast %parallel_loop3A_969 : vector<1x16xf32> to vector<16xf32>
        %parallel_loop3A_971 = arith.constant 4 : i32
        %parallel_loop3A_972 = arith.addi %parallel_loop3A_930, %parallel_loop3A_971 : i32
        %parallel_loop3A_973 = arith.constant 0 : i32
        %parallel_loop3A_974 = arith.constant 0 : i32
        %parallel_loop3A_975 = tpu.memref_slice %arg4[%parallel_loop3A_692, %parallel_loop3A_973, %parallel_loop3A_974] : memref<2x384x128xf32, #tpu.memory_space<vmem>> -> memref<1x384x128xf32, #tpu.memory_space<vmem>>
        %parallel_loop3A_976 = tpu.memref_squeeze %parallel_loop3A_975 : memref<1x384x128xf32, #tpu.memory_space<vmem>> -> memref<384x128xf32, #tpu.memory_space<vmem>>
        %parallel_loop3A_977 = arith.index_cast %parallel_loop3A_972 : i32 to index
        %parallel_loop3A_978 = arith.constant 32 : index
        %parallel_loop3A_979 = tpu.vector_load %parallel_loop3A_976[%parallel_loop3A_977, %parallel_loop3A_978] {strides = array<i32>} : memref<384x128xf32, #tpu.memory_space<vmem>>, vector<1x16xf32>,
        %parallel_loop3A_980 = vector.shape_cast %parallel_loop3A_979 : vector<1x16xf32> to vector<16xf32>
        %parallel_loop3A_981 = arith.constant 5 : i32
        %parallel_loop3A_982 = arith.addi %parallel_loop3A_930, %parallel_loop3A_981 : i32
        %parallel_loop3A_983 = arith.constant 0 : i32
        %parallel_loop3A_984 = arith.constant 0 : i32
        %parallel_loop3A_985 = tpu.memref_slice %arg4[%parallel_loop3A_692, %parallel_loop3A_983, %parallel_loop3A_984] : memref<2x384x128xf32, #tpu.memory_space<vmem>> -> memref<1x384x128xf32, #tpu.memory_space<vmem>>
        %parallel_loop3A_986 = tpu.memref_squeeze %parallel_loop3A_985 : memref<1x384x128xf32, #tpu.memory_space<vmem>> -> memref<384x128xf32, #tpu.memory_space<vmem>>
        %parallel_loop3A_987 = arith.index_cast %parallel_loop3A_982 : i32 to index
        %parallel_loop3A_988 = arith.constant 32 : index
        %parallel_loop3A_989 = tpu.vector_load %parallel_loop3A_986[%parallel_loop3A_987, %parallel_loop3A_988] {strides = array<i32>} : memref<384x128xf32, #tpu.memory_space<vmem>>, vector<1x16xf32>,
        %parallel_loop3A_990 = vector.shape_cast %parallel_loop3A_989 : vector<1x16xf32> to vector<16xf32>
        %parallel_loop3A_991 = arith.constant 6 : i32
        %parallel_loop3A_992 = arith.addi %parallel_loop3A_930, %parallel_loop3A_991 : i32
        %parallel_loop3A_993 = arith.constant 0 : i32
        %parallel_loop3A_994 = arith.constant 0 : i32
        %parallel_loop3A_995 = tpu.memref_slice %arg4[%parallel_loop3A_692, %parallel_loop3A_993, %parallel_loop3A_994] : memref<2x384x128xf32, #tpu.memory_space<vmem>> -> memref<1x384x128xf32, #tpu.memory_space<vmem>>
        %parallel_loop3A_996 = tpu.memref_squeeze %parallel_loop3A_995 : memref<1x384x128xf32, #tpu.memory_space<vmem>> -> memref<384x128xf32, #tpu.memory_space<vmem>>
        %parallel_loop3A_997 = arith.index_cast %parallel_loop3A_992 : i32 to index
        %parallel_loop3A_998 = arith.constant 32 : index
        %parallel_loop3A_999 = tpu.vector_load %parallel_loop3A_996[%parallel_loop3A_997, %parallel_loop3A_998] {strides = array<i32>} : memref<384x128xf32, #tpu.memory_space<vmem>>, vector<1x16xf32>,
        %parallel_loop3A_1000 = vector.shape_cast %parallel_loop3A_999 : vector<1x16xf32> to vector<16xf32>
        %parallel_loop3A_1001 = arith.constant 7 : i32
        %parallel_loop3A_1002 = arith.addi %parallel_loop3A_930, %parallel_loop3A_1001 : i32
        %parallel_loop3A_1003 = arith.constant 0 : i32
        %parallel_loop3A_1004 = arith.constant 0 : i32
        %parallel_loop3A_1005 = tpu.memref_slice %arg4[%parallel_loop3A_692, %parallel_loop3A_1003, %parallel_loop3A_1004] : memref<2x384x128xf32, #tpu.memory_space<vmem>> -> memref<1x384x128xf32, #tpu.memory_space<vmem>>
        %parallel_loop3A_1006 = tpu.memref_squeeze %parallel_loop3A_1005 : memref<1x384x128xf32, #tpu.memory_space<vmem>> -> memref<384x128xf32, #tpu.memory_space<vmem>>
        %parallel_loop3A_1007 = arith.index_cast %parallel_loop3A_1002 : i32 to index
        %parallel_loop3A_1008 = arith.constant 32 : index
        %parallel_loop3A_1009 = tpu.vector_load %parallel_loop3A_1006[%parallel_loop3A_1007, %parallel_loop3A_1008] {strides = array<i32>} : memref<384x128xf32, #tpu.memory_space<vmem>>, vector<1x16xf32>,
        %parallel_loop3A_1010 = vector.shape_cast %parallel_loop3A_1009 : vector<1x16xf32> to vector<16xf32>
        %parallel_loop3A_1011 = arith.maximumf %parallel_loop3A_940, %parallel_loop3A_950 : vector<16xf32>
        %parallel_loop3A_1012 = arith.minimumf %parallel_loop3A_940, %parallel_loop3A_950 : vector<16xf32>
        %parallel_loop3A_1013 = arith.maximumf %parallel_loop3A_960, %parallel_loop3A_970 : vector<16xf32>
        %parallel_loop3A_1014 = arith.minimumf %parallel_loop3A_960, %parallel_loop3A_970 : vector<16xf32>
        %parallel_loop3A_1015 = arith.maximumf %parallel_loop3A_980, %parallel_loop3A_990 : vector<16xf32>
        %parallel_loop3A_1016 = arith.minimumf %parallel_loop3A_980, %parallel_loop3A_990 : vector<16xf32>
        %parallel_loop3A_1017 = arith.maximumf %parallel_loop3A_1000, %parallel_loop3A_1010 : vector<16xf32>
        %parallel_loop3A_1018 = arith.minimumf %parallel_loop3A_1000, %parallel_loop3A_1010 : vector<16xf32>
        %parallel_loop3A_1019 = arith.maximumf %parallel_loop3A_1011, %parallel_loop3A_1013 : vector<16xf32>
        %parallel_loop3A_1020 = arith.minimumf %parallel_loop3A_1011, %parallel_loop3A_1013 : vector<16xf32>
        %parallel_loop3A_1021 = arith.maximumf %parallel_loop3A_1012, %parallel_loop3A_1014 : vector<16xf32>
        %parallel_loop3A_1022 = arith.minimumf %parallel_loop3A_1012, %parallel_loop3A_1014 : vector<16xf32>
        %parallel_loop3A_1023 = arith.maximumf %parallel_loop3A_1015, %parallel_loop3A_1017 : vector<16xf32>
        %parallel_loop3A_1024 = arith.minimumf %parallel_loop3A_1015, %parallel_loop3A_1017 : vector<16xf32>
        %parallel_loop3A_1025 = arith.maximumf %parallel_loop3A_1016, %parallel_loop3A_1018 : vector<16xf32>
        %parallel_loop3A_1026 = arith.minimumf %parallel_loop3A_1016, %parallel_loop3A_1018 : vector<16xf32>
        %parallel_loop3A_1027 = arith.maximumf %parallel_loop3A_1021, %parallel_loop3A_1020 : vector<16xf32>
        %parallel_loop3A_1028 = arith.minimumf %parallel_loop3A_1021, %parallel_loop3A_1020 : vector<16xf32>
        %parallel_loop3A_1029 = arith.maximumf %parallel_loop3A_1025, %parallel_loop3A_1024 : vector<16xf32>
        %parallel_loop3A_1030 = arith.minimumf %parallel_loop3A_1025, %parallel_loop3A_1024 : vector<16xf32>
        %parallel_loop3A_1031 = arith.maximumf %parallel_loop3A_1019, %parallel_loop3A_1023 : vector<16xf32>
        %parallel_loop3A_1032 = arith.minimumf %parallel_loop3A_1019, %parallel_loop3A_1023 : vector<16xf32>
        %parallel_loop3A_1033 = arith.maximumf %parallel_loop3A_1027, %parallel_loop3A_1029 : vector<16xf32>
        %parallel_loop3A_1034 = arith.minimumf %parallel_loop3A_1027, %parallel_loop3A_1029 : vector<16xf32>
        %parallel_loop3A_1035 = arith.maximumf %parallel_loop3A_1028, %parallel_loop3A_1030 : vector<16xf32>
        %parallel_loop3A_1036 = arith.minimumf %parallel_loop3A_1028, %parallel_loop3A_1030 : vector<16xf32>
        %parallel_loop3A_1037 = arith.maximumf %parallel_loop3A_1022, %parallel_loop3A_1026 : vector<16xf32>
        %parallel_loop3A_1038 = arith.minimumf %parallel_loop3A_1022, %parallel_loop3A_1026 : vector<16xf32>
        %parallel_loop3A_1039 = arith.maximumf %parallel_loop3A_1035, %parallel_loop3A_1032 : vector<16xf32>
        %parallel_loop3A_1040 = arith.minimumf %parallel_loop3A_1035, %parallel_loop3A_1032 : vector<16xf32>
        %parallel_loop3A_1041 = arith.maximumf %parallel_loop3A_1037, %parallel_loop3A_1034 : vector<16xf32>
        %parallel_loop3A_1042 = arith.minimumf %parallel_loop3A_1037, %parallel_loop3A_1034 : vector<16xf32>
        %parallel_loop3A_1043 = arith.maximumf %parallel_loop3A_1033, %parallel_loop3A_1039 : vector<16xf32>
        %parallel_loop3A_1044 = arith.minimumf %parallel_loop3A_1033, %parallel_loop3A_1039 : vector<16xf32>
        %parallel_loop3A_1045 = arith.maximumf %parallel_loop3A_1041, %parallel_loop3A_1040 : vector<16xf32>
        %parallel_loop3A_1046 = arith.minimumf %parallel_loop3A_1041, %parallel_loop3A_1040 : vector<16xf32>
        %parallel_loop3A_1047 = arith.maximumf %parallel_loop3A_1042, %parallel_loop3A_1036 : vector<16xf32>
        %parallel_loop3A_1048 = arith.minimumf %parallel_loop3A_1042, %parallel_loop3A_1036 : vector<16xf32>
        %parallel_loop3A_1049 = arith.maximumf %parallel_loop3A_913, %parallel_loop3A_1038 : vector<16xf32>
        %parallel_loop3A_1050 = arith.maximumf %parallel_loop3A_914, %parallel_loop3A_1048 : vector<16xf32>
        %parallel_loop3A_1051 = arith.maximumf %parallel_loop3A_915, %parallel_loop3A_1047 : vector<16xf32>
        %parallel_loop3A_1052 = arith.maximumf %parallel_loop3A_916, %parallel_loop3A_1046 : vector<16xf32>
        %parallel_loop3A_1053 = arith.maximumf %parallel_loop3A_917, %parallel_loop3A_1045 : vector<16xf32>
        %parallel_loop3A_1054 = arith.maximumf %parallel_loop3A_918, %parallel_loop3A_1044 : vector<16xf32>
        %parallel_loop3A_1055 = arith.maximumf %parallel_loop3A_919, %parallel_loop3A_1043 : vector<16xf32>
        %parallel_loop3A_1056 = arith.maximumf %parallel_loop3A_920, %parallel_loop3A_1031 : vector<16xf32>
        %parallel_loop3A_1057 = arith.maximumf %parallel_loop3A_1049, %parallel_loop3A_1053 : vector<16xf32>
        %parallel_loop3A_1058 = arith.minimumf %parallel_loop3A_1049, %parallel_loop3A_1053 : vector<16xf32>
        %parallel_loop3A_1059 = arith.maximumf %parallel_loop3A_1050, %parallel_loop3A_1054 : vector<16xf32>
        %parallel_loop3A_1060 = arith.minimumf %parallel_loop3A_1050, %parallel_loop3A_1054 : vector<16xf32>
        %parallel_loop3A_1061 = arith.maximumf %parallel_loop3A_1051, %parallel_loop3A_1055 : vector<16xf32>
        %parallel_loop3A_1062 = arith.minimumf %parallel_loop3A_1051, %parallel_loop3A_1055 : vector<16xf32>
        %parallel_loop3A_1063 = arith.maximumf %parallel_loop3A_1052, %parallel_loop3A_1056 : vector<16xf32>
        %parallel_loop3A_1064 = arith.minimumf %parallel_loop3A_1052, %parallel_loop3A_1056 : vector<16xf32>
        %parallel_loop3A_1065 = arith.maximumf %parallel_loop3A_1057, %parallel_loop3A_1061 : vector<16xf32>
        %parallel_loop3A_1066 = arith.minimumf %parallel_loop3A_1057, %parallel_loop3A_1061 : vector<16xf32>
        %parallel_loop3A_1067 = arith.maximumf %parallel_loop3A_1059, %parallel_loop3A_1063 : vector<16xf32>
        %parallel_loop3A_1068 = arith.minimumf %parallel_loop3A_1059, %parallel_loop3A_1063 : vector<16xf32>
        %parallel_loop3A_1069 = arith.maximumf %parallel_loop3A_1058, %parallel_loop3A_1062 : vector<16xf32>
        %parallel_loop3A_1070 = arith.minimumf %parallel_loop3A_1058, %parallel_loop3A_1062 : vector<16xf32>
        %parallel_loop3A_1071 = arith.maximumf %parallel_loop3A_1060, %parallel_loop3A_1064 : vector<16xf32>
        %parallel_loop3A_1072 = arith.minimumf %parallel_loop3A_1060, %parallel_loop3A_1064 : vector<16xf32>
        %parallel_loop3A_1073 = arith.maximumf %parallel_loop3A_1065, %parallel_loop3A_1067 : vector<16xf32>
        %parallel_loop3A_1074 = arith.minimumf %parallel_loop3A_1065, %parallel_loop3A_1067 : vector<16xf32>
        %parallel_loop3A_1075 = arith.maximumf %parallel_loop3A_1066, %parallel_loop3A_1068 : vector<16xf32>
        %parallel_loop3A_1076 = arith.minimumf %parallel_loop3A_1066, %parallel_loop3A_1068 : vector<16xf32>
        %parallel_loop3A_1077 = arith.maximumf %parallel_loop3A_1069, %parallel_loop3A_1071 : vector<16xf32>
        %parallel_loop3A_1078 = arith.minimumf %parallel_loop3A_1069, %parallel_loop3A_1071 : vector<16xf32>
        %parallel_loop3A_1079 = arith.maximumf %parallel_loop3A_1070, %parallel_loop3A_1072 : vector<16xf32>
        %parallel_loop3A_1080 = arith.minimumf %parallel_loop3A_1070, %parallel_loop3A_1072 : vector<16xf32>
        %parallel_loop3A_1081 = arith.constant 0 : i32
        %parallel_loop3A_1082 = arith.addi %parallel_loop3A_930, %parallel_loop3A_1081 : i32
        %parallel_loop3A_1083 = arith.constant 0 : i32
        %parallel_loop3A_1084 = arith.constant 0 : i32
        %parallel_loop3A_1085 = tpu.memref_slice %arg4[%parallel_loop3A_692, %parallel_loop3A_1083, %parallel_loop3A_1084] : memref<2x384x128xf32, #tpu.memory_space<vmem>> -> memref<1x384x128xf32, #tpu.memory_space<vmem>>
        %parallel_loop3A_1086 = tpu.memref_squeeze %parallel_loop3A_1085 : memref<1x384x128xf32, #tpu.memory_space<vmem>> -> memref<384x128xf32, #tpu.memory_space<vmem>>
        %parallel_loop3A_1087 = arith.index_cast %parallel_loop3A_1082 : i32 to index
        %parallel_loop3A_1088 = arith.constant 48 : index
        %parallel_loop3A_1089 = tpu.vector_load %parallel_loop3A_1086[%parallel_loop3A_1087, %parallel_loop3A_1088] {strides = array<i32>} : memref<384x128xf32, #tpu.memory_space<vmem>>, vector<1x16xf32>,
        %parallel_loop3A_1090 = vector.shape_cast %parallel_loop3A_1089 : vector<1x16xf32> to vector<16xf32>
        %parallel_loop3A_1091 = arith.constant 1 : i32
        %parallel_loop3A_1092 = arith.addi %parallel_loop3A_930, %parallel_loop3A_1091 : i32
        %parallel_loop3A_1093 = arith.constant 0 : i32
        %parallel_loop3A_1094 = arith.constant 0 : i32
        %parallel_loop3A_1095 = tpu.memref_slice %arg4[%parallel_loop3A_692, %parallel_loop3A_1093, %parallel_loop3A_1094] : memref<2x384x128xf32, #tpu.memory_space<vmem>> -> memref<1x384x128xf32, #tpu.memory_space<vmem>>
        %parallel_loop3A_1096 = tpu.memref_squeeze %parallel_loop3A_1095 : memref<1x384x128xf32, #tpu.memory_space<vmem>> -> memref<384x128xf32, #tpu.memory_space<vmem>>
        %parallel_loop3A_1097 = arith.index_cast %parallel_loop3A_1092 : i32 to index
        %parallel_loop3A_1098 = arith.constant 48 : index
        %parallel_loop3A_1099 = tpu.vector_load %parallel_loop3A_1096[%parallel_loop3A_1097, %parallel_loop3A_1098] {strides = array<i32>} : memref<384x128xf32, #tpu.memory_space<vmem>>, vector<1x16xf32>,
        %parallel_loop3A_1100 = vector.shape_cast %parallel_loop3A_1099 : vector<1x16xf32> to vector<16xf32>
        %parallel_loop3A_1101 = arith.constant 2 : i32
        %parallel_loop3A_1102 = arith.addi %parallel_loop3A_930, %parallel_loop3A_1101 : i32
        %parallel_loop3A_1103 = arith.constant 0 : i32
        %parallel_loop3A_1104 = arith.constant 0 : i32
        %parallel_loop3A_1105 = tpu.memref_slice %arg4[%parallel_loop3A_692, %parallel_loop3A_1103, %parallel_loop3A_1104] : memref<2x384x128xf32, #tpu.memory_space<vmem>> -> memref<1x384x128xf32, #tpu.memory_space<vmem>>
        %parallel_loop3A_1106 = tpu.memref_squeeze %parallel_loop3A_1105 : memref<1x384x128xf32, #tpu.memory_space<vmem>> -> memref<384x128xf32, #tpu.memory_space<vmem>>
        %parallel_loop3A_1107 = arith.index_cast %parallel_loop3A_1102 : i32 to index
        %parallel_loop3A_1108 = arith.constant 48 : index
        %parallel_loop3A_1109 = tpu.vector_load %parallel_loop3A_1106[%parallel_loop3A_1107, %parallel_loop3A_1108] {strides = array<i32>} : memref<384x128xf32, #tpu.memory_space<vmem>>, vector<1x16xf32>,
        %parallel_loop3A_1110 = vector.shape_cast %parallel_loop3A_1109 : vector<1x16xf32> to vector<16xf32>
        %parallel_loop3A_1111 = arith.constant 3 : i32
        %parallel_loop3A_1112 = arith.addi %parallel_loop3A_930, %parallel_loop3A_1111 : i32
        %parallel_loop3A_1113 = arith.constant 0 : i32
        %parallel_loop3A_1114 = arith.constant 0 : i32
        %parallel_loop3A_1115 = tpu.memref_slice %arg4[%parallel_loop3A_692, %parallel_loop3A_1113, %parallel_loop3A_1114] : memref<2x384x128xf32, #tpu.memory_space<vmem>> -> memref<1x384x128xf32, #tpu.memory_space<vmem>>
        %parallel_loop3A_1116 = tpu.memref_squeeze %parallel_loop3A_1115 : memref<1x384x128xf32, #tpu.memory_space<vmem>> -> memref<384x128xf32, #tpu.memory_space<vmem>>
        %parallel_loop3A_1117 = arith.index_cast %parallel_loop3A_1112 : i32 to index
        %parallel_loop3A_1118 = arith.constant 48 : index
        %parallel_loop3A_1119 = tpu.vector_load %parallel_loop3A_1116[%parallel_loop3A_1117, %parallel_loop3A_1118] {strides = array<i32>} : memref<384x128xf32, #tpu.memory_space<vmem>>, vector<1x16xf32>,
        %parallel_loop3A_1120 = vector.shape_cast %parallel_loop3A_1119 : vector<1x16xf32> to vector<16xf32>
        %parallel_loop3A_1121 = arith.constant 4 : i32
        %parallel_loop3A_1122 = arith.addi %parallel_loop3A_930, %parallel_loop3A_1121 : i32
        %parallel_loop3A_1123 = arith.constant 0 : i32
        %parallel_loop3A_1124 = arith.constant 0 : i32
        %parallel_loop3A_1125 = tpu.memref_slice %arg4[%parallel_loop3A_692, %parallel_loop3A_1123, %parallel_loop3A_1124] : memref<2x384x128xf32, #tpu.memory_space<vmem>> -> memref<1x384x128xf32, #tpu.memory_space<vmem>>
        %parallel_loop3A_1126 = tpu.memref_squeeze %parallel_loop3A_1125 : memref<1x384x128xf32, #tpu.memory_space<vmem>> -> memref<384x128xf32, #tpu.memory_space<vmem>>
        %parallel_loop3A_1127 = arith.index_cast %parallel_loop3A_1122 : i32 to index
        %parallel_loop3A_1128 = arith.constant 48 : index
        %parallel_loop3A_1129 = tpu.vector_load %parallel_loop3A_1126[%parallel_loop3A_1127, %parallel_loop3A_1128] {strides = array<i32>} : memref<384x128xf32, #tpu.memory_space<vmem>>, vector<1x16xf32>,
        %parallel_loop3A_1130 = vector.shape_cast %parallel_loop3A_1129 : vector<1x16xf32> to vector<16xf32>
        %parallel_loop3A_1131 = arith.constant 5 : i32
        %parallel_loop3A_1132 = arith.addi %parallel_loop3A_930, %parallel_loop3A_1131 : i32
        %parallel_loop3A_1133 = arith.constant 0 : i32
        %parallel_loop3A_1134 = arith.constant 0 : i32
        %parallel_loop3A_1135 = tpu.memref_slice %arg4[%parallel_loop3A_692, %parallel_loop3A_1133, %parallel_loop3A_1134] : memref<2x384x128xf32, #tpu.memory_space<vmem>> -> memref<1x384x128xf32, #tpu.memory_space<vmem>>
        %parallel_loop3A_1136 = tpu.memref_squeeze %parallel_loop3A_1135 : memref<1x384x128xf32, #tpu.memory_space<vmem>> -> memref<384x128xf32, #tpu.memory_space<vmem>>
        %parallel_loop3A_1137 = arith.index_cast %parallel_loop3A_1132 : i32 to index
        %parallel_loop3A_1138 = arith.constant 48 : index
        %parallel_loop3A_1139 = tpu.vector_load %parallel_loop3A_1136[%parallel_loop3A_1137, %parallel_loop3A_1138] {strides = array<i32>} : memref<384x128xf32, #tpu.memory_space<vmem>>, vector<1x16xf32>,
        %parallel_loop3A_1140 = vector.shape_cast %parallel_loop3A_1139 : vector<1x16xf32> to vector<16xf32>
        %parallel_loop3A_1141 = arith.constant 6 : i32
        %parallel_loop3A_1142 = arith.addi %parallel_loop3A_930, %parallel_loop3A_1141 : i32
        %parallel_loop3A_1143 = arith.constant 0 : i32
        %parallel_loop3A_1144 = arith.constant 0 : i32
        %parallel_loop3A_1145 = tpu.memref_slice %arg4[%parallel_loop3A_692, %parallel_loop3A_1143, %parallel_loop3A_1144] : memref<2x384x128xf32, #tpu.memory_space<vmem>> -> memref<1x384x128xf32, #tpu.memory_space<vmem>>
        %parallel_loop3A_1146 = tpu.memref_squeeze %parallel_loop3A_1145 : memref<1x384x128xf32, #tpu.memory_space<vmem>> -> memref<384x128xf32, #tpu.memory_space<vmem>>
        %parallel_loop3A_1147 = arith.index_cast %parallel_loop3A_1142 : i32 to index
        %parallel_loop3A_1148 = arith.constant 48 : index
        %parallel_loop3A_1149 = tpu.vector_load %parallel_loop3A_1146[%parallel_loop3A_1147, %parallel_loop3A_1148] {strides = array<i32>} : memref<384x128xf32, #tpu.memory_space<vmem>>, vector<1x16xf32>,
        %parallel_loop3A_1150 = vector.shape_cast %parallel_loop3A_1149 : vector<1x16xf32> to vector<16xf32>
        %parallel_loop3A_1151 = arith.constant 7 : i32
        %parallel_loop3A_1152 = arith.addi %parallel_loop3A_930, %parallel_loop3A_1151 : i32
        %parallel_loop3A_1153 = arith.constant 0 : i32
        %parallel_loop3A_1154 = arith.constant 0 : i32
        %parallel_loop3A_1155 = tpu.memref_slice %arg4[%parallel_loop3A_692, %parallel_loop3A_1153, %parallel_loop3A_1154] : memref<2x384x128xf32, #tpu.memory_space<vmem>> -> memref<1x384x128xf32, #tpu.memory_space<vmem>>
        %parallel_loop3A_1156 = tpu.memref_squeeze %parallel_loop3A_1155 : memref<1x384x128xf32, #tpu.memory_space<vmem>> -> memref<384x128xf32, #tpu.memory_space<vmem>>
        %parallel_loop3A_1157 = arith.index_cast %parallel_loop3A_1152 : i32 to index
        %parallel_loop3A_1158 = arith.constant 48 : index
        %parallel_loop3A_1159 = tpu.vector_load %parallel_loop3A_1156[%parallel_loop3A_1157, %parallel_loop3A_1158] {strides = array<i32>} : memref<384x128xf32, #tpu.memory_space<vmem>>, vector<1x16xf32>,
        %parallel_loop3A_1160 = vector.shape_cast %parallel_loop3A_1159 : vector<1x16xf32> to vector<16xf32>
        %parallel_loop3A_1161 = arith.maximumf %parallel_loop3A_1090, %parallel_loop3A_1100 : vector<16xf32>
        %parallel_loop3A_1162 = arith.minimumf %parallel_loop3A_1090, %parallel_loop3A_1100 : vector<16xf32>
        %parallel_loop3A_1163 = arith.maximumf %parallel_loop3A_1110, %parallel_loop3A_1120 : vector<16xf32>
        %parallel_loop3A_1164 = arith.minimumf %parallel_loop3A_1110, %parallel_loop3A_1120 : vector<16xf32>
        %parallel_loop3A_1165 = arith.maximumf %parallel_loop3A_1130, %parallel_loop3A_1140 : vector<16xf32>
        %parallel_loop3A_1166 = arith.minimumf %parallel_loop3A_1130, %parallel_loop3A_1140 : vector<16xf32>
        %parallel_loop3A_1167 = arith.maximumf %parallel_loop3A_1150, %parallel_loop3A_1160 : vector<16xf32>
        %parallel_loop3A_1168 = arith.minimumf %parallel_loop3A_1150, %parallel_loop3A_1160 : vector<16xf32>
        %parallel_loop3A_1169 = arith.maximumf %parallel_loop3A_1161, %parallel_loop3A_1163 : vector<16xf32>
        %parallel_loop3A_1170 = arith.minimumf %parallel_loop3A_1161, %parallel_loop3A_1163 : vector<16xf32>
        %parallel_loop3A_1171 = arith.maximumf %parallel_loop3A_1162, %parallel_loop3A_1164 : vector<16xf32>
        %parallel_loop3A_1172 = arith.minimumf %parallel_loop3A_1162, %parallel_loop3A_1164 : vector<16xf32>
        %parallel_loop3A_1173 = arith.maximumf %parallel_loop3A_1165, %parallel_loop3A_1167 : vector<16xf32>
        %parallel_loop3A_1174 = arith.minimumf %parallel_loop3A_1165, %parallel_loop3A_1167 : vector<16xf32>
        %parallel_loop3A_1175 = arith.maximumf %parallel_loop3A_1166, %parallel_loop3A_1168 : vector<16xf32>
        %parallel_loop3A_1176 = arith.minimumf %parallel_loop3A_1166, %parallel_loop3A_1168 : vector<16xf32>
        %parallel_loop3A_1177 = arith.maximumf %parallel_loop3A_1171, %parallel_loop3A_1170 : vector<16xf32>
        %parallel_loop3A_1178 = arith.minimumf %parallel_loop3A_1171, %parallel_loop3A_1170 : vector<16xf32>
        %parallel_loop3A_1179 = arith.maximumf %parallel_loop3A_1175, %parallel_loop3A_1174 : vector<16xf32>
        %parallel_loop3A_1180 = arith.minimumf %parallel_loop3A_1175, %parallel_loop3A_1174 : vector<16xf32>
        %parallel_loop3A_1181 = arith.maximumf %parallel_loop3A_1169, %parallel_loop3A_1173 : vector<16xf32>
        %parallel_loop3A_1182 = arith.minimumf %parallel_loop3A_1169, %parallel_loop3A_1173 : vector<16xf32>
        %parallel_loop3A_1183 = arith.maximumf %parallel_loop3A_1177, %parallel_loop3A_1179 : vector<16xf32>
        %parallel_loop3A_1184 = arith.minimumf %parallel_loop3A_1177, %parallel_loop3A_1179 : vector<16xf32>
        %parallel_loop3A_1185 = arith.maximumf %parallel_loop3A_1178, %parallel_loop3A_1180 : vector<16xf32>
        %parallel_loop3A_1186 = arith.minimumf %parallel_loop3A_1178, %parallel_loop3A_1180 : vector<16xf32>
        %parallel_loop3A_1187 = arith.maximumf %parallel_loop3A_1172, %parallel_loop3A_1176 : vector<16xf32>
        %parallel_loop3A_1188 = arith.minimumf %parallel_loop3A_1172, %parallel_loop3A_1176 : vector<16xf32>
        %parallel_loop3A_1189 = arith.maximumf %parallel_loop3A_1185, %parallel_loop3A_1182 : vector<16xf32>
        %parallel_loop3A_1190 = arith.minimumf %parallel_loop3A_1185, %parallel_loop3A_1182 : vector<16xf32>
        %parallel_loop3A_1191 = arith.maximumf %parallel_loop3A_1187, %parallel_loop3A_1184 : vector<16xf32>
        %parallel_loop3A_1192 = arith.minimumf %parallel_loop3A_1187, %parallel_loop3A_1184 : vector<16xf32>
        %parallel_loop3A_1193 = arith.maximumf %parallel_loop3A_1183, %parallel_loop3A_1189 : vector<16xf32>
        %parallel_loop3A_1194 = arith.minimumf %parallel_loop3A_1183, %parallel_loop3A_1189 : vector<16xf32>
        %parallel_loop3A_1195 = arith.maximumf %parallel_loop3A_1191, %parallel_loop3A_1190 : vector<16xf32>
        %parallel_loop3A_1196 = arith.minimumf %parallel_loop3A_1191, %parallel_loop3A_1190 : vector<16xf32>
        %parallel_loop3A_1197 = arith.maximumf %parallel_loop3A_1192, %parallel_loop3A_1186 : vector<16xf32>
        %parallel_loop3A_1198 = arith.minimumf %parallel_loop3A_1192, %parallel_loop3A_1186 : vector<16xf32>
        %parallel_loop3A_1199 = arith.maximumf %parallel_loop3A_921, %parallel_loop3A_1188 : vector<16xf32>
        %parallel_loop3A_1200 = arith.maximumf %parallel_loop3A_922, %parallel_loop3A_1198 : vector<16xf32>
        %parallel_loop3A_1201 = arith.maximumf %parallel_loop3A_923, %parallel_loop3A_1197 : vector<16xf32>
        %parallel_loop3A_1202 = arith.maximumf %parallel_loop3A_924, %parallel_loop3A_1196 : vector<16xf32>
        %parallel_loop3A_1203 = arith.maximumf %parallel_loop3A_925, %parallel_loop3A_1195 : vector<16xf32>
        %parallel_loop3A_1204 = arith.maximumf %parallel_loop3A_926, %parallel_loop3A_1194 : vector<16xf32>
        %parallel_loop3A_1205 = arith.maximumf %parallel_loop3A_927, %parallel_loop3A_1193 : vector<16xf32>
        %parallel_loop3A_1206 = arith.maximumf %parallel_loop3A_928, %parallel_loop3A_1181 : vector<16xf32>
        %parallel_loop3A_1207 = arith.maximumf %parallel_loop3A_1199, %parallel_loop3A_1203 : vector<16xf32>
        %parallel_loop3A_1208 = arith.minimumf %parallel_loop3A_1199, %parallel_loop3A_1203 : vector<16xf32>
        %parallel_loop3A_1209 = arith.maximumf %parallel_loop3A_1200, %parallel_loop3A_1204 : vector<16xf32>
        %parallel_loop3A_1210 = arith.minimumf %parallel_loop3A_1200, %parallel_loop3A_1204 : vector<16xf32>
        %parallel_loop3A_1211 = arith.maximumf %parallel_loop3A_1201, %parallel_loop3A_1205 : vector<16xf32>
        %parallel_loop3A_1212 = arith.minimumf %parallel_loop3A_1201, %parallel_loop3A_1205 : vector<16xf32>
        %parallel_loop3A_1213 = arith.maximumf %parallel_loop3A_1202, %parallel_loop3A_1206 : vector<16xf32>
        %parallel_loop3A_1214 = arith.minimumf %parallel_loop3A_1202, %parallel_loop3A_1206 : vector<16xf32>
        %parallel_loop3A_1215 = arith.maximumf %parallel_loop3A_1207, %parallel_loop3A_1211 : vector<16xf32>
        %parallel_loop3A_1216 = arith.minimumf %parallel_loop3A_1207, %parallel_loop3A_1211 : vector<16xf32>
        %parallel_loop3A_1217 = arith.maximumf %parallel_loop3A_1209, %parallel_loop3A_1213 : vector<16xf32>
        %parallel_loop3A_1218 = arith.minimumf %parallel_loop3A_1209, %parallel_loop3A_1213 : vector<16xf32>
        %parallel_loop3A_1219 = arith.maximumf %parallel_loop3A_1208, %parallel_loop3A_1212 : vector<16xf32>
        %parallel_loop3A_1220 = arith.minimumf %parallel_loop3A_1208, %parallel_loop3A_1212 : vector<16xf32>
        %parallel_loop3A_1221 = arith.maximumf %parallel_loop3A_1210, %parallel_loop3A_1214 : vector<16xf32>
        %parallel_loop3A_1222 = arith.minimumf %parallel_loop3A_1210, %parallel_loop3A_1214 : vector<16xf32>
        %parallel_loop3A_1223 = arith.maximumf %parallel_loop3A_1215, %parallel_loop3A_1217 : vector<16xf32>
        %parallel_loop3A_1224 = arith.minimumf %parallel_loop3A_1215, %parallel_loop3A_1217 : vector<16xf32>
        %parallel_loop3A_1225 = arith.maximumf %parallel_loop3A_1216, %parallel_loop3A_1218 : vector<16xf32>
        %parallel_loop3A_1226 = arith.minimumf %parallel_loop3A_1216, %parallel_loop3A_1218 : vector<16xf32>
        %parallel_loop3A_1227 = arith.maximumf %parallel_loop3A_1219, %parallel_loop3A_1221 : vector<16xf32>
        %parallel_loop3A_1228 = arith.minimumf %parallel_loop3A_1219, %parallel_loop3A_1221 : vector<16xf32>
        %parallel_loop3A_1229 = arith.maximumf %parallel_loop3A_1220, %parallel_loop3A_1222 : vector<16xf32>
        %parallel_loop3A_1230 = arith.minimumf %parallel_loop3A_1220, %parallel_loop3A_1222 : vector<16xf32>
        scf.yield %parallel_loop3A_1073, %parallel_loop3A_1074, %parallel_loop3A_1075, %parallel_loop3A_1076, %parallel_loop3A_1077, %parallel_loop3A_1078, %parallel_loop3A_1079, %parallel_loop3A_1080, %parallel_loop3A_1223, %parallel_loop3A_1224, %parallel_loop3A_1225, %parallel_loop3A_1226, %parallel_loop3A_1227, %parallel_loop3A_1228, %parallel_loop3A_1229, %parallel_loop3A_1230 : vector<16xf32>, vector<16xf32>, vector<16xf32>, vector<16xf32>, vector<16xf32>, vector<16xf32>, vector<16xf32>, vector<16xf32>, vector<16xf32>, vector<16xf32>, vector<16xf32>, vector<16xf32>, vector<16xf32>, vector<16xf32>, vector<16xf32>, vector<16xf32>
      } {sc.loop_unroll_factor = 1 : i64, sc.parallel_access}
      %mul3A_694 = arith.constant 128 : i32
      %mul3A_695 = arith.muli %add3A_39, %mul3A_694 : i32
      %add3A_696 = arith.constant 32 : i32
      %add3A_697 = arith.addi %mul3A_695, %add3A_696 : i32
      %swap3A_698 = arith.index_cast %add3A_697 : i32 to index
      %swap3A_699 = tpu.vector_load %arg5[%swap3A_698] {strides = array<i32>} : memref<1024xf32, #tpu.memory_space<vmem>>, vector<16xf32>,
      %swap3A_700 = vector.shape_cast %swap3A_699 : vector<16xf32> to vector<16xf32>
      %swap3A_701 = vector.shape_cast %parallel_loop3A_693#7 : vector<16xf32> to vector<16xf32>
      tpu.vector_store %arg5[%swap3A_698], %swap3A_701 {strides = array<i32>} : memref<1024xf32, #tpu.memory_space<vmem>>, vector<16xf32>,
      %mul3A_702 = arith.constant 128 : i32
      %mul3A_703 = arith.muli %add3A_39, %mul3A_702 : i32
      %add3A_704 = arith.constant 48 : i32
      %add3A_705 = arith.addi %mul3A_703, %add3A_704 : i32
      %swap3A_706 = arith.index_cast %add3A_705 : i32 to index
      %swap3A_707 = tpu.vector_load %arg5[%swap3A_706] {strides = array<i32>} : memref<1024xf32, #tpu.memory_space<vmem>>, vector<16xf32>,
      %swap3A_708 = vector.shape_cast %swap3A_707 : vector<16xf32> to vector<16xf32>
      %swap3A_709 = vector.shape_cast %parallel_loop3A_693#15 : vector<16xf32> to vector<16xf32>
      tpu.vector_store %arg5[%swap3A_706], %swap3A_709 {strides = array<i32>} : memref<1024xf32, #tpu.memory_space<vmem>>, vector<16xf32>,
      %get3A_710 = arith.constant 0 : i32
      %get3A_711 = arith.index_cast %get3A_710 : i32 to index
      %get3A_712 = arith.constant 64 : index
      %get3A_713 = tpu.vector_load %arg6[%get3A_711, %get3A_712] {strides = array<i32>} : memref<8x128xf32, #tpu.memory_space<vmem>>, vector<1x16xf32>,
      %get3A_714 = vector.shape_cast %get3A_713 : vector<1x16xf32> to vector<16xf32>
      %get3A_715 = arith.constant 1 : i32
      %get3A_716 = arith.index_cast %get3A_715 : i32 to index
      %get3A_717 = arith.constant 64 : index
      %get3A_718 = tpu.vector_load %arg6[%get3A_716, %get3A_717] {strides = array<i32>} : memref<8x128xf32, #tpu.memory_space<vmem>>, vector<1x16xf32>,
      %get3A_719 = vector.shape_cast %get3A_718 : vector<1x16xf32> to vector<16xf32>
      %get3A_720 = arith.constant 2 : i32
      %get3A_721 = arith.index_cast %get3A_720 : i32 to index
      %get3A_722 = arith.constant 64 : index
      %get3A_723 = tpu.vector_load %arg6[%get3A_721, %get3A_722] {strides = array<i32>} : memref<8x128xf32, #tpu.memory_space<vmem>>, vector<1x16xf32>,
      %get3A_724 = vector.shape_cast %get3A_723 : vector<1x16xf32> to vector<16xf32>
      %get3A_725 = arith.constant 3 : i32
      %get3A_726 = arith.index_cast %get3A_725 : i32 to index
      %get3A_727 = arith.constant 64 : index
      %get3A_728 = tpu.vector_load %arg6[%get3A_726, %get3A_727] {strides = array<i32>} : memref<8x128xf32, #tpu.memory_space<vmem>>, vector<1x16xf32>,
      %get3A_729 = vector.shape_cast %get3A_728 : vector<1x16xf32> to vector<16xf32>
      %get3A_730 = arith.constant 4 : i32
      %get3A_731 = arith.index_cast %get3A_730 : i32 to index
      %get3A_732 = arith.constant 64 : index
      %get3A_733 = tpu.vector_load %arg6[%get3A_731, %get3A_732] {strides = array<i32>} : memref<8x128xf32, #tpu.memory_space<vmem>>, vector<1x16xf32>,
      %get3A_734 = vector.shape_cast %get3A_733 : vector<1x16xf32> to vector<16xf32>
      %get3A_735 = arith.constant 5 : i32
      %get3A_736 = arith.index_cast %get3A_735 : i32 to index
      %get3A_737 = arith.constant 64 : index
      %get3A_738 = tpu.vector_load %arg6[%get3A_736, %get3A_737] {strides = array<i32>} : memref<8x128xf32, #tpu.memory_space<vmem>>, vector<1x16xf32>,
      %get3A_739 = vector.shape_cast %get3A_738 : vector<1x16xf32> to vector<16xf32>
      %get3A_740 = arith.constant 6 : i32
      %get3A_741 = arith.index_cast %get3A_740 : i32 to index
      %get3A_742 = arith.constant 64 : index
      %get3A_743 = tpu.vector_load %arg6[%get3A_741, %get3A_742] {strides = array<i32>} : memref<8x128xf32, #tpu.memory_space<vmem>>, vector<1x16xf32>,
      %get3A_744 = vector.shape_cast %get3A_743 : vector<1x16xf32> to vector<16xf32>
      %get3A_745 = arith.constant 7 : i32
      %get3A_746 = arith.index_cast %get3A_745 : i32 to index
      %get3A_747 = arith.constant 64 : index
      %get3A_748 = tpu.vector_load %arg6[%get3A_746, %get3A_747] {strides = array<i32>} : memref<8x128xf32, #tpu.memory_space<vmem>>, vector<1x16xf32>,
      %get3A_749 = vector.shape_cast %get3A_748 : vector<1x16xf32> to vector<16xf32>
      %get3A_750 = arith.constant 0 : i32
      %get3A_751 = arith.index_cast %get3A_750 : i32 to index
      %get3A_752 = arith.constant 80 : index
      %get3A_753 = tpu.vector_load %arg6[%get3A_751, %get3A_752] {strides = array<i32>} : memref<8x128xf32, #tpu.memory_space<vmem>>, vector<1x16xf32>,
      %get3A_754 = vector.shape_cast %get3A_753 : vector<1x16xf32> to vector<16xf32>
      %get3A_755 = arith.constant 1 : i32
      %get3A_756 = arith.index_cast %get3A_755 : i32 to index
      %get3A_757 = arith.constant 80 : index
      %get3A_758 = tpu.vector_load %arg6[%get3A_756, %get3A_757] {strides = array<i32>} : memref<8x128xf32, #tpu.memory_space<vmem>>, vector<1x16xf32>,
      %get3A_759 = vector.shape_cast %get3A_758 : vector<1x16xf32> to vector<16xf32>
      %get3A_760 = arith.constant 2 : i32
      %get3A_761 = arith.index_cast %get3A_760 : i32 to index
      %get3A_762 = arith.constant 80 : index
      %get3A_763 = tpu.vector_load %arg6[%get3A_761, %get3A_762] {strides = array<i32>} : memref<8x128xf32, #tpu.memory_space<vmem>>, vector<1x16xf32>,
      %get3A_764 = vector.shape_cast %get3A_763 : vector<1x16xf32> to vector<16xf32>
      %get3A_765 = arith.constant 3 : i32
      %get3A_766 = arith.index_cast %get3A_765 : i32 to index
      %get3A_767 = arith.constant 80 : index
      %get3A_768 = tpu.vector_load %arg6[%get3A_766, %get3A_767] {strides = array<i32>} : memref<8x128xf32, #tpu.memory_space<vmem>>, vector<1x16xf32>,
      %get3A_769 = vector.shape_cast %get3A_768 : vector<1x16xf32> to vector<16xf32>
      %get3A_770 = arith.constant 4 : i32
      %get3A_771 = arith.index_cast %get3A_770 : i32 to index
      %get3A_772 = arith.constant 80 : index
      %get3A_773 = tpu.vector_load %arg6[%get3A_771, %get3A_772] {strides = array<i32>} : memref<8x128xf32, #tpu.memory_space<vmem>>, vector<1x16xf32>,
      %get3A_774 = vector.shape_cast %get3A_773 : vector<1x16xf32> to vector<16xf32>
      %get3A_775 = arith.constant 5 : i32
      %get3A_776 = arith.index_cast %get3A_775 : i32 to index
      %get3A_777 = arith.constant 80 : index
      %get3A_778 = tpu.vector_load %arg6[%get3A_776, %get3A_777] {strides = array<i32>} : memref<8x128xf32, #tpu.memory_space<vmem>>, vector<1x16xf32>,
      %get3A_779 = vector.shape_cast %get3A_778 : vector<1x16xf32> to vector<16xf32>
      %get3A_780 = arith.constant 6 : i32
      %get3A_781 = arith.index_cast %get3A_780 : i32 to index
      %get3A_782 = arith.constant 80 : index
      %get3A_783 = tpu.vector_load %arg6[%get3A_781, %get3A_782] {strides = array<i32>} : memref<8x128xf32, #tpu.memory_space<vmem>>, vector<1x16xf32>,
      %get3A_784 = vector.shape_cast %get3A_783 : vector<1x16xf32> to vector<16xf32>
      %get3A_785 = arith.constant 7 : i32
      %get3A_786 = arith.index_cast %get3A_785 : i32 to index
      %get3A_787 = arith.constant 80 : index
      %get3A_788 = tpu.vector_load %arg6[%get3A_786, %get3A_787] {strides = array<i32>} : memref<8x128xf32, #tpu.memory_space<vmem>>, vector<1x16xf32>,
      %get3A_789 = vector.shape_cast %get3A_788 : vector<1x16xf32> to vector<16xf32>
      %parallel_loop3A_790 = arith.constant 0 : i32
      %parallel_loop3A_791 = arith.constant 48 : i32
      %parallel_loop3A_792 = arith.constant 1 : i32
      %parallel_loop3A_793 = arith.constant 1 : i32
      %parallel_loop3A_794:16 = scf.for %parallel_loop3A_912 = %parallel_loop3A_790 to %parallel_loop3A_791 step %parallel_loop3A_792 iter_args(%parallel_loop3A_913 = %get3A_714, %parallel_loop3A_914 = %get3A_719, %parallel_loop3A_915 = %get3A_724, %parallel_loop3A_916 = %get3A_729, %parallel_loop3A_917 = %get3A_734, %parallel_loop3A_918 = %get3A_739, %parallel_loop3A_919 = %get3A_744, %parallel_loop3A_920 = %get3A_749, %parallel_loop3A_921 = %get3A_754, %parallel_loop3A_922 = %get3A_759, %parallel_loop3A_923 = %get3A_764, %parallel_loop3A_924 = %get3A_769, %parallel_loop3A_925 = %get3A_774, %parallel_loop3A_926 = %get3A_779, %parallel_loop3A_927 = %get3A_784, %parallel_loop3A_928 = %get3A_789) -> (vector<16xf32>, vector<16xf32>, vector<16xf32>, vector<16xf32>, vector<16xf32>, vector<16xf32>, vector<16xf32>, vector<16xf32>, vector<16xf32>, vector<16xf32>, vector<16xf32>, vector<16xf32>, vector<16xf32>, vector<16xf32>, vector<16xf32>, vector<16xf32>)  : i32 {
        %parallel_loop3A_929 = arith.constant 8 : i32
        %parallel_loop3A_930 = arith.muli %parallel_loop3A_912, %parallel_loop3A_929 : i32
        %parallel_loop3A_931 = arith.constant 0 : i32
        %parallel_loop3A_932 = arith.addi %parallel_loop3A_930, %parallel_loop3A_931 : i32
        %parallel_loop3A_933 = arith.constant 0 : i32
        %parallel_loop3A_934 = arith.constant 0 : i32
        %parallel_loop3A_935 = tpu.memref_slice %arg4[%parallel_loop3A_793, %parallel_loop3A_933, %parallel_loop3A_934] : memref<2x384x128xf32, #tpu.memory_space<vmem>> -> memref<1x384x128xf32, #tpu.memory_space<vmem>>
        %parallel_loop3A_936 = tpu.memref_squeeze %parallel_loop3A_935 : memref<1x384x128xf32, #tpu.memory_space<vmem>> -> memref<384x128xf32, #tpu.memory_space<vmem>>
        %parallel_loop3A_937 = arith.index_cast %parallel_loop3A_932 : i32 to index
        %parallel_loop3A_938 = arith.constant 64 : index
        %parallel_loop3A_939 = tpu.vector_load %parallel_loop3A_936[%parallel_loop3A_937, %parallel_loop3A_938] {strides = array<i32>} : memref<384x128xf32, #tpu.memory_space<vmem>>, vector<1x16xf32>,
        %parallel_loop3A_940 = vector.shape_cast %parallel_loop3A_939 : vector<1x16xf32> to vector<16xf32>
        %parallel_loop3A_941 = arith.constant 1 : i32
        %parallel_loop3A_942 = arith.addi %parallel_loop3A_930, %parallel_loop3A_941 : i32
        %parallel_loop3A_943 = arith.constant 0 : i32
        %parallel_loop3A_944 = arith.constant 0 : i32
        %parallel_loop3A_945 = tpu.memref_slice %arg4[%parallel_loop3A_793, %parallel_loop3A_943, %parallel_loop3A_944] : memref<2x384x128xf32, #tpu.memory_space<vmem>> -> memref<1x384x128xf32, #tpu.memory_space<vmem>>
        %parallel_loop3A_946 = tpu.memref_squeeze %parallel_loop3A_945 : memref<1x384x128xf32, #tpu.memory_space<vmem>> -> memref<384x128xf32, #tpu.memory_space<vmem>>
        %parallel_loop3A_947 = arith.index_cast %parallel_loop3A_942 : i32 to index
        %parallel_loop3A_948 = arith.constant 64 : index
        %parallel_loop3A_949 = tpu.vector_load %parallel_loop3A_946[%parallel_loop3A_947, %parallel_loop3A_948] {strides = array<i32>} : memref<384x128xf32, #tpu.memory_space<vmem>>, vector<1x16xf32>,
        %parallel_loop3A_950 = vector.shape_cast %parallel_loop3A_949 : vector<1x16xf32> to vector<16xf32>
        %parallel_loop3A_951 = arith.constant 2 : i32
        %parallel_loop3A_952 = arith.addi %parallel_loop3A_930, %parallel_loop3A_951 : i32
        %parallel_loop3A_953 = arith.constant 0 : i32
        %parallel_loop3A_954 = arith.constant 0 : i32
        %parallel_loop3A_955 = tpu.memref_slice %arg4[%parallel_loop3A_793, %parallel_loop3A_953, %parallel_loop3A_954] : memref<2x384x128xf32, #tpu.memory_space<vmem>> -> memref<1x384x128xf32, #tpu.memory_space<vmem>>
        %parallel_loop3A_956 = tpu.memref_squeeze %parallel_loop3A_955 : memref<1x384x128xf32, #tpu.memory_space<vmem>> -> memref<384x128xf32, #tpu.memory_space<vmem>>
        %parallel_loop3A_957 = arith.index_cast %parallel_loop3A_952 : i32 to index
        %parallel_loop3A_958 = arith.constant 64 : index
        %parallel_loop3A_959 = tpu.vector_load %parallel_loop3A_956[%parallel_loop3A_957, %parallel_loop3A_958] {strides = array<i32>} : memref<384x128xf32, #tpu.memory_space<vmem>>, vector<1x16xf32>,
        %parallel_loop3A_960 = vector.shape_cast %parallel_loop3A_959 : vector<1x16xf32> to vector<16xf32>
        %parallel_loop3A_961 = arith.constant 3 : i32
        %parallel_loop3A_962 = arith.addi %parallel_loop3A_930, %parallel_loop3A_961 : i32
        %parallel_loop3A_963 = arith.constant 0 : i32
        %parallel_loop3A_964 = arith.constant 0 : i32
        %parallel_loop3A_965 = tpu.memref_slice %arg4[%parallel_loop3A_793, %parallel_loop3A_963, %parallel_loop3A_964] : memref<2x384x128xf32, #tpu.memory_space<vmem>> -> memref<1x384x128xf32, #tpu.memory_space<vmem>>
        %parallel_loop3A_966 = tpu.memref_squeeze %parallel_loop3A_965 : memref<1x384x128xf32, #tpu.memory_space<vmem>> -> memref<384x128xf32, #tpu.memory_space<vmem>>
        %parallel_loop3A_967 = arith.index_cast %parallel_loop3A_962 : i32 to index
        %parallel_loop3A_968 = arith.constant 64 : index
        %parallel_loop3A_969 = tpu.vector_load %parallel_loop3A_966[%parallel_loop3A_967, %parallel_loop3A_968] {strides = array<i32>} : memref<384x128xf32, #tpu.memory_space<vmem>>, vector<1x16xf32>,
        %parallel_loop3A_970 = vector.shape_cast %parallel_loop3A_969 : vector<1x16xf32> to vector<16xf32>
        %parallel_loop3A_971 = arith.constant 4 : i32
        %parallel_loop3A_972 = arith.addi %parallel_loop3A_930, %parallel_loop3A_971 : i32
        %parallel_loop3A_973 = arith.constant 0 : i32
        %parallel_loop3A_974 = arith.constant 0 : i32
        %parallel_loop3A_975 = tpu.memref_slice %arg4[%parallel_loop3A_793, %parallel_loop3A_973, %parallel_loop3A_974] : memref<2x384x128xf32, #tpu.memory_space<vmem>> -> memref<1x384x128xf32, #tpu.memory_space<vmem>>
        %parallel_loop3A_976 = tpu.memref_squeeze %parallel_loop3A_975 : memref<1x384x128xf32, #tpu.memory_space<vmem>> -> memref<384x128xf32, #tpu.memory_space<vmem>>
        %parallel_loop3A_977 = arith.index_cast %parallel_loop3A_972 : i32 to index
        %parallel_loop3A_978 = arith.constant 64 : index
        %parallel_loop3A_979 = tpu.vector_load %parallel_loop3A_976[%parallel_loop3A_977, %parallel_loop3A_978] {strides = array<i32>} : memref<384x128xf32, #tpu.memory_space<vmem>>, vector<1x16xf32>,
        %parallel_loop3A_980 = vector.shape_cast %parallel_loop3A_979 : vector<1x16xf32> to vector<16xf32>
        %parallel_loop3A_981 = arith.constant 5 : i32
        %parallel_loop3A_982 = arith.addi %parallel_loop3A_930, %parallel_loop3A_981 : i32
        %parallel_loop3A_983 = arith.constant 0 : i32
        %parallel_loop3A_984 = arith.constant 0 : i32
        %parallel_loop3A_985 = tpu.memref_slice %arg4[%parallel_loop3A_793, %parallel_loop3A_983, %parallel_loop3A_984] : memref<2x384x128xf32, #tpu.memory_space<vmem>> -> memref<1x384x128xf32, #tpu.memory_space<vmem>>
        %parallel_loop3A_986 = tpu.memref_squeeze %parallel_loop3A_985 : memref<1x384x128xf32, #tpu.memory_space<vmem>> -> memref<384x128xf32, #tpu.memory_space<vmem>>
        %parallel_loop3A_987 = arith.index_cast %parallel_loop3A_982 : i32 to index
        %parallel_loop3A_988 = arith.constant 64 : index
        %parallel_loop3A_989 = tpu.vector_load %parallel_loop3A_986[%parallel_loop3A_987, %parallel_loop3A_988] {strides = array<i32>} : memref<384x128xf32, #tpu.memory_space<vmem>>, vector<1x16xf32>,
        %parallel_loop3A_990 = vector.shape_cast %parallel_loop3A_989 : vector<1x16xf32> to vector<16xf32>
        %parallel_loop3A_991 = arith.constant 6 : i32
        %parallel_loop3A_992 = arith.addi %parallel_loop3A_930, %parallel_loop3A_991 : i32
        %parallel_loop3A_993 = arith.constant 0 : i32
        %parallel_loop3A_994 = arith.constant 0 : i32
        %parallel_loop3A_995 = tpu.memref_slice %arg4[%parallel_loop3A_793, %parallel_loop3A_993, %parallel_loop3A_994] : memref<2x384x128xf32, #tpu.memory_space<vmem>> -> memref<1x384x128xf32, #tpu.memory_space<vmem>>
        %parallel_loop3A_996 = tpu.memref_squeeze %parallel_loop3A_995 : memref<1x384x128xf32, #tpu.memory_space<vmem>> -> memref<384x128xf32, #tpu.memory_space<vmem>>
        %parallel_loop3A_997 = arith.index_cast %parallel_loop3A_992 : i32 to index
        %parallel_loop3A_998 = arith.constant 64 : index
        %parallel_loop3A_999 = tpu.vector_load %parallel_loop3A_996[%parallel_loop3A_997, %parallel_loop3A_998] {strides = array<i32>} : memref<384x128xf32, #tpu.memory_space<vmem>>, vector<1x16xf32>,
        %parallel_loop3A_1000 = vector.shape_cast %parallel_loop3A_999 : vector<1x16xf32> to vector<16xf32>
        %parallel_loop3A_1001 = arith.constant 7 : i32
        %parallel_loop3A_1002 = arith.addi %parallel_loop3A_930, %parallel_loop3A_1001 : i32
        %parallel_loop3A_1003 = arith.constant 0 : i32
        %parallel_loop3A_1004 = arith.constant 0 : i32
        %parallel_loop3A_1005 = tpu.memref_slice %arg4[%parallel_loop3A_793, %parallel_loop3A_1003, %parallel_loop3A_1004] : memref<2x384x128xf32, #tpu.memory_space<vmem>> -> memref<1x384x128xf32, #tpu.memory_space<vmem>>
        %parallel_loop3A_1006 = tpu.memref_squeeze %parallel_loop3A_1005 : memref<1x384x128xf32, #tpu.memory_space<vmem>> -> memref<384x128xf32, #tpu.memory_space<vmem>>
        %parallel_loop3A_1007 = arith.index_cast %parallel_loop3A_1002 : i32 to index
        %parallel_loop3A_1008 = arith.constant 64 : index
        %parallel_loop3A_1009 = tpu.vector_load %parallel_loop3A_1006[%parallel_loop3A_1007, %parallel_loop3A_1008] {strides = array<i32>} : memref<384x128xf32, #tpu.memory_space<vmem>>, vector<1x16xf32>,
        %parallel_loop3A_1010 = vector.shape_cast %parallel_loop3A_1009 : vector<1x16xf32> to vector<16xf32>
        %parallel_loop3A_1011 = arith.maximumf %parallel_loop3A_940, %parallel_loop3A_950 : vector<16xf32>
        %parallel_loop3A_1012 = arith.minimumf %parallel_loop3A_940, %parallel_loop3A_950 : vector<16xf32>
        %parallel_loop3A_1013 = arith.maximumf %parallel_loop3A_960, %parallel_loop3A_970 : vector<16xf32>
        %parallel_loop3A_1014 = arith.minimumf %parallel_loop3A_960, %parallel_loop3A_970 : vector<16xf32>
        %parallel_loop3A_1015 = arith.maximumf %parallel_loop3A_980, %parallel_loop3A_990 : vector<16xf32>
        %parallel_loop3A_1016 = arith.minimumf %parallel_loop3A_980, %parallel_loop3A_990 : vector<16xf32>
        %parallel_loop3A_1017 = arith.maximumf %parallel_loop3A_1000, %parallel_loop3A_1010 : vector<16xf32>
        %parallel_loop3A_1018 = arith.minimumf %parallel_loop3A_1000, %parallel_loop3A_1010 : vector<16xf32>
        %parallel_loop3A_1019 = arith.maximumf %parallel_loop3A_1011, %parallel_loop3A_1013 : vector<16xf32>
        %parallel_loop3A_1020 = arith.minimumf %parallel_loop3A_1011, %parallel_loop3A_1013 : vector<16xf32>
        %parallel_loop3A_1021 = arith.maximumf %parallel_loop3A_1012, %parallel_loop3A_1014 : vector<16xf32>
        %parallel_loop3A_1022 = arith.minimumf %parallel_loop3A_1012, %parallel_loop3A_1014 : vector<16xf32>
        %parallel_loop3A_1023 = arith.maximumf %parallel_loop3A_1015, %parallel_loop3A_1017 : vector<16xf32>
        %parallel_loop3A_1024 = arith.minimumf %parallel_loop3A_1015, %parallel_loop3A_1017 : vector<16xf32>
        %parallel_loop3A_1025 = arith.maximumf %parallel_loop3A_1016, %parallel_loop3A_1018 : vector<16xf32>
        %parallel_loop3A_1026 = arith.minimumf %parallel_loop3A_1016, %parallel_loop3A_1018 : vector<16xf32>
        %parallel_loop3A_1027 = arith.maximumf %parallel_loop3A_1021, %parallel_loop3A_1020 : vector<16xf32>
        %parallel_loop3A_1028 = arith.minimumf %parallel_loop3A_1021, %parallel_loop3A_1020 : vector<16xf32>
        %parallel_loop3A_1029 = arith.maximumf %parallel_loop3A_1025, %parallel_loop3A_1024 : vector<16xf32>
        %parallel_loop3A_1030 = arith.minimumf %parallel_loop3A_1025, %parallel_loop3A_1024 : vector<16xf32>
        %parallel_loop3A_1031 = arith.maximumf %parallel_loop3A_1019, %parallel_loop3A_1023 : vector<16xf32>
        %parallel_loop3A_1032 = arith.minimumf %parallel_loop3A_1019, %parallel_loop3A_1023 : vector<16xf32>
        %parallel_loop3A_1033 = arith.maximumf %parallel_loop3A_1027, %parallel_loop3A_1029 : vector<16xf32>
        %parallel_loop3A_1034 = arith.minimumf %parallel_loop3A_1027, %parallel_loop3A_1029 : vector<16xf32>
        %parallel_loop3A_1035 = arith.maximumf %parallel_loop3A_1028, %parallel_loop3A_1030 : vector<16xf32>
        %parallel_loop3A_1036 = arith.minimumf %parallel_loop3A_1028, %parallel_loop3A_1030 : vector<16xf32>
        %parallel_loop3A_1037 = arith.maximumf %parallel_loop3A_1022, %parallel_loop3A_1026 : vector<16xf32>
        %parallel_loop3A_1038 = arith.minimumf %parallel_loop3A_1022, %parallel_loop3A_1026 : vector<16xf32>
        %parallel_loop3A_1039 = arith.maximumf %parallel_loop3A_1035, %parallel_loop3A_1032 : vector<16xf32>
        %parallel_loop3A_1040 = arith.minimumf %parallel_loop3A_1035, %parallel_loop3A_1032 : vector<16xf32>
        %parallel_loop3A_1041 = arith.maximumf %parallel_loop3A_1037, %parallel_loop3A_1034 : vector<16xf32>
        %parallel_loop3A_1042 = arith.minimumf %parallel_loop3A_1037, %parallel_loop3A_1034 : vector<16xf32>
        %parallel_loop3A_1043 = arith.maximumf %parallel_loop3A_1033, %parallel_loop3A_1039 : vector<16xf32>
        %parallel_loop3A_1044 = arith.minimumf %parallel_loop3A_1033, %parallel_loop3A_1039 : vector<16xf32>
        %parallel_loop3A_1045 = arith.maximumf %parallel_loop3A_1041, %parallel_loop3A_1040 : vector<16xf32>
        %parallel_loop3A_1046 = arith.minimumf %parallel_loop3A_1041, %parallel_loop3A_1040 : vector<16xf32>
        %parallel_loop3A_1047 = arith.maximumf %parallel_loop3A_1042, %parallel_loop3A_1036 : vector<16xf32>
        %parallel_loop3A_1048 = arith.minimumf %parallel_loop3A_1042, %parallel_loop3A_1036 : vector<16xf32>
        %parallel_loop3A_1049 = arith.maximumf %parallel_loop3A_913, %parallel_loop3A_1038 : vector<16xf32>
        %parallel_loop3A_1050 = arith.maximumf %parallel_loop3A_914, %parallel_loop3A_1048 : vector<16xf32>
        %parallel_loop3A_1051 = arith.maximumf %parallel_loop3A_915, %parallel_loop3A_1047 : vector<16xf32>
        %parallel_loop3A_1052 = arith.maximumf %parallel_loop3A_916, %parallel_loop3A_1046 : vector<16xf32>
        %parallel_loop3A_1053 = arith.maximumf %parallel_loop3A_917, %parallel_loop3A_1045 : vector<16xf32>
        %parallel_loop3A_1054 = arith.maximumf %parallel_loop3A_918, %parallel_loop3A_1044 : vector<16xf32>
        %parallel_loop3A_1055 = arith.maximumf %parallel_loop3A_919, %parallel_loop3A_1043 : vector<16xf32>
        %parallel_loop3A_1056 = arith.maximumf %parallel_loop3A_920, %parallel_loop3A_1031 : vector<16xf32>
        %parallel_loop3A_1057 = arith.maximumf %parallel_loop3A_1049, %parallel_loop3A_1053 : vector<16xf32>
        %parallel_loop3A_1058 = arith.minimumf %parallel_loop3A_1049, %parallel_loop3A_1053 : vector<16xf32>
        %parallel_loop3A_1059 = arith.maximumf %parallel_loop3A_1050, %parallel_loop3A_1054 : vector<16xf32>
        %parallel_loop3A_1060 = arith.minimumf %parallel_loop3A_1050, %parallel_loop3A_1054 : vector<16xf32>
        %parallel_loop3A_1061 = arith.maximumf %parallel_loop3A_1051, %parallel_loop3A_1055 : vector<16xf32>
        %parallel_loop3A_1062 = arith.minimumf %parallel_loop3A_1051, %parallel_loop3A_1055 : vector<16xf32>
        %parallel_loop3A_1063 = arith.maximumf %parallel_loop3A_1052, %parallel_loop3A_1056 : vector<16xf32>
        %parallel_loop3A_1064 = arith.minimumf %parallel_loop3A_1052, %parallel_loop3A_1056 : vector<16xf32>
        %parallel_loop3A_1065 = arith.maximumf %parallel_loop3A_1057, %parallel_loop3A_1061 : vector<16xf32>
        %parallel_loop3A_1066 = arith.minimumf %parallel_loop3A_1057, %parallel_loop3A_1061 : vector<16xf32>
        %parallel_loop3A_1067 = arith.maximumf %parallel_loop3A_1059, %parallel_loop3A_1063 : vector<16xf32>
        %parallel_loop3A_1068 = arith.minimumf %parallel_loop3A_1059, %parallel_loop3A_1063 : vector<16xf32>
        %parallel_loop3A_1069 = arith.maximumf %parallel_loop3A_1058, %parallel_loop3A_1062 : vector<16xf32>
        %parallel_loop3A_1070 = arith.minimumf %parallel_loop3A_1058, %parallel_loop3A_1062 : vector<16xf32>
        %parallel_loop3A_1071 = arith.maximumf %parallel_loop3A_1060, %parallel_loop3A_1064 : vector<16xf32>
        %parallel_loop3A_1072 = arith.minimumf %parallel_loop3A_1060, %parallel_loop3A_1064 : vector<16xf32>
        %parallel_loop3A_1073 = arith.maximumf %parallel_loop3A_1065, %parallel_loop3A_1067 : vector<16xf32>
        %parallel_loop3A_1074 = arith.minimumf %parallel_loop3A_1065, %parallel_loop3A_1067 : vector<16xf32>
        %parallel_loop3A_1075 = arith.maximumf %parallel_loop3A_1066, %parallel_loop3A_1068 : vector<16xf32>
        %parallel_loop3A_1076 = arith.minimumf %parallel_loop3A_1066, %parallel_loop3A_1068 : vector<16xf32>
        %parallel_loop3A_1077 = arith.maximumf %parallel_loop3A_1069, %parallel_loop3A_1071 : vector<16xf32>
        %parallel_loop3A_1078 = arith.minimumf %parallel_loop3A_1069, %parallel_loop3A_1071 : vector<16xf32>
        %parallel_loop3A_1079 = arith.maximumf %parallel_loop3A_1070, %parallel_loop3A_1072 : vector<16xf32>
        %parallel_loop3A_1080 = arith.minimumf %parallel_loop3A_1070, %parallel_loop3A_1072 : vector<16xf32>
        %parallel_loop3A_1081 = arith.constant 0 : i32
        %parallel_loop3A_1082 = arith.addi %parallel_loop3A_930, %parallel_loop3A_1081 : i32
        %parallel_loop3A_1083 = arith.constant 0 : i32
        %parallel_loop3A_1084 = arith.constant 0 : i32
        %parallel_loop3A_1085 = tpu.memref_slice %arg4[%parallel_loop3A_793, %parallel_loop3A_1083, %parallel_loop3A_1084] : memref<2x384x128xf32, #tpu.memory_space<vmem>> -> memref<1x384x128xf32, #tpu.memory_space<vmem>>
        %parallel_loop3A_1086 = tpu.memref_squeeze %parallel_loop3A_1085 : memref<1x384x128xf32, #tpu.memory_space<vmem>> -> memref<384x128xf32, #tpu.memory_space<vmem>>
        %parallel_loop3A_1087 = arith.index_cast %parallel_loop3A_1082 : i32 to index
        %parallel_loop3A_1088 = arith.constant 80 : index
        %parallel_loop3A_1089 = tpu.vector_load %parallel_loop3A_1086[%parallel_loop3A_1087, %parallel_loop3A_1088] {strides = array<i32>} : memref<384x128xf32, #tpu.memory_space<vmem>>, vector<1x16xf32>,
        %parallel_loop3A_1090 = vector.shape_cast %parallel_loop3A_1089 : vector<1x16xf32> to vector<16xf32>
        %parallel_loop3A_1091 = arith.constant 1 : i32
        %parallel_loop3A_1092 = arith.addi %parallel_loop3A_930, %parallel_loop3A_1091 : i32
        %parallel_loop3A_1093 = arith.constant 0 : i32
        %parallel_loop3A_1094 = arith.constant 0 : i32
        %parallel_loop3A_1095 = tpu.memref_slice %arg4[%parallel_loop3A_793, %parallel_loop3A_1093, %parallel_loop3A_1094] : memref<2x384x128xf32, #tpu.memory_space<vmem>> -> memref<1x384x128xf32, #tpu.memory_space<vmem>>
        %parallel_loop3A_1096 = tpu.memref_squeeze %parallel_loop3A_1095 : memref<1x384x128xf32, #tpu.memory_space<vmem>> -> memref<384x128xf32, #tpu.memory_space<vmem>>
        %parallel_loop3A_1097 = arith.index_cast %parallel_loop3A_1092 : i32 to index
        %parallel_loop3A_1098 = arith.constant 80 : index
        %parallel_loop3A_1099 = tpu.vector_load %parallel_loop3A_1096[%parallel_loop3A_1097, %parallel_loop3A_1098] {strides = array<i32>} : memref<384x128xf32, #tpu.memory_space<vmem>>, vector<1x16xf32>,
        %parallel_loop3A_1100 = vector.shape_cast %parallel_loop3A_1099 : vector<1x16xf32> to vector<16xf32>
        %parallel_loop3A_1101 = arith.constant 2 : i32
        %parallel_loop3A_1102 = arith.addi %parallel_loop3A_930, %parallel_loop3A_1101 : i32
        %parallel_loop3A_1103 = arith.constant 0 : i32
        %parallel_loop3A_1104 = arith.constant 0 : i32
        %parallel_loop3A_1105 = tpu.memref_slice %arg4[%parallel_loop3A_793, %parallel_loop3A_1103, %parallel_loop3A_1104] : memref<2x384x128xf32, #tpu.memory_space<vmem>> -> memref<1x384x128xf32, #tpu.memory_space<vmem>>
        %parallel_loop3A_1106 = tpu.memref_squeeze %parallel_loop3A_1105 : memref<1x384x128xf32, #tpu.memory_space<vmem>> -> memref<384x128xf32, #tpu.memory_space<vmem>>
        %parallel_loop3A_1107 = arith.index_cast %parallel_loop3A_1102 : i32 to index
        %parallel_loop3A_1108 = arith.constant 80 : index
        %parallel_loop3A_1109 = tpu.vector_load %parallel_loop3A_1106[%parallel_loop3A_1107, %parallel_loop3A_1108] {strides = array<i32>} : memref<384x128xf32, #tpu.memory_space<vmem>>, vector<1x16xf32>,
        %parallel_loop3A_1110 = vector.shape_cast %parallel_loop3A_1109 : vector<1x16xf32> to vector<16xf32>
        %parallel_loop3A_1111 = arith.constant 3 : i32
        %parallel_loop3A_1112 = arith.addi %parallel_loop3A_930, %parallel_loop3A_1111 : i32
        %parallel_loop3A_1113 = arith.constant 0 : i32
        %parallel_loop3A_1114 = arith.constant 0 : i32
        %parallel_loop3A_1115 = tpu.memref_slice %arg4[%parallel_loop3A_793, %parallel_loop3A_1113, %parallel_loop3A_1114] : memref<2x384x128xf32, #tpu.memory_space<vmem>> -> memref<1x384x128xf32, #tpu.memory_space<vmem>>
        %parallel_loop3A_1116 = tpu.memref_squeeze %parallel_loop3A_1115 : memref<1x384x128xf32, #tpu.memory_space<vmem>> -> memref<384x128xf32, #tpu.memory_space<vmem>>
        %parallel_loop3A_1117 = arith.index_cast %parallel_loop3A_1112 : i32 to index
        %parallel_loop3A_1118 = arith.constant 80 : index
        %parallel_loop3A_1119 = tpu.vector_load %parallel_loop3A_1116[%parallel_loop3A_1117, %parallel_loop3A_1118] {strides = array<i32>} : memref<384x128xf32, #tpu.memory_space<vmem>>, vector<1x16xf32>,
        %parallel_loop3A_1120 = vector.shape_cast %parallel_loop3A_1119 : vector<1x16xf32> to vector<16xf32>
        %parallel_loop3A_1121 = arith.constant 4 : i32
        %parallel_loop3A_1122 = arith.addi %parallel_loop3A_930, %parallel_loop3A_1121 : i32
        %parallel_loop3A_1123 = arith.constant 0 : i32
        %parallel_loop3A_1124 = arith.constant 0 : i32
        %parallel_loop3A_1125 = tpu.memref_slice %arg4[%parallel_loop3A_793, %parallel_loop3A_1123, %parallel_loop3A_1124] : memref<2x384x128xf32, #tpu.memory_space<vmem>> -> memref<1x384x128xf32, #tpu.memory_space<vmem>>
        %parallel_loop3A_1126 = tpu.memref_squeeze %parallel_loop3A_1125 : memref<1x384x128xf32, #tpu.memory_space<vmem>> -> memref<384x128xf32, #tpu.memory_space<vmem>>
        %parallel_loop3A_1127 = arith.index_cast %parallel_loop3A_1122 : i32 to index
        %parallel_loop3A_1128 = arith.constant 80 : index
        %parallel_loop3A_1129 = tpu.vector_load %parallel_loop3A_1126[%parallel_loop3A_1127, %parallel_loop3A_1128] {strides = array<i32>} : memref<384x128xf32, #tpu.memory_space<vmem>>, vector<1x16xf32>,
        %parallel_loop3A_1130 = vector.shape_cast %parallel_loop3A_1129 : vector<1x16xf32> to vector<16xf32>
        %parallel_loop3A_1131 = arith.constant 5 : i32
        %parallel_loop3A_1132 = arith.addi %parallel_loop3A_930, %parallel_loop3A_1131 : i32
        %parallel_loop3A_1133 = arith.constant 0 : i32
        %parallel_loop3A_1134 = arith.constant 0 : i32
        %parallel_loop3A_1135 = tpu.memref_slice %arg4[%parallel_loop3A_793, %parallel_loop3A_1133, %parallel_loop3A_1134] : memref<2x384x128xf32, #tpu.memory_space<vmem>> -> memref<1x384x128xf32, #tpu.memory_space<vmem>>
        %parallel_loop3A_1136 = tpu.memref_squeeze %parallel_loop3A_1135 : memref<1x384x128xf32, #tpu.memory_space<vmem>> -> memref<384x128xf32, #tpu.memory_space<vmem>>
        %parallel_loop3A_1137 = arith.index_cast %parallel_loop3A_1132 : i32 to index
        %parallel_loop3A_1138 = arith.constant 80 : index
        %parallel_loop3A_1139 = tpu.vector_load %parallel_loop3A_1136[%parallel_loop3A_1137, %parallel_loop3A_1138] {strides = array<i32>} : memref<384x128xf32, #tpu.memory_space<vmem>>, vector<1x16xf32>,
        %parallel_loop3A_1140 = vector.shape_cast %parallel_loop3A_1139 : vector<1x16xf32> to vector<16xf32>
        %parallel_loop3A_1141 = arith.constant 6 : i32
        %parallel_loop3A_1142 = arith.addi %parallel_loop3A_930, %parallel_loop3A_1141 : i32
        %parallel_loop3A_1143 = arith.constant 0 : i32
        %parallel_loop3A_1144 = arith.constant 0 : i32
        %parallel_loop3A_1145 = tpu.memref_slice %arg4[%parallel_loop3A_793, %parallel_loop3A_1143, %parallel_loop3A_1144] : memref<2x384x128xf32, #tpu.memory_space<vmem>> -> memref<1x384x128xf32, #tpu.memory_space<vmem>>
        %parallel_loop3A_1146 = tpu.memref_squeeze %parallel_loop3A_1145 : memref<1x384x128xf32, #tpu.memory_space<vmem>> -> memref<384x128xf32, #tpu.memory_space<vmem>>
        %parallel_loop3A_1147 = arith.index_cast %parallel_loop3A_1142 : i32 to index
        %parallel_loop3A_1148 = arith.constant 80 : index
        %parallel_loop3A_1149 = tpu.vector_load %parallel_loop3A_1146[%parallel_loop3A_1147, %parallel_loop3A_1148] {strides = array<i32>} : memref<384x128xf32, #tpu.memory_space<vmem>>, vector<1x16xf32>,
        %parallel_loop3A_1150 = vector.shape_cast %parallel_loop3A_1149 : vector<1x16xf32> to vector<16xf32>
        %parallel_loop3A_1151 = arith.constant 7 : i32
        %parallel_loop3A_1152 = arith.addi %parallel_loop3A_930, %parallel_loop3A_1151 : i32
        %parallel_loop3A_1153 = arith.constant 0 : i32
        %parallel_loop3A_1154 = arith.constant 0 : i32
        %parallel_loop3A_1155 = tpu.memref_slice %arg4[%parallel_loop3A_793, %parallel_loop3A_1153, %parallel_loop3A_1154] : memref<2x384x128xf32, #tpu.memory_space<vmem>> -> memref<1x384x128xf32, #tpu.memory_space<vmem>>
        %parallel_loop3A_1156 = tpu.memref_squeeze %parallel_loop3A_1155 : memref<1x384x128xf32, #tpu.memory_space<vmem>> -> memref<384x128xf32, #tpu.memory_space<vmem>>
        %parallel_loop3A_1157 = arith.index_cast %parallel_loop3A_1152 : i32 to index
        %parallel_loop3A_1158 = arith.constant 80 : index
        %parallel_loop3A_1159 = tpu.vector_load %parallel_loop3A_1156[%parallel_loop3A_1157, %parallel_loop3A_1158] {strides = array<i32>} : memref<384x128xf32, #tpu.memory_space<vmem>>, vector<1x16xf32>,
        %parallel_loop3A_1160 = vector.shape_cast %parallel_loop3A_1159 : vector<1x16xf32> to vector<16xf32>
        %parallel_loop3A_1161 = arith.maximumf %parallel_loop3A_1090, %parallel_loop3A_1100 : vector<16xf32>
        %parallel_loop3A_1162 = arith.minimumf %parallel_loop3A_1090, %parallel_loop3A_1100 : vector<16xf32>
        %parallel_loop3A_1163 = arith.maximumf %parallel_loop3A_1110, %parallel_loop3A_1120 : vector<16xf32>
        %parallel_loop3A_1164 = arith.minimumf %parallel_loop3A_1110, %parallel_loop3A_1120 : vector<16xf32>
        %parallel_loop3A_1165 = arith.maximumf %parallel_loop3A_1130, %parallel_loop3A_1140 : vector<16xf32>
        %parallel_loop3A_1166 = arith.minimumf %parallel_loop3A_1130, %parallel_loop3A_1140 : vector<16xf32>
        %parallel_loop3A_1167 = arith.maximumf %parallel_loop3A_1150, %parallel_loop3A_1160 : vector<16xf32>
        %parallel_loop3A_1168 = arith.minimumf %parallel_loop3A_1150, %parallel_loop3A_1160 : vector<16xf32>
        %parallel_loop3A_1169 = arith.maximumf %parallel_loop3A_1161, %parallel_loop3A_1163 : vector<16xf32>
        %parallel_loop3A_1170 = arith.minimumf %parallel_loop3A_1161, %parallel_loop3A_1163 : vector<16xf32>
        %parallel_loop3A_1171 = arith.maximumf %parallel_loop3A_1162, %parallel_loop3A_1164 : vector<16xf32>
        %parallel_loop3A_1172 = arith.minimumf %parallel_loop3A_1162, %parallel_loop3A_1164 : vector<16xf32>
        %parallel_loop3A_1173 = arith.maximumf %parallel_loop3A_1165, %parallel_loop3A_1167 : vector<16xf32>
        %parallel_loop3A_1174 = arith.minimumf %parallel_loop3A_1165, %parallel_loop3A_1167 : vector<16xf32>
        %parallel_loop3A_1175 = arith.maximumf %parallel_loop3A_1166, %parallel_loop3A_1168 : vector<16xf32>
        %parallel_loop3A_1176 = arith.minimumf %parallel_loop3A_1166, %parallel_loop3A_1168 : vector<16xf32>
        %parallel_loop3A_1177 = arith.maximumf %parallel_loop3A_1171, %parallel_loop3A_1170 : vector<16xf32>
        %parallel_loop3A_1178 = arith.minimumf %parallel_loop3A_1171, %parallel_loop3A_1170 : vector<16xf32>
        %parallel_loop3A_1179 = arith.maximumf %parallel_loop3A_1175, %parallel_loop3A_1174 : vector<16xf32>
        %parallel_loop3A_1180 = arith.minimumf %parallel_loop3A_1175, %parallel_loop3A_1174 : vector<16xf32>
        %parallel_loop3A_1181 = arith.maximumf %parallel_loop3A_1169, %parallel_loop3A_1173 : vector<16xf32>
        %parallel_loop3A_1182 = arith.minimumf %parallel_loop3A_1169, %parallel_loop3A_1173 : vector<16xf32>
        %parallel_loop3A_1183 = arith.maximumf %parallel_loop3A_1177, %parallel_loop3A_1179 : vector<16xf32>
        %parallel_loop3A_1184 = arith.minimumf %parallel_loop3A_1177, %parallel_loop3A_1179 : vector<16xf32>
        %parallel_loop3A_1185 = arith.maximumf %parallel_loop3A_1178, %parallel_loop3A_1180 : vector<16xf32>
        %parallel_loop3A_1186 = arith.minimumf %parallel_loop3A_1178, %parallel_loop3A_1180 : vector<16xf32>
        %parallel_loop3A_1187 = arith.maximumf %parallel_loop3A_1172, %parallel_loop3A_1176 : vector<16xf32>
        %parallel_loop3A_1188 = arith.minimumf %parallel_loop3A_1172, %parallel_loop3A_1176 : vector<16xf32>
        %parallel_loop3A_1189 = arith.maximumf %parallel_loop3A_1185, %parallel_loop3A_1182 : vector<16xf32>
        %parallel_loop3A_1190 = arith.minimumf %parallel_loop3A_1185, %parallel_loop3A_1182 : vector<16xf32>
        %parallel_loop3A_1191 = arith.maximumf %parallel_loop3A_1187, %parallel_loop3A_1184 : vector<16xf32>
        %parallel_loop3A_1192 = arith.minimumf %parallel_loop3A_1187, %parallel_loop3A_1184 : vector<16xf32>
        %parallel_loop3A_1193 = arith.maximumf %parallel_loop3A_1183, %parallel_loop3A_1189 : vector<16xf32>
        %parallel_loop3A_1194 = arith.minimumf %parallel_loop3A_1183, %parallel_loop3A_1189 : vector<16xf32>
        %parallel_loop3A_1195 = arith.maximumf %parallel_loop3A_1191, %parallel_loop3A_1190 : vector<16xf32>
        %parallel_loop3A_1196 = arith.minimumf %parallel_loop3A_1191, %parallel_loop3A_1190 : vector<16xf32>
        %parallel_loop3A_1197 = arith.maximumf %parallel_loop3A_1192, %parallel_loop3A_1186 : vector<16xf32>
        %parallel_loop3A_1198 = arith.minimumf %parallel_loop3A_1192, %parallel_loop3A_1186 : vector<16xf32>
        %parallel_loop3A_1199 = arith.maximumf %parallel_loop3A_921, %parallel_loop3A_1188 : vector<16xf32>
        %parallel_loop3A_1200 = arith.maximumf %parallel_loop3A_922, %parallel_loop3A_1198 : vector<16xf32>
        %parallel_loop3A_1201 = arith.maximumf %parallel_loop3A_923, %parallel_loop3A_1197 : vector<16xf32>
        %parallel_loop3A_1202 = arith.maximumf %parallel_loop3A_924, %parallel_loop3A_1196 : vector<16xf32>
        %parallel_loop3A_1203 = arith.maximumf %parallel_loop3A_925, %parallel_loop3A_1195 : vector<16xf32>
        %parallel_loop3A_1204 = arith.maximumf %parallel_loop3A_926, %parallel_loop3A_1194 : vector<16xf32>
        %parallel_loop3A_1205 = arith.maximumf %parallel_loop3A_927, %parallel_loop3A_1193 : vector<16xf32>
        %parallel_loop3A_1206 = arith.maximumf %parallel_loop3A_928, %parallel_loop3A_1181 : vector<16xf32>
        %parallel_loop3A_1207 = arith.maximumf %parallel_loop3A_1199, %parallel_loop3A_1203 : vector<16xf32>
        %parallel_loop3A_1208 = arith.minimumf %parallel_loop3A_1199, %parallel_loop3A_1203 : vector<16xf32>
        %parallel_loop3A_1209 = arith.maximumf %parallel_loop3A_1200, %parallel_loop3A_1204 : vector<16xf32>
        %parallel_loop3A_1210 = arith.minimumf %parallel_loop3A_1200, %parallel_loop3A_1204 : vector<16xf32>
        %parallel_loop3A_1211 = arith.maximumf %parallel_loop3A_1201, %parallel_loop3A_1205 : vector<16xf32>
        %parallel_loop3A_1212 = arith.minimumf %parallel_loop3A_1201, %parallel_loop3A_1205 : vector<16xf32>
        %parallel_loop3A_1213 = arith.maximumf %parallel_loop3A_1202, %parallel_loop3A_1206 : vector<16xf32>
        %parallel_loop3A_1214 = arith.minimumf %parallel_loop3A_1202, %parallel_loop3A_1206 : vector<16xf32>
        %parallel_loop3A_1215 = arith.maximumf %parallel_loop3A_1207, %parallel_loop3A_1211 : vector<16xf32>
        %parallel_loop3A_1216 = arith.minimumf %parallel_loop3A_1207, %parallel_loop3A_1211 : vector<16xf32>
        %parallel_loop3A_1217 = arith.maximumf %parallel_loop3A_1209, %parallel_loop3A_1213 : vector<16xf32>
        %parallel_loop3A_1218 = arith.minimumf %parallel_loop3A_1209, %parallel_loop3A_1213 : vector<16xf32>
        %parallel_loop3A_1219 = arith.maximumf %parallel_loop3A_1208, %parallel_loop3A_1212 : vector<16xf32>
        %parallel_loop3A_1220 = arith.minimumf %parallel_loop3A_1208, %parallel_loop3A_1212 : vector<16xf32>
        %parallel_loop3A_1221 = arith.maximumf %parallel_loop3A_1210, %parallel_loop3A_1214 : vector<16xf32>
        %parallel_loop3A_1222 = arith.minimumf %parallel_loop3A_1210, %parallel_loop3A_1214 : vector<16xf32>
        %parallel_loop3A_1223 = arith.maximumf %parallel_loop3A_1215, %parallel_loop3A_1217 : vector<16xf32>
        %parallel_loop3A_1224 = arith.minimumf %parallel_loop3A_1215, %parallel_loop3A_1217 : vector<16xf32>
        %parallel_loop3A_1225 = arith.maximumf %parallel_loop3A_1216, %parallel_loop3A_1218 : vector<16xf32>
        %parallel_loop3A_1226 = arith.minimumf %parallel_loop3A_1216, %parallel_loop3A_1218 : vector<16xf32>
        %parallel_loop3A_1227 = arith.maximumf %parallel_loop3A_1219, %parallel_loop3A_1221 : vector<16xf32>
        %parallel_loop3A_1228 = arith.minimumf %parallel_loop3A_1219, %parallel_loop3A_1221 : vector<16xf32>
        %parallel_loop3A_1229 = arith.maximumf %parallel_loop3A_1220, %parallel_loop3A_1222 : vector<16xf32>
        %parallel_loop3A_1230 = arith.minimumf %parallel_loop3A_1220, %parallel_loop3A_1222 : vector<16xf32>
        scf.yield %parallel_loop3A_1073, %parallel_loop3A_1074, %parallel_loop3A_1075, %parallel_loop3A_1076, %parallel_loop3A_1077, %parallel_loop3A_1078, %parallel_loop3A_1079, %parallel_loop3A_1080, %parallel_loop3A_1223, %parallel_loop3A_1224, %parallel_loop3A_1225, %parallel_loop3A_1226, %parallel_loop3A_1227, %parallel_loop3A_1228, %parallel_loop3A_1229, %parallel_loop3A_1230 : vector<16xf32>, vector<16xf32>, vector<16xf32>, vector<16xf32>, vector<16xf32>, vector<16xf32>, vector<16xf32>, vector<16xf32>, vector<16xf32>, vector<16xf32>, vector<16xf32>, vector<16xf32>, vector<16xf32>, vector<16xf32>, vector<16xf32>, vector<16xf32>
      } {sc.loop_unroll_factor = 1 : i64, sc.parallel_access}
      %mul3A_795 = arith.constant 128 : i32
      %mul3A_796 = arith.muli %add3A_39, %mul3A_795 : i32
      %add3A_797 = arith.constant 64 : i32
      %add3A_798 = arith.addi %mul3A_796, %add3A_797 : i32
      %swap3A_799 = arith.index_cast %add3A_798 : i32 to index
      %swap3A_800 = tpu.vector_load %arg5[%swap3A_799] {strides = array<i32>} : memref<1024xf32, #tpu.memory_space<vmem>>, vector<16xf32>,
      %swap3A_801 = vector.shape_cast %swap3A_800 : vector<16xf32> to vector<16xf32>
      %swap3A_802 = vector.shape_cast %parallel_loop3A_794#7 : vector<16xf32> to vector<16xf32>
      tpu.vector_store %arg5[%swap3A_799], %swap3A_802 {strides = array<i32>} : memref<1024xf32, #tpu.memory_space<vmem>>, vector<16xf32>,
      %mul3A_803 = arith.constant 128 : i32
      %mul3A_804 = arith.muli %add3A_39, %mul3A_803 : i32
      %add3A_805 = arith.constant 80 : i32
      %add3A_806 = arith.addi %mul3A_804, %add3A_805 : i32
      %swap3A_807 = arith.index_cast %add3A_806 : i32 to index
      %swap3A_808 = tpu.vector_load %arg5[%swap3A_807] {strides = array<i32>} : memref<1024xf32, #tpu.memory_space<vmem>>, vector<16xf32>,
      %swap3A_809 = vector.shape_cast %swap3A_808 : vector<16xf32> to vector<16xf32>
      %swap3A_810 = vector.shape_cast %parallel_loop3A_794#15 : vector<16xf32> to vector<16xf32>
      tpu.vector_store %arg5[%swap3A_807], %swap3A_810 {strides = array<i32>} : memref<1024xf32, #tpu.memory_space<vmem>>, vector<16xf32>,
      %get3A_811 = arith.constant 0 : i32
      %get3A_812 = arith.index_cast %get3A_811 : i32 to index
      %get3A_813 = arith.constant 96 : index
      %get3A_814 = tpu.vector_load %arg6[%get3A_812, %get3A_813] {strides = array<i32>} : memref<8x128xf32, #tpu.memory_space<vmem>>, vector<1x16xf32>,
      %get3A_815 = vector.shape_cast %get3A_814 : vector<1x16xf32> to vector<16xf32>
      %get3A_816 = arith.constant 1 : i32
      %get3A_817 = arith.index_cast %get3A_816 : i32 to index
      %get3A_818 = arith.constant 96 : index
      %get3A_819 = tpu.vector_load %arg6[%get3A_817, %get3A_818] {strides = array<i32>} : memref<8x128xf32, #tpu.memory_space<vmem>>, vector<1x16xf32>,
      %get3A_820 = vector.shape_cast %get3A_819 : vector<1x16xf32> to vector<16xf32>
      %get3A_821 = arith.constant 2 : i32
      %get3A_822 = arith.index_cast %get3A_821 : i32 to index
      %get3A_823 = arith.constant 96 : index
      %get3A_824 = tpu.vector_load %arg6[%get3A_822, %get3A_823] {strides = array<i32>} : memref<8x128xf32, #tpu.memory_space<vmem>>, vector<1x16xf32>,
      %get3A_825 = vector.shape_cast %get3A_824 : vector<1x16xf32> to vector<16xf32>
      %get3A_826 = arith.constant 3 : i32
      %get3A_827 = arith.index_cast %get3A_826 : i32 to index
      %get3A_828 = arith.constant 96 : index
      %get3A_829 = tpu.vector_load %arg6[%get3A_827, %get3A_828] {strides = array<i32>} : memref<8x128xf32, #tpu.memory_space<vmem>>, vector<1x16xf32>,
      %get3A_830 = vector.shape_cast %get3A_829 : vector<1x16xf32> to vector<16xf32>
      %get3A_831 = arith.constant 4 : i32
      %get3A_832 = arith.index_cast %get3A_831 : i32 to index
      %get3A_833 = arith.constant 96 : index
      %get3A_834 = tpu.vector_load %arg6[%get3A_832, %get3A_833] {strides = array<i32>} : memref<8x128xf32, #tpu.memory_space<vmem>>, vector<1x16xf32>,
      %get3A_835 = vector.shape_cast %get3A_834 : vector<1x16xf32> to vector<16xf32>
      %get3A_836 = arith.constant 5 : i32
      %get3A_837 = arith.index_cast %get3A_836 : i32 to index
      %get3A_838 = arith.constant 96 : index
      %get3A_839 = tpu.vector_load %arg6[%get3A_837, %get3A_838] {strides = array<i32>} : memref<8x128xf32, #tpu.memory_space<vmem>>, vector<1x16xf32>,
      %get3A_840 = vector.shape_cast %get3A_839 : vector<1x16xf32> to vector<16xf32>
      %get3A_841 = arith.constant 6 : i32
      %get3A_842 = arith.index_cast %get3A_841 : i32 to index
      %get3A_843 = arith.constant 96 : index
      %get3A_844 = tpu.vector_load %arg6[%get3A_842, %get3A_843] {strides = array<i32>} : memref<8x128xf32, #tpu.memory_space<vmem>>, vector<1x16xf32>,
      %get3A_845 = vector.shape_cast %get3A_844 : vector<1x16xf32> to vector<16xf32>
      %get3A_846 = arith.constant 7 : i32
      %get3A_847 = arith.index_cast %get3A_846 : i32 to index
      %get3A_848 = arith.constant 96 : index
      %get3A_849 = tpu.vector_load %arg6[%get3A_847, %get3A_848] {strides = array<i32>} : memref<8x128xf32, #tpu.memory_space<vmem>>, vector<1x16xf32>,
      %get3A_850 = vector.shape_cast %get3A_849 : vector<1x16xf32> to vector<16xf32>
      %get3A_851 = arith.constant 0 : i32
      %get3A_852 = arith.index_cast %get3A_851 : i32 to index
      %get3A_853 = arith.constant 112 : index
      %get3A_854 = tpu.vector_load %arg6[%get3A_852, %get3A_853] {strides = array<i32>} : memref<8x128xf32, #tpu.memory_space<vmem>>, vector<1x16xf32>,
      %get3A_855 = vector.shape_cast %get3A_854 : vector<1x16xf32> to vector<16xf32>
      %get3A_856 = arith.constant 1 : i32
      %get3A_857 = arith.index_cast %get3A_856 : i32 to index
      %get3A_858 = arith.constant 112 : index
      %get3A_859 = tpu.vector_load %arg6[%get3A_857, %get3A_858] {strides = array<i32>} : memref<8x128xf32, #tpu.memory_space<vmem>>, vector<1x16xf32>,
      %get3A_860 = vector.shape_cast %get3A_859 : vector<1x16xf32> to vector<16xf32>
      %get3A_861 = arith.constant 2 : i32
      %get3A_862 = arith.index_cast %get3A_861 : i32 to index
      %get3A_863 = arith.constant 112 : index
      %get3A_864 = tpu.vector_load %arg6[%get3A_862, %get3A_863] {strides = array<i32>} : memref<8x128xf32, #tpu.memory_space<vmem>>, vector<1x16xf32>,
      %get3A_865 = vector.shape_cast %get3A_864 : vector<1x16xf32> to vector<16xf32>
      %get3A_866 = arith.constant 3 : i32
      %get3A_867 = arith.index_cast %get3A_866 : i32 to index
      %get3A_868 = arith.constant 112 : index
      %get3A_869 = tpu.vector_load %arg6[%get3A_867, %get3A_868] {strides = array<i32>} : memref<8x128xf32, #tpu.memory_space<vmem>>, vector<1x16xf32>,
      %get3A_870 = vector.shape_cast %get3A_869 : vector<1x16xf32> to vector<16xf32>
      %get3A_871 = arith.constant 4 : i32
      %get3A_872 = arith.index_cast %get3A_871 : i32 to index
      %get3A_873 = arith.constant 112 : index
      %get3A_874 = tpu.vector_load %arg6[%get3A_872, %get3A_873] {strides = array<i32>} : memref<8x128xf32, #tpu.memory_space<vmem>>, vector<1x16xf32>,
      %get3A_875 = vector.shape_cast %get3A_874 : vector<1x16xf32> to vector<16xf32>
      %get3A_876 = arith.constant 5 : i32
      %get3A_877 = arith.index_cast %get3A_876 : i32 to index
      %get3A_878 = arith.constant 112 : index
      %get3A_879 = tpu.vector_load %arg6[%get3A_877, %get3A_878] {strides = array<i32>} : memref<8x128xf32, #tpu.memory_space<vmem>>, vector<1x16xf32>,
      %get3A_880 = vector.shape_cast %get3A_879 : vector<1x16xf32> to vector<16xf32>
      %get3A_881 = arith.constant 6 : i32
      %get3A_882 = arith.index_cast %get3A_881 : i32 to index
      %get3A_883 = arith.constant 112 : index
      %get3A_884 = tpu.vector_load %arg6[%get3A_882, %get3A_883] {strides = array<i32>} : memref<8x128xf32, #tpu.memory_space<vmem>>, vector<1x16xf32>,
      %get3A_885 = vector.shape_cast %get3A_884 : vector<1x16xf32> to vector<16xf32>
      %get3A_886 = arith.constant 7 : i32
      %get3A_887 = arith.index_cast %get3A_886 : i32 to index
      %get3A_888 = arith.constant 112 : index
      %get3A_889 = tpu.vector_load %arg6[%get3A_887, %get3A_888] {strides = array<i32>} : memref<8x128xf32, #tpu.memory_space<vmem>>, vector<1x16xf32>,
      %get3A_890 = vector.shape_cast %get3A_889 : vector<1x16xf32> to vector<16xf32>
      %parallel_loop3A_891 = arith.constant 0 : i32
      %parallel_loop3A_892 = arith.constant 48 : i32
      %parallel_loop3A_893 = arith.constant 1 : i32
      %parallel_loop3A_894 = arith.constant 1 : i32
      %parallel_loop3A_895:16 = scf.for %parallel_loop3A_912 = %parallel_loop3A_891 to %parallel_loop3A_892 step %parallel_loop3A_893 iter_args(%parallel_loop3A_913 = %get3A_815, %parallel_loop3A_914 = %get3A_820, %parallel_loop3A_915 = %get3A_825, %parallel_loop3A_916 = %get3A_830, %parallel_loop3A_917 = %get3A_835, %parallel_loop3A_918 = %get3A_840, %parallel_loop3A_919 = %get3A_845, %parallel_loop3A_920 = %get3A_850, %parallel_loop3A_921 = %get3A_855, %parallel_loop3A_922 = %get3A_860, %parallel_loop3A_923 = %get3A_865, %parallel_loop3A_924 = %get3A_870, %parallel_loop3A_925 = %get3A_875, %parallel_loop3A_926 = %get3A_880, %parallel_loop3A_927 = %get3A_885, %parallel_loop3A_928 = %get3A_890) -> (vector<16xf32>, vector<16xf32>, vector<16xf32>, vector<16xf32>, vector<16xf32>, vector<16xf32>, vector<16xf32>, vector<16xf32>, vector<16xf32>, vector<16xf32>, vector<16xf32>, vector<16xf32>, vector<16xf32>, vector<16xf32>, vector<16xf32>, vector<16xf32>)  : i32 {
        %parallel_loop3A_929 = arith.constant 8 : i32
        %parallel_loop3A_930 = arith.muli %parallel_loop3A_912, %parallel_loop3A_929 : i32
        %parallel_loop3A_931 = arith.constant 0 : i32
        %parallel_loop3A_932 = arith.addi %parallel_loop3A_930, %parallel_loop3A_931 : i32
        %parallel_loop3A_933 = arith.constant 0 : i32
        %parallel_loop3A_934 = arith.constant 0 : i32
        %parallel_loop3A_935 = tpu.memref_slice %arg4[%parallel_loop3A_894, %parallel_loop3A_933, %parallel_loop3A_934] : memref<2x384x128xf32, #tpu.memory_space<vmem>> -> memref<1x384x128xf32, #tpu.memory_space<vmem>>
        %parallel_loop3A_936 = tpu.memref_squeeze %parallel_loop3A_935 : memref<1x384x128xf32, #tpu.memory_space<vmem>> -> memref<384x128xf32, #tpu.memory_space<vmem>>
        %parallel_loop3A_937 = arith.index_cast %parallel_loop3A_932 : i32 to index
        %parallel_loop3A_938 = arith.constant 96 : index
        %parallel_loop3A_939 = tpu.vector_load %parallel_loop3A_936[%parallel_loop3A_937, %parallel_loop3A_938] {strides = array<i32>} : memref<384x128xf32, #tpu.memory_space<vmem>>, vector<1x16xf32>,
        %parallel_loop3A_940 = vector.shape_cast %parallel_loop3A_939 : vector<1x16xf32> to vector<16xf32>
        %parallel_loop3A_941 = arith.constant 1 : i32
        %parallel_loop3A_942 = arith.addi %parallel_loop3A_930, %parallel_loop3A_941 : i32
        %parallel_loop3A_943 = arith.constant 0 : i32
        %parallel_loop3A_944 = arith.constant 0 : i32
        %parallel_loop3A_945 = tpu.memref_slice %arg4[%parallel_loop3A_894, %parallel_loop3A_943, %parallel_loop3A_944] : memref<2x384x128xf32, #tpu.memory_space<vmem>> -> memref<1x384x128xf32, #tpu.memory_space<vmem>>
        %parallel_loop3A_946 = tpu.memref_squeeze %parallel_loop3A_945 : memref<1x384x128xf32, #tpu.memory_space<vmem>> -> memref<384x128xf32, #tpu.memory_space<vmem>>
        %parallel_loop3A_947 = arith.index_cast %parallel_loop3A_942 : i32 to index
        %parallel_loop3A_948 = arith.constant 96 : index
        %parallel_loop3A_949 = tpu.vector_load %parallel_loop3A_946[%parallel_loop3A_947, %parallel_loop3A_948] {strides = array<i32>} : memref<384x128xf32, #tpu.memory_space<vmem>>, vector<1x16xf32>,
        %parallel_loop3A_950 = vector.shape_cast %parallel_loop3A_949 : vector<1x16xf32> to vector<16xf32>
        %parallel_loop3A_951 = arith.constant 2 : i32
        %parallel_loop3A_952 = arith.addi %parallel_loop3A_930, %parallel_loop3A_951 : i32
        %parallel_loop3A_953 = arith.constant 0 : i32
        %parallel_loop3A_954 = arith.constant 0 : i32
        %parallel_loop3A_955 = tpu.memref_slice %arg4[%parallel_loop3A_894, %parallel_loop3A_953, %parallel_loop3A_954] : memref<2x384x128xf32, #tpu.memory_space<vmem>> -> memref<1x384x128xf32, #tpu.memory_space<vmem>>
        %parallel_loop3A_956 = tpu.memref_squeeze %parallel_loop3A_955 : memref<1x384x128xf32, #tpu.memory_space<vmem>> -> memref<384x128xf32, #tpu.memory_space<vmem>>
        %parallel_loop3A_957 = arith.index_cast %parallel_loop3A_952 : i32 to index
        %parallel_loop3A_958 = arith.constant 96 : index
        %parallel_loop3A_959 = tpu.vector_load %parallel_loop3A_956[%parallel_loop3A_957, %parallel_loop3A_958] {strides = array<i32>} : memref<384x128xf32, #tpu.memory_space<vmem>>, vector<1x16xf32>,
        %parallel_loop3A_960 = vector.shape_cast %parallel_loop3A_959 : vector<1x16xf32> to vector<16xf32>
        %parallel_loop3A_961 = arith.constant 3 : i32
        %parallel_loop3A_962 = arith.addi %parallel_loop3A_930, %parallel_loop3A_961 : i32
        %parallel_loop3A_963 = arith.constant 0 : i32
        %parallel_loop3A_964 = arith.constant 0 : i32
        %parallel_loop3A_965 = tpu.memref_slice %arg4[%parallel_loop3A_894, %parallel_loop3A_963, %parallel_loop3A_964] : memref<2x384x128xf32, #tpu.memory_space<vmem>> -> memref<1x384x128xf32, #tpu.memory_space<vmem>>
        %parallel_loop3A_966 = tpu.memref_squeeze %parallel_loop3A_965 : memref<1x384x128xf32, #tpu.memory_space<vmem>> -> memref<384x128xf32, #tpu.memory_space<vmem>>
        %parallel_loop3A_967 = arith.index_cast %parallel_loop3A_962 : i32 to index
        %parallel_loop3A_968 = arith.constant 96 : index
        %parallel_loop3A_969 = tpu.vector_load %parallel_loop3A_966[%parallel_loop3A_967, %parallel_loop3A_968] {strides = array<i32>} : memref<384x128xf32, #tpu.memory_space<vmem>>, vector<1x16xf32>,
        %parallel_loop3A_970 = vector.shape_cast %parallel_loop3A_969 : vector<1x16xf32> to vector<16xf32>
        %parallel_loop3A_971 = arith.constant 4 : i32
        %parallel_loop3A_972 = arith.addi %parallel_loop3A_930, %parallel_loop3A_971 : i32
        %parallel_loop3A_973 = arith.constant 0 : i32
        %parallel_loop3A_974 = arith.constant 0 : i32
        %parallel_loop3A_975 = tpu.memref_slice %arg4[%parallel_loop3A_894, %parallel_loop3A_973, %parallel_loop3A_974] : memref<2x384x128xf32, #tpu.memory_space<vmem>> -> memref<1x384x128xf32, #tpu.memory_space<vmem>>
        %parallel_loop3A_976 = tpu.memref_squeeze %parallel_loop3A_975 : memref<1x384x128xf32, #tpu.memory_space<vmem>> -> memref<384x128xf32, #tpu.memory_space<vmem>>
        %parallel_loop3A_977 = arith.index_cast %parallel_loop3A_972 : i32 to index
        %parallel_loop3A_978 = arith.constant 96 : index
        %parallel_loop3A_979 = tpu.vector_load %parallel_loop3A_976[%parallel_loop3A_977, %parallel_loop3A_978] {strides = array<i32>} : memref<384x128xf32, #tpu.memory_space<vmem>>, vector<1x16xf32>,
        %parallel_loop3A_980 = vector.shape_cast %parallel_loop3A_979 : vector<1x16xf32> to vector<16xf32>
        %parallel_loop3A_981 = arith.constant 5 : i32
        %parallel_loop3A_982 = arith.addi %parallel_loop3A_930, %parallel_loop3A_981 : i32
        %parallel_loop3A_983 = arith.constant 0 : i32
        %parallel_loop3A_984 = arith.constant 0 : i32
        %parallel_loop3A_985 = tpu.memref_slice %arg4[%parallel_loop3A_894, %parallel_loop3A_983, %parallel_loop3A_984] : memref<2x384x128xf32, #tpu.memory_space<vmem>> -> memref<1x384x128xf32, #tpu.memory_space<vmem>>
        %parallel_loop3A_986 = tpu.memref_squeeze %parallel_loop3A_985 : memref<1x384x128xf32, #tpu.memory_space<vmem>> -> memref<384x128xf32, #tpu.memory_space<vmem>>
        %parallel_loop3A_987 = arith.index_cast %parallel_loop3A_982 : i32 to index
        %parallel_loop3A_988 = arith.constant 96 : index
        %parallel_loop3A_989 = tpu.vector_load %parallel_loop3A_986[%parallel_loop3A_987, %parallel_loop3A_988] {strides = array<i32>} : memref<384x128xf32, #tpu.memory_space<vmem>>, vector<1x16xf32>,
        %parallel_loop3A_990 = vector.shape_cast %parallel_loop3A_989 : vector<1x16xf32> to vector<16xf32>
        %parallel_loop3A_991 = arith.constant 6 : i32
        %parallel_loop3A_992 = arith.addi %parallel_loop3A_930, %parallel_loop3A_991 : i32
        %parallel_loop3A_993 = arith.constant 0 : i32
        %parallel_loop3A_994 = arith.constant 0 : i32
        %parallel_loop3A_995 = tpu.memref_slice %arg4[%parallel_loop3A_894, %parallel_loop3A_993, %parallel_loop3A_994] : memref<2x384x128xf32, #tpu.memory_space<vmem>> -> memref<1x384x128xf32, #tpu.memory_space<vmem>>
        %parallel_loop3A_996 = tpu.memref_squeeze %parallel_loop3A_995 : memref<1x384x128xf32, #tpu.memory_space<vmem>> -> memref<384x128xf32, #tpu.memory_space<vmem>>
        %parallel_loop3A_997 = arith.index_cast %parallel_loop3A_992 : i32 to index
        %parallel_loop3A_998 = arith.constant 96 : index
        %parallel_loop3A_999 = tpu.vector_load %parallel_loop3A_996[%parallel_loop3A_997, %parallel_loop3A_998] {strides = array<i32>} : memref<384x128xf32, #tpu.memory_space<vmem>>, vector<1x16xf32>,
        %parallel_loop3A_1000 = vector.shape_cast %parallel_loop3A_999 : vector<1x16xf32> to vector<16xf32>
        %parallel_loop3A_1001 = arith.constant 7 : i32
        %parallel_loop3A_1002 = arith.addi %parallel_loop3A_930, %parallel_loop3A_1001 : i32
        %parallel_loop3A_1003 = arith.constant 0 : i32
        %parallel_loop3A_1004 = arith.constant 0 : i32
        %parallel_loop3A_1005 = tpu.memref_slice %arg4[%parallel_loop3A_894, %parallel_loop3A_1003, %parallel_loop3A_1004] : memref<2x384x128xf32, #tpu.memory_space<vmem>> -> memref<1x384x128xf32, #tpu.memory_space<vmem>>
        %parallel_loop3A_1006 = tpu.memref_squeeze %parallel_loop3A_1005 : memref<1x384x128xf32, #tpu.memory_space<vmem>> -> memref<384x128xf32, #tpu.memory_space<vmem>>
        %parallel_loop3A_1007 = arith.index_cast %parallel_loop3A_1002 : i32 to index
        %parallel_loop3A_1008 = arith.constant 96 : index
        %parallel_loop3A_1009 = tpu.vector_load %parallel_loop3A_1006[%parallel_loop3A_1007, %parallel_loop3A_1008] {strides = array<i32>} : memref<384x128xf32, #tpu.memory_space<vmem>>, vector<1x16xf32>,
        %parallel_loop3A_1010 = vector.shape_cast %parallel_loop3A_1009 : vector<1x16xf32> to vector<16xf32>
        %parallel_loop3A_1011 = arith.maximumf %parallel_loop3A_940, %parallel_loop3A_950 : vector<16xf32>
        %parallel_loop3A_1012 = arith.minimumf %parallel_loop3A_940, %parallel_loop3A_950 : vector<16xf32>
        %parallel_loop3A_1013 = arith.maximumf %parallel_loop3A_960, %parallel_loop3A_970 : vector<16xf32>
        %parallel_loop3A_1014 = arith.minimumf %parallel_loop3A_960, %parallel_loop3A_970 : vector<16xf32>
        %parallel_loop3A_1015 = arith.maximumf %parallel_loop3A_980, %parallel_loop3A_990 : vector<16xf32>
        %parallel_loop3A_1016 = arith.minimumf %parallel_loop3A_980, %parallel_loop3A_990 : vector<16xf32>
        %parallel_loop3A_1017 = arith.maximumf %parallel_loop3A_1000, %parallel_loop3A_1010 : vector<16xf32>
        %parallel_loop3A_1018 = arith.minimumf %parallel_loop3A_1000, %parallel_loop3A_1010 : vector<16xf32>
        %parallel_loop3A_1019 = arith.maximumf %parallel_loop3A_1011, %parallel_loop3A_1013 : vector<16xf32>
        %parallel_loop3A_1020 = arith.minimumf %parallel_loop3A_1011, %parallel_loop3A_1013 : vector<16xf32>
        %parallel_loop3A_1021 = arith.maximumf %parallel_loop3A_1012, %parallel_loop3A_1014 : vector<16xf32>
        %parallel_loop3A_1022 = arith.minimumf %parallel_loop3A_1012, %parallel_loop3A_1014 : vector<16xf32>
        %parallel_loop3A_1023 = arith.maximumf %parallel_loop3A_1015, %parallel_loop3A_1017 : vector<16xf32>
        %parallel_loop3A_1024 = arith.minimumf %parallel_loop3A_1015, %parallel_loop3A_1017 : vector<16xf32>
        %parallel_loop3A_1025 = arith.maximumf %parallel_loop3A_1016, %parallel_loop3A_1018 : vector<16xf32>
        %parallel_loop3A_1026 = arith.minimumf %parallel_loop3A_1016, %parallel_loop3A_1018 : vector<16xf32>
        %parallel_loop3A_1027 = arith.maximumf %parallel_loop3A_1021, %parallel_loop3A_1020 : vector<16xf32>
        %parallel_loop3A_1028 = arith.minimumf %parallel_loop3A_1021, %parallel_loop3A_1020 : vector<16xf32>
        %parallel_loop3A_1029 = arith.maximumf %parallel_loop3A_1025, %parallel_loop3A_1024 : vector<16xf32>
        %parallel_loop3A_1030 = arith.minimumf %parallel_loop3A_1025, %parallel_loop3A_1024 : vector<16xf32>
        %parallel_loop3A_1031 = arith.maximumf %parallel_loop3A_1019, %parallel_loop3A_1023 : vector<16xf32>
        %parallel_loop3A_1032 = arith.minimumf %parallel_loop3A_1019, %parallel_loop3A_1023 : vector<16xf32>
        %parallel_loop3A_1033 = arith.maximumf %parallel_loop3A_1027, %parallel_loop3A_1029 : vector<16xf32>
        %parallel_loop3A_1034 = arith.minimumf %parallel_loop3A_1027, %parallel_loop3A_1029 : vector<16xf32>
        %parallel_loop3A_1035 = arith.maximumf %parallel_loop3A_1028, %parallel_loop3A_1030 : vector<16xf32>
        %parallel_loop3A_1036 = arith.minimumf %parallel_loop3A_1028, %parallel_loop3A_1030 : vector<16xf32>
        %parallel_loop3A_1037 = arith.maximumf %parallel_loop3A_1022, %parallel_loop3A_1026 : vector<16xf32>
        %parallel_loop3A_1038 = arith.minimumf %parallel_loop3A_1022, %parallel_loop3A_1026 : vector<16xf32>
        %parallel_loop3A_1039 = arith.maximumf %parallel_loop3A_1035, %parallel_loop3A_1032 : vector<16xf32>
        %parallel_loop3A_1040 = arith.minimumf %parallel_loop3A_1035, %parallel_loop3A_1032 : vector<16xf32>
        %parallel_loop3A_1041 = arith.maximumf %parallel_loop3A_1037, %parallel_loop3A_1034 : vector<16xf32>
        %parallel_loop3A_1042 = arith.minimumf %parallel_loop3A_1037, %parallel_loop3A_1034 : vector<16xf32>
        %parallel_loop3A_1043 = arith.maximumf %parallel_loop3A_1033, %parallel_loop3A_1039 : vector<16xf32>
        %parallel_loop3A_1044 = arith.minimumf %parallel_loop3A_1033, %parallel_loop3A_1039 : vector<16xf32>
        %parallel_loop3A_1045 = arith.maximumf %parallel_loop3A_1041, %parallel_loop3A_1040 : vector<16xf32>
        %parallel_loop3A_1046 = arith.minimumf %parallel_loop3A_1041, %parallel_loop3A_1040 : vector<16xf32>
        %parallel_loop3A_1047 = arith.maximumf %parallel_loop3A_1042, %parallel_loop3A_1036 : vector<16xf32>
        %parallel_loop3A_1048 = arith.minimumf %parallel_loop3A_1042, %parallel_loop3A_1036 : vector<16xf32>
        %parallel_loop3A_1049 = arith.maximumf %parallel_loop3A_913, %parallel_loop3A_1038 : vector<16xf32>
        %parallel_loop3A_1050 = arith.maximumf %parallel_loop3A_914, %parallel_loop3A_1048 : vector<16xf32>
        %parallel_loop3A_1051 = arith.maximumf %parallel_loop3A_915, %parallel_loop3A_1047 : vector<16xf32>
        %parallel_loop3A_1052 = arith.maximumf %parallel_loop3A_916, %parallel_loop3A_1046 : vector<16xf32>
        %parallel_loop3A_1053 = arith.maximumf %parallel_loop3A_917, %parallel_loop3A_1045 : vector<16xf32>
        %parallel_loop3A_1054 = arith.maximumf %parallel_loop3A_918, %parallel_loop3A_1044 : vector<16xf32>
        %parallel_loop3A_1055 = arith.maximumf %parallel_loop3A_919, %parallel_loop3A_1043 : vector<16xf32>
        %parallel_loop3A_1056 = arith.maximumf %parallel_loop3A_920, %parallel_loop3A_1031 : vector<16xf32>
        %parallel_loop3A_1057 = arith.maximumf %parallel_loop3A_1049, %parallel_loop3A_1053 : vector<16xf32>
        %parallel_loop3A_1058 = arith.minimumf %parallel_loop3A_1049, %parallel_loop3A_1053 : vector<16xf32>
        %parallel_loop3A_1059 = arith.maximumf %parallel_loop3A_1050, %parallel_loop3A_1054 : vector<16xf32>
        %parallel_loop3A_1060 = arith.minimumf %parallel_loop3A_1050, %parallel_loop3A_1054 : vector<16xf32>
        %parallel_loop3A_1061 = arith.maximumf %parallel_loop3A_1051, %parallel_loop3A_1055 : vector<16xf32>
        %parallel_loop3A_1062 = arith.minimumf %parallel_loop3A_1051, %parallel_loop3A_1055 : vector<16xf32>
        %parallel_loop3A_1063 = arith.maximumf %parallel_loop3A_1052, %parallel_loop3A_1056 : vector<16xf32>
        %parallel_loop3A_1064 = arith.minimumf %parallel_loop3A_1052, %parallel_loop3A_1056 : vector<16xf32>
        %parallel_loop3A_1065 = arith.maximumf %parallel_loop3A_1057, %parallel_loop3A_1061 : vector<16xf32>
        %parallel_loop3A_1066 = arith.minimumf %parallel_loop3A_1057, %parallel_loop3A_1061 : vector<16xf32>
        %parallel_loop3A_1067 = arith.maximumf %parallel_loop3A_1059, %parallel_loop3A_1063 : vector<16xf32>
        %parallel_loop3A_1068 = arith.minimumf %parallel_loop3A_1059, %parallel_loop3A_1063 : vector<16xf32>
        %parallel_loop3A_1069 = arith.maximumf %parallel_loop3A_1058, %parallel_loop3A_1062 : vector<16xf32>
        %parallel_loop3A_1070 = arith.minimumf %parallel_loop3A_1058, %parallel_loop3A_1062 : vector<16xf32>
        %parallel_loop3A_1071 = arith.maximumf %parallel_loop3A_1060, %parallel_loop3A_1064 : vector<16xf32>
        %parallel_loop3A_1072 = arith.minimumf %parallel_loop3A_1060, %parallel_loop3A_1064 : vector<16xf32>
        %parallel_loop3A_1073 = arith.maximumf %parallel_loop3A_1065, %parallel_loop3A_1067 : vector<16xf32>
        %parallel_loop3A_1074 = arith.minimumf %parallel_loop3A_1065, %parallel_loop3A_1067 : vector<16xf32>
        %parallel_loop3A_1075 = arith.maximumf %parallel_loop3A_1066, %parallel_loop3A_1068 : vector<16xf32>
        %parallel_loop3A_1076 = arith.minimumf %parallel_loop3A_1066, %parallel_loop3A_1068 : vector<16xf32>
        %parallel_loop3A_1077 = arith.maximumf %parallel_loop3A_1069, %parallel_loop3A_1071 : vector<16xf32>
        %parallel_loop3A_1078 = arith.minimumf %parallel_loop3A_1069, %parallel_loop3A_1071 : vector<16xf32>
        %parallel_loop3A_1079 = arith.maximumf %parallel_loop3A_1070, %parallel_loop3A_1072 : vector<16xf32>
        %parallel_loop3A_1080 = arith.minimumf %parallel_loop3A_1070, %parallel_loop3A_1072 : vector<16xf32>
        %parallel_loop3A_1081 = arith.constant 0 : i32
        %parallel_loop3A_1082 = arith.addi %parallel_loop3A_930, %parallel_loop3A_1081 : i32
        %parallel_loop3A_1083 = arith.constant 0 : i32
        %parallel_loop3A_1084 = arith.constant 0 : i32
        %parallel_loop3A_1085 = tpu.memref_slice %arg4[%parallel_loop3A_894, %parallel_loop3A_1083, %parallel_loop3A_1084] : memref<2x384x128xf32, #tpu.memory_space<vmem>> -> memref<1x384x128xf32, #tpu.memory_space<vmem>>
        %parallel_loop3A_1086 = tpu.memref_squeeze %parallel_loop3A_1085 : memref<1x384x128xf32, #tpu.memory_space<vmem>> -> memref<384x128xf32, #tpu.memory_space<vmem>>
        %parallel_loop3A_1087 = arith.index_cast %parallel_loop3A_1082 : i32 to index
        %parallel_loop3A_1088 = arith.constant 112 : index
        %parallel_loop3A_1089 = tpu.vector_load %parallel_loop3A_1086[%parallel_loop3A_1087, %parallel_loop3A_1088] {strides = array<i32>} : memref<384x128xf32, #tpu.memory_space<vmem>>, vector<1x16xf32>,
        %parallel_loop3A_1090 = vector.shape_cast %parallel_loop3A_1089 : vector<1x16xf32> to vector<16xf32>
        %parallel_loop3A_1091 = arith.constant 1 : i32
        %parallel_loop3A_1092 = arith.addi %parallel_loop3A_930, %parallel_loop3A_1091 : i32
        %parallel_loop3A_1093 = arith.constant 0 : i32
        %parallel_loop3A_1094 = arith.constant 0 : i32
        %parallel_loop3A_1095 = tpu.memref_slice %arg4[%parallel_loop3A_894, %parallel_loop3A_1093, %parallel_loop3A_1094] : memref<2x384x128xf32, #tpu.memory_space<vmem>> -> memref<1x384x128xf32, #tpu.memory_space<vmem>>
        %parallel_loop3A_1096 = tpu.memref_squeeze %parallel_loop3A_1095 : memref<1x384x128xf32, #tpu.memory_space<vmem>> -> memref<384x128xf32, #tpu.memory_space<vmem>>
        %parallel_loop3A_1097 = arith.index_cast %parallel_loop3A_1092 : i32 to index
        %parallel_loop3A_1098 = arith.constant 112 : index
        %parallel_loop3A_1099 = tpu.vector_load %parallel_loop3A_1096[%parallel_loop3A_1097, %parallel_loop3A_1098] {strides = array<i32>} : memref<384x128xf32, #tpu.memory_space<vmem>>, vector<1x16xf32>,
        %parallel_loop3A_1100 = vector.shape_cast %parallel_loop3A_1099 : vector<1x16xf32> to vector<16xf32>
        %parallel_loop3A_1101 = arith.constant 2 : i32
        %parallel_loop3A_1102 = arith.addi %parallel_loop3A_930, %parallel_loop3A_1101 : i32
        %parallel_loop3A_1103 = arith.constant 0 : i32
        %parallel_loop3A_1104 = arith.constant 0 : i32
        %parallel_loop3A_1105 = tpu.memref_slice %arg4[%parallel_loop3A_894, %parallel_loop3A_1103, %parallel_loop3A_1104] : memref<2x384x128xf32, #tpu.memory_space<vmem>> -> memref<1x384x128xf32, #tpu.memory_space<vmem>>
        %parallel_loop3A_1106 = tpu.memref_squeeze %parallel_loop3A_1105 : memref<1x384x128xf32, #tpu.memory_space<vmem>> -> memref<384x128xf32, #tpu.memory_space<vmem>>
        %parallel_loop3A_1107 = arith.index_cast %parallel_loop3A_1102 : i32 to index
        %parallel_loop3A_1108 = arith.constant 112 : index
        %parallel_loop3A_1109 = tpu.vector_load %parallel_loop3A_1106[%parallel_loop3A_1107, %parallel_loop3A_1108] {strides = array<i32>} : memref<384x128xf32, #tpu.memory_space<vmem>>, vector<1x16xf32>,
        %parallel_loop3A_1110 = vector.shape_cast %parallel_loop3A_1109 : vector<1x16xf32> to vector<16xf32>
        %parallel_loop3A_1111 = arith.constant 3 : i32
        %parallel_loop3A_1112 = arith.addi %parallel_loop3A_930, %parallel_loop3A_1111 : i32
        %parallel_loop3A_1113 = arith.constant 0 : i32
        %parallel_loop3A_1114 = arith.constant 0 : i32
        %parallel_loop3A_1115 = tpu.memref_slice %arg4[%parallel_loop3A_894, %parallel_loop3A_1113, %parallel_loop3A_1114] : memref<2x384x128xf32, #tpu.memory_space<vmem>> -> memref<1x384x128xf32, #tpu.memory_space<vmem>>
        %parallel_loop3A_1116 = tpu.memref_squeeze %parallel_loop3A_1115 : memref<1x384x128xf32, #tpu.memory_space<vmem>> -> memref<384x128xf32, #tpu.memory_space<vmem>>
        %parallel_loop3A_1117 = arith.index_cast %parallel_loop3A_1112 : i32 to index
        %parallel_loop3A_1118 = arith.constant 112 : index
        %parallel_loop3A_1119 = tpu.vector_load %parallel_loop3A_1116[%parallel_loop3A_1117, %parallel_loop3A_1118] {strides = array<i32>} : memref<384x128xf32, #tpu.memory_space<vmem>>, vector<1x16xf32>,
        %parallel_loop3A_1120 = vector.shape_cast %parallel_loop3A_1119 : vector<1x16xf32> to vector<16xf32>
        %parallel_loop3A_1121 = arith.constant 4 : i32
        %parallel_loop3A_1122 = arith.addi %parallel_loop3A_930, %parallel_loop3A_1121 : i32
        %parallel_loop3A_1123 = arith.constant 0 : i32
        %parallel_loop3A_1124 = arith.constant 0 : i32
        %parallel_loop3A_1125 = tpu.memref_slice %arg4[%parallel_loop3A_894, %parallel_loop3A_1123, %parallel_loop3A_1124] : memref<2x384x128xf32, #tpu.memory_space<vmem>> -> memref<1x384x128xf32, #tpu.memory_space<vmem>>
        %parallel_loop3A_1126 = tpu.memref_squeeze %parallel_loop3A_1125 : memref<1x384x128xf32, #tpu.memory_space<vmem>> -> memref<384x128xf32, #tpu.memory_space<vmem>>
        %parallel_loop3A_1127 = arith.index_cast %parallel_loop3A_1122 : i32 to index
        %parallel_loop3A_1128 = arith.constant 112 : index
        %parallel_loop3A_1129 = tpu.vector_load %parallel_loop3A_1126[%parallel_loop3A_1127, %parallel_loop3A_1128] {strides = array<i32>} : memref<384x128xf32, #tpu.memory_space<vmem>>, vector<1x16xf32>,
        %parallel_loop3A_1130 = vector.shape_cast %parallel_loop3A_1129 : vector<1x16xf32> to vector<16xf32>
        %parallel_loop3A_1131 = arith.constant 5 : i32
        %parallel_loop3A_1132 = arith.addi %parallel_loop3A_930, %parallel_loop3A_1131 : i32
        %parallel_loop3A_1133 = arith.constant 0 : i32
        %parallel_loop3A_1134 = arith.constant 0 : i32
        %parallel_loop3A_1135 = tpu.memref_slice %arg4[%parallel_loop3A_894, %parallel_loop3A_1133, %parallel_loop3A_1134] : memref<2x384x128xf32, #tpu.memory_space<vmem>> -> memref<1x384x128xf32, #tpu.memory_space<vmem>>
        %parallel_loop3A_1136 = tpu.memref_squeeze %parallel_loop3A_1135 : memref<1x384x128xf32, #tpu.memory_space<vmem>> -> memref<384x128xf32, #tpu.memory_space<vmem>>
        %parallel_loop3A_1137 = arith.index_cast %parallel_loop3A_1132 : i32 to index
        %parallel_loop3A_1138 = arith.constant 112 : index
        %parallel_loop3A_1139 = tpu.vector_load %parallel_loop3A_1136[%parallel_loop3A_1137, %parallel_loop3A_1138] {strides = array<i32>} : memref<384x128xf32, #tpu.memory_space<vmem>>, vector<1x16xf32>,
        %parallel_loop3A_1140 = vector.shape_cast %parallel_loop3A_1139 : vector<1x16xf32> to vector<16xf32>
        %parallel_loop3A_1141 = arith.constant 6 : i32
        %parallel_loop3A_1142 = arith.addi %parallel_loop3A_930, %parallel_loop3A_1141 : i32
        %parallel_loop3A_1143 = arith.constant 0 : i32
        %parallel_loop3A_1144 = arith.constant 0 : i32
        %parallel_loop3A_1145 = tpu.memref_slice %arg4[%parallel_loop3A_894, %parallel_loop3A_1143, %parallel_loop3A_1144] : memref<2x384x128xf32, #tpu.memory_space<vmem>> -> memref<1x384x128xf32, #tpu.memory_space<vmem>>
        %parallel_loop3A_1146 = tpu.memref_squeeze %parallel_loop3A_1145 : memref<1x384x128xf32, #tpu.memory_space<vmem>> -> memref<384x128xf32, #tpu.memory_space<vmem>>
        %parallel_loop3A_1147 = arith.index_cast %parallel_loop3A_1142 : i32 to index
        %parallel_loop3A_1148 = arith.constant 112 : index
        %parallel_loop3A_1149 = tpu.vector_load %parallel_loop3A_1146[%parallel_loop3A_1147, %parallel_loop3A_1148] {strides = array<i32>} : memref<384x128xf32, #tpu.memory_space<vmem>>, vector<1x16xf32>,
        %parallel_loop3A_1150 = vector.shape_cast %parallel_loop3A_1149 : vector<1x16xf32> to vector<16xf32>
        %parallel_loop3A_1151 = arith.constant 7 : i32
        %parallel_loop3A_1152 = arith.addi %parallel_loop3A_930, %parallel_loop3A_1151 : i32
        %parallel_loop3A_1153 = arith.constant 0 : i32
        %parallel_loop3A_1154 = arith.constant 0 : i32
        %parallel_loop3A_1155 = tpu.memref_slice %arg4[%parallel_loop3A_894, %parallel_loop3A_1153, %parallel_loop3A_1154] : memref<2x384x128xf32, #tpu.memory_space<vmem>> -> memref<1x384x128xf32, #tpu.memory_space<vmem>>
        %parallel_loop3A_1156 = tpu.memref_squeeze %parallel_loop3A_1155 : memref<1x384x128xf32, #tpu.memory_space<vmem>> -> memref<384x128xf32, #tpu.memory_space<vmem>>
        %parallel_loop3A_1157 = arith.index_cast %parallel_loop3A_1152 : i32 to index
        %parallel_loop3A_1158 = arith.constant 112 : index
        %parallel_loop3A_1159 = tpu.vector_load %parallel_loop3A_1156[%parallel_loop3A_1157, %parallel_loop3A_1158] {strides = array<i32>} : memref<384x128xf32, #tpu.memory_space<vmem>>, vector<1x16xf32>,
        %parallel_loop3A_1160 = vector.shape_cast %parallel_loop3A_1159 : vector<1x16xf32> to vector<16xf32>
        %parallel_loop3A_1161 = arith.maximumf %parallel_loop3A_1090, %parallel_loop3A_1100 : vector<16xf32>
        %parallel_loop3A_1162 = arith.minimumf %parallel_loop3A_1090, %parallel_loop3A_1100 : vector<16xf32>
        %parallel_loop3A_1163 = arith.maximumf %parallel_loop3A_1110, %parallel_loop3A_1120 : vector<16xf32>
        %parallel_loop3A_1164 = arith.minimumf %parallel_loop3A_1110, %parallel_loop3A_1120 : vector<16xf32>
        %parallel_loop3A_1165 = arith.maximumf %parallel_loop3A_1130, %parallel_loop3A_1140 : vector<16xf32>
        %parallel_loop3A_1166 = arith.minimumf %parallel_loop3A_1130, %parallel_loop3A_1140 : vector<16xf32>
        %parallel_loop3A_1167 = arith.maximumf %parallel_loop3A_1150, %parallel_loop3A_1160 : vector<16xf32>
        %parallel_loop3A_1168 = arith.minimumf %parallel_loop3A_1150, %parallel_loop3A_1160 : vector<16xf32>
        %parallel_loop3A_1169 = arith.maximumf %parallel_loop3A_1161, %parallel_loop3A_1163 : vector<16xf32>
        %parallel_loop3A_1170 = arith.minimumf %parallel_loop3A_1161, %parallel_loop3A_1163 : vector<16xf32>
        %parallel_loop3A_1171 = arith.maximumf %parallel_loop3A_1162, %parallel_loop3A_1164 : vector<16xf32>
        %parallel_loop3A_1172 = arith.minimumf %parallel_loop3A_1162, %parallel_loop3A_1164 : vector<16xf32>
        %parallel_loop3A_1173 = arith.maximumf %parallel_loop3A_1165, %parallel_loop3A_1167 : vector<16xf32>
        %parallel_loop3A_1174 = arith.minimumf %parallel_loop3A_1165, %parallel_loop3A_1167 : vector<16xf32>
        %parallel_loop3A_1175 = arith.maximumf %parallel_loop3A_1166, %parallel_loop3A_1168 : vector<16xf32>
        %parallel_loop3A_1176 = arith.minimumf %parallel_loop3A_1166, %parallel_loop3A_1168 : vector<16xf32>
        %parallel_loop3A_1177 = arith.maximumf %parallel_loop3A_1171, %parallel_loop3A_1170 : vector<16xf32>
        %parallel_loop3A_1178 = arith.minimumf %parallel_loop3A_1171, %parallel_loop3A_1170 : vector<16xf32>
        %parallel_loop3A_1179 = arith.maximumf %parallel_loop3A_1175, %parallel_loop3A_1174 : vector<16xf32>
        %parallel_loop3A_1180 = arith.minimumf %parallel_loop3A_1175, %parallel_loop3A_1174 : vector<16xf32>
        %parallel_loop3A_1181 = arith.maximumf %parallel_loop3A_1169, %parallel_loop3A_1173 : vector<16xf32>
        %parallel_loop3A_1182 = arith.minimumf %parallel_loop3A_1169, %parallel_loop3A_1173 : vector<16xf32>
        %parallel_loop3A_1183 = arith.maximumf %parallel_loop3A_1177, %parallel_loop3A_1179 : vector<16xf32>
        %parallel_loop3A_1184 = arith.minimumf %parallel_loop3A_1177, %parallel_loop3A_1179 : vector<16xf32>
        %parallel_loop3A_1185 = arith.maximumf %parallel_loop3A_1178, %parallel_loop3A_1180 : vector<16xf32>
        %parallel_loop3A_1186 = arith.minimumf %parallel_loop3A_1178, %parallel_loop3A_1180 : vector<16xf32>
        %parallel_loop3A_1187 = arith.maximumf %parallel_loop3A_1172, %parallel_loop3A_1176 : vector<16xf32>
        %parallel_loop3A_1188 = arith.minimumf %parallel_loop3A_1172, %parallel_loop3A_1176 : vector<16xf32>
        %parallel_loop3A_1189 = arith.maximumf %parallel_loop3A_1185, %parallel_loop3A_1182 : vector<16xf32>
        %parallel_loop3A_1190 = arith.minimumf %parallel_loop3A_1185, %parallel_loop3A_1182 : vector<16xf32>
        %parallel_loop3A_1191 = arith.maximumf %parallel_loop3A_1187, %parallel_loop3A_1184 : vector<16xf32>
        %parallel_loop3A_1192 = arith.minimumf %parallel_loop3A_1187, %parallel_loop3A_1184 : vector<16xf32>
        %parallel_loop3A_1193 = arith.maximumf %parallel_loop3A_1183, %parallel_loop3A_1189 : vector<16xf32>
        %parallel_loop3A_1194 = arith.minimumf %parallel_loop3A_1183, %parallel_loop3A_1189 : vector<16xf32>
        %parallel_loop3A_1195 = arith.maximumf %parallel_loop3A_1191, %parallel_loop3A_1190 : vector<16xf32>
        %parallel_loop3A_1196 = arith.minimumf %parallel_loop3A_1191, %parallel_loop3A_1190 : vector<16xf32>
        %parallel_loop3A_1197 = arith.maximumf %parallel_loop3A_1192, %parallel_loop3A_1186 : vector<16xf32>
        %parallel_loop3A_1198 = arith.minimumf %parallel_loop3A_1192, %parallel_loop3A_1186 : vector<16xf32>
        %parallel_loop3A_1199 = arith.maximumf %parallel_loop3A_921, %parallel_loop3A_1188 : vector<16xf32>
        %parallel_loop3A_1200 = arith.maximumf %parallel_loop3A_922, %parallel_loop3A_1198 : vector<16xf32>
        %parallel_loop3A_1201 = arith.maximumf %parallel_loop3A_923, %parallel_loop3A_1197 : vector<16xf32>
        %parallel_loop3A_1202 = arith.maximumf %parallel_loop3A_924, %parallel_loop3A_1196 : vector<16xf32>
        %parallel_loop3A_1203 = arith.maximumf %parallel_loop3A_925, %parallel_loop3A_1195 : vector<16xf32>
        %parallel_loop3A_1204 = arith.maximumf %parallel_loop3A_926, %parallel_loop3A_1194 : vector<16xf32>
        %parallel_loop3A_1205 = arith.maximumf %parallel_loop3A_927, %parallel_loop3A_1193 : vector<16xf32>
        %parallel_loop3A_1206 = arith.maximumf %parallel_loop3A_928, %parallel_loop3A_1181 : vector<16xf32>
        %parallel_loop3A_1207 = arith.maximumf %parallel_loop3A_1199, %parallel_loop3A_1203 : vector<16xf32>
        %parallel_loop3A_1208 = arith.minimumf %parallel_loop3A_1199, %parallel_loop3A_1203 : vector<16xf32>
        %parallel_loop3A_1209 = arith.maximumf %parallel_loop3A_1200, %parallel_loop3A_1204 : vector<16xf32>
        %parallel_loop3A_1210 = arith.minimumf %parallel_loop3A_1200, %parallel_loop3A_1204 : vector<16xf32>
        %parallel_loop3A_1211 = arith.maximumf %parallel_loop3A_1201, %parallel_loop3A_1205 : vector<16xf32>
        %parallel_loop3A_1212 = arith.minimumf %parallel_loop3A_1201, %parallel_loop3A_1205 : vector<16xf32>
        %parallel_loop3A_1213 = arith.maximumf %parallel_loop3A_1202, %parallel_loop3A_1206 : vector<16xf32>
        %parallel_loop3A_1214 = arith.minimumf %parallel_loop3A_1202, %parallel_loop3A_1206 : vector<16xf32>
        %parallel_loop3A_1215 = arith.maximumf %parallel_loop3A_1207, %parallel_loop3A_1211 : vector<16xf32>
        %parallel_loop3A_1216 = arith.minimumf %parallel_loop3A_1207, %parallel_loop3A_1211 : vector<16xf32>
        %parallel_loop3A_1217 = arith.maximumf %parallel_loop3A_1209, %parallel_loop3A_1213 : vector<16xf32>
        %parallel_loop3A_1218 = arith.minimumf %parallel_loop3A_1209, %parallel_loop3A_1213 : vector<16xf32>
        %parallel_loop3A_1219 = arith.maximumf %parallel_loop3A_1208, %parallel_loop3A_1212 : vector<16xf32>
        %parallel_loop3A_1220 = arith.minimumf %parallel_loop3A_1208, %parallel_loop3A_1212 : vector<16xf32>
        %parallel_loop3A_1221 = arith.maximumf %parallel_loop3A_1210, %parallel_loop3A_1214 : vector<16xf32>
        %parallel_loop3A_1222 = arith.minimumf %parallel_loop3A_1210, %parallel_loop3A_1214 : vector<16xf32>
        %parallel_loop3A_1223 = arith.maximumf %parallel_loop3A_1215, %parallel_loop3A_1217 : vector<16xf32>
        %parallel_loop3A_1224 = arith.minimumf %parallel_loop3A_1215, %parallel_loop3A_1217 : vector<16xf32>
        %parallel_loop3A_1225 = arith.maximumf %parallel_loop3A_1216, %parallel_loop3A_1218 : vector<16xf32>
        %parallel_loop3A_1226 = arith.minimumf %parallel_loop3A_1216, %parallel_loop3A_1218 : vector<16xf32>
        %parallel_loop3A_1227 = arith.maximumf %parallel_loop3A_1219, %parallel_loop3A_1221 : vector<16xf32>
        %parallel_loop3A_1228 = arith.minimumf %parallel_loop3A_1219, %parallel_loop3A_1221 : vector<16xf32>
        %parallel_loop3A_1229 = arith.maximumf %parallel_loop3A_1220, %parallel_loop3A_1222 : vector<16xf32>
        %parallel_loop3A_1230 = arith.minimumf %parallel_loop3A_1220, %parallel_loop3A_1222 : vector<16xf32>
        scf.yield %parallel_loop3A_1073, %parallel_loop3A_1074, %parallel_loop3A_1075, %parallel_loop3A_1076, %parallel_loop3A_1077, %parallel_loop3A_1078, %parallel_loop3A_1079, %parallel_loop3A_1080, %parallel_loop3A_1223, %parallel_loop3A_1224, %parallel_loop3A_1225, %parallel_loop3A_1226, %parallel_loop3A_1227, %parallel_loop3A_1228, %parallel_loop3A_1229, %parallel_loop3A_1230 : vector<16xf32>, vector<16xf32>, vector<16xf32>, vector<16xf32>, vector<16xf32>, vector<16xf32>, vector<16xf32>, vector<16xf32>, vector<16xf32>, vector<16xf32>, vector<16xf32>, vector<16xf32>, vector<16xf32>, vector<16xf32>, vector<16xf32>, vector<16xf32>
      } {sc.loop_unroll_factor = 1 : i64, sc.parallel_access}
      %mul3A_896 = arith.constant 128 : i32
      %mul3A_897 = arith.muli %add3A_39, %mul3A_896 : i32
      %add3A_898 = arith.constant 96 : i32
      %add3A_899 = arith.addi %mul3A_897, %add3A_898 : i32
      %swap3A_900 = arith.index_cast %add3A_899 : i32 to index
      %swap3A_901 = tpu.vector_load %arg5[%swap3A_900] {strides = array<i32>} : memref<1024xf32, #tpu.memory_space<vmem>>, vector<16xf32>,
      %swap3A_902 = vector.shape_cast %swap3A_901 : vector<16xf32> to vector<16xf32>
      %swap3A_903 = vector.shape_cast %parallel_loop3A_895#7 : vector<16xf32> to vector<16xf32>
      tpu.vector_store %arg5[%swap3A_900], %swap3A_903 {strides = array<i32>} : memref<1024xf32, #tpu.memory_space<vmem>>, vector<16xf32>,
      %mul3A_904 = arith.constant 128 : i32
      %mul3A_905 = arith.muli %add3A_39, %mul3A_904 : i32
      %add3A_906 = arith.constant 112 : i32
      %add3A_907 = arith.addi %mul3A_905, %add3A_906 : i32
      %swap3A_908 = arith.index_cast %add3A_907 : i32 to index
      %swap3A_909 = tpu.vector_load %arg5[%swap3A_908] {strides = array<i32>} : memref<1024xf32, #tpu.memory_space<vmem>>, vector<16xf32>,
      %swap3A_910 = vector.shape_cast %swap3A_909 : vector<16xf32> to vector<16xf32>
      %swap3A_911 = vector.shape_cast %parallel_loop3A_895#15 : vector<16xf32> to vector<16xf32>
      tpu.vector_store %arg5[%swap3A_908], %swap3A_911 {strides = array<i32>} : memref<1024xf32, #tpu.memory_space<vmem>>, vector<16xf32>,
    }
    %scan3A_23 = arith.constant 8 : i32
    %dma_start3A_24 = arith.constant 0 : i32
    %dma_start3A_25 = tpu.memref_slice %arg3[%add3A, %dma_start3A_24] : memref<32x1024xf32, #tpu.memory_space<hbm>> -> memref<1x1024xf32, #tpu.memory_space<hbm>>
    %dma_start3A_26 = tpu.memref_squeeze %dma_start3A_25 : memref<1x1024xf32, #tpu.memory_space<hbm>> -> memref<1024xf32, #tpu.memory_space<hbm>>
    %dma_start3A_27 = arith.constant 0 : i32
    %dma_start3A_28 = tpu.memref_slice %arg3[%add3A, %dma_start3A_27] : memref<32x1024xf32, #tpu.memory_space<hbm>> -> memref<1x1024xf32, #tpu.memory_space<hbm>>
    %dma_start3A_29 = tpu.memref_squeeze %dma_start3A_28 : memref<1x1024xf32, #tpu.memory_space<hbm>> -> memref<1024xf32, #tpu.memory_space<hbm>>
    tpu.enqueue_dma source(%arg5 : memref<1024xf32, #tpu.memory_space<vmem>>) target(%dma_start3A_29 : memref<1024xf32, #tpu.memory_space<hbm>>) target_semaphore(%arg8 : memref<!tpu.dma_semaphore, #tpu.memory_space<semaphore_mem>>)
    %dma_wait3A = arith.constant 0 : i32
    %dma_wait3A_30 = tpu.memref_slice %arg3[%add3A, %dma_wait3A] : memref<32x1024xf32, #tpu.memory_space<hbm>> -> memref<1x1024xf32, #tpu.memory_space<hbm>>
    %dma_wait3A_31 = tpu.memref_squeeze %dma_wait3A_30 : memref<1x1024xf32, #tpu.memory_space<hbm>> -> memref<1024xf32, #tpu.memory_space<hbm>>
    %dma_wait3A_32 = arith.constant 0 : i32
    %dma_wait3A_33 = tpu.memref_slice %arg3[%add3A, %dma_wait3A_32] : memref<32x1024xf32, #tpu.memory_space<hbm>> -> memref<1x1024xf32, #tpu.memory_space<hbm>>
    %dma_wait3A_34 = tpu.memref_squeeze %dma_wait3A_33 : memref<1x1024xf32, #tpu.memory_space<hbm>> -> memref<1024xf32, #tpu.memory_space<hbm>>
    tpu.wait_dma2 semaphore(%arg8 : memref<!tpu.dma_semaphore, #tpu.memory_space<semaphore_mem>>) src(%arg5 : memref<1024xf32, #tpu.memory_space<vmem>>) dst(%dma_wait3A_34 : memref<1024xf32, #tpu.memory_space<hbm>>)
    return
  }
}

module attributes {stable_mosaic.version = 14 : i64} {
  func.func @_tc_mask(%arg0: i32, %arg1: i32, %arg2: memref<1x384x1024xf32, #tpu.memory_space<vmem>>, %arg3: memref<1x1x1024xf32, #tpu.memory_space<vmem>>, %arg4: memref<1x384x1024xf32, #tpu.memory_space<vmem>>) attributes {dimension_semantics = [#tpu.dimension_semantics<arbitrary>, #tpu.dimension_semantics<arbitrary>], iteration_bounds = array<i64: 32, 2>, scalar_prefetch = 0 : i64, scratch_operands = 0 : i64, tpu.core_type = #tpu.core_type<tc>, window_params = [{transform_indices = @transform_0, window_bounds = array<i64: 1, 384, 1024>}, {transform_indices = @transform_1, window_bounds = array<i64: 1, 1, 1024>}, {transform_indices = @transform_2, window_bounds = array<i64: 1, 384, 1024>}]} {
    %get3A = arith.constant 0 : index
    %get3A_0 = arith.constant 0 : index
    %get3A_1 = arith.constant 0 : index
    %get3A_2 = vector.load %arg2[%get3A, %get3A_0, %get3A_1] : memref<1x384x1024xf32, #tpu.memory_space<vmem>>, vector<1x384x1024xf32>
    %get3A_3 = vector.shape_cast %get3A_2 : vector<1x384x1024xf32> to vector<384x1024xf32>
    %get3A_4 = arith.constant 0 : index
    %get3A_5 = arith.constant 0 : index
    %get3A_6 = arith.constant 0 : index
    %get3A_7 = vector.load %arg3[%get3A_4, %get3A_5, %get3A_6] : memref<1x1x1024xf32, #tpu.memory_space<vmem>>, vector<1x1x1024xf32>
    %get3A_8 = vector.shape_cast %get3A_7 : vector<1x1x1024xf32> to vector<1x1024xf32>
    %ge3A = vector.broadcast %get3A_8 : vector<1x1024xf32> to vector<384x1024xf32>
    %ge3A_9 = arith.cmpf oge, %get3A_3, %ge3A : vector<384x1024xf32>
    %jit3A = arith.constant 0.000000e+00 : f32
    %broadcast_in_dim3A = vector.broadcast %jit3A : f32 to vector<384x1024xf32>
    %select_n3A = arith.select %ge3A_9, %get3A_3, %broadcast_in_dim3A : vector<384x1024xi1>, vector<384x1024xf32>
    %swap3A = arith.constant 0 : index
    %swap3A_10 = arith.constant 0 : index
    %swap3A_11 = arith.constant 0 : index
    %swap3A_12 = vector.load %arg4[%swap3A, %swap3A_10, %swap3A_11] : memref<1x384x1024xf32, #tpu.memory_space<vmem>>, vector<1x384x1024xf32>
    %swap3A_13 = vector.shape_cast %swap3A_12 : vector<1x384x1024xf32> to vector<384x1024xf32>
    %swap3A_14 = vector.shape_cast %select_n3A : vector<384x1024xf32> to vector<1x384x1024xf32>
    tpu.vector_store %arg4[%swap3A, %swap3A_10, %swap3A_11], %swap3A_14 {strides = array<i32>} : memref<1x384x1024xf32, #tpu.memory_space<vmem>>, vector<1x384x1024xf32>,
    return
  }
  func.func @transform_0(%arg0: i32, %arg1: i32) -> (i32, i32, i32) {
    %c0_i32 = arith.constant 0 : i32
    %c0_i32_0 = arith.constant 0 : i32
    return %arg0, %arg1, %c0_i32 : i32, i32, i32
  }
  func.func @transform_1(%arg0: i32, %arg1: i32) -> (i32, i32, i32) {
    %c0_i32 = arith.constant 0 : i32
    %c0_i32_0 = arith.constant 0 : i32
    %c0_i32_1 = arith.constant 0 : i32
    return %arg0, %c0_i32, %c0_i32_0 : i32, i32, i32
  }
  func.func @transform_2(%arg0: i32, %arg1: i32) -> (i32, i32, i32) {
    %c0_i32 = arith.constant 0 : i32
    %c0_i32_0 = arith.constant 0 : i32
    return %arg0, %arg1, %c0_i32 : i32, i32, i32
  }
}

</mosaic_0001>

<sc_bundles>
// kernel: kernel.4.cloned.1.call-start
scs
__scs_entry_jumppad:
0x0: {  	(pc) =	sbr.rel $0x88, $3  }
0x1: {  	(tag) =	ssettag $0x0;
	lr =	simm.s32 $0x1  }
0x2: {  	[smem:$0x3FA0] =	sst lr;
	_ =	strace $0xD0000000  }
0x3: {  	_ = 	snop  }
0x4: {  	_ = 	snop  }
0x5: {  	_ = 	snop  }
0x6: {  	_ = 	snop  }
0x7: {  	_ = 	snop  }
__scs_overlays_trampoline_lowered:
0x8: {  	[smem:$0x3FAF] =	sst s0  }
0x9: {  	[smem:$0x3FB0] =	sst s1  }
0xa: {  	[smem:$0x3FB1] =	sst s2  }
0xb: {  	[smem:$0x3FB2] =	sst s3  }
0xc: {  	[smem:$0x3FB3] =	sst s4  }
0xd: {  	[smem:$0x3FB4] =	sst s5  }
0xe: {  	[smem:$0x3FB5] =	sst s6  }
0xf: {  	[smem:$0x3FB6] =	sst s7  }
0x10: {  	[smem:$0x3FB7] =	sst s8  }
0x11: {  	[smem:$0x3FB8] =	sst s9;
	s0 =	simm.s32 @!p0 $0x0  }
0x12: {  	s1 =	sld [smem:$0x3F9E];
	s0 =	simm.s32 @p0 $0x1  }
0x13: {  	[smem:$0x3FB9] =	sst s0;
	s0 =	simm.s32 @!p1 $0x0  }
0x14: {  	s2 =	sld [smem:$0x3F9D];
	s0 =	simm.s32 @p1 $0x1  }
0x15: {  	[smem:$0x3FBA] =	sst s0;
	s0 =	simm.s32 @!p2 $0x0  }
0x16: {  	s3 =	sld [smem:$0x3FDB];
	s0 =	simm.s32 @p2 $0x1  }
0x17: {  	s4 =	simm.s32 $0x1BF5;
	[smem:$0x3FBC] =	sst s0  }
0x18: {  	s0 =	sld [smem:$0x3F9F];
	_ =	swait.ge [sflag:s4], $0x0  }
0x19: {  	s7 =	sld [smem:$0x3FA0]  }
0x1a: {  	s8 =	sadd.s32 $0xFFFFE003, lr  }
0x1b: {  	s9 =	sadd.s32 $0xFFFFFEF7, lr;
	s5 =	simm.s32 $0xFFFFFFFF;
	p2 =	slt.u32 s8, $0xFFFFF086  }
0x1c: {  	p1 =	slt.u32 s9, $0xF7A;
	s5 =	simm.s32 @!p2 $0x0  }
0x1d: {  	s5 =	simm.s32 @p1 $0x1;
	p0 =	seq.s32 s7, s2  }
0x1e: {  	s7 =	smul.u32 @!p0 $0xF7A, s2;
	p2 =	seq.s32 @!p0 s5, $0x0  }
0x1f: {  	s9 =	smul.u32 $0xF7A, s1;
	s8 =	simm.s32 @!p0 $0x1BF5;
	p2 =	por !p2, p0  }
0x20: {  	[sflag:s8] =	ssyncset.s32 @!p0 $0xFFFFF086;
	s6 =	sadd.s32 @!p0 s3, s7;
	s7 =	simm.s32 @!p0 $0x108  }
0x21: {  	s3 =	sadd.s32 s3, s9;
	s6 =	sadd.s32 @!p0 $0x88, s6;
	s7 =	simm.s32 @p2 $0x1082  }
0x22: {  	[simem:s7], [sflag:s8] =	dma.local @!p0 [hbm:s6], $0xF7A  }
0x23: {  	s9 =	sor.u32 $0xD0000000, s2;
	s6 =	simm.s32 $0x108;
	_ =	swait.ge @!p0 [sflag:s8], $0x0  }
0x24: {  	s3 =	sadd.s32 $0x88, s3;
	s6 =	simm.s32 @!p1 $0x1082;
	[sflag:s4] =	ssyncset.s32 $0xFFFFF086  }
0x25: {  	[simem:s6], [sflag:s4] =	dma.local [hbm:s3], $0xF7A  }
0x26: {  	[smem:$0x3FA0] =	sst s1;
	(tag) =	ssettag s2;
	_ =	strace s9  }
0x27: {  	s1 =	sld [smem:$0x3FB0]  }
0x28: {  	s2 =	sld [smem:$0x3FB1]  }
0x29: {  	s4 =	sld [smem:$0x3FB3]  }
0x2a: {  	p0 =	seq.s32 s5, $0x0;
	s5 =	sld [smem:$0x3FB4]  }
0x2b: {  	s6 =	sld [smem:$0x3FB5]  }
0x2c: {  	s7 =	sld [smem:$0x3FB6]  }
0x2d: {  	s3 =	simm.s32 $0x108;
	s8 =	sld [smem:$0x3FB7]  }
0x2e: {  	s3 =	simm.s32 @!p0 $0x1082;
	s9 =	sld [smem:$0x3FB8]  }
0x2f: {  	lr =	sadd.s32 s0, s3;
	s0 =	sld [smem:$0x3FAF]  }
0x30: {  	s3 =	sld [smem:$0x3FB2]  }
0x31: {  	[smem:$0x3FBB] =	sst s10  }
0x32: {  	s10 =	sld [smem:$0x3FB9];
	_ =	sdelay $0x3  }
0x33: {  	p0 =	seq.s32 s10, $0x1;
	s10 =	sld [smem:$0x3FBB];
	_ =	sdelay $0x3  }
0x34: {  	[smem:$0x3FBB] =	sst s10  }
0x35: {  	s10 =	sld [smem:$0x3FBA];
	_ =	sdelay $0x3  }
0x36: {  	p1 =	seq.s32 s10, $0x1;
	s10 =	sld [smem:$0x3FBB];
	_ =	sdelay $0x3  }
0x37: {  	[smem:$0x3FBB] =	sst s10  }
0x38: {  	s10 =	sld [smem:$0x3FBC]  }
0x39: {  	_ = 	snop;
	(pc) =	sbr.ind lr, $3  }
0x3a: {  	_ = 	snop  }
0x3b: {  	_ = 	snop  }
0x3c: {  	p2 =	seq.s32 s10, $0x1;
	s10 =	sld [smem:$0x3FBB]  }
0x3d: {  	_ =	shalt  }
0x3e: {  	_ =	shalt  }
0x3f: {  	_ =	shalt  }
0x40: {  	_ =	shalt  }
0x41: {  	_ =	shalt  }
0x42: {  	_ =	shalt  }
0x43: {  	_ =	shalt  }
0x44: {  	_ =	shalt  }
0x45: {  	_ =	shalt  }
0x46: {  	_ =	shalt  }
0x47: {  	_ =	shalt  }
0x48: {  	_ =	shalt  }
0x49: {  	_ =	shalt  }
0x4a: {  	_ =	shalt  }
0x4b: {  	_ =	shalt  }
0x4c: {  	_ =	shalt  }
0x4d: {  	_ =	shalt  }
0x4e: {  	_ =	shalt  }
0x4f: {  	_ =	shalt  }
0x50: {  	_ =	shalt  }
0x51: {  	_ =	shalt  }
0x52: {  	_ =	shalt  }
0x53: {  	_ =	shalt  }
0x54: {  	_ =	shalt  }
0x55: {  	_ =	shalt  }
0x56: {  	_ =	shalt  }
0x57: {  	_ =	shalt  }
0x58: {  	_ =	shalt  }
0x59: {  	_ =	shalt  }
0x5a: {  	_ =	shalt  }
0x5b: {  	_ =	shalt  }
0x5c: {  	_ =	shalt  }
0x5d: {  	_ =	shalt  }
0x5e: {  	_ =	shalt  }
0x5f: {  	_ =	shalt  }
0x60: {  	_ =	shalt  }
0x61: {  	_ =	shalt  }
0x62: {  	_ =	shalt  }
0x63: {  	_ =	shalt  }
0x64: {  	_ =	shalt  }
0x65: {  	_ =	shalt  }
0x66: {  	_ =	shalt  }
0x67: {  	_ =	shalt  }
0x68: {  	_ =	shalt  }
0x69: {  	_ =	shalt  }
0x6a: {  	_ =	shalt  }
0x6b: {  	_ =	shalt  }
0x6c: {  	_ =	shalt  }
0x6d: {  	_ =	shalt  }
0x6e: {  	_ =	shalt  }
0x6f: {  	_ =	shalt  }
0x70: {  	_ =	shalt  }
0x71: {  	_ =	shalt  }
0x72: {  	_ =	shalt  }
0x73: {  	_ =	shalt  }
0x74: {  	_ =	shalt  }
0x75: {  	_ =	shalt  }
0x76: {  	_ =	shalt  }
0x77: {  	_ =	shalt  }
0x78: {  	_ =	shalt  }
0x79: {  	_ =	shalt  }
0x7a: {  	_ =	shalt  }
0x7b: {  	_ =	shalt  }
0x7c: {  	_ =	shalt  }
0x7d: {  	_ =	shalt  }
0x7e: {  	_ =	shalt  }
0x7f: {  	_ =	shalt  }
0x80: {  	_ =	shalt  }
0x81: {  	_ =	shalt  }
0x82: {  	_ =	shalt  }
0x83: {  	_ =	shalt  }
0x84: {  	_ =	shalt  }
0x85: {  	_ =	shalt  }
0x86: {  	_ =	shalt  }
0x87: {  	_ =	shalt  }
.Lfunc_end0:
.L_simem_size_0:
called_computation_lowered:
.L_overlay_start_0:
0x88: {  	s2 =	sld [smem:$0x3FD9]  }
0x89: {  	s3 =	sld [smem:$0x3FFE];
	_ =	sdelay $0x1  }
0x8a: {  	s1 =	srdreg.scid  }
0x8b: {  	s0 =	sand.u32 $0x1, s1  }
0x8c: {  	s17 =	sshll.u32 s0, $0xA;
	s2 =	sadd.s32 s3, s2  }
0x8d: {  	s2 =	sadd.s32 s2, s17  }
0x8e: {  	[smem:$0x3FC7] =	sst s2  }
0x8f: {  	_ = 	snop  }
0x90: {  	s2 =	sld [smem:$0x3FD0];
	(tm) =	ssettm $0x1  }
0x91: {  	s18 =	sld [smem:$0x3FFB];
	_ =	sdelay $0x3  }
0x92: {  	_ =	strace s18  }
0x93: {  	s3 =	sld [smem:$0x3FFC];
	_ =	sdelay $0x3  }
0x94: {  	_ =	strace s3  }
0x95: {  	s3 =	sld [smem:$0x3FFD];
	_ =	sdelay $0x3  }
0x96: {  	_ =	strace s3  }
0x97: {  	_ =	strace $0x8FFFFFFF  }
0x98: {  	s19 =	sld [smem:$0x3FDB];
	_ =	sdelay $0x1  }
0x99: {  	s4 =	simm.s32 $_scs_section_size  }
0x9a: {  	s5 =	simm.s32 $_size__tile_overlayer_lowered;
	s6 =	simm.s32 $_tile_overlayer_lowered  }
0x9b: {  	s22 =	simm.s32 $0x1BFF;
	s21 =	sshll.u32 s6, $0x1;
	s3 =	sadd.s32 s4, s19  }
0x9c: {  	s7 =	simm.s32 $0x0;
	s20 =	sshll.u32 s5, $0x1;
	s5 =	sadd.s32 s21, s3  }
0x9d: {  	[timem:s7], [sflag:s22] =	dma.local [hbm:s5], s20  }
0x9e: {  	_ =	swait.ge [sflag:s22], s20  }
0x9f: {  	s4 =	ssub.s32 $0x0, s20;
	[sflag:s22] =	ssyncset.done $0x0  }
0xa0: {  	[sflag:s22] =	ssyncadd.s32 s4;
	_ =	sdelay $0x1  }
0xa1: {  	s23 =	simm.s32 $0x1B8B  }
0xa2: {  	_ =	swait.ge [sflag:s23], $0x1  }
0xa3: {  	[sflag:s23] =	ssyncset.done $0x0  }
0xa4: {  	s25 =	simm.s32 $0x1B8E;
	s24 =	sld [smem:$0x3FFE];
	[sflag:s23] =	ssyncadd.s32 $0xFFFFFFFF  }
0xa5: {  	s26 =	simm.s32 $execute0_lowered;
	[smem:$0x3FD2] =	sst s25  }
0xa6: {  	s5 =	sshll.u32 s26, $0x1;
	_ =	strace $0x80000046;
	[dreg:$0x1] =	wrdreg $0xFFFFFFFF  }
0xa7: {  	s28 =	simm.s32 $_size_execute0_lowered;
	s3 =	sadd.s32 s3, s5;
	[dreg:$0x0] =	wrdreg $0x0  }
0xa8: {  	s5 =	sshll.u32 s28, $0x1;
	[dreg:$0x2] =	wrdreg s3  }
0xa9: {  	[dreg:$0x3] =	wrdreg s5  }
0xaa: {  	[dreg:$0x4] =	wrdreg $0xC0  }
0xab: {  	_ =	task [dreg:s7], $0x5FFFF  }
0xac: {  	[dreg:$0x1] =	wrdreg $0xFFFFFFFF  }
0xad: {  	[dreg:$0x0] =	wrdreg $0x60  }
0xae: {  	[dreg:$0x2] =	wrdreg s2  }
0xaf: {  	[dreg:$0x3] =	wrdreg s24  }
0xb0: {  	[dreg:$0x4] =	wrdreg $0x9  }
0xb1: {  	_ =	task.clear_ibuf [dreg:s7], $0x5FFFF;
	_ =	strace $0x90000046  }
0xb2: {  	s29 =	simm.s32 $0x9;
	_ =	strace $0x80000048  }
0xb3: {  	_ =	swait.ge [sflag:s29], $0x1  }
0xb4: {  	[sflag:s29] =	ssyncadd.s32 $0xFFFFFFFF  }
0xb5: {  	_ =	strace $0x90000048  }
0xb6: {  	_ =	sfence  }
0xb7: {  	s30 =	sld [smem:$0x0];
	_ =	sdelay $0x2  }
0xb8: {  	s31 =	sshll.u32 s1, $0xD;
	s1 =	sshrl.u32 s1, $0x2  }
0xb9: {  	s3 =	sand.u32 $0x4000, s31;
	s1 =	sadd.s32 s1, s30  }
0xba: {  	s0 =	sor.u32 s3, s0;
	s1 =	sshll.u32 s1, $0x11  }
0xbb: {  	s0 =	sor.u32 s1, s0  }
0xbc: {  	s0 =	sadd.s32 $0x8F2B, s0  }
0xbd: {  	[sflag:s0] =	ssyncadd.remote.s32 $0x1  }
0xbe: {  	_ =	sfence.sel $0xFFFF  }
0xbf: {  	[dreg:$0x0] =	wrdreg $0xFFFFFFFF;
	(pc) =	sbr.abs _section_cstart, $3  }
0xc0: {  	[dreg:$0x1] =	wrdreg $0xFFFFFFFF  }
0xc1: {  	_ =	task.clear_ibuf [dreg:s7], $0x2FFFF;
	_ =	strace $0x9FFFFFFF  }
0xc2: {  	(tm) =	ssettm $0x7FFFFFFF  }
0xc3: {  	_ =	shalt  }
tec
execute0_lowered:
.L_overlay_start_1:
0x0: {  	(tag) =	ssettag $0x1  }
0x1: {  	s2 =	rddreg [dreg:$0x0]  }
0x2: {  	s5 =	rddreg [dreg:$0x1]  }
0x3: {  	s0 =	rddreg [dreg:$0x2]  }
0x4: {  	s1 =	stileid.u32;
	s4 =	srdreg.scid  }
0x5: {  	s3 =	simm.s32 $0x0;
	s10 =	simm.s32 $0x2000;
	s11 =	simm.s32 $0x1  }
0x6: {  	s12 =	simm.s32 $0xC000;
	s13 =	simm.s32 $0x2;
	s14 =	simm.s32 $0x80  }
0x7: {  	s15 =	simm.s32 $0x18000;
	s16 =	simm.s32 $0x3;
	s17 =	simm.s32 $0x0  }
0x8: {  	s6 =	sand.u32 $0x1, s4;
	s28 =	sshll.u32 s1, $0x1;
	[smem:$0x7FF] =	sst s3  }
0x9: {  	s7 =	sshll.u32 s1, $0x8;
	s8 =	sor.u32 s6, s28;
	_ =	strace $0x80000047  }
0xa: {  	s7 =	sand.u32 $0xC00, s7;
	s29 =	ssub.s32 $0x2, s6;
	s4 =	smul.u32 $0xC0000, s8  }
0xb: {  	s7 =	sadd.s32 s7, s5;
	s30 =	sshll.u32 s8, $0x4;
	s31 =	sshrl.u32 s29, $0x1  }
0xc: {  	s6 =	sand.u32 $0x70, s30;
	s8 =	ssub.s32 s29, s31;
	s9 =	sshrl.u32 s4, $0x3  }
0xd: {  	s7 =	sadd.s32 s6, s7;
	s6 =	sadd.s32 $0x60000, s4;
	s8 =	smax.u32 s8, $0x1  }
0xe: {  	s5 =	sadd.s32 s2, s9;
	s7 =	sadd.s32 $0x400, s7;
	s9 =	simm.s32 $0x400  }
.LBB2_1:
0xf: {  	[tilespmem:s3], [sflag:$0x1] =	stream.strided.gather [hbm4b:s5+s9], $0xC000, s10, s9, $0x38;
	[tilespmem:$0x18800] =	vst v63  }
0x10: {  	s18 =	simm.s32 $0x0  }
.LBB2_2:
0x11: {  	s19 =	sshll.u32 s18, $0xA  }
0x12: {  	_ =	swait.ge [sflag:s11], $0xC000;
	s19 =	sadd.s32 s19, s6  }
0x13: {  	[sflag:s11] =	ssyncset.done $0x0;
	s19 =	sshrl.u32 s19, $0x3  }
0x14: {  	s31 =	simm.s32 $0x0;
	[sflag:s11] =	ssyncadd.s32 $0xFFFF4000;
	s19 =	sadd.s32 s2, s19  }
0x15: {  	[tilespmem:s12], [sflag:$0x2] =	stream.strided.gather [hbm4b:s19+s9], $0xC000, s10, s9, $0x38;
	[tilespmem:$0x18800] =	vst v63  }
0x16: {  	v0 =	vld [tilespmem:s31+$0x0]  }
0x17: {  	v1 =	vld [tilespmem:s31+$0x80]  }
0x18: {  	v2 =	vld [tilespmem:s31+$0x100]  }
0x19: {  	v3 =	vld [tilespmem:s31+$0x180]  }
0x1a: {  	v5 =	vld [tilespmem:s31+$0x200]  }
0x1b: {  	v6 =	vld [tilespmem:s31+$0x280]  }
0x1c: {  	v7 =	vld [tilespmem:s31+$0x300]  }
0x1d: {  	v8 =	vld [tilespmem:s31+$0x380]  }
0x1e: {  	v9 =	vld [tilespmem:s31+$0x10]  }
0x1f: {  	v10 =	vld [tilespmem:s31+$0x90]  }
0x20: {  	v11 =	vld [tilespmem:s31+$0x110]  }
0x21: {  	v12 =	vld [tilespmem:s31+$0x190]  }
0x22: {  	v13 =	vld [tilespmem:s31+$0x210]  }
0x23: {  	v14 =	vld [tilespmem:s31+$0x290]  }
0x24: {  	v15 =	vld [tilespmem:s31+$0x310]  }
0x25: {  	v4 =	vimm.f32 $-Inf;
	v17 =	vld [tilespmem:s31+$0x390];
	v16 =	vmax.f32 v0, v1  }
0x26: {  	v0 =	vmin.f32 v0, v1;
	v1 =	vmax.f32 v2, v3;
	v2 =	vmin.f32 v2, v3  }
0x27: {  	v3 =	vmax.f32 v5, v6;
	v5 =	vmin.f32 v5, v6;
	v6 =	vmax.f32 v7, v8  }
0x28: {  	v7 =	vmin.f32 v7, v8;
	v8 =	vmax.f32 v9, v10;
	v9 =	vmin.f32 v9, v10  }
0x29: {  	v10 =	vmax.f32 v11, v12;
	v11 =	vmin.f32 v11, v12;
	v12 =	vmax.f32 v13, v14  }
0x2a: {  	v13 =	vmin.f32 v13, v14;
	v14 =	vmax.f32 v15, v17;
	v15 =	vmin.f32 v15, v17  }
0x2b: {  	v17 =	vmax.f32 v16, v1;
	v20 =	vmin.f32 v0, v2;
	v21 =	vmax.f32 v3, v6  }
0x2c: {  	v22 =	vmin.f32 v5, v7;
	v23 =	vmax.f32 v8, v10;
	v24 =	vmin.f32 v9, v11  }
0x2d: {  	v1 =	vmin.f32 v16, v1;
	v16 =	vmax.f32 v12, v14;
	v25 =	vmin.f32 v13, v15  }
0x2e: {  	v0 =	vmax.f32 v0, v2;
	v2 =	vmin.f32 v3, v6;
	v3 =	vmax.f32 v5, v7  }
0x2f: {  	v5 =	vmin.f32 v8, v10;
	v6 =	vmax.f32 v9, v11;
	v7 =	vmin.f32 v12, v14  }
0x30: {  	v8 =	vmax.f32 v13, v15;
	v18 =	vmax.f32 v17, v21;
	v19 =	vmin.f32 v20, v22  }
0x31: {  	v9 =	vmin.f32 v17, v21;
	v10 =	vmax.f32 v23, v16;
	v11 =	vmin.f32 v24, v25  }
0x32: {  	v12 =	vmax.f32 v20, v22;
	v13 =	vmin.f32 v23, v16;
	v14 =	vmax.f32 v24, v25  }
0x33: {  	v15 =	vmax.f32 v0, v1;
	v0 =	vmin.f32 v0, v1;
	v1 =	vmax.f32 v3, v2  }
0x34: {  	v2 =	vmin.f32 v3, v2;
	v3 =	vmax.f32 v6, v5;
	v5 =	vmin.f32 v6, v5  }
0x35: {  	v16 =	vmax.f32 v8, v7;
	v7 =	vmin.f32 v8, v7;
	v17 =	vimm.f32 $-Inf  }
0x36: {  	v8 =	vimm.f32 $-Inf;
	v6 =	vmax.f32 v15, v1;
	v22 =	vmin.f32 v0, v2  }
0x37: {  	v21 =	vmax.f32 v3, v16;
	v20 =	vmin.f32 v5, v7;
	v1 =	vmin.f32 v15, v1  }
0x38: {  	v0 =	vmax.f32 v0, v2;
	v2 =	vmin.f32 v3, v16;
	v15 =	vimm.f32 $-Inf  }
0x39: {  	v16 =	vimm.f32 $-Inf;
	v3 =	vmax.f32 v0, v9;
	v28 =	vmin.f32 v0, v9  }
0x3a: {  	v0 =	vmax.f32 v5, v7;
	v32 =	vmax.f32 v12, v1;
	v31 =	vmin.f32 v12, v1  }
0x3b: {  	v30 =	vmax.f32 v14, v2;
	v27 =	vmin.f32 v14, v2;
	v14 =	vimm.f32 $-Inf  }
0x3c: {  	v12 =	vimm.f32 $-Inf;
	v9 =	vimm.f32 $-Inf;
	v7 =	vimm.f32 $-Inf  }
0x3d: {  	v5 =	vimm.f32 $-Inf;
	v1 =	vimm.f32 $-Inf;
	v2 =	vimm.f32 $-Inf  }
0x3e: {  	v29 =	vmax.f32 v0, v13;
	v26 =	vmin.f32 v0, v13;
	v23 =	vmax.f32 v6, v3  }
0x3f: {  	v24 =	vmin.f32 v6, v3;
	v25 =	vmax.f32 v32, v28;
	v3 =	vimm.f32 $-Inf  }
0x40: {  	s19 =	simm.s32 $0x1000;
	v13 =	vimm.f32 $-Inf;
	v0 =	vimm.f32 $-Inf;
	v6 =	vimm.f32 $-Inf  }
.LBB2_3:
0x41: {  	p0 =	sne.s32 s19, $0x2F000;
	v28 =	vmin.f32 v32, v28;
	v32 =	vmax.f32 v31, v22;
	v22 =	vmin.f32 v31, v22  }
0x42: {  	v31 =	vmax.f32 v21, v29;
	v21 =	vmin.f32 v21, v29;
	v29 =	vmax.f32 v30, v26  }
0x43: {  	v26 =	vmin.f32 v30, v26;
	v30 =	vmax.f32 v27, v20;
	v20 =	vmin.f32 v27, v20  }
0x44: {  	v4 =	vmax.f32 v4, v19;
	v18 =	vmax.f32 v3, v18;
	v14 =	vmax.f32 v14, v22  }
0x45: {  	v3 =	vmax.f32 v12, v32;
	v12 =	vmax.f32 v15, v28;
	v15 =	vmax.f32 v16, v25  }
0x46: {  	v13 =	vmax.f32 v13, v24;
	v16 =	vmax.f32 v17, v23;
	v17 =	vmin.f32 v4, v15  }
0x47: {  	v19 =	vmin.f32 v14, v13;
	v22 =	vmin.f32 v3, v16;
	v23 =	vmin.f32 v12, v18  }
0x48: {  	v4 =	vmax.f32 v4, v15;
	v24 =	vmin.f32 v17, v22;
	v25 =	vmin.f32 v19, v23  }
0x49: {  	s20 =	sshra.s32 s19, $0x2;
	v13 =	vmax.f32 v14, v13;
	v14 =	vmax.f32 v3, v16;
	v3 =	vmin.f32 v24, v25  }
0x4a: {  	v9 =	vmax.f32 v9, v11;
	v10 =	vmax.f32 v0, v10;
	v8 =	vmax.f32 v8, v20;
	v27 =	vld [tilespmem:s20+$0x0]  }
0x4b: {  	v0 =	vmax.f32 v7, v30;
	v5 =	vmax.f32 v5, v26;
	v6 =	vmax.f32 v6, v29;
	v11 =	vld [tilespmem:s20+$0x80]  }
0x4c: {  	v1 =	vmax.f32 v1, v21;
	v2 =	vmax.f32 v2, v31;
	v7 =	vmin.f32 v9, v6;
	v20 =	vld [tilespmem:s20+$0x100]  }
0x4d: {  	v15 =	vmin.f32 v8, v1;
	v16 =	vmin.f32 v0, v2;
	v26 =	vmin.f32 v5, v10;
	v21 =	vld [tilespmem:s20+$0x180]  }
0x4e: {  	v6 =	vmax.f32 v9, v6;
	v29 =	vmin.f32 v7, v16;
	v30 =	vmin.f32 v15, v26;
	v28 =	vld [tilespmem:s20+$0x200]  }
0x4f: {  	v1 =	vmax.f32 v8, v1;
	v2 =	vmax.f32 v0, v2;
	v0 =	vmin.f32 v29, v30;
	v31 =	vld [tilespmem:s20+$0x280]  }
0x50: {  	v5 =	vmax.f32 v5, v10;
	v8 =	vmax.f32 v6, v2;
	v2 =	vmin.f32 v6, v2;
	v32 =	vld [tilespmem:s20+$0x300]  }
0x51: {  	v6 =	vmax.f32 v1, v5;
	v1 =	vmin.f32 v1, v5;
	v16 =	vmax.f32 v7, v16;
	v10 =	vld [tilespmem:s20+$0x380]  }
0x52: {  	v15 =	vmax.f32 v15, v26;
	v9 =	vmax.f32 v8, v6;
	v8 =	vmin.f32 v8, v6;
	v33 =	vld [tilespmem:s20+$0x10]  }
0x53: {  	v7 =	vmax.f32 v2, v1;
	v5 =	vmin.f32 v2, v1;
	v6 =	vmax.f32 v16, v15;
	v26 =	vld [tilespmem:s20+$0x90]  }
0x54: {  	v12 =	vmax.f32 v12, v18;
	v1 =	vmin.f32 v16, v15;
	v2 =	vmax.f32 v29, v30;
	v34 =	vld [tilespmem:s20+$0x110]  }
0x55: {  	v15 =	vmax.f32 v4, v14;
	v16 =	vmin.f32 v4, v14;
	v14 =	vmax.f32 v13, v12;
	v18 =	vld [tilespmem:s20+$0x190]  }
0x56: {  	v17 =	vmax.f32 v17, v22;
	v19 =	vmax.f32 v19, v23;
	v13 =	vmin.f32 v13, v12;
	v29 =	vld [tilespmem:s20+$0x210]  }
0x57: {  	v4 =	vmax.f32 v15, v14;
	v14 =	vmin.f32 v15, v14;
	v12 =	vmax.f32 v16, v13;
	v22 =	vld [tilespmem:s20+$0x290]  }
0x58: {  	v15 =	vmin.f32 v16, v13;
	v16 =	vmax.f32 v17, v19;
	v13 =	vmin.f32 v17, v19;
	v23 =	vld [tilespmem:s20+$0x310]  }
0x59: {  	v17 =	vmax.f32 v24, v25;
	v19 =	vmax.f32 v27, v11;
	v30 =	vld [tilespmem:s20+$0x390]  }
0x5a: {  	v11 =	vmin.f32 v27, v11;
	v24 =	vmax.f32 v20, v21;
	v20 =	vmin.f32 v20, v21  }
0x5b: {  	v21 =	vmax.f32 v28, v31;
	v25 =	vmin.f32 v28, v31;
	v27 =	vmax.f32 v32, v10  }
0x5c: {  	v10 =	vmin.f32 v32, v10;
	v28 =	vmax.f32 v33, v26;
	v26 =	vmin.f32 v33, v26  }
0x5d: {  	v31 =	vmax.f32 v34, v18;
	v18 =	vmin.f32 v34, v18;
	v32 =	vmax.f32 v29, v22  }
0x5e: {  	v22 =	vmin.f32 v29, v22;
	v29 =	vmax.f32 v23, v30;
	v23 =	vmin.f32 v23, v30  }
0x5f: {  	v33 =	vmin.f32 v11, v20;
	v34 =	vmax.f32 v21, v27;
	v30 =	vmax.f32 v19, v24  }
0x60: {  	v35 =	vmin.f32 v25, v10;
	v36 =	vmax.f32 v28, v31;
	v37 =	vmin.f32 v26, v18  }
0x61: {  	v24 =	vmin.f32 v19, v24;
	v38 =	vmax.f32 v32, v29;
	v39 =	vmin.f32 v22, v23  }
0x62: {  	v25 =	vmax.f32 v25, v10;
	v20 =	vmax.f32 v11, v20;
	v21 =	vmin.f32 v21, v27  }
0x63: {  	v27 =	vmin.f32 v28, v31;
	v26 =	vmax.f32 v26, v18;
	v28 =	vmin.f32 v32, v29  }
0x64: {  	v19 =	vmin.f32 v33, v35;
	v18 =	vmax.f32 v30, v34;
	v22 =	vmax.f32 v22, v23  }
0x65: {  	v23 =	vmin.f32 v30, v34;
	v10 =	vmax.f32 v36, v38;
	v11 =	vmin.f32 v37, v39  }
0x66: {  	v29 =	vmax.f32 v33, v35;
	v30 =	vmin.f32 v36, v38;
	v33 =	vmax.f32 v37, v39  }
0x67: {  	v31 =	vmax.f32 v20, v24;
	v24 =	vmin.f32 v20, v24;
	v32 =	vmax.f32 v25, v21  }
0x68: {  	v25 =	vmin.f32 v25, v21;
	v34 =	vmax.f32 v26, v27;
	v26 =	vmin.f32 v26, v27  }
0x69: {  	v35 =	vmax.f32 v31, v32;
	v27 =	vmax.f32 v22, v28;
	v36 =	vmin.f32 v22, v28  }
0x6a: {  	v22 =	vmin.f32 v24, v25;
	v21 =	vmax.f32 v34, v27;
	v20 =	vmin.f32 v26, v36  }
.Ltmp0:
0x6b: {  	v31 =	vmin.f32 v31, v32;
	v24 =	vmax.f32 v24, v25;
	v25 =	vmin.f32 v34, v27;
	(pc) =	sbr.rel @p0 .LBB2_3-.Ltmp0, $4  }
0x6c: {  	v34 =	vmax.f32 v24, v23;
	v28 =	vmin.f32 v24, v23;
	v23 =	vmax.f32 v26, v36  }
0x6d: {  	v32 =	vmax.f32 v29, v31;
	v31 =	vmin.f32 v29, v31;
	v29 =	vmax.f32 v23, v30  }
0x6e: {  	v26 =	vmin.f32 v23, v30;
	v30 =	vmax.f32 v33, v25;
	v27 =	vmin.f32 v33, v25  }
0x6f: {  	s19 =	sadd.s32 $0x1000, s19;
	v23 =	vmax.f32 v35, v34;
	v24 =	vmin.f32 v35, v34;
	v25 =	vmax.f32 v32, v28  }
0x70: {  	v28 =	vmin.f32 v32, v28  }
0x71: {  	v63 =	vmax.f32 v31, v22;
	v22 =	vmin.f32 v31, v22;
	v31 =	vmax.f32 v21, v29  }
0x72: {  	v21 =	vmin.f32 v21, v29;
	v29 =	vmax.f32 v30, v26;
	v26 =	vmin.f32 v30, v26  }
0x73: {  	v30 =	vmax.f32 v27, v20;
	v20 =	vmin.f32 v27, v20;
	v4 =	vmax.f32 v4, v19  }
0x74: {  	v3 =	vmax.f32 v3, v18;
	v16 =	vmax.f32 v16, v25;
	v13 =	vmax.f32 v13, v24  }
0x75: {  	v17 =	vmax.f32 v17, v23;
	v9 =	vmax.f32 v9, v11;
	v0 =	vmax.f32 v0, v10  }
0x76: {  	v14 =	vmax.f32 v14, v22;
	v12 =	vmax.f32 v12, v63;
	v15 =	vmax.f32 v15, v28  }
0x77: {  	v18 =	vmin.f32 v4, v16;
	v4 =	vmax.f32 v4, v16;
	v8 =	vmax.f32 v8, v20  }
0x78: {  	v19 =	vmin.f32 v14, v13;
	v22 =	vmin.f32 v12, v17;
	v23 =	vmin.f32 v15, v3  }
0x79: {  	v13 =	vmax.f32 v14, v13;
	v12 =	vmax.f32 v12, v17;
	v3 =	vmax.f32 v15, v3  }
0x7a: {  	v7 =	vmax.f32 v7, v30;
	v11 =	vmax.f32 v4, v12;
	v14 =	vmax.f32 v13, v3  }
0x7b: {  	v5 =	vmax.f32 v5, v26;
	v6 =	vmax.f32 v6, v29;
	v10 =	vmax.f32 v11, v14  }
0x7c: {  	v16 =	vmin.f32 v18, v22;
	v24 =	vmin.f32 v19, v23;
	v11 =	vmin.f32 v11, v14;
	[tilespmem:$0x18400] =	vst v10  }
0x7d: {  	v4 =	vmin.f32 v4, v12;
	v3 =	vmin.f32 v13, v3;
	v13 =	vmax.f32 v16, v24;
	[tilespmem:$0x18480] =	vst v11  }
0x7e: {  	v1 =	vmax.f32 v1, v21;
	v2 =	vmax.f32 v2, v31;
	v10 =	vmax.f32 v4, v3;
	[tilespmem:$0x18700] =	vst v13  }
0x7f: {  	v12 =	vmax.f32 v19, v23;
	v11 =	vmax.f32 v18, v22;
	v3 =	vmin.f32 v4, v3;
	[tilespmem:$0x18500] =	vst v10  }
0x80: {  	v4 =	vmax.f32 v11, v12;
	[tilespmem:$0x18580] =	vst v3;
	v3 =	vmax.f32 v9, v6;
	v10 =	vmax.f32 v8, v1  }
0x81: {  	v11 =	vmin.f32 v11, v12;
	v12 =	vmax.f32 v5, v0;
	[tilespmem:$0x18600] =	vst v4;
	v4 =	vmax.f32 v7, v2  }
0x82: {  	[tilespmem:$0x18680] =	vst v11;
	v11 =	vmin.f32 v16, v24;
	v15 =	vmax.f32 v10, v12;
	v14 =	vmax.f32 v3, v4  }
0x83: {  	v6 =	vmin.f32 v9, v6;
	v1 =	vmin.f32 v8, v1;
	[tilespmem:$0x18780] =	vst v11;
	v8 =	vmax.f32 v14, v15  }
0x84: {  	v3 =	vmin.f32 v3, v4;
	v4 =	vmin.f32 v10, v12;
	v9 =	vmin.f32 v14, v15;
	[tilespmem:$0x18410] =	vst v8  }
0x85: {  	v0 =	vmin.f32 v5, v0;
	v2 =	vmin.f32 v7, v2;
	v5 =	vmax.f32 v3, v4;
	[tilespmem:$0x18490] =	vst v9  }
0x86: {  	v7 =	vmax.f32 v6, v2;
	v3 =	vmin.f32 v3, v4;
	v8 =	vmax.f32 v1, v0;
	[tilespmem:$0x18510] =	vst v5  }
0x87: {  	[tilespmem:$0x18590] =	vst v3;
	v4 =	vmax.f32 v7, v8  }
0x88: {  	v2 =	vmin.f32 v6, v2;
	v0 =	vmin.f32 v1, v0;
	v1 =	vmin.f32 v7, v8;
	[tilespmem:$0x18610] =	vst v4  }
0x89: {  	v3 =	vmax.f32 v2, v0;
	[tilespmem:$0x18690] =	vst v1  }
0x8a: {  	v0 =	vmin.f32 v2, v0;
	[tilespmem:$0x18710] =	vst v3  }
0x8b: {  	s19 =	simm.s32 $0x0;
	[tilespmem:$0x18790] =	vst v0  }
0x8c: {  	v0 =	vld [tilespmem:s19+$0x20]  }
0x8d: {  	v1 =	vld [tilespmem:s19+$0xA0]  }
0x8e: {  	v2 =	vld [tilespmem:s19+$0x120]  }
0x8f: {  	v3 =	vld [tilespmem:s19+$0x1A0]  }
0x90: {  	v5 =	vld [tilespmem:s19+$0x220]  }
0x91: {  	v6 =	vld [tilespmem:s19+$0x2A0]  }
0x92: {  	v7 =	vld [tilespmem:s19+$0x320]  }
0x93: {  	v8 =	vld [tilespmem:s19+$0x3A0]  }
0x94: {  	v9 =	vld [tilespmem:s19+$0x30]  }
0x95: {  	v10 =	vld [tilespmem:s19+$0xB0]  }
0x96: {  	v11 =	vld [tilespmem:s19+$0x130]  }
0x97: {  	v12 =	vld [tilespmem:s19+$0x1B0]  }
0x98: {  	v13 =	vld [tilespmem:s19+$0x230]  }
0x99: {  	v14 =	vld [tilespmem:s19+$0x2B0]  }
0x9a: {  	v15 =	vld [tilespmem:s19+$0x330]  }
0x9b: {  	v4 =	vimm.f32 $-Inf;
	v17 =	vld [tilespmem:s19+$0x3B0];
	v16 =	vmax.f32 v0, v1  }
0x9c: {  	v0 =	vmin.f32 v0, v1;
	v1 =	vmax.f32 v2, v3;
	v2 =	vmin.f32 v2, v3  }
0x9d: {  	v3 =	vmax.f32 v5, v6;
	v5 =	vmin.f32 v5, v6;
	v6 =	vmax.f32 v7, v8  }
0x9e: {  	v7 =	vmin.f32 v7, v8;
	v8 =	vmax.f32 v9, v10;
	v9 =	vmin.f32 v9, v10  }
0x9f: {  	v10 =	vmax.f32 v11, v12;
	v11 =	vmin.f32 v11, v12;
	v12 =	vmax.f32 v13, v14  }
0xa0: {  	v13 =	vmin.f32 v13, v14;
	v14 =	vmax.f32 v15, v17;
	v15 =	vmin.f32 v15, v17  }
0xa1: {  	v17 =	vmax.f32 v16, v1;
	v20 =	vmin.f32 v0, v2;
	v21 =	vmax.f32 v3, v6  }
0xa2: {  	v22 =	vmin.f32 v5, v7;
	v23 =	vmax.f32 v8, v10;
	v24 =	vmin.f32 v9, v11  }
0xa3: {  	v1 =	vmin.f32 v16, v1;
	v16 =	vmax.f32 v12, v14;
	v25 =	vmin.f32 v13, v15  }
0xa4: {  	v0 =	vmax.f32 v0, v2;
	v2 =	vmin.f32 v3, v6;
	v3 =	vmax.f32 v5, v7  }
0xa5: {  	v5 =	vmin.f32 v8, v10;
	v6 =	vmax.f32 v9, v11;
	v7 =	vmin.f32 v12, v14  }
0xa6: {  	v8 =	vmax.f32 v13, v15;
	v18 =	vmax.f32 v17, v21;
	v19 =	vmin.f32 v20, v22  }
0xa7: {  	v9 =	vmin.f32 v17, v21;
	v10 =	vmax.f32 v23, v16;
	v11 =	vmin.f32 v24, v25  }
0xa8: {  	v12 =	vmax.f32 v20, v22;
	v13 =	vmin.f32 v23, v16;
	v14 =	vmax.f32 v24, v25  }
0xa9: {  	v15 =	vmax.f32 v0, v1;
	v0 =	vmin.f32 v0, v1;
	v1 =	vmax.f32 v3, v2  }
0xaa: {  	v2 =	vmin.f32 v3, v2;
	v3 =	vmax.f32 v6, v5;
	v5 =	vmin.f32 v6, v5  }
0xab: {  	v16 =	vmax.f32 v8, v7;
	v7 =	vmin.f32 v8, v7;
	v17 =	vimm.f32 $-Inf  }
0xac: {  	v8 =	vimm.f32 $-Inf;
	v6 =	vmax.f32 v15, v1;
	v22 =	vmin.f32 v0, v2  }
0xad: {  	v21 =	vmax.f32 v3, v16;
	v20 =	vmin.f32 v5, v7;
	v1 =	vmin.f32 v15, v1  }
0xae: {  	v0 =	vmax.f32 v0, v2;
	v2 =	vmin.f32 v3, v16;
	v15 =	vimm.f32 $-Inf  }
0xaf: {  	v16 =	vimm.f32 $-Inf;
	v3 =	vmax.f32 v0, v9;
	v28 =	vmin.f32 v0, v9  }
0xb0: {  	v0 =	vmax.f32 v5, v7;
	v32 =	vmax.f32 v12, v1;
	v31 =	vmin.f32 v12, v1  }
0xb1: {  	v30 =	vmax.f32 v14, v2;
	v27 =	vmin.f32 v14, v2;
	v14 =	vimm.f32 $-Inf  }
0xb2: {  	v12 =	vimm.f32 $-Inf;
	v9 =	vimm.f32 $-Inf;
	v7 =	vimm.f32 $-Inf  }
0xb3: {  	v5 =	vimm.f32 $-Inf;
	v1 =	vimm.f32 $-Inf;
	v2 =	vimm.f32 $-Inf  }
0xb4: {  	v29 =	vmax.f32 v0, v13;
	v26 =	vmin.f32 v0, v13;
	v23 =	vmax.f32 v6, v3  }
0xb5: {  	v24 =	vmin.f32 v6, v3;
	v25 =	vmax.f32 v32, v28;
	v3 =	vimm.f32 $-Inf  }
0xb6: {  	s19 =	simm.s32 $0x1000;
	v13 =	vimm.f32 $-Inf;
	v0 =	vimm.f32 $-Inf;
	v6 =	vimm.f32 $-Inf  }
.LBB2_5:
0xb7: {  	p0 =	sne.s32 s19, $0x2F000;
	v28 =	vmin.f32 v32, v28;
	v32 =	vmax.f32 v31, v22;
	v22 =	vmin.f32 v31, v22  }
0xb8: {  	v31 =	vmax.f32 v21, v29;
	v21 =	vmin.f32 v21, v29;
	v29 =	vmax.f32 v30, v26  }
0xb9: {  	v26 =	vmin.f32 v30, v26;
	v30 =	vmax.f32 v27, v20;
	v20 =	vmin.f32 v27, v20  }
0xba: {  	v4 =	vmax.f32 v4, v19;
	v18 =	vmax.f32 v3, v18;
	v14 =	vmax.f32 v14, v22  }
0xbb: {  	v3 =	vmax.f32 v12, v32;
	v12 =	vmax.f32 v15, v28;
	v15 =	vmax.f32 v16, v25  }
0xbc: {  	v13 =	vmax.f32 v13, v24;
	v16 =	vmax.f32 v17, v23;
	v17 =	vmin.f32 v4, v15  }
0xbd: {  	v19 =	vmin.f32 v14, v13;
	v22 =	vmin.f32 v3, v16;
	v23 =	vmin.f32 v12, v18  }
0xbe: {  	v4 =	vmax.f32 v4, v15;
	v24 =	vmin.f32 v17, v22;
	v25 =	vmin.f32 v19, v23  }
0xbf: {  	s20 =	sshra.s32 s19, $0x2;
	v13 =	vmax.f32 v14, v13;
	v14 =	vmax.f32 v3, v16;
	v3 =	vmin.f32 v24, v25  }
0xc0: {  	v9 =	vmax.f32 v9, v11;
	v10 =	vmax.f32 v0, v10;
	v8 =	vmax.f32 v8, v20;
	v27 =	vld [tilespmem:s20+$0x20]  }
0xc1: {  	v0 =	vmax.f32 v7, v30;
	v5 =	vmax.f32 v5, v26;
	v6 =	vmax.f32 v6, v29;
	v11 =	vld [tilespmem:s20+$0xA0]  }
0xc2: {  	v1 =	vmax.f32 v1, v21;
	v2 =	vmax.f32 v2, v31;
	v7 =	vmin.f32 v9, v6;
	v20 =	vld [tilespmem:s20+$0x120]  }
0xc3: {  	v15 =	vmin.f32 v8, v1;
	v16 =	vmin.f32 v0, v2;
	v26 =	vmin.f32 v5, v10;
	v21 =	vld [tilespmem:s20+$0x1A0]  }
0xc4: {  	v6 =	vmax.f32 v9, v6;
	v29 =	vmin.f32 v7, v16;
	v30 =	vmin.f32 v15, v26;
	v28 =	vld [tilespmem:s20+$0x220]  }
0xc5: {  	v1 =	vmax.f32 v8, v1;
	v2 =	vmax.f32 v0, v2;
	v0 =	vmin.f32 v29, v30;
	v31 =	vld [tilespmem:s20+$0x2A0]  }
0xc6: {  	v5 =	vmax.f32 v5, v10;
	v8 =	vmax.f32 v6, v2;
	v2 =	vmin.f32 v6, v2;
	v32 =	vld [tilespmem:s20+$0x320]  }
0xc7: {  	v6 =	vmax.f32 v1, v5;
	v1 =	vmin.f32 v1, v5;
	v16 =	vmax.f32 v7, v16;
	v10 =	vld [tilespmem:s20+$0x3A0]  }
0xc8: {  	v15 =	vmax.f32 v15, v26;
	v9 =	vmax.f32 v8, v6;
	v8 =	vmin.f32 v8, v6;
	v33 =	vld [tilespmem:s20+$0x30]  }
0xc9: {  	v7 =	vmax.f32 v2, v1;
	v5 =	vmin.f32 v2, v1;
	v6 =	vmax.f32 v16, v15;
	v26 =	vld [tilespmem:s20+$0xB0]  }
0xca: {  	v12 =	vmax.f32 v12, v18;
	v1 =	vmin.f32 v16, v15;
	v2 =	vmax.f32 v29, v30;
	v34 =	vld [tilespmem:s20+$0x130]  }
0xcb: {  	v15 =	vmax.f32 v4, v14;
	v16 =	vmin.f32 v4, v14;
	v14 =	vmax.f32 v13, v12;
	v18 =	vld [tilespmem:s20+$0x1B0]  }
0xcc: {  	v17 =	vmax.f32 v17, v22;
	v19 =	vmax.f32 v19, v23;
	v13 =	vmin.f32 v13, v12;
	v29 =	vld [tilespmem:s20+$0x230]  }
0xcd: {  	v4 =	vmax.f32 v15, v14;
	v14 =	vmin.f32 v15, v14;
	v12 =	vmax.f32 v16, v13;
	v22 =	vld [tilespmem:s20+$0x2B0]  }
0xce: {  	v15 =	vmin.f32 v16, v13;
	v16 =	vmax.f32 v17, v19;
	v13 =	vmin.f32 v17, v19;
	v23 =	vld [tilespmem:s20+$0x330]  }
0xcf: {  	v17 =	vmax.f32 v24, v25;
	v19 =	vmax.f32 v27, v11;
	v30 =	vld [tilespmem:s20+$0x3B0]  }
0xd0: {  	v11 =	vmin.f32 v27, v11;
	v24 =	vmax.f32 v20, v21;
	v20 =	vmin.f32 v20, v21  }
0xd1: {  	v21 =	vmax.f32 v28, v31;
	v25 =	vmin.f32 v28, v31;
	v27 =	vmax.f32 v32, v10  }
0xd2: {  	v10 =	vmin.f32 v32, v10;
	v28 =	vmax.f32 v33, v26;
	v26 =	vmin.f32 v33, v26  }
0xd3: {  	v31 =	vmax.f32 v34, v18;
	v18 =	vmin.f32 v34, v18;
	v32 =	vmax.f32 v29, v22  }
0xd4: {  	v22 =	vmin.f32 v29, v22;
	v29 =	vmax.f32 v23, v30;
	v23 =	vmin.f32 v23, v30  }
0xd5: {  	v33 =	vmin.f32 v11, v20;
	v34 =	vmax.f32 v21, v27;
	v30 =	vmax.f32 v19, v24  }
0xd6: {  	v35 =	vmin.f32 v25, v10;
	v36 =	vmax.f32 v28, v31;
	v37 =	vmin.f32 v26, v18  }
0xd7: {  	v24 =	vmin.f32 v19, v24;
	v38 =	vmax.f32 v32, v29;
	v39 =	vmin.f32 v22, v23  }
0xd8: {  	v25 =	vmax.f32 v25, v10;
	v20 =	vmax.f32 v11, v20;
	v21 =	vmin.f32 v21, v27  }
0xd9: {  	v27 =	vmin.f32 v28, v31;
	v26 =	vmax.f32 v26, v18;
	v28 =	vmin.f32 v32, v29  }
0xda: {  	v19 =	vmin.f32 v33, v35;
	v18 =	vmax.f32 v30, v34;
	v22 =	vmax.f32 v22, v23  }
0xdb: {  	v23 =	vmin.f32 v30, v34;
	v10 =	vmax.f32 v36, v38;
	v11 =	vmin.f32 v37, v39  }
0xdc: {  	v29 =	vmax.f32 v33, v35;
	v30 =	vmin.f32 v36, v38;
	v33 =	vmax.f32 v37, v39  }
0xdd: {  	v31 =	vmax.f32 v20, v24;
	v24 =	vmin.f32 v20, v24;
	v32 =	vmax.f32 v25, v21  }
0xde: {  	v25 =	vmin.f32 v25, v21;
	v34 =	vmax.f32 v26, v27;
	v26 =	vmin.f32 v26, v27  }
0xdf: {  	v35 =	vmax.f32 v31, v32;
	v27 =	vmax.f32 v22, v28;
	v36 =	vmin.f32 v22, v28  }
0xe0: {  	v22 =	vmin.f32 v24, v25;
	v21 =	vmax.f32 v34, v27;
	v20 =	vmin.f32 v26, v36  }
.Ltmp1:
0xe1: {  	v31 =	vmin.f32 v31, v32;
	v24 =	vmax.f32 v24, v25;
	v25 =	vmin.f32 v34, v27;
	(pc) =	sbr.rel @p0 .LBB2_5-.Ltmp1, $4  }
0xe2: {  	v34 =	vmax.f32 v24, v23;
	v28 =	vmin.f32 v24, v23;
	v23 =	vmax.f32 v26, v36  }
0xe3: {  	v32 =	vmax.f32 v29, v31;
	v31 =	vmin.f32 v29, v31;
	v29 =	vmax.f32 v23, v30  }
0xe4: {  	v26 =	vmin.f32 v23, v30;
	v30 =	vmax.f32 v33, v25;
	v27 =	vmin.f32 v33, v25  }
0xe5: {  	s19 =	sadd.s32 $0x1000, s19;
	v23 =	vmax.f32 v35, v34;
	v24 =	vmin.f32 v35, v34;
	v25 =	vmax.f32 v32, v28  }
0xe6: {  	v28 =	vmin.f32 v32, v28  }
0xe7: {  	v63 =	vmax.f32 v31, v22;
	v22 =	vmin.f32 v31, v22;
	v31 =	vmax.f32 v21, v29  }
0xe8: {  	v21 =	vmin.f32 v21, v29;
	v29 =	vmax.f32 v30, v26;
	v26 =	vmin.f32 v30, v26  }
0xe9: {  	v30 =	vmax.f32 v27, v20;
	v20 =	vmin.f32 v27, v20;
	v4 =	vmax.f32 v4, v19  }
0xea: {  	v3 =	vmax.f32 v3, v18;
	v16 =	vmax.f32 v16, v25;
	v13 =	vmax.f32 v13, v24  }
0xeb: {  	v17 =	vmax.f32 v17, v23;
	v9 =	vmax.f32 v9, v11;
	v0 =	vmax.f32 v0, v10  }
0xec: {  	v14 =	vmax.f32 v14, v22;
	v12 =	vmax.f32 v12, v63;
	v15 =	vmax.f32 v15, v28  }
0xed: {  	v18 =	vmin.f32 v4, v16;
	v4 =	vmax.f32 v4, v16;
	v8 =	vmax.f32 v8, v20  }
0xee: {  	v19 =	vmin.f32 v14, v13;
	v22 =	vmin.f32 v12, v17;
	v23 =	vmin.f32 v15, v3  }
0xef: {  	v13 =	vmax.f32 v14, v13;
	v12 =	vmax.f32 v12, v17;
	v3 =	vmax.f32 v15, v3  }
0xf0: {  	v7 =	vmax.f32 v7, v30;
	v11 =	vmax.f32 v4, v12;
	v14 =	vmax.f32 v13, v3  }
0xf1: {  	v5 =	vmax.f32 v5, v26;
	v6 =	vmax.f32 v6, v29;
	v10 =	vmax.f32 v11, v14  }
0xf2: {  	v16 =	vmin.f32 v18, v22;
	v24 =	vmin.f32 v19, v23;
	v11 =	vmin.f32 v11, v14;
	[tilespmem:$0x18420] =	vst v10  }
0xf3: {  	v4 =	vmin.f32 v4, v12;
	v3 =	vmin.f32 v13, v3;
	v13 =	vmax.f32 v16, v24;
	[tilespmem:$0x184A0] =	vst v11  }
0xf4: {  	v1 =	vmax.f32 v1, v21;
	v2 =	vmax.f32 v2, v31;
	v10 =	vmax.f32 v4, v3;
	[tilespmem:$0x18720] =	vst v13  }
0xf5: {  	v12 =	vmax.f32 v19, v23;
	v11 =	vmax.f32 v18, v22;
	v3 =	vmin.f32 v4, v3;
	[tilespmem:$0x18520] =	vst v10  }
0xf6: {  	v4 =	vmax.f32 v11, v12;
	[tilespmem:$0x185A0] =	vst v3;
	v3 =	vmax.f32 v9, v6;
	v10 =	vmax.f32 v8, v1  }
0xf7: {  	v11 =	vmin.f32 v11, v12;
	v12 =	vmax.f32 v5, v0;
	[tilespmem:$0x18620] =	vst v4;
	v4 =	vmax.f32 v7, v2  }
0xf8: {  	[tilespmem:$0x186A0] =	vst v11;
	v11 =	vmin.f32 v16, v24;
	v15 =	vmax.f32 v10, v12;
	v14 =	vmax.f32 v3, v4  }
0xf9: {  	v6 =	vmin.f32 v9, v6;
	v1 =	vmin.f32 v8, v1;
	[tilespmem:$0x187A0] =	vst v11;
	v8 =	vmax.f32 v14, v15  }
0xfa: {  	v3 =	vmin.f32 v3, v4;
	v4 =	vmin.f32 v10, v12;
	v9 =	vmin.f32 v14, v15;
	[tilespmem:$0x18430] =	vst v8  }
0xfb: {  	v0 =	vmin.f32 v5, v0;
	v2 =	vmin.f32 v7, v2;
	v5 =	vmax.f32 v3, v4;
	[tilespmem:$0x184B0] =	vst v9  }
0xfc: {  	v7 =	vmax.f32 v6, v2;
	v3 =	vmin.f32 v3, v4;
	v8 =	vmax.f32 v1, v0;
	[tilespmem:$0x18530] =	vst v5  }
0xfd: {  	[tilespmem:$0x185B0] =	vst v3;
	v4 =	vmax.f32 v7, v8  }
0xfe: {  	v2 =	vmin.f32 v6, v2;
	v0 =	vmin.f32 v1, v0;
	v1 =	vmin.f32 v7, v8;
	[tilespmem:$0x18630] =	vst v4  }
0xff: {  	v3 =	vmax.f32 v2, v0;
	[tilespmem:$0x186B0] =	vst v1  }
0x100: {  	v0 =	vmin.f32 v2, v0;
	[tilespmem:$0x18730] =	vst v3  }
0x101: {  	s19 =	simm.s32 $0x0;
	[tilespmem:$0x187B0] =	vst v0  }
0x102: {  	v0 =	vld [tilespmem:s19+$0x40]  }
0x103: {  	v1 =	vld [tilespmem:s19+$0xC0]  }
0x104: {  	v2 =	vld [tilespmem:s19+$0x140]  }
0x105: {  	v3 =	vld [tilespmem:s19+$0x1C0]  }
0x106: {  	v5 =	vld [tilespmem:s19+$0x240]  }
0x107: {  	v6 =	vld [tilespmem:s19+$0x2C0]  }
0x108: {  	v7 =	vld [tilespmem:s19+$0x340]  }
0x109: {  	v8 =	vld [tilespmem:s19+$0x3C0]  }
0x10a: {  	v9 =	vld [tilespmem:s19+$0x50]  }
0x10b: {  	v10 =	vld [tilespmem:s19+$0xD0]  }
0x10c: {  	v11 =	vld [tilespmem:s19+$0x150]  }
0x10d: {  	v12 =	vld [tilespmem:s19+$0x1D0]  }
0x10e: {  	v13 =	vld [tilespmem:s19+$0x250]  }
0x10f: {  	v14 =	vld [tilespmem:s19+$0x2D0]  }
0x110: {  	v15 =	vld [tilespmem:s19+$0x350]  }
0x111: {  	v4 =	vimm.f32 $-Inf;
	v17 =	vld [tilespmem:s19+$0x3D0];
	v16 =	vmax.f32 v0, v1  }
0x112: {  	v0 =	vmin.f32 v0, v1;
	v1 =	vmax.f32 v2, v3;
	v2 =	vmin.f32 v2, v3  }
0x113: {  	v3 =	vmax.f32 v5, v6;
	v5 =	vmin.f32 v5, v6;
	v6 =	vmax.f32 v7, v8  }
0x114: {  	v7 =	vmin.f32 v7, v8;
	v8 =	vmax.f32 v9, v10;
	v9 =	vmin.f32 v9, v10  }
0x115: {  	v10 =	vmax.f32 v11, v12;
	v11 =	vmin.f32 v11, v12;
	v12 =	vmax.f32 v13, v14  }
0x116: {  	v13 =	vmin.f32 v13, v14;
	v14 =	vmax.f32 v15, v17;
	v15 =	vmin.f32 v15, v17  }
0x117: {  	v17 =	vmax.f32 v16, v1;
	v20 =	vmin.f32 v0, v2;
	v21 =	vmax.f32 v3, v6  }
0x118: {  	v22 =	vmin.f32 v5, v7;
	v23 =	vmax.f32 v8, v10;
	v24 =	vmin.f32 v9, v11  }
0x119: {  	v1 =	vmin.f32 v16, v1;
	v16 =	vmax.f32 v12, v14;
	v25 =	vmin.f32 v13, v15  }
0x11a: {  	v0 =	vmax.f32 v0, v2;
	v2 =	vmin.f32 v3, v6;
	v3 =	vmax.f32 v5, v7  }
0x11b: {  	v5 =	vmin.f32 v8, v10;
	v6 =	vmax.f32 v9, v11;
	v7 =	vmin.f32 v12, v14  }
0x11c: {  	v8 =	vmax.f32 v13, v15;
	v18 =	vmax.f32 v17, v21;
	v19 =	vmin.f32 v20, v22  }
0x11d: {  	v9 =	vmin.f32 v17, v21;
	v10 =	vmax.f32 v23, v16;
	v11 =	vmin.f32 v24, v25  }
0x11e: {  	v12 =	vmax.f32 v20, v22;
	v13 =	vmin.f32 v23, v16;
	v14 =	vmax.f32 v24, v25  }
0x11f: {  	v15 =	vmax.f32 v0, v1;
	v0 =	vmin.f32 v0, v1;
	v1 =	vmax.f32 v3, v2  }
0x120: {  	v2 =	vmin.f32 v3, v2;
	v3 =	vmax.f32 v6, v5;
	v5 =	vmin.f32 v6, v5  }
0x121: {  	v16 =	vmax.f32 v8, v7;
	v7 =	vmin.f32 v8, v7;
	v17 =	vimm.f32 $-Inf  }
0x122: {  	v8 =	vimm.f32 $-Inf;
	v6 =	vmax.f32 v15, v1;
	v22 =	vmin.f32 v0, v2  }
0x123: {  	v21 =	vmax.f32 v3, v16;
	v20 =	vmin.f32 v5, v7;
	v1 =	vmin.f32 v15, v1  }
0x124: {  	v0 =	vmax.f32 v0, v2;
	v2 =	vmin.f32 v3, v16;
	v15 =	vimm.f32 $-Inf  }
0x125: {  	v16 =	vimm.f32 $-Inf;
	v3 =	vmax.f32 v0, v9;
	v28 =	vmin.f32 v0, v9  }
0x126: {  	v0 =	vmax.f32 v5, v7;
	v32 =	vmax.f32 v12, v1;
	v31 =	vmin.f32 v12, v1  }
0x127: {  	v30 =	vmax.f32 v14, v2;
	v27 =	vmin.f32 v14, v2;
	v14 =	vimm.f32 $-Inf  }
0x128: {  	v12 =	vimm.f32 $-Inf;
	v9 =	vimm.f32 $-Inf;
	v7 =	vimm.f32 $-Inf  }
0x129: {  	v5 =	vimm.f32 $-Inf;
	v1 =	vimm.f32 $-Inf;
	v2 =	vimm.f32 $-Inf  }
0x12a: {  	v29 =	vmax.f32 v0, v13;
	v26 =	vmin.f32 v0, v13;
	v23 =	vmax.f32 v6, v3  }
0x12b: {  	v24 =	vmin.f32 v6, v3;
	v25 =	vmax.f32 v32, v28;
	v3 =	vimm.f32 $-Inf  }
0x12c: {  	s19 =	simm.s32 $0x1000;
	v13 =	vimm.f32 $-Inf;
	v0 =	vimm.f32 $-Inf;
	v6 =	vimm.f32 $-Inf  }
.LBB2_7:
0x12d: {  	p0 =	sne.s32 s19, $0x2F000;
	v28 =	vmin.f32 v32, v28;
	v32 =	vmax.f32 v31, v22;
	v22 =	vmin.f32 v31, v22  }
0x12e: {  	v31 =	vmax.f32 v21, v29;
	v21 =	vmin.f32 v21, v29;
	v29 =	vmax.f32 v30, v26  }
0x12f: {  	v26 =	vmin.f32 v30, v26;
	v30 =	vmax.f32 v27, v20;
	v20 =	vmin.f32 v27, v20  }
0x130: {  	v4 =	vmax.f32 v4, v19;
	v18 =	vmax.f32 v3, v18;
	v14 =	vmax.f32 v14, v22  }
0x131: {  	v3 =	vmax.f32 v12, v32;
	v12 =	vmax.f32 v15, v28;
	v15 =	vmax.f32 v16, v25  }
0x132: {  	v13 =	vmax.f32 v13, v24;
	v16 =	vmax.f32 v17, v23;
	v17 =	vmin.f32 v4, v15  }
0x133: {  	v19 =	vmin.f32 v14, v13;
	v22 =	vmin.f32 v3, v16;
	v23 =	vmin.f32 v12, v18  }
0x134: {  	v4 =	vmax.f32 v4, v15;
	v24 =	vmin.f32 v17, v22;
	v25 =	vmin.f32 v19, v23  }
0x135: {  	s20 =	sshra.s32 s19, $0x2;
	v13 =	vmax.f32 v14, v13;
	v14 =	vmax.f32 v3, v16;
	v3 =	vmin.f32 v24, v25  }
0x136: {  	v9 =	vmax.f32 v9, v11;
	v10 =	vmax.f32 v0, v10;
	v8 =	vmax.f32 v8, v20;
	v27 =	vld [tilespmem:s20+$0x40]  }
0x137: {  	v0 =	vmax.f32 v7, v30;
	v5 =	vmax.f32 v5, v26;
	v6 =	vmax.f32 v6, v29;
	v11 =	vld [tilespmem:s20+$0xC0]  }
0x138: {  	v1 =	vmax.f32 v1, v21;
	v2 =	vmax.f32 v2, v31;
	v7 =	vmin.f32 v9, v6;
	v20 =	vld [tilespmem:s20+$0x140]  }
0x139: {  	v15 =	vmin.f32 v8, v1;
	v16 =	vmin.f32 v0, v2;
	v26 =	vmin.f32 v5, v10;
	v21 =	vld [tilespmem:s20+$0x1C0]  }
0x13a: {  	v6 =	vmax.f32 v9, v6;
	v29 =	vmin.f32 v7, v16;
	v30 =	vmin.f32 v15, v26;
	v28 =	vld [tilespmem:s20+$0x240]  }
0x13b: {  	v1 =	vmax.f32 v8, v1;
	v2 =	vmax.f32 v0, v2;
	v0 =	vmin.f32 v29, v30;
	v31 =	vld [tilespmem:s20+$0x2C0]  }
0x13c: {  	v5 =	vmax.f32 v5, v10;
	v8 =	vmax.f32 v6, v2;
	v2 =	vmin.f32 v6, v2;
	v32 =	vld [tilespmem:s20+$0x340]  }
0x13d: {  	v6 =	vmax.f32 v1, v5;
	v1 =	vmin.f32 v1, v5;
	v16 =	vmax.f32 v7, v16;
	v10 =	vld [tilespmem:s20+$0x3C0]  }
0x13e: {  	v15 =	vmax.f32 v15, v26;
	v9 =	vmax.f32 v8, v6;
	v8 =	vmin.f32 v8, v6;
	v33 =	vld [tilespmem:s20+$0x50]  }
0x13f: {  	v7 =	vmax.f32 v2, v1;
	v5 =	vmin.f32 v2, v1;
	v6 =	vmax.f32 v16, v15;
	v26 =	vld [tilespmem:s20+$0xD0]  }
0x140: {  	v12 =	vmax.f32 v12, v18;
	v1 =	vmin.f32 v16, v15;
	v2 =	vmax.f32 v29, v30;
	v34 =	vld [tilespmem:s20+$0x150]  }
0x141: {  	v15 =	vmax.f32 v4, v14;
	v16 =	vmin.f32 v4, v14;
	v14 =	vmax.f32 v13, v12;
	v18 =	vld [tilespmem:s20+$0x1D0]  }
0x142: {  	v17 =	vmax.f32 v17, v22;
	v19 =	vmax.f32 v19, v23;
	v13 =	vmin.f32 v13, v12;
	v29 =	vld [tilespmem:s20+$0x250]  }
0x143: {  	v4 =	vmax.f32 v15, v14;
	v14 =	vmin.f32 v15, v14;
	v12 =	vmax.f32 v16, v13;
	v22 =	vld [tilespmem:s20+$0x2D0]  }
0x144: {  	v15 =	vmin.f32 v16, v13;
	v16 =	vmax.f32 v17, v19;
	v13 =	vmin.f32 v17, v19;
	v23 =	vld [tilespmem:s20+$0x350]  }
0x145: {  	v17 =	vmax.f32 v24, v25;
	v19 =	vmax.f32 v27, v11;
	v30 =	vld [tilespmem:s20+$0x3D0]  }
0x146: {  	v11 =	vmin.f32 v27, v11;
	v24 =	vmax.f32 v20, v21;
	v20 =	vmin.f32 v20, v21  }
0x147: {  	v21 =	vmax.f32 v28, v31;
	v25 =	vmin.f32 v28, v31;
	v27 =	vmax.f32 v32, v10  }
0x148: {  	v10 =	vmin.f32 v32, v10;
	v28 =	vmax.f32 v33, v26;
	v26 =	vmin.f32 v33, v26  }
0x149: {  	v31 =	vmax.f32 v34, v18;
	v18 =	vmin.f32 v34, v18;
	v32 =	vmax.f32 v29, v22  }
0x14a: {  	v22 =	vmin.f32 v29, v22;
	v29 =	vmax.f32 v23, v30;
	v23 =	vmin.f32 v23, v30  }
0x14b: {  	v33 =	vmin.f32 v11, v20;
	v34 =	vmax.f32 v21, v27;
	v30 =	vmax.f32 v19, v24  }
0x14c: {  	v35 =	vmin.f32 v25, v10;
	v36 =	vmax.f32 v28, v31;
	v37 =	vmin.f32 v26, v18  }
0x14d: {  	v24 =	vmin.f32 v19, v24;
	v38 =	vmax.f32 v32, v29;
	v39 =	vmin.f32 v22, v23  }
0x14e: {  	v25 =	vmax.f32 v25, v10;
	v20 =	vmax.f32 v11, v20;
	v21 =	vmin.f32 v21, v27  }
0x14f: {  	v27 =	vmin.f32 v28, v31;
	v26 =	vmax.f32 v26, v18;
	v28 =	vmin.f32 v32, v29  }
0x150: {  	v19 =	vmin.f32 v33, v35;
	v18 =	vmax.f32 v30, v34;
	v22 =	vmax.f32 v22, v23  }
0x151: {  	v23 =	vmin.f32 v30, v34;
	v10 =	vmax.f32 v36, v38;
	v11 =	vmin.f32 v37, v39  }
0x152: {  	v29 =	vmax.f32 v33, v35;
	v30 =	vmin.f32 v36, v38;
	v33 =	vmax.f32 v37, v39  }
0x153: {  	v31 =	vmax.f32 v20, v24;
	v24 =	vmin.f32 v20, v24;
	v32 =	vmax.f32 v25, v21  }
0x154: {  	v25 =	vmin.f32 v25, v21;
	v34 =	vmax.f32 v26, v27;
	v26 =	vmin.f32 v26, v27  }
0x155: {  	v35 =	vmax.f32 v31, v32;
	v27 =	vmax.f32 v22, v28;
	v36 =	vmin.f32 v22, v28  }
0x156: {  	v22 =	vmin.f32 v24, v25;
	v21 =	vmax.f32 v34, v27;
	v20 =	vmin.f32 v26, v36  }
.Ltmp2:
0x157: {  	v31 =	vmin.f32 v31, v32;
	v24 =	vmax.f32 v24, v25;
	v25 =	vmin.f32 v34, v27;
	(pc) =	sbr.rel @p0 .LBB2_7-.Ltmp2, $4  }
0x158: {  	v34 =	vmax.f32 v24, v23;
	v28 =	vmin.f32 v24, v23;
	v23 =	vmax.f32 v26, v36  }
0x159: {  	v32 =	vmax.f32 v29, v31;
	v31 =	vmin.f32 v29, v31;
	v29 =	vmax.f32 v23, v30  }
0x15a: {  	v26 =	vmin.f32 v23, v30;
	v30 =	vmax.f32 v33, v25;
	v27 =	vmin.f32 v33, v25  }
0x15b: {  	s19 =	sadd.s32 $0x1000, s19;
	v23 =	vmax.f32 v35, v34;
	v24 =	vmin.f32 v35, v34;
	v25 =	vmax.f32 v32, v28  }
0x15c: {  	v28 =	vmin.f32 v32, v28  }
0x15d: {  	v63 =	vmax.f32 v31, v22;
	v22 =	vmin.f32 v31, v22;
	v31 =	vmax.f32 v21, v29  }
0x15e: {  	v21 =	vmin.f32 v21, v29;
	v29 =	vmax.f32 v30, v26;
	v26 =	vmin.f32 v30, v26  }
0x15f: {  	v30 =	vmax.f32 v27, v20;
	v20 =	vmin.f32 v27, v20;
	v4 =	vmax.f32 v4, v19  }
0x160: {  	v3 =	vmax.f32 v3, v18;
	v16 =	vmax.f32 v16, v25;
	v13 =	vmax.f32 v13, v24  }
0x161: {  	v17 =	vmax.f32 v17, v23;
	v9 =	vmax.f32 v9, v11;
	v0 =	vmax.f32 v0, v10  }
0x162: {  	v14 =	vmax.f32 v14, v22;
	v12 =	vmax.f32 v12, v63;
	v15 =	vmax.f32 v15, v28  }
0x163: {  	v18 =	vmin.f32 v4, v16;
	v4 =	vmax.f32 v4, v16;
	v8 =	vmax.f32 v8, v20  }
0x164: {  	v19 =	vmin.f32 v14, v13;
	v22 =	vmin.f32 v12, v17;
	v23 =	vmin.f32 v15, v3  }
0x165: {  	v13 =	vmax.f32 v14, v13;
	v12 =	vmax.f32 v12, v17;
	v3 =	vmax.f32 v15, v3  }
0x166: {  	v7 =	vmax.f32 v7, v30;
	v11 =	vmax.f32 v4, v12;
	v14 =	vmax.f32 v13, v3  }
0x167: {  	v5 =	vmax.f32 v5, v26;
	v6 =	vmax.f32 v6, v29;
	v10 =	vmax.f32 v11, v14  }
0x168: {  	v16 =	vmin.f32 v18, v22;
	v24 =	vmin.f32 v19, v23;
	v11 =	vmin.f32 v11, v14;
	[tilespmem:$0x18440] =	vst v10  }
0x169: {  	v4 =	vmin.f32 v4, v12;
	v3 =	vmin.f32 v13, v3;
	v13 =	vmax.f32 v16, v24;
	[tilespmem:$0x184C0] =	vst v11  }
0x16a: {  	v1 =	vmax.f32 v1, v21;
	v2 =	vmax.f32 v2, v31;
	v10 =	vmax.f32 v4, v3;
	[tilespmem:$0x18740] =	vst v13  }
0x16b: {  	v12 =	vmax.f32 v19, v23;
	v11 =	vmax.f32 v18, v22;
	v3 =	vmin.f32 v4, v3;
	[tilespmem:$0x18540] =	vst v10  }
0x16c: {  	v4 =	vmax.f32 v11, v12;
	[tilespmem:$0x185C0] =	vst v3;
	v3 =	vmax.f32 v9, v6;
	v10 =	vmax.f32 v8, v1  }
0x16d: {  	v11 =	vmin.f32 v11, v12;
	v12 =	vmax.f32 v5, v0;
	[tilespmem:$0x18640] =	vst v4;
	v4 =	vmax.f32 v7, v2  }
0x16e: {  	[tilespmem:$0x186C0] =	vst v11;
	v11 =	vmin.f32 v16, v24;
	v15 =	vmax.f32 v10, v12;
	v14 =	vmax.f32 v3, v4  }
0x16f: {  	v6 =	vmin.f32 v9, v6;
	v1 =	vmin.f32 v8, v1;
	[tilespmem:$0x187C0] =	vst v11;
	v8 =	vmax.f32 v14, v15  }
0x170: {  	v3 =	vmin.f32 v3, v4;
	v4 =	vmin.f32 v10, v12;
	v9 =	vmin.f32 v14, v15;
	[tilespmem:$0x18450] =	vst v8  }
0x171: {  	v0 =	vmin.f32 v5, v0;
	v2 =	vmin.f32 v7, v2;
	v5 =	vmax.f32 v3, v4;
	[tilespmem:$0x184D0] =	vst v9  }
0x172: {  	v7 =	vmax.f32 v6, v2;
	v3 =	vmin.f32 v3, v4;
	v8 =	vmax.f32 v1, v0;
	[tilespmem:$0x18550] =	vst v5  }
0x173: {  	[tilespmem:$0x185D0] =	vst v3;
	v4 =	vmax.f32 v7, v8  }
0x174: {  	v2 =	vmin.f32 v6, v2;
	v0 =	vmin.f32 v1, v0;
	v1 =	vmin.f32 v7, v8;
	[tilespmem:$0x18650] =	vst v4  }
0x175: {  	v3 =	vmax.f32 v2, v0;
	[tilespmem:$0x186D0] =	vst v1  }
0x176: {  	v0 =	vmin.f32 v2, v0;
	[tilespmem:$0x18750] =	vst v3  }
0x177: {  	s19 =	simm.s32 $0x0;
	[tilespmem:$0x187D0] =	vst v0  }
0x178: {  	v0 =	vld [tilespmem:s19+$0x60]  }
0x179: {  	v1 =	vld [tilespmem:s19+$0xE0]  }
0x17a: {  	v2 =	vld [tilespmem:s19+$0x160]  }
0x17b: {  	v3 =	vld [tilespmem:s19+$0x1E0]  }
0x17c: {  	v5 =	vld [tilespmem:s19+$0x260]  }
0x17d: {  	v6 =	vld [tilespmem:s19+$0x2E0]  }
0x17e: {  	v7 =	vld [tilespmem:s19+$0x360]  }
0x17f: {  	v8 =	vld [tilespmem:s19+$0x3E0]  }
0x180: {  	v9 =	vld [tilespmem:s19+$0x70]  }
0x181: {  	v10 =	vld [tilespmem:s19+$0xF0]  }
0x182: {  	v11 =	vld [tilespmem:s19+$0x170]  }
0x183: {  	v12 =	vld [tilespmem:s19+$0x1F0]  }
0x184: {  	v13 =	vld [tilespmem:s19+$0x270]  }
0x185: {  	v14 =	vld [tilespmem:s19+$0x2F0]  }
0x186: {  	v15 =	vld [tilespmem:s19+$0x370]  }
0x187: {  	v4 =	vimm.f32 $-Inf;
	v17 =	vld [tilespmem:s19+$0x3F0];
	v16 =	vmax.f32 v0, v1  }
0x188: {  	v0 =	vmin.f32 v0, v1;
	v1 =	vmax.f32 v2, v3;
	v2 =	vmin.f32 v2, v3  }
0x189: {  	v3 =	vmax.f32 v5, v6;
	v5 =	vmin.f32 v5, v6;
	v6 =	vmax.f32 v7, v8  }
0x18a: {  	v7 =	vmin.f32 v7, v8;
	v8 =	vmax.f32 v9, v10;
	v9 =	vmin.f32 v9, v10  }
0x18b: {  	v10 =	vmax.f32 v11, v12;
	v11 =	vmin.f32 v11, v12;
	v12 =	vmax.f32 v13, v14  }
0x18c: {  	v13 =	vmin.f32 v13, v14;
	v14 =	vmax.f32 v15, v17;
	v15 =	vmin.f32 v15, v17  }
0x18d: {  	v17 =	vmax.f32 v16, v1;
	v20 =	vmin.f32 v0, v2;
	v21 =	vmax.f32 v3, v6  }
0x18e: {  	v22 =	vmin.f32 v5, v7;
	v23 =	vmax.f32 v8, v10;
	v24 =	vmin.f32 v9, v11  }
0x18f: {  	v1 =	vmin.f32 v16, v1;
	v16 =	vmax.f32 v12, v14;
	v25 =	vmin.f32 v13, v15  }
0x190: {  	v0 =	vmax.f32 v0, v2;
	v2 =	vmin.f32 v3, v6;
	v3 =	vmax.f32 v5, v7  }
0x191: {  	v5 =	vmin.f32 v8, v10;
	v6 =	vmax.f32 v9, v11;
	v7 =	vmin.f32 v12, v14  }
0x192: {  	v8 =	vmax.f32 v13, v15;
	v18 =	vmax.f32 v17, v21;
	v19 =	vmin.f32 v20, v22  }
0x193: {  	v9 =	vmin.f32 v17, v21;
	v10 =	vmax.f32 v23, v16;
	v11 =	vmin.f32 v24, v25  }
0x194: {  	v12 =	vmax.f32 v20, v22;
	v13 =	vmin.f32 v23, v16;
	v14 =	vmax.f32 v24, v25  }
0x195: {  	v15 =	vmax.f32 v0, v1;
	v0 =	vmin.f32 v0, v1;
	v1 =	vmax.f32 v3, v2  }
0x196: {  	v2 =	vmin.f32 v3, v2;
	v3 =	vmax.f32 v6, v5;
	v5 =	vmin.f32 v6, v5  }
0x197: {  	v16 =	vmax.f32 v8, v7;
	v7 =	vmin.f32 v8, v7;
	v17 =	vimm.f32 $-Inf  }
0x198: {  	v8 =	vimm.f32 $-Inf;
	v6 =	vmax.f32 v15, v1;
	v22 =	vmin.f32 v0, v2  }
0x199: {  	v21 =	vmax.f32 v3, v16;
	v20 =	vmin.f32 v5, v7;
	v1 =	vmin.f32 v15, v1  }
0x19a: {  	v0 =	vmax.f32 v0, v2;
	v2 =	vmin.f32 v3, v16;
	v15 =	vimm.f32 $-Inf  }
0x19b: {  	v16 =	vimm.f32 $-Inf;
	v3 =	vmax.f32 v0, v9;
	v28 =	vmin.f32 v0, v9  }
0x19c: {  	v0 =	vmax.f32 v5, v7;
	v32 =	vmax.f32 v12, v1;
	v31 =	vmin.f32 v12, v1  }
0x19d: {  	v30 =	vmax.f32 v14, v2;
	v27 =	vmin.f32 v14, v2;
	v14 =	vimm.f32 $-Inf  }
0x19e: {  	v12 =	vimm.f32 $-Inf;
	v9 =	vimm.f32 $-Inf;
	v7 =	vimm.f32 $-Inf  }
0x19f: {  	v5 =	vimm.f32 $-Inf;
	v1 =	vimm.f32 $-Inf;
	v2 =	vimm.f32 $-Inf  }
0x1a0: {  	v29 =	vmax.f32 v0, v13;
	v26 =	vmin.f32 v0, v13;
	v23 =	vmax.f32 v6, v3  }
0x1a1: {  	v24 =	vmin.f32 v6, v3;
	v25 =	vmax.f32 v32, v28;
	v3 =	vimm.f32 $-Inf  }
0x1a2: {  	s19 =	simm.s32 $0x1000;
	v13 =	vimm.f32 $-Inf;
	v0 =	vimm.f32 $-Inf;
	v6 =	vimm.f32 $-Inf  }
.LBB2_9:
0x1a3: {  	p0 =	sne.s32 s19, $0x2F000;
	v28 =	vmin.f32 v32, v28;
	v32 =	vmax.f32 v31, v22;
	v22 =	vmin.f32 v31, v22  }
0x1a4: {  	v31 =	vmax.f32 v21, v29;
	v21 =	vmin.f32 v21, v29;
	v29 =	vmax.f32 v30, v26  }
0x1a5: {  	v26 =	vmin.f32 v30, v26;
	v30 =	vmax.f32 v27, v20;
	v20 =	vmin.f32 v27, v20  }
0x1a6: {  	v4 =	vmax.f32 v4, v19;
	v18 =	vmax.f32 v3, v18;
	v14 =	vmax.f32 v14, v22  }
0x1a7: {  	v3 =	vmax.f32 v12, v32;
	v12 =	vmax.f32 v15, v28;
	v15 =	vmax.f32 v16, v25  }
0x1a8: {  	v13 =	vmax.f32 v13, v24;
	v16 =	vmax.f32 v17, v23;
	v17 =	vmin.f32 v4, v15  }
0x1a9: {  	v19 =	vmin.f32 v14, v13;
	v22 =	vmin.f32 v3, v16;
	v23 =	vmin.f32 v12, v18  }
0x1aa: {  	v4 =	vmax.f32 v4, v15;
	v24 =	vmin.f32 v17, v22;
	v25 =	vmin.f32 v19, v23  }
0x1ab: {  	s20 =	sshra.s32 s19, $0x2;
	v13 =	vmax.f32 v14, v13;
	v14 =	vmax.f32 v3, v16;
	v3 =	vmin.f32 v24, v25  }
0x1ac: {  	v9 =	vmax.f32 v9, v11;
	v10 =	vmax.f32 v0, v10;
	v8 =	vmax.f32 v8, v20;
	v27 =	vld [tilespmem:s20+$0x60]  }
0x1ad: {  	v0 =	vmax.f32 v7, v30;
	v5 =	vmax.f32 v5, v26;
	v6 =	vmax.f32 v6, v29;
	v11 =	vld [tilespmem:s20+$0xE0]  }
0x1ae: {  	v1 =	vmax.f32 v1, v21;
	v2 =	vmax.f32 v2, v31;
	v7 =	vmin.f32 v9, v6;
	v20 =	vld [tilespmem:s20+$0x160]  }
0x1af: {  	v15 =	vmin.f32 v8, v1;
	v16 =	vmin.f32 v0, v2;
	v26 =	vmin.f32 v5, v10;
	v21 =	vld [tilespmem:s20+$0x1E0]  }
0x1b0: {  	v6 =	vmax.f32 v9, v6;
	v29 =	vmin.f32 v7, v16;
	v30 =	vmin.f32 v15, v26;
	v28 =	vld [tilespmem:s20+$0x260]  }
0x1b1: {  	v1 =	vmax.f32 v8, v1;
	v2 =	vmax.f32 v0, v2;
	v0 =	vmin.f32 v29, v30;
	v31 =	vld [tilespmem:s20+$0x2E0]  }
0x1b2: {  	v5 =	vmax.f32 v5, v10;
	v8 =	vmax.f32 v6, v2;
	v2 =	vmin.f32 v6, v2;
	v32 =	vld [tilespmem:s20+$0x360]  }
0x1b3: {  	v6 =	vmax.f32 v1, v5;
	v1 =	vmin.f32 v1, v5;
	v16 =	vmax.f32 v7, v16;
	v10 =	vld [tilespmem:s20+$0x3E0]  }
0x1b4: {  	v15 =	vmax.f32 v15, v26;
	v9 =	vmax.f32 v8, v6;
	v8 =	vmin.f32 v8, v6;
	v33 =	vld [tilespmem:s20+$0x70]  }
0x1b5: {  	v7 =	vmax.f32 v2, v1;
	v5 =	vmin.f32 v2, v1;
	v6 =	vmax.f32 v16, v15;
	v26 =	vld [tilespmem:s20+$0xF0]  }
0x1b6: {  	v12 =	vmax.f32 v12, v18;
	v1 =	vmin.f32 v16, v15;
	v2 =	vmax.f32 v29, v30;
	v34 =	vld [tilespmem:s20+$0x170]  }
0x1b7: {  	v15 =	vmax.f32 v4, v14;
	v16 =	vmin.f32 v4, v14;
	v14 =	vmax.f32 v13, v12;
	v18 =	vld [tilespmem:s20+$0x1F0]  }
0x1b8: {  	v17 =	vmax.f32 v17, v22;
	v19 =	vmax.f32 v19, v23;
	v13 =	vmin.f32 v13, v12;
	v29 =	vld [tilespmem:s20+$0x270]  }
0x1b9: {  	v4 =	vmax.f32 v15, v14;
	v14 =	vmin.f32 v15, v14;
	v12 =	vmax.f32 v16, v13;
	v22 =	vld [tilespmem:s20+$0x2F0]  }
0x1ba: {  	v15 =	vmin.f32 v16, v13;
	v16 =	vmax.f32 v17, v19;
	v13 =	vmin.f32 v17, v19;
	v23 =	vld [tilespmem:s20+$0x370]  }
0x1bb: {  	v17 =	vmax.f32 v24, v25;
	v19 =	vmax.f32 v27, v11;
	v30 =	vld [tilespmem:s20+$0x3F0]  }
0x1bc: {  	v11 =	vmin.f32 v27, v11;
	v24 =	vmax.f32 v20, v21;
	v20 =	vmin.f32 v20, v21  }
0x1bd: {  	v21 =	vmax.f32 v28, v31;
	v25 =	vmin.f32 v28, v31;
	v27 =	vmax.f32 v32, v10  }
0x1be: {  	v10 =	vmin.f32 v32, v10;
	v28 =	vmax.f32 v33, v26;
	v26 =	vmin.f32 v33, v26  }
0x1bf: {  	v31 =	vmax.f32 v34, v18;
	v18 =	vmin.f32 v34, v18;
	v32 =	vmax.f32 v29, v22  }
0x1c0: {  	v22 =	vmin.f32 v29, v22;
	v29 =	vmax.f32 v23, v30;
	v23 =	vmin.f32 v23, v30  }
0x1c1: {  	v33 =	vmin.f32 v11, v20;
	v34 =	vmax.f32 v21, v27;
	v30 =	vmax.f32 v19, v24  }
0x1c2: {  	v35 =	vmin.f32 v25, v10;
	v36 =	vmax.f32 v28, v31;
	v37 =	vmin.f32 v26, v18  }
0x1c3: {  	v24 =	vmin.f32 v19, v24;
	v38 =	vmax.f32 v32, v29;
	v39 =	vmin.f32 v22, v23  }
0x1c4: {  	v25 =	vmax.f32 v25, v10;
	v20 =	vmax.f32 v11, v20;
	v21 =	vmin.f32 v21, v27  }
0x1c5: {  	v27 =	vmin.f32 v28, v31;
	v26 =	vmax.f32 v26, v18;
	v28 =	vmin.f32 v32, v29  }
0x1c6: {  	v19 =	vmin.f32 v33, v35;
	v18 =	vmax.f32 v30, v34;
	v22 =	vmax.f32 v22, v23  }
0x1c7: {  	v23 =	vmin.f32 v30, v34;
	v10 =	vmax.f32 v36, v38;
	v11 =	vmin.f32 v37, v39  }
0x1c8: {  	v29 =	vmax.f32 v33, v35;
	v30 =	vmin.f32 v36, v38;
	v33 =	vmax.f32 v37, v39  }
0x1c9: {  	v31 =	vmax.f32 v20, v24;
	v24 =	vmin.f32 v20, v24;
	v32 =	vmax.f32 v25, v21  }
0x1ca: {  	v25 =	vmin.f32 v25, v21;
	v34 =	vmax.f32 v26, v27;
	v26 =	vmin.f32 v26, v27  }
0x1cb: {  	v35 =	vmax.f32 v31, v32;
	v27 =	vmax.f32 v22, v28;
	v36 =	vmin.f32 v22, v28  }
0x1cc: {  	v22 =	vmin.f32 v24, v25;
	v21 =	vmax.f32 v34, v27;
	v20 =	vmin.f32 v26, v36  }
.Ltmp3:
0x1cd: {  	v31 =	vmin.f32 v31, v32;
	v24 =	vmax.f32 v24, v25;
	v25 =	vmin.f32 v34, v27;
	(pc) =	sbr.rel @p0 .LBB2_9-.Ltmp3, $4  }
0x1ce: {  	v34 =	vmax.f32 v24, v23;
	v28 =	vmin.f32 v24, v23;
	v23 =	vmax.f32 v26, v36  }
0x1cf: {  	v32 =	vmax.f32 v29, v31;
	v31 =	vmin.f32 v29, v31;
	v29 =	vmax.f32 v23, v30  }
0x1d0: {  	v26 =	vmin.f32 v23, v30;
	v30 =	vmax.f32 v33, v25;
	v27 =	vmin.f32 v33, v25  }
0x1d1: {  	s19 =	sadd.s32 $0x1000, s19;
	v23 =	vmax.f32 v35, v34;
	v24 =	vmin.f32 v35, v34;
	v25 =	vmax.f32 v32, v28  }
0x1d2: {  	v28 =	vmin.f32 v32, v28  }
0x1d3: {  	v63 =	vmax.f32 v31, v22;
	v22 =	vmin.f32 v31, v22;
	v31 =	vmax.f32 v21, v29  }
0x1d4: {  	v21 =	vmin.f32 v21, v29;
	v29 =	vmax.f32 v30, v26;
	v26 =	vmin.f32 v30, v26  }
0x1d5: {  	v30 =	vmax.f32 v27, v20;
	v20 =	vmin.f32 v27, v20;
	v4 =	vmax.f32 v4, v19  }
0x1d6: {  	v3 =	vmax.f32 v3, v18;
	v16 =	vmax.f32 v16, v25;
	v13 =	vmax.f32 v13, v24  }
0x1d7: {  	v17 =	vmax.f32 v17, v23;
	v9 =	vmax.f32 v9, v11;
	v0 =	vmax.f32 v0, v10  }
0x1d8: {  	v14 =	vmax.f32 v14, v22;
	v12 =	vmax.f32 v12, v63;
	v15 =	vmax.f32 v15, v28  }
0x1d9: {  	v18 =	vmin.f32 v4, v16;
	v4 =	vmax.f32 v4, v16;
	v8 =	vmax.f32 v8, v20  }
0x1da: {  	v19 =	vmin.f32 v14, v13;
	v22 =	vmin.f32 v12, v17;
	v23 =	vmin.f32 v15, v3  }
0x1db: {  	v13 =	vmax.f32 v14, v13;
	v12 =	vmax.f32 v12, v17;
	v3 =	vmax.f32 v15, v3  }
0x1dc: {  	v7 =	vmax.f32 v7, v30;
	v11 =	vmax.f32 v4, v12;
	v14 =	vmax.f32 v13, v3  }
0x1dd: {  	v5 =	vmax.f32 v5, v26;
	v6 =	vmax.f32 v6, v29;
	v10 =	vmax.f32 v11, v14  }
0x1de: {  	v16 =	vmin.f32 v18, v22;
	v24 =	vmin.f32 v19, v23;
	v11 =	vmin.f32 v11, v14;
	[tilespmem:$0x18460] =	vst v10  }
0x1df: {  	v4 =	vmin.f32 v4, v12;
	v3 =	vmin.f32 v13, v3;
	v13 =	vmax.f32 v16, v24;
	[tilespmem:$0x184E0] =	vst v11  }
0x1e0: {  	v1 =	vmax.f32 v1, v21;
	v2 =	vmax.f32 v2, v31;
	v10 =	vmax.f32 v4, v3;
	[tilespmem:$0x18760] =	vst v13  }
0x1e1: {  	v12 =	vmax.f32 v19, v23;
	v11 =	vmax.f32 v18, v22;
	v3 =	vmin.f32 v4, v3;
	[tilespmem:$0x18560] =	vst v10  }
0x1e2: {  	v4 =	vmax.f32 v11, v12;
	[tilespmem:$0x185E0] =	vst v3;
	v3 =	vmax.f32 v9, v6;
	v10 =	vmax.f32 v8, v1  }
0x1e3: {  	v11 =	vmin.f32 v11, v12;
	v12 =	vmax.f32 v5, v0;
	[tilespmem:$0x18660] =	vst v4;
	v4 =	vmax.f32 v7, v2  }
0x1e4: {  	[tilespmem:$0x186E0] =	vst v11;
	v11 =	vmin.f32 v16, v24;
	v15 =	vmax.f32 v10, v12;
	v14 =	vmax.f32 v3, v4  }
0x1e5: {  	v6 =	vmin.f32 v9, v6;
	v1 =	vmin.f32 v8, v1;
	[tilespmem:$0x187E0] =	vst v11;
	v8 =	vmax.f32 v14, v15  }
0x1e6: {  	v3 =	vmin.f32 v3, v4;
	v4 =	vmin.f32 v10, v12;
	v9 =	vmin.f32 v14, v15;
	[tilespmem:$0x18470] =	vst v8  }
0x1e7: {  	v0 =	vmin.f32 v5, v0;
	v2 =	vmin.f32 v7, v2;
	v5 =	vmax.f32 v3, v4;
	[tilespmem:$0x184F0] =	vst v9  }
0x1e8: {  	v7 =	vmax.f32 v6, v2;
	v3 =	vmin.f32 v3, v4;
	v8 =	vmax.f32 v1, v0;
	[tilespmem:$0x18570] =	vst v5  }
0x1e9: {  	[tilespmem:$0x185F0] =	vst v3;
	v4 =	vmax.f32 v7, v8  }
0x1ea: {  	v2 =	vmin.f32 v6, v2;
	v0 =	vmin.f32 v1, v0;
	v1 =	vmin.f32 v7, v8;
	[tilespmem:$0x18670] =	vst v4  }
0x1eb: {  	v3 =	vmax.f32 v2, v0;
	[tilespmem:$0x186F0] =	vst v1  }
0x1ec: {  	s19 =	sadd.s32 $0x1, s18;
	p0 =	seq.s32 s18, $0x7;
	v0 =	vmin.f32 v2, v0;
	[tilespmem:$0x18770] =	vst v3  }
0x1ed: {  	s31 =	simm.s32 $0x0;
	s20 =	sshll.u32 @!p0 s19, $0xA;
	[tilespmem:$0x187F0] =	vst v0  }
0x1ee: {  	s21 =	simm.s32 @!p0 $0x400;
	s20 =	sadd.s32 @!p0 s4, s20;
	_ =	swait.ge [sflag:s13], $0xC000  }
0x1ef: {  	s22 =	simm.s32 @!p0 $0x2000;
	s20 =	sshrl.u32 @!p0 s20, $0x3;
	[sflag:s13] =	ssyncset.done $0x0  }
0x1f0: {  	s23 =	simm.s32 @!p0 $0x0;
	s20 =	sadd.s32 @!p0 s2, s20;
	[sflag:s13] =	ssyncadd.s32 $0xFFFF4000  }
0x1f1: {  	[tilespmem:s23], [sflag:$0x1] =	stream.strided.gather @!p0 [hbm4b:s20+s21], $0xC000, s22, s21, $0x38;
	[tilespmem:$0x18800] =	vst v63  }
0x1f2: {  	v0 =	vld [tilespmem:s31+$0xC000]  }
0x1f3: {  	v1 =	vld [tilespmem:s31+$0xC080]  }
0x1f4: {  	v2 =	vld [tilespmem:s31+$0xC100]  }
0x1f5: {  	v3 =	vld [tilespmem:s31+$0xC180]  }
0x1f6: {  	v4 =	vld [tilespmem:s31+$0xC200]  }
0x1f7: {  	v5 =	vld [tilespmem:s31+$0xC280]  }
0x1f8: {  	v6 =	vld [tilespmem:s31+$0xC300]  }
0x1f9: {  	v7 =	vld [tilespmem:s31+$0xC380]  }
0x1fa: {  	v8 =	vld [tilespmem:s31+$0xC010]  }
0x1fb: {  	v9 =	vld [tilespmem:s31+$0xC090]  }
0x1fc: {  	v10 =	vld [tilespmem:s31+$0xC110]  }
0x1fd: {  	v11 =	vld [tilespmem:s31+$0xC190]  }
0x1fe: {  	v12 =	vld [tilespmem:s31+$0xC210]  }
0x1ff: {  	v13 =	vld [tilespmem:s31+$0xC290]  }
0x200: {  	v14 =	vld [tilespmem:s31+$0xC310]  }
0x201: {  	v16 =	vld [tilespmem:s31+$0xC390];
	v15 =	vmax.f32 v0, v1  }
0x202: {  	v0 =	vmin.f32 v0, v1;
	v1 =	vmax.f32 v2, v3;
	v2 =	vmin.f32 v2, v3  }
0x203: {  	v3 =	vmax.f32 v4, v5;
	v4 =	vmin.f32 v4, v5;
	v5 =	vmax.f32 v6, v7  }
0x204: {  	v6 =	vmin.f32 v6, v7;
	v7 =	vmax.f32 v8, v9;
	v8 =	vmin.f32 v8, v9  }
0x205: {  	v17 =	vmax.f32 v10, v11;
	v18 =	vmin.f32 v10, v11;
	v19 =	vmax.f32 v12, v13  }
0x206: {  	v20 =	vmin.f32 v12, v13;
	v13 =	vmax.f32 v14, v16;
	v14 =	vmin.f32 v14, v16  }
0x207: {  	v16 =	vmax.f32 v15, v1;
	v21 =	vmin.f32 v0, v2;
	v22 =	vmax.f32 v3, v5  }
0x208: {  	v9 =	vld [tilespmem:$0x18400];
	v23 =	vmin.f32 v4, v6;
	v24 =	vmax.f32 v7, v17;
	v25 =	vmin.f32 v8, v18  }
0x209: {  	v10 =	vld [tilespmem:$0x18480];
	v1 =	vmin.f32 v15, v1;
	v26 =	vmax.f32 v19, v13;
	v27 =	vmin.f32 v20, v14  }
0x20a: {  	v11 =	vld [tilespmem:$0x18500];
	v2 =	vmax.f32 v0, v2;
	v3 =	vmin.f32 v3, v5;
	v4 =	vmax.f32 v4, v6  }
0x20b: {  	v12 =	vld [tilespmem:$0x18580];
	v5 =	vmin.f32 v7, v17;
	v6 =	vmax.f32 v8, v18;
	v7 =	vmin.f32 v19, v13  }
0x20c: {  	v13 =	vld [tilespmem:$0x18600];
	v8 =	vmax.f32 v20, v14;
	v18 =	vmax.f32 v16, v22;
	v19 =	vmin.f32 v21, v23  }
0x20d: {  	v14 =	vld [tilespmem:$0x18680];
	v28 =	vmin.f32 v16, v22;
	v16 =	vmax.f32 v24, v26;
	v17 =	vmin.f32 v25, v27  }
0x20e: {  	v15 =	vld [tilespmem:$0x18700];
	v23 =	vmax.f32 v21, v23;
	v24 =	vmin.f32 v24, v26;
	v25 =	vmax.f32 v25, v27  }
0x20f: {  	v0 =	vld [tilespmem:$0x18780];
	v26 =	vmax.f32 v2, v1;
	v27 =	vmin.f32 v2, v1;
	v29 =	vmax.f32 v4, v3  }
0x210: {  	v1 =	vld [tilespmem:$0x18410];
	v30 =	vmin.f32 v4, v3;
	v31 =	vmax.f32 v6, v5;
	v5 =	vmin.f32 v6, v5  }
0x211: {  	v2 =	vld [tilespmem:$0x18490];
	v6 =	vmax.f32 v8, v7;
	v7 =	vmin.f32 v8, v7;
	v33 =	vmax.f32 v26, v29  }
0x212: {  	v3 =	vld [tilespmem:$0x18510];
	v22 =	vmin.f32 v27, v30;
	v21 =	vmax.f32 v31, v6;
	v20 =	vmin.f32 v5, v7  }
0x213: {  	v4 =	vld [tilespmem:$0x18590];
	v8 =	vmin.f32 v26, v29;
	v26 =	vmax.f32 v27, v30;
	v34 =	vmin.f32 v31, v6  }
0x214: {  	v6 =	vld [tilespmem:$0x18610];
	v5 =	vmax.f32 v5, v7;
	v35 =	vmax.f32 v26, v28;
	v27 =	vmin.f32 v26, v28  }
0x215: {  	v7 =	vld [tilespmem:$0x18690];
	v32 =	vmax.f32 v23, v8;
	v31 =	vmin.f32 v23, v8;
	v29 =	vmax.f32 v5, v24  }
0x216: {  	v8 =	vld [tilespmem:$0x18710];
	v28 =	vmin.f32 v5, v24;
	v30 =	vmax.f32 v25, v34;
	v24 =	vmin.f32 v25, v34  }
0x217: {  	s20 =	simm.s32 $0x1000;
	v5 =	vld [tilespmem:$0x18790];
	v23 =	vmax.f32 v33, v35;
	v25 =	vmin.f32 v33, v35;
	v26 =	vmax.f32 v32, v27  }
.LBB2_11:
0x218: {  	p0 =	sne.s32 s20, $0x2F000;
	v27 =	vmin.f32 v32, v27;
	v32 =	vmax.f32 v31, v22;
	v22 =	vmin.f32 v31, v22  }
0x219: {  	v31 =	vmax.f32 v21, v29;
	v21 =	vmin.f32 v21, v29;
	v29 =	vmax.f32 v30, v28  }
0x21a: {  	v28 =	vmin.f32 v30, v28;
	v30 =	vmax.f32 v24, v20;
	v20 =	vmin.f32 v24, v20  }
0x21b: {  	v9 =	vmax.f32 v9, v19;
	v18 =	vmax.f32 v0, v18;
	v10 =	vmax.f32 v10, v22  }
0x21c: {  	v0 =	vmax.f32 v11, v32;
	v11 =	vmax.f32 v12, v27;
	v12 =	vmax.f32 v13, v26  }
0x21d: {  	v13 =	vmax.f32 v14, v25;
	v14 =	vmax.f32 v15, v23;
	v15 =	vmin.f32 v9, v12  }
0x21e: {  	v19 =	vmin.f32 v10, v13;
	v22 =	vmin.f32 v0, v14;
	v23 =	vmin.f32 v11, v18  }
0x21f: {  	v9 =	vmax.f32 v9, v12;
	v24 =	vmin.f32 v15, v22;
	v25 =	vmin.f32 v19, v23  }
0x220: {  	s21 =	sshra.s32 s20, $0x2;
	v10 =	vmax.f32 v10, v13;
	v12 =	vmax.f32 v0, v14;
	v0 =	vmin.f32 v24, v25  }
0x221: {  	v1 =	vmax.f32 v1, v17;
	v2 =	vmax.f32 v2, v20;
	v13 =	vmax.f32 v5, v16;
	v26 =	vld [tilespmem:s21+$0xC000]  }
0x222: {  	v3 =	vmax.f32 v3, v30;
	v4 =	vmax.f32 v4, v28;
	v5 =	vmax.f32 v6, v29;
	v16 =	vld [tilespmem:s21+$0xC080]  }
0x223: {  	v6 =	vmax.f32 v7, v21;
	v7 =	vmax.f32 v8, v31;
	v8 =	vmin.f32 v1, v5;
	v17 =	vld [tilespmem:s21+$0xC100]  }
0x224: {  	v14 =	vmin.f32 v2, v6;
	v21 =	vmin.f32 v3, v7;
	v27 =	vmin.f32 v4, v13;
	v20 =	vld [tilespmem:s21+$0xC180]  }
0x225: {  	v1 =	vmax.f32 v1, v5;
	v29 =	vmin.f32 v8, v21;
	v30 =	vmin.f32 v14, v27;
	v28 =	vld [tilespmem:s21+$0xC200]  }
0x226: {  	v2 =	vmax.f32 v2, v6;
	v3 =	vmax.f32 v3, v7;
	v5 =	vmin.f32 v29, v30;
	v31 =	vld [tilespmem:s21+$0xC280]  }
0x227: {  	v4 =	vmax.f32 v4, v13;
	v6 =	vmax.f32 v1, v3;
	v7 =	vmin.f32 v1, v3;
	v32 =	vld [tilespmem:s21+$0xC300]  }
0x228: {  	v3 =	vmax.f32 v2, v4;
	v4 =	vmin.f32 v2, v4;
	v8 =	vmax.f32 v8, v21;
	v33 =	vld [tilespmem:s21+$0xC380]  }
0x229: {  	v13 =	vmax.f32 v14, v27;
	v1 =	vmax.f32 v6, v3;
	v2 =	vmin.f32 v6, v3;
	v21 =	vld [tilespmem:s21+$0xC010]  }
0x22a: {  	v3 =	vmax.f32 v7, v4;
	v4 =	vmin.f32 v7, v4;
	v6 =	vmax.f32 v8, v13;
	v27 =	vld [tilespmem:s21+$0xC090]  }
0x22b: {  	v11 =	vmax.f32 v11, v18;
	v7 =	vmin.f32 v8, v13;
	v8 =	vmax.f32 v29, v30;
	v34 =	vld [tilespmem:s21+$0xC110]  }
0x22c: {  	v14 =	vmax.f32 v10, v11;
	v13 =	vmax.f32 v9, v12;
	v12 =	vmin.f32 v9, v12;
	v18 =	vld [tilespmem:s21+$0xC190]  }
0x22d: {  	v15 =	vmax.f32 v15, v22;
	v19 =	vmax.f32 v19, v23;
	v30 =	vmin.f32 v10, v11;
	v29 =	vld [tilespmem:s21+$0xC210]  }
0x22e: {  	v9 =	vmax.f32 v13, v14;
	v10 =	vmin.f32 v13, v14;
	v11 =	vmax.f32 v12, v30;
	v22 =	vld [tilespmem:s21+$0xC290]  }
0x22f: {  	v12 =	vmin.f32 v12, v30;
	v13 =	vmax.f32 v15, v19;
	v14 =	vmin.f32 v15, v19;
	v23 =	vld [tilespmem:s21+$0xC310]  }
0x230: {  	v15 =	vmax.f32 v24, v25;
	v19 =	vmax.f32 v26, v16;
	v30 =	vld [tilespmem:s21+$0xC390]  }
0x231: {  	v16 =	vmin.f32 v26, v16;
	v24 =	vmax.f32 v17, v20;
	v17 =	vmin.f32 v17, v20  }
0x232: {  	v20 =	vmax.f32 v28, v31;
	v25 =	vmin.f32 v28, v31;
	v26 =	vmax.f32 v32, v33  }
0x233: {  	v28 =	vmin.f32 v32, v33;
	v31 =	vmax.f32 v21, v27;
	v21 =	vmin.f32 v21, v27  }
0x234: {  	v27 =	vmax.f32 v34, v18;
	v18 =	vmin.f32 v34, v18;
	v32 =	vmax.f32 v29, v22  }
0x235: {  	v22 =	vmin.f32 v29, v22;
	v29 =	vmax.f32 v23, v30;
	v23 =	vmin.f32 v23, v30  }
0x236: {  	v33 =	vmin.f32 v16, v17;
	v34 =	vmax.f32 v20, v26;
	v30 =	vmax.f32 v19, v24  }
0x237: {  	v35 =	vmin.f32 v25, v28;
	v36 =	vmax.f32 v31, v27;
	v37 =	vmin.f32 v21, v18  }
0x238: {  	v24 =	vmin.f32 v19, v24;
	v38 =	vmax.f32 v32, v29;
	v39 =	vmin.f32 v22, v23  }
0x239: {  	v40 =	vmax.f32 v16, v17;
	v25 =	vmax.f32 v25, v28;
	v20 =	vmin.f32 v20, v26  }
0x23a: {  	v26 =	vmin.f32 v31, v27;
	v21 =	vmax.f32 v21, v18;
	v27 =	vmin.f32 v32, v29  }
0x23b: {  	v19 =	vmin.f32 v33, v35;
	v18 =	vmax.f32 v30, v34;
	v22 =	vmax.f32 v22, v23  }
0x23c: {  	v23 =	vmin.f32 v30, v34;
	v16 =	vmax.f32 v36, v38;
	v17 =	vmin.f32 v37, v39  }
0x23d: {  	v28 =	vmax.f32 v33, v35;
	v30 =	vmin.f32 v36, v38;
	v33 =	vmax.f32 v37, v39  }
0x23e: {  	v31 =	vmax.f32 v25, v20;
	v29 =	vmax.f32 v40, v24;
	v24 =	vmin.f32 v40, v24  }
0x23f: {  	v25 =	vmin.f32 v25, v20;
	v32 =	vmax.f32 v21, v26;
	v26 =	vmin.f32 v21, v26  }
0x240: {  	v34 =	vmax.f32 v29, v31;
	v35 =	vmax.f32 v22, v27;
	v36 =	vmin.f32 v22, v27  }
0x241: {  	v22 =	vmin.f32 v24, v25;
	v21 =	vmax.f32 v32, v35;
	v20 =	vmin.f32 v26, v36  }
.Ltmp4:
0x242: {  	v29 =	vmin.f32 v29, v31;
	v24 =	vmax.f32 v24, v25;
	v25 =	vmin.f32 v32, v35;
	(pc) =	sbr.rel @p0 .LBB2_11-.Ltmp4, $4  }
0x243: {  	v35 =	vmax.f32 v24, v23;
	v27 =	vmin.f32 v24, v23;
	v23 =	vmax.f32 v26, v36  }
0x244: {  	v32 =	vmax.f32 v28, v29;
	v31 =	vmin.f32 v28, v29;
	v29 =	vmax.f32 v23, v30  }
0x245: {  	v28 =	vmin.f32 v23, v30;
	v30 =	vmax.f32 v33, v25;
	v24 =	vmin.f32 v33, v25  }
0x246: {  	s20 =	sadd.s32 $0x1000, s20;
	v23 =	vmax.f32 v34, v35;
	v25 =	vmin.f32 v34, v35;
	v26 =	vmax.f32 v32, v27  }
0x247: {  	v27 =	vmin.f32 v32, v27;
	v63 =	vmax.f32 v31, v22  }
0x248: {  	v22 =	vmin.f32 v31, v22;
	v31 =	vmax.f32 v21, v29;
	v21 =	vmin.f32 v21, v29  }
0x249: {  	v29 =	vmax.f32 v30, v28;
	v28 =	vmin.f32 v30, v28;
	v30 =	vmax.f32 v24, v20  }
0x24a: {  	v9 =	vmax.f32 v9, v19;
	v0 =	vmax.f32 v0, v18;
	v13 =	vmax.f32 v13, v26  }
0x24b: {  	v14 =	vmax.f32 v14, v25;
	v15 =	vmax.f32 v15, v23;
	v1 =	vmax.f32 v1, v17  }
0x24c: {  	v5 =	vmax.f32 v5, v16;
	v10 =	vmax.f32 v10, v22;
	v11 =	vmax.f32 v11, v63  }
0x24d: {  	v12 =	vmax.f32 v12, v27;
	v9 =	vmin.f32 v9, v13;
	v3 =	vmax.f32 v3, v30  }
0x24e: {  	v4 =	vmax.f32 v4, v28;
	v6 =	vmax.f32 v6, v29;
	v7 =	vmax.f32 v7, v21  }
0x24f: {  	v8 =	vmax.f32 v8, v31;
	v10 =	vmin.f32 v10, v14;
	v11 =	vmin.f32 v11, v15  }
0x250: {  	v0 =	vmin.f32 v12, v0;
	v12 =	vmin.f32 v24, v20;
	v1 =	vmin.f32 v1, v6  }
0x251: {  	v3 =	vmin.f32 v3, v8;
	v4 =	vmin.f32 v4, v5;
	v2 =	vmax.f32 v2, v12  }
0x252: {  	s18 =	sshll.u32 s18, $0x7;
	v9 =	vmin.f32 v9, v11;
	v0 =	vmin.f32 v10, v0;
	v2 =	vmin.f32 v2, v7  }
0x253: {  	s18 =	sand.u32 $0x3FFFFF80, s18;
	v1 =	vmin.f32 v1, v3;
	v0 =	vmin.f32 v9, v0;
	v2 =	vmin.f32 v2, v4  }
0x254: {  	[tilespmem:s18+$0x18000] =	vst v0;
	v1 =	vmin.f32 v1, v2  }
0x255: {  	s20 =	simm.s32 $0x0;
	[tilespmem:s18+$0x18010] =	vst v1  }
0x256: {  	v0 =	vld [tilespmem:s20+$0xC020]  }
0x257: {  	v1 =	vld [tilespmem:s20+$0xC0A0]  }
0x258: {  	v2 =	vld [tilespmem:s20+$0xC120]  }
0x259: {  	v3 =	vld [tilespmem:s20+$0xC1A0]  }
0x25a: {  	v4 =	vld [tilespmem:s20+$0xC220]  }
0x25b: {  	v5 =	vld [tilespmem:s20+$0xC2A0]  }
0x25c: {  	v6 =	vld [tilespmem:s20+$0xC320]  }
0x25d: {  	v7 =	vld [tilespmem:s20+$0xC3A0]  }
0x25e: {  	v8 =	vld [tilespmem:s20+$0xC030]  }
0x25f: {  	v9 =	vld [tilespmem:s20+$0xC0B0]  }
0x260: {  	v10 =	vld [tilespmem:s20+$0xC130]  }
0x261: {  	v11 =	vld [tilespmem:s20+$0xC1B0]  }
0x262: {  	v12 =	vld [tilespmem:s20+$0xC230]  }
0x263: {  	v13 =	vld [tilespmem:s20+$0xC2B0]  }
0x264: {  	v14 =	vld [tilespmem:s20+$0xC330]  }
0x265: {  	v16 =	vld [tilespmem:s20+$0xC3B0];
	v15 =	vmax.f32 v0, v1  }
0x266: {  	v0 =	vmin.f32 v0, v1;
	v1 =	vmax.f32 v2, v3;
	v2 =	vmin.f32 v2, v3  }
0x267: {  	v3 =	vmax.f32 v4, v5;
	v4 =	vmin.f32 v4, v5;
	v5 =	vmax.f32 v6, v7  }
0x268: {  	v6 =	vmin.f32 v6, v7;
	v7 =	vmax.f32 v8, v9;
	v8 =	vmin.f32 v8, v9  }
0x269: {  	v17 =	vmax.f32 v10, v11;
	v18 =	vmin.f32 v10, v11;
	v19 =	vmax.f32 v12, v13  }
0x26a: {  	v20 =	vmin.f32 v12, v13;
	v13 =	vmax.f32 v14, v16;
	v14 =	vmin.f32 v14, v16  }
0x26b: {  	v16 =	vmax.f32 v15, v1;
	v21 =	vmin.f32 v0, v2;
	v22 =	vmax.f32 v3, v5  }
0x26c: {  	v9 =	vld [tilespmem:$0x18420];
	v23 =	vmin.f32 v4, v6;
	v24 =	vmax.f32 v7, v17;
	v25 =	vmin.f32 v8, v18  }
0x26d: {  	v10 =	vld [tilespmem:$0x184A0];
	v1 =	vmin.f32 v15, v1;
	v26 =	vmax.f32 v19, v13;
	v27 =	vmin.f32 v20, v14  }
0x26e: {  	v11 =	vld [tilespmem:$0x18520];
	v2 =	vmax.f32 v0, v2;
	v3 =	vmin.f32 v3, v5;
	v4 =	vmax.f32 v4, v6  }
0x26f: {  	v12 =	vld [tilespmem:$0x185A0];
	v5 =	vmin.f32 v7, v17;
	v6 =	vmax.f32 v8, v18;
	v7 =	vmin.f32 v19, v13  }
0x270: {  	v13 =	vld [tilespmem:$0x18620];
	v8 =	vmax.f32 v20, v14;
	v18 =	vmax.f32 v16, v22;
	v19 =	vmin.f32 v21, v23  }
0x271: {  	v14 =	vld [tilespmem:$0x186A0];
	v28 =	vmin.f32 v16, v22;
	v16 =	vmax.f32 v24, v26;
	v17 =	vmin.f32 v25, v27  }
0x272: {  	v15 =	vld [tilespmem:$0x18720];
	v23 =	vmax.f32 v21, v23;
	v24 =	vmin.f32 v24, v26;
	v25 =	vmax.f32 v25, v27  }
0x273: {  	v0 =	vld [tilespmem:$0x187A0];
	v26 =	vmax.f32 v2, v1;
	v27 =	vmin.f32 v2, v1;
	v29 =	vmax.f32 v4, v3  }
0x274: {  	v1 =	vld [tilespmem:$0x18430];
	v30 =	vmin.f32 v4, v3;
	v31 =	vmax.f32 v6, v5;
	v5 =	vmin.f32 v6, v5  }
0x275: {  	v2 =	vld [tilespmem:$0x184B0];
	v6 =	vmax.f32 v8, v7;
	v7 =	vmin.f32 v8, v7;
	v33 =	vmax.f32 v26, v29  }
0x276: {  	v3 =	vld [tilespmem:$0x18530];
	v22 =	vmin.f32 v27, v30;
	v21 =	vmax.f32 v31, v6;
	v20 =	vmin.f32 v5, v7  }
0x277: {  	v4 =	vld [tilespmem:$0x185B0];
	v8 =	vmin.f32 v26, v29;
	v26 =	vmax.f32 v27, v30;
	v34 =	vmin.f32 v31, v6  }
0x278: {  	v6 =	vld [tilespmem:$0x18630];
	v5 =	vmax.f32 v5, v7;
	v35 =	vmax.f32 v26, v28;
	v27 =	vmin.f32 v26, v28  }
0x279: {  	v7 =	vld [tilespmem:$0x186B0];
	v32 =	vmax.f32 v23, v8;
	v31 =	vmin.f32 v23, v8;
	v29 =	vmax.f32 v5, v24  }
0x27a: {  	v8 =	vld [tilespmem:$0x18730];
	v28 =	vmin.f32 v5, v24;
	v30 =	vmax.f32 v25, v34;
	v24 =	vmin.f32 v25, v34  }
0x27b: {  	s20 =	simm.s32 $0x1000;
	v5 =	vld [tilespmem:$0x187B0];
	v23 =	vmax.f32 v33, v35;
	v25 =	vmin.f32 v33, v35;
	v26 =	vmax.f32 v32, v27  }
.LBB2_13:
0x27c: {  	p0 =	sne.s32 s20, $0x2F000;
	v27 =	vmin.f32 v32, v27;
	v32 =	vmax.f32 v31, v22;
	v22 =	vmin.f32 v31, v22  }
0x27d: {  	v31 =	vmax.f32 v21, v29;
	v21 =	vmin.f32 v21, v29;
	v29 =	vmax.f32 v30, v28  }
0x27e: {  	v28 =	vmin.f32 v30, v28;
	v30 =	vmax.f32 v24, v20;
	v20 =	vmin.f32 v24, v20  }
0x27f: {  	v9 =	vmax.f32 v9, v19;
	v18 =	vmax.f32 v0, v18;
	v10 =	vmax.f32 v10, v22  }
0x280: {  	v0 =	vmax.f32 v11, v32;
	v11 =	vmax.f32 v12, v27;
	v12 =	vmax.f32 v13, v26  }
0x281: {  	v13 =	vmax.f32 v14, v25;
	v14 =	vmax.f32 v15, v23;
	v15 =	vmin.f32 v9, v12  }
0x282: {  	v19 =	vmin.f32 v10, v13;
	v22 =	vmin.f32 v0, v14;
	v23 =	vmin.f32 v11, v18  }
0x283: {  	v9 =	vmax.f32 v9, v12;
	v24 =	vmin.f32 v15, v22;
	v25 =	vmin.f32 v19, v23  }
0x284: {  	s21 =	sshra.s32 s20, $0x2;
	v10 =	vmax.f32 v10, v13;
	v12 =	vmax.f32 v0, v14;
	v0 =	vmin.f32 v24, v25  }
0x285: {  	v1 =	vmax.f32 v1, v17;
	v2 =	vmax.f32 v2, v20;
	v13 =	vmax.f32 v5, v16;
	v26 =	vld [tilespmem:s21+$0xC020]  }
0x286: {  	v3 =	vmax.f32 v3, v30;
	v4 =	vmax.f32 v4, v28;
	v5 =	vmax.f32 v6, v29;
	v16 =	vld [tilespmem:s21+$0xC0A0]  }
0x287: {  	v6 =	vmax.f32 v7, v21;
	v7 =	vmax.f32 v8, v31;
	v8 =	vmin.f32 v1, v5;
	v17 =	vld [tilespmem:s21+$0xC120]  }
0x288: {  	v14 =	vmin.f32 v2, v6;
	v21 =	vmin.f32 v3, v7;
	v27 =	vmin.f32 v4, v13;
	v20 =	vld [tilespmem:s21+$0xC1A0]  }
0x289: {  	v1 =	vmax.f32 v1, v5;
	v29 =	vmin.f32 v8, v21;
	v30 =	vmin.f32 v14, v27;
	v28 =	vld [tilespmem:s21+$0xC220]  }
0x28a: {  	v2 =	vmax.f32 v2, v6;
	v3 =	vmax.f32 v3, v7;
	v5 =	vmin.f32 v29, v30;
	v31 =	vld [tilespmem:s21+$0xC2A0]  }
0x28b: {  	v4 =	vmax.f32 v4, v13;
	v6 =	vmax.f32 v1, v3;
	v7 =	vmin.f32 v1, v3;
	v32 =	vld [tilespmem:s21+$0xC320]  }
0x28c: {  	v3 =	vmax.f32 v2, v4;
	v4 =	vmin.f32 v2, v4;
	v8 =	vmax.f32 v8, v21;
	v33 =	vld [tilespmem:s21+$0xC3A0]  }
0x28d: {  	v13 =	vmax.f32 v14, v27;
	v1 =	vmax.f32 v6, v3;
	v2 =	vmin.f32 v6, v3;
	v21 =	vld [tilespmem:s21+$0xC030]  }
0x28e: {  	v3 =	vmax.f32 v7, v4;
	v4 =	vmin.f32 v7, v4;
	v6 =	vmax.f32 v8, v13;
	v27 =	vld [tilespmem:s21+$0xC0B0]  }
0x28f: {  	v11 =	vmax.f32 v11, v18;
	v7 =	vmin.f32 v8, v13;
	v8 =	vmax.f32 v29, v30;
	v34 =	vld [tilespmem:s21+$0xC130]  }
0x290: {  	v14 =	vmax.f32 v10, v11;
	v13 =	vmax.f32 v9, v12;
	v12 =	vmin.f32 v9, v12;
	v18 =	vld [tilespmem:s21+$0xC1B0]  }
0x291: {  	v15 =	vmax.f32 v15, v22;
	v19 =	vmax.f32 v19, v23;
	v30 =	vmin.f32 v10, v11;
	v29 =	vld [tilespmem:s21+$0xC230]  }
0x292: {  	v9 =	vmax.f32 v13, v14;
	v10 =	vmin.f32 v13, v14;
	v11 =	vmax.f32 v12, v30;
	v22 =	vld [tilespmem:s21+$0xC2B0]  }
0x293: {  	v12 =	vmin.f32 v12, v30;
	v13 =	vmax.f32 v15, v19;
	v14 =	vmin.f32 v15, v19;
	v23 =	vld [tilespmem:s21+$0xC330]  }
0x294: {  	v15 =	vmax.f32 v24, v25;
	v19 =	vmax.f32 v26, v16;
	v30 =	vld [tilespmem:s21+$0xC3B0]  }
0x295: {  	v16 =	vmin.f32 v26, v16;
	v24 =	vmax.f32 v17, v20;
	v17 =	vmin.f32 v17, v20  }
0x296: {  	v20 =	vmax.f32 v28, v31;
	v25 =	vmin.f32 v28, v31;
	v26 =	vmax.f32 v32, v33  }
0x297: {  	v28 =	vmin.f32 v32, v33;
	v31 =	vmax.f32 v21, v27;
	v21 =	vmin.f32 v21, v27  }
0x298: {  	v27 =	vmax.f32 v34, v18;
	v18 =	vmin.f32 v34, v18;
	v32 =	vmax.f32 v29, v22  }
0x299: {  	v22 =	vmin.f32 v29, v22;
	v29 =	vmax.f32 v23, v30;
	v23 =	vmin.f32 v23, v30  }
0x29a: {  	v33 =	vmin.f32 v16, v17;
	v34 =	vmax.f32 v20, v26;
	v30 =	vmax.f32 v19, v24  }
0x29b: {  	v35 =	vmin.f32 v25, v28;
	v36 =	vmax.f32 v31, v27;
	v37 =	vmin.f32 v21, v18  }
0x29c: {  	v24 =	vmin.f32 v19, v24;
	v38 =	vmax.f32 v32, v29;
	v39 =	vmin.f32 v22, v23  }
0x29d: {  	v40 =	vmax.f32 v16, v17;
	v25 =	vmax.f32 v25, v28;
	v20 =	vmin.f32 v20, v26  }
0x29e: {  	v26 =	vmin.f32 v31, v27;
	v21 =	vmax.f32 v21, v18;
	v27 =	vmin.f32 v32, v29  }
0x29f: {  	v19 =	vmin.f32 v33, v35;
	v18 =	vmax.f32 v30, v34;
	v22 =	vmax.f32 v22, v23  }
0x2a0: {  	v23 =	vmin.f32 v30, v34;
	v16 =	vmax.f32 v36, v38;
	v17 =	vmin.f32 v37, v39  }
0x2a1: {  	v28 =	vmax.f32 v33, v35;
	v30 =	vmin.f32 v36, v38;
	v33 =	vmax.f32 v37, v39  }
0x2a2: {  	v31 =	vmax.f32 v25, v20;
	v29 =	vmax.f32 v40, v24;
	v24 =	vmin.f32 v40, v24  }
0x2a3: {  	v25 =	vmin.f32 v25, v20;
	v32 =	vmax.f32 v21, v26;
	v26 =	vmin.f32 v21, v26  }
0x2a4: {  	v34 =	vmax.f32 v29, v31;
	v35 =	vmax.f32 v22, v27;
	v36 =	vmin.f32 v22, v27  }
0x2a5: {  	v22 =	vmin.f32 v24, v25;
	v21 =	vmax.f32 v32, v35;
	v20 =	vmin.f32 v26, v36  }
.Ltmp5:
0x2a6: {  	v29 =	vmin.f32 v29, v31;
	v24 =	vmax.f32 v24, v25;
	v25 =	vmin.f32 v32, v35;
	(pc) =	sbr.rel @p0 .LBB2_13-.Ltmp5, $4  }
0x2a7: {  	v35 =	vmax.f32 v24, v23;
	v27 =	vmin.f32 v24, v23;
	v23 =	vmax.f32 v26, v36  }
0x2a8: {  	v32 =	vmax.f32 v28, v29;
	v31 =	vmin.f32 v28, v29;
	v29 =	vmax.f32 v23, v30  }
0x2a9: {  	v28 =	vmin.f32 v23, v30;
	v30 =	vmax.f32 v33, v25;
	v24 =	vmin.f32 v33, v25  }
0x2aa: {  	s20 =	sadd.s32 $0x1000, s20;
	v23 =	vmax.f32 v34, v35;
	v25 =	vmin.f32 v34, v35;
	v26 =	vmax.f32 v32, v27  }
0x2ab: {  	v27 =	vmin.f32 v32, v27;
	v63 =	vmax.f32 v31, v22  }
0x2ac: {  	v22 =	vmin.f32 v31, v22;
	v31 =	vmax.f32 v21, v29;
	v21 =	vmin.f32 v21, v29  }
0x2ad: {  	v29 =	vmax.f32 v30, v28;
	v28 =	vmin.f32 v30, v28;
	v30 =	vmax.f32 v24, v20  }
0x2ae: {  	v9 =	vmax.f32 v9, v19;
	v0 =	vmax.f32 v0, v18;
	v13 =	vmax.f32 v13, v26  }
0x2af: {  	v14 =	vmax.f32 v14, v25;
	v15 =	vmax.f32 v15, v23;
	v1 =	vmax.f32 v1, v17  }
0x2b0: {  	v5 =	vmax.f32 v5, v16;
	v10 =	vmax.f32 v10, v22;
	v11 =	vmax.f32 v11, v63  }
0x2b1: {  	v12 =	vmax.f32 v12, v27;
	v9 =	vmin.f32 v9, v13;
	v3 =	vmax.f32 v3, v30  }
0x2b2: {  	v4 =	vmax.f32 v4, v28;
	v6 =	vmax.f32 v6, v29;
	v7 =	vmax.f32 v7, v21  }
0x2b3: {  	v8 =	vmax.f32 v8, v31;
	v10 =	vmin.f32 v10, v14;
	v11 =	vmin.f32 v11, v15  }
0x2b4: {  	v0 =	vmin.f32 v12, v0;
	v12 =	vmin.f32 v24, v20;
	v1 =	vmin.f32 v1, v6  }
0x2b5: {  	v3 =	vmin.f32 v3, v8;
	v4 =	vmin.f32 v4, v5;
	v2 =	vmax.f32 v2, v12  }
0x2b6: {  	v9 =	vmin.f32 v9, v11;
	v0 =	vmin.f32 v10, v0;
	v2 =	vmin.f32 v2, v7  }
0x2b7: {  	v1 =	vmin.f32 v1, v3;
	v0 =	vmin.f32 v9, v0;
	v2 =	vmin.f32 v2, v4  }
0x2b8: {  	[tilespmem:s18+$0x18020] =	vst v0;
	v1 =	vmin.f32 v1, v2  }
0x2b9: {  	s20 =	simm.s32 $0x0;
	[tilespmem:s18+$0x18030] =	vst v1  }
0x2ba: {  	v0 =	vld [tilespmem:s20+$0xC040]  }
0x2bb: {  	v1 =	vld [tilespmem:s20+$0xC0C0]  }
0x2bc: {  	v2 =	vld [tilespmem:s20+$0xC140]  }
0x2bd: {  	v3 =	vld [tilespmem:s20+$0xC1C0]  }
0x2be: {  	v4 =	vld [tilespmem:s20+$0xC240]  }
0x2bf: {  	v5 =	vld [tilespmem:s20+$0xC2C0]  }
0x2c0: {  	v6 =	vld [tilespmem:s20+$0xC340]  }
0x2c1: {  	v7 =	vld [tilespmem:s20+$0xC3C0]  }
0x2c2: {  	v8 =	vld [tilespmem:s20+$0xC050]  }
0x2c3: {  	v9 =	vld [tilespmem:s20+$0xC0D0]  }
0x2c4: {  	v10 =	vld [tilespmem:s20+$0xC150]  }
0x2c5: {  	v11 =	vld [tilespmem:s20+$0xC1D0]  }
0x2c6: {  	v12 =	vld [tilespmem:s20+$0xC250]  }
0x2c7: {  	v13 =	vld [tilespmem:s20+$0xC2D0]  }
0x2c8: {  	v14 =	vld [tilespmem:s20+$0xC350]  }
0x2c9: {  	v16 =	vld [tilespmem:s20+$0xC3D0];
	v15 =	vmax.f32 v0, v1  }
0x2ca: {  	v0 =	vmin.f32 v0, v1;
	v1 =	vmax.f32 v2, v3;
	v2 =	vmin.f32 v2, v3  }
0x2cb: {  	v3 =	vmax.f32 v4, v5;
	v4 =	vmin.f32 v4, v5;
	v5 =	vmax.f32 v6, v7  }
0x2cc: {  	v6 =	vmin.f32 v6, v7;
	v7 =	vmax.f32 v8, v9;
	v8 =	vmin.f32 v8, v9  }
0x2cd: {  	v17 =	vmax.f32 v10, v11;
	v18 =	vmin.f32 v10, v11;
	v19 =	vmax.f32 v12, v13  }
0x2ce: {  	v20 =	vmin.f32 v12, v13;
	v13 =	vmax.f32 v14, v16;
	v14 =	vmin.f32 v14, v16  }
0x2cf: {  	v16 =	vmax.f32 v15, v1;
	v21 =	vmin.f32 v0, v2;
	v22 =	vmax.f32 v3, v5  }
0x2d0: {  	v9 =	vld [tilespmem:$0x18440];
	v23 =	vmin.f32 v4, v6;
	v24 =	vmax.f32 v7, v17;
	v25 =	vmin.f32 v8, v18  }
0x2d1: {  	v10 =	vld [tilespmem:$0x184C0];
	v1 =	vmin.f32 v15, v1;
	v26 =	vmax.f32 v19, v13;
	v27 =	vmin.f32 v20, v14  }
0x2d2: {  	v11 =	vld [tilespmem:$0x18540];
	v2 =	vmax.f32 v0, v2;
	v3 =	vmin.f32 v3, v5;
	v4 =	vmax.f32 v4, v6  }
0x2d3: {  	v12 =	vld [tilespmem:$0x185C0];
	v5 =	vmin.f32 v7, v17;
	v6 =	vmax.f32 v8, v18;
	v7 =	vmin.f32 v19, v13  }
0x2d4: {  	v13 =	vld [tilespmem:$0x18640];
	v8 =	vmax.f32 v20, v14;
	v18 =	vmax.f32 v16, v22;
	v19 =	vmin.f32 v21, v23  }
0x2d5: {  	v14 =	vld [tilespmem:$0x186C0];
	v28 =	vmin.f32 v16, v22;
	v16 =	vmax.f32 v24, v26;
	v17 =	vmin.f32 v25, v27  }
0x2d6: {  	v15 =	vld [tilespmem:$0x18740];
	v23 =	vmax.f32 v21, v23;
	v24 =	vmin.f32 v24, v26;
	v25 =	vmax.f32 v25, v27  }
0x2d7: {  	v0 =	vld [tilespmem:$0x187C0];
	v26 =	vmax.f32 v2, v1;
	v27 =	vmin.f32 v2, v1;
	v29 =	vmax.f32 v4, v3  }
0x2d8: {  	v1 =	vld [tilespmem:$0x18450];
	v30 =	vmin.f32 v4, v3;
	v31 =	vmax.f32 v6, v5;
	v5 =	vmin.f32 v6, v5  }
0x2d9: {  	v2 =	vld [tilespmem:$0x184D0];
	v6 =	vmax.f32 v8, v7;
	v7 =	vmin.f32 v8, v7;
	v33 =	vmax.f32 v26, v29  }
0x2da: {  	v3 =	vld [tilespmem:$0x18550];
	v22 =	vmin.f32 v27, v30;
	v21 =	vmax.f32 v31, v6;
	v20 =	vmin.f32 v5, v7  }
0x2db: {  	v4 =	vld [tilespmem:$0x185D0];
	v8 =	vmin.f32 v26, v29;
	v26 =	vmax.f32 v27, v30;
	v34 =	vmin.f32 v31, v6  }
0x2dc: {  	v6 =	vld [tilespmem:$0x18650];
	v5 =	vmax.f32 v5, v7;
	v35 =	vmax.f32 v26, v28;
	v27 =	vmin.f32 v26, v28  }
0x2dd: {  	v7 =	vld [tilespmem:$0x186D0];
	v32 =	vmax.f32 v23, v8;
	v31 =	vmin.f32 v23, v8;
	v29 =	vmax.f32 v5, v24  }
0x2de: {  	v8 =	vld [tilespmem:$0x18750];
	v28 =	vmin.f32 v5, v24;
	v30 =	vmax.f32 v25, v34;
	v24 =	vmin.f32 v25, v34  }
0x2df: {  	s20 =	simm.s32 $0x1000;
	v5 =	vld [tilespmem:$0x187D0];
	v23 =	vmax.f32 v33, v35;
	v25 =	vmin.f32 v33, v35;
	v26 =	vmax.f32 v32, v27  }
.LBB2_15:
0x2e0: {  	p0 =	sne.s32 s20, $0x2F000;
	v27 =	vmin.f32 v32, v27;
	v32 =	vmax.f32 v31, v22;
	v22 =	vmin.f32 v31, v22  }
0x2e1: {  	v31 =	vmax.f32 v21, v29;
	v21 =	vmin.f32 v21, v29;
	v29 =	vmax.f32 v30, v28  }
0x2e2: {  	v28 =	vmin.f32 v30, v28;
	v30 =	vmax.f32 v24, v20;
	v20 =	vmin.f32 v24, v20  }
0x2e3: {  	v9 =	vmax.f32 v9, v19;
	v18 =	vmax.f32 v0, v18;
	v10 =	vmax.f32 v10, v22  }
0x2e4: {  	v0 =	vmax.f32 v11, v32;
	v11 =	vmax.f32 v12, v27;
	v12 =	vmax.f32 v13, v26  }
0x2e5: {  	v13 =	vmax.f32 v14, v25;
	v14 =	vmax.f32 v15, v23;
	v15 =	vmin.f32 v9, v12  }
0x2e6: {  	v19 =	vmin.f32 v10, v13;
	v22 =	vmin.f32 v0, v14;
	v23 =	vmin.f32 v11, v18  }
0x2e7: {  	v9 =	vmax.f32 v9, v12;
	v24 =	vmin.f32 v15, v22;
	v25 =	vmin.f32 v19, v23  }
0x2e8: {  	s21 =	sshra.s32 s20, $0x2;
	v10 =	vmax.f32 v10, v13;
	v12 =	vmax.f32 v0, v14;
	v0 =	vmin.f32 v24, v25  }
0x2e9: {  	v1 =	vmax.f32 v1, v17;
	v2 =	vmax.f32 v2, v20;
	v13 =	vmax.f32 v5, v16;
	v26 =	vld [tilespmem:s21+$0xC040]  }
0x2ea: {  	v3 =	vmax.f32 v3, v30;
	v4 =	vmax.f32 v4, v28;
	v5 =	vmax.f32 v6, v29;
	v16 =	vld [tilespmem:s21+$0xC0C0]  }
0x2eb: {  	v6 =	vmax.f32 v7, v21;
	v7 =	vmax.f32 v8, v31;
	v8 =	vmin.f32 v1, v5;
	v17 =	vld [tilespmem:s21+$0xC140]  }
0x2ec: {  	v14 =	vmin.f32 v2, v6;
	v21 =	vmin.f32 v3, v7;
	v27 =	vmin.f32 v4, v13;
	v20 =	vld [tilespmem:s21+$0xC1C0]  }
0x2ed: {  	v1 =	vmax.f32 v1, v5;
	v29 =	vmin.f32 v8, v21;
	v30 =	vmin.f32 v14, v27;
	v28 =	vld [tilespmem:s21+$0xC240]  }
0x2ee: {  	v2 =	vmax.f32 v2, v6;
	v3 =	vmax.f32 v3, v7;
	v5 =	vmin.f32 v29, v30;
	v31 =	vld [tilespmem:s21+$0xC2C0]  }
0x2ef: {  	v4 =	vmax.f32 v4, v13;
	v6 =	vmax.f32 v1, v3;
	v7 =	vmin.f32 v1, v3;
	v32 =	vld [tilespmem:s21+$0xC340]  }
0x2f0: {  	v3 =	vmax.f32 v2, v4;
	v4 =	vmin.f32 v2, v4;
	v8 =	vmax.f32 v8, v21;
	v33 =	vld [tilespmem:s21+$0xC3C0]  }
0x2f1: {  	v13 =	vmax.f32 v14, v27;
	v1 =	vmax.f32 v6, v3;
	v2 =	vmin.f32 v6, v3;
	v21 =	vld [tilespmem:s21+$0xC050]  }
0x2f2: {  	v3 =	vmax.f32 v7, v4;
	v4 =	vmin.f32 v7, v4;
	v6 =	vmax.f32 v8, v13;
	v27 =	vld [tilespmem:s21+$0xC0D0]  }
0x2f3: {  	v11 =	vmax.f32 v11, v18;
	v7 =	vmin.f32 v8, v13;
	v8 =	vmax.f32 v29, v30;
	v34 =	vld [tilespmem:s21+$0xC150]  }
0x2f4: {  	v14 =	vmax.f32 v10, v11;
	v13 =	vmax.f32 v9, v12;
	v12 =	vmin.f32 v9, v12;
	v18 =	vld [tilespmem:s21+$0xC1D0]  }
0x2f5: {  	v15 =	vmax.f32 v15, v22;
	v19 =	vmax.f32 v19, v23;
	v30 =	vmin.f32 v10, v11;
	v29 =	vld [tilespmem:s21+$0xC250]  }
0x2f6: {  	v9 =	vmax.f32 v13, v14;
	v10 =	vmin.f32 v13, v14;
	v11 =	vmax.f32 v12, v30;
	v22 =	vld [tilespmem:s21+$0xC2D0]  }
0x2f7: {  	v12 =	vmin.f32 v12, v30;
	v13 =	vmax.f32 v15, v19;
	v14 =	vmin.f32 v15, v19;
	v23 =	vld [tilespmem:s21+$0xC350]  }
0x2f8: {  	v15 =	vmax.f32 v24, v25;
	v19 =	vmax.f32 v26, v16;
	v30 =	vld [tilespmem:s21+$0xC3D0]  }
0x2f9: {  	v16 =	vmin.f32 v26, v16;
	v24 =	vmax.f32 v17, v20;
	v17 =	vmin.f32 v17, v20  }
0x2fa: {  	v20 =	vmax.f32 v28, v31;
	v25 =	vmin.f32 v28, v31;
	v26 =	vmax.f32 v32, v33  }
0x2fb: {  	v28 =	vmin.f32 v32, v33;
	v31 =	vmax.f32 v21, v27;
	v21 =	vmin.f32 v21, v27  }
0x2fc: {  	v27 =	vmax.f32 v34, v18;
	v18 =	vmin.f32 v34, v18;
	v32 =	vmax.f32 v29, v22  }
0x2fd: {  	v22 =	vmin.f32 v29, v22;
	v29 =	vmax.f32 v23, v30;
	v23 =	vmin.f32 v23, v30  }
0x2fe: {  	v33 =	vmin.f32 v16, v17;
	v34 =	vmax.f32 v20, v26;
	v30 =	vmax.f32 v19, v24  }
0x2ff: {  	v35 =	vmin.f32 v25, v28;
	v36 =	vmax.f32 v31, v27;
	v37 =	vmin.f32 v21, v18  }
0x300: {  	v24 =	vmin.f32 v19, v24;
	v38 =	vmax.f32 v32, v29;
	v39 =	vmin.f32 v22, v23  }
0x301: {  	v40 =	vmax.f32 v16, v17;
	v25 =	vmax.f32 v25, v28;
	v20 =	vmin.f32 v20, v26  }
0x302: {  	v26 =	vmin.f32 v31, v27;
	v21 =	vmax.f32 v21, v18;
	v27 =	vmin.f32 v32, v29  }
0x303: {  	v19 =	vmin.f32 v33, v35;
	v18 =	vmax.f32 v30, v34;
	v22 =	vmax.f32 v22, v23  }
0x304: {  	v23 =	vmin.f32 v30, v34;
	v16 =	vmax.f32 v36, v38;
	v17 =	vmin.f32 v37, v39  }
0x305: {  	v28 =	vmax.f32 v33, v35;
	v30 =	vmin.f32 v36, v38;
	v33 =	vmax.f32 v37, v39  }
0x306: {  	v31 =	vmax.f32 v25, v20;
	v29 =	vmax.f32 v40, v24;
	v24 =	vmin.f32 v40, v24  }
0x307: {  	v25 =	vmin.f32 v25, v20;
	v32 =	vmax.f32 v21, v26;
	v26 =	vmin.f32 v21, v26  }
0x308: {  	v34 =	vmax.f32 v29, v31;
	v35 =	vmax.f32 v22, v27;
	v36 =	vmin.f32 v22, v27  }
0x309: {  	v22 =	vmin.f32 v24, v25;
	v21 =	vmax.f32 v32, v35;
	v20 =	vmin.f32 v26, v36  }
.Ltmp6:
0x30a: {  	v29 =	vmin.f32 v29, v31;
	v24 =	vmax.f32 v24, v25;
	v25 =	vmin.f32 v32, v35;
	(pc) =	sbr.rel @p0 .LBB2_15-.Ltmp6, $4  }
0x30b: {  	v35 =	vmax.f32 v24, v23;
	v27 =	vmin.f32 v24, v23;
	v23 =	vmax.f32 v26, v36  }
0x30c: {  	v32 =	vmax.f32 v28, v29;
	v31 =	vmin.f32 v28, v29;
	v29 =	vmax.f32 v23, v30  }
0x30d: {  	v28 =	vmin.f32 v23, v30;
	v30 =	vmax.f32 v33, v25;
	v24 =	vmin.f32 v33, v25  }
0x30e: {  	s20 =	sadd.s32 $0x1000, s20;
	v23 =	vmax.f32 v34, v35;
	v25 =	vmin.f32 v34, v35;
	v26 =	vmax.f32 v32, v27  }
0x30f: {  	v27 =	vmin.f32 v32, v27;
	v63 =	vmax.f32 v31, v22  }
0x310: {  	v22 =	vmin.f32 v31, v22;
	v31 =	vmax.f32 v21, v29;
	v21 =	vmin.f32 v21, v29  }
0x311: {  	v29 =	vmax.f32 v30, v28;
	v28 =	vmin.f32 v30, v28;
	v30 =	vmax.f32 v24, v20  }
0x312: {  	v9 =	vmax.f32 v9, v19;
	v0 =	vmax.f32 v0, v18;
	v13 =	vmax.f32 v13, v26  }
0x313: {  	v14 =	vmax.f32 v14, v25;
	v15 =	vmax.f32 v15, v23;
	v1 =	vmax.f32 v1, v17  }
0x314: {  	v5 =	vmax.f32 v5, v16;
	v10 =	vmax.f32 v10, v22;
	v11 =	vmax.f32 v11, v63  }
0x315: {  	v12 =	vmax.f32 v12, v27;
	v9 =	vmin.f32 v9, v13;
	v3 =	vmax.f32 v3, v30  }
0x316: {  	v4 =	vmax.f32 v4, v28;
	v6 =	vmax.f32 v6, v29;
	v7 =	vmax.f32 v7, v21  }
0x317: {  	v8 =	vmax.f32 v8, v31;
	v10 =	vmin.f32 v10, v14;
	v11 =	vmin.f32 v11, v15  }
0x318: {  	v0 =	vmin.f32 v12, v0;
	v12 =	vmin.f32 v24, v20;
	v1 =	vmin.f32 v1, v6  }
0x319: {  	v3 =	vmin.f32 v3, v8;
	v4 =	vmin.f32 v4, v5;
	v2 =	vmax.f32 v2, v12  }
0x31a: {  	v9 =	vmin.f32 v9, v11;
	v0 =	vmin.f32 v10, v0;
	v2 =	vmin.f32 v2, v7  }
0x31b: {  	v1 =	vmin.f32 v1, v3;
	v0 =	vmin.f32 v9, v0;
	v2 =	vmin.f32 v2, v4  }
0x31c: {  	[tilespmem:s18+$0x18040] =	vst v0;
	v1 =	vmin.f32 v1, v2  }
0x31d: {  	s20 =	simm.s32 $0x0;
	[tilespmem:s18+$0x18050] =	vst v1  }
0x31e: {  	v0 =	vld [tilespmem:s20+$0xC060]  }
0x31f: {  	v1 =	vld [tilespmem:s20+$0xC0E0]  }
0x320: {  	v2 =	vld [tilespmem:s20+$0xC160]  }
0x321: {  	v3 =	vld [tilespmem:s20+$0xC1E0]  }
0x322: {  	v4 =	vld [tilespmem:s20+$0xC260]  }
0x323: {  	v5 =	vld [tilespmem:s20+$0xC2E0]  }
0x324: {  	v6 =	vld [tilespmem:s20+$0xC360]  }
0x325: {  	v7 =	vld [tilespmem:s20+$0xC3E0]  }
0x326: {  	v8 =	vld [tilespmem:s20+$0xC070]  }
0x327: {  	v9 =	vld [tilespmem:s20+$0xC0F0]  }
0x328: {  	v10 =	vld [tilespmem:s20+$0xC170]  }
0x329: {  	v11 =	vld [tilespmem:s20+$0xC1F0]  }
0x32a: {  	v12 =	vld [tilespmem:s20+$0xC270]  }
0x32b: {  	v13 =	vld [tilespmem:s20+$0xC2F0]  }
0x32c: {  	v14 =	vld [tilespmem:s20+$0xC370]  }
0x32d: {  	v16 =	vld [tilespmem:s20+$0xC3F0];
	v15 =	vmax.f32 v0, v1  }
0x32e: {  	v0 =	vmin.f32 v0, v1;
	v1 =	vmax.f32 v2, v3;
	v2 =	vmin.f32 v2, v3  }
0x32f: {  	v3 =	vmax.f32 v4, v5;
	v4 =	vmin.f32 v4, v5;
	v5 =	vmax.f32 v6, v7  }
0x330: {  	v6 =	vmin.f32 v6, v7;
	v7 =	vmax.f32 v8, v9;
	v8 =	vmin.f32 v8, v9  }
0x331: {  	v17 =	vmax.f32 v10, v11;
	v18 =	vmin.f32 v10, v11;
	v19 =	vmax.f32 v12, v13  }
0x332: {  	v20 =	vmin.f32 v12, v13;
	v13 =	vmax.f32 v14, v16;
	v14 =	vmin.f32 v14, v16  }
0x333: {  	v16 =	vmax.f32 v15, v1;
	v21 =	vmin.f32 v0, v2;
	v22 =	vmax.f32 v3, v5  }
0x334: {  	v9 =	vld [tilespmem:$0x18460];
	v23 =	vmin.f32 v4, v6;
	v24 =	vmax.f32 v7, v17;
	v25 =	vmin.f32 v8, v18  }
0x335: {  	v10 =	vld [tilespmem:$0x184E0];
	v1 =	vmin.f32 v15, v1;
	v26 =	vmax.f32 v19, v13;
	v27 =	vmin.f32 v20, v14  }
0x336: {  	v11 =	vld [tilespmem:$0x18560];
	v2 =	vmax.f32 v0, v2;
	v3 =	vmin.f32 v3, v5;
	v4 =	vmax.f32 v4, v6  }
0x337: {  	v12 =	vld [tilespmem:$0x185E0];
	v5 =	vmin.f32 v7, v17;
	v6 =	vmax.f32 v8, v18;
	v7 =	vmin.f32 v19, v13  }
0x338: {  	v13 =	vld [tilespmem:$0x18660];
	v8 =	vmax.f32 v20, v14;
	v18 =	vmax.f32 v16, v22;
	v19 =	vmin.f32 v21, v23  }
0x339: {  	v14 =	vld [tilespmem:$0x186E0];
	v28 =	vmin.f32 v16, v22;
	v16 =	vmax.f32 v24, v26;
	v17 =	vmin.f32 v25, v27  }
0x33a: {  	v15 =	vld [tilespmem:$0x18760];
	v23 =	vmax.f32 v21, v23;
	v24 =	vmin.f32 v24, v26;
	v25 =	vmax.f32 v25, v27  }
0x33b: {  	v0 =	vld [tilespmem:$0x187E0];
	v26 =	vmax.f32 v2, v1;
	v27 =	vmin.f32 v2, v1;
	v29 =	vmax.f32 v4, v3  }
0x33c: {  	v1 =	vld [tilespmem:$0x18470];
	v30 =	vmin.f32 v4, v3;
	v31 =	vmax.f32 v6, v5;
	v5 =	vmin.f32 v6, v5  }
0x33d: {  	v2 =	vld [tilespmem:$0x184F0];
	v6 =	vmax.f32 v8, v7;
	v7 =	vmin.f32 v8, v7;
	v33 =	vmax.f32 v26, v29  }
0x33e: {  	v3 =	vld [tilespmem:$0x18570];
	v22 =	vmin.f32 v27, v30;
	v21 =	vmax.f32 v31, v6;
	v20 =	vmin.f32 v5, v7  }
0x33f: {  	v4 =	vld [tilespmem:$0x185F0];
	v8 =	vmin.f32 v26, v29;
	v26 =	vmax.f32 v27, v30;
	v34 =	vmin.f32 v31, v6  }
0x340: {  	v6 =	vld [tilespmem:$0x18670];
	v5 =	vmax.f32 v5, v7;
	v35 =	vmax.f32 v26, v28;
	v27 =	vmin.f32 v26, v28  }
0x341: {  	v7 =	vld [tilespmem:$0x186F0];
	v32 =	vmax.f32 v23, v8;
	v31 =	vmin.f32 v23, v8;
	v29 =	vmax.f32 v5, v24  }
0x342: {  	v8 =	vld [tilespmem:$0x18770];
	v28 =	vmin.f32 v5, v24;
	v30 =	vmax.f32 v25, v34;
	v24 =	vmin.f32 v25, v34  }
0x343: {  	s20 =	simm.s32 $0x1000;
	v5 =	vld [tilespmem:$0x187F0];
	v23 =	vmax.f32 v33, v35;
	v25 =	vmin.f32 v33, v35;
	v26 =	vmax.f32 v32, v27  }
.LBB2_17:
0x344: {  	p0 =	sne.s32 s20, $0x2F000;
	v27 =	vmin.f32 v32, v27;
	v32 =	vmax.f32 v31, v22;
	v22 =	vmin.f32 v31, v22  }
0x345: {  	v31 =	vmax.f32 v21, v29;
	v21 =	vmin.f32 v21, v29;
	v29 =	vmax.f32 v30, v28  }
0x346: {  	v28 =	vmin.f32 v30, v28;
	v30 =	vmax.f32 v24, v20;
	v20 =	vmin.f32 v24, v20  }
0x347: {  	v9 =	vmax.f32 v9, v19;
	v18 =	vmax.f32 v0, v18;
	v10 =	vmax.f32 v10, v22  }
0x348: {  	v0 =	vmax.f32 v11, v32;
	v11 =	vmax.f32 v12, v27;
	v12 =	vmax.f32 v13, v26  }
0x349: {  	v13 =	vmax.f32 v14, v25;
	v14 =	vmax.f32 v15, v23;
	v15 =	vmin.f32 v9, v12  }
0x34a: {  	v19 =	vmin.f32 v10, v13;
	v22 =	vmin.f32 v0, v14;
	v23 =	vmin.f32 v11, v18  }
0x34b: {  	v9 =	vmax.f32 v9, v12;
	v24 =	vmin.f32 v15, v22;
	v25 =	vmin.f32 v19, v23  }
0x34c: {  	s21 =	sshra.s32 s20, $0x2;
	v10 =	vmax.f32 v10, v13;
	v12 =	vmax.f32 v0, v14;
	v0 =	vmin.f32 v24, v25  }
0x34d: {  	v1 =	vmax.f32 v1, v17;
	v2 =	vmax.f32 v2, v20;
	v13 =	vmax.f32 v5, v16;
	v26 =	vld [tilespmem:s21+$0xC060]  }
0x34e: {  	v3 =	vmax.f32 v3, v30;
	v4 =	vmax.f32 v4, v28;
	v5 =	vmax.f32 v6, v29;
	v16 =	vld [tilespmem:s21+$0xC0E0]  }
0x34f: {  	v6 =	vmax.f32 v7, v21;
	v7 =	vmax.f32 v8, v31;
	v8 =	vmin.f32 v1, v5;
	v17 =	vld [tilespmem:s21+$0xC160]  }
0x350: {  	v14 =	vmin.f32 v2, v6;
	v21 =	vmin.f32 v3, v7;
	v27 =	vmin.f32 v4, v13;
	v20 =	vld [tilespmem:s21+$0xC1E0]  }
0x351: {  	v1 =	vmax.f32 v1, v5;
	v29 =	vmin.f32 v8, v21;
	v30 =	vmin.f32 v14, v27;
	v28 =	vld [tilespmem:s21+$0xC260]  }
0x352: {  	v2 =	vmax.f32 v2, v6;
	v3 =	vmax.f32 v3, v7;
	v5 =	vmin.f32 v29, v30;
	v31 =	vld [tilespmem:s21+$0xC2E0]  }
0x353: {  	v4 =	vmax.f32 v4, v13;
	v6 =	vmax.f32 v1, v3;
	v7 =	vmin.f32 v1, v3;
	v32 =	vld [tilespmem:s21+$0xC360]  }
0x354: {  	v3 =	vmax.f32 v2, v4;
	v4 =	vmin.f32 v2, v4;
	v8 =	vmax.f32 v8, v21;
	v33 =	vld [tilespmem:s21+$0xC3E0]  }
0x355: {  	v13 =	vmax.f32 v14, v27;
	v1 =	vmax.f32 v6, v3;
	v2 =	vmin.f32 v6, v3;
	v21 =	vld [tilespmem:s21+$0xC070]  }
0x356: {  	v3 =	vmax.f32 v7, v4;
	v4 =	vmin.f32 v7, v4;
	v6 =	vmax.f32 v8, v13;
	v27 =	vld [tilespmem:s21+$0xC0F0]  }
0x357: {  	v11 =	vmax.f32 v11, v18;
	v7 =	vmin.f32 v8, v13;
	v8 =	vmax.f32 v29, v30;
	v34 =	vld [tilespmem:s21+$0xC170]  }
0x358: {  	v14 =	vmax.f32 v10, v11;
	v13 =	vmax.f32 v9, v12;
	v12 =	vmin.f32 v9, v12;
	v18 =	vld [tilespmem:s21+$0xC1F0]  }
0x359: {  	v15 =	vmax.f32 v15, v22;
	v19 =	vmax.f32 v19, v23;
	v30 =	vmin.f32 v10, v11;
	v29 =	vld [tilespmem:s21+$0xC270]  }
0x35a: {  	v9 =	vmax.f32 v13, v14;
	v10 =	vmin.f32 v13, v14;
	v11 =	vmax.f32 v12, v30;
	v22 =	vld [tilespmem:s21+$0xC2F0]  }
0x35b: {  	v12 =	vmin.f32 v12, v30;
	v13 =	vmax.f32 v15, v19;
	v14 =	vmin.f32 v15, v19;
	v23 =	vld [tilespmem:s21+$0xC370]  }
0x35c: {  	v15 =	vmax.f32 v24, v25;
	v19 =	vmax.f32 v26, v16;
	v30 =	vld [tilespmem:s21+$0xC3F0]  }
0x35d: {  	v16 =	vmin.f32 v26, v16;
	v24 =	vmax.f32 v17, v20;
	v17 =	vmin.f32 v17, v20  }
0x35e: {  	v20 =	vmax.f32 v28, v31;
	v25 =	vmin.f32 v28, v31;
	v26 =	vmax.f32 v32, v33  }
0x35f: {  	v28 =	vmin.f32 v32, v33;
	v31 =	vmax.f32 v21, v27;
	v21 =	vmin.f32 v21, v27  }
0x360: {  	v27 =	vmax.f32 v34, v18;
	v18 =	vmin.f32 v34, v18;
	v32 =	vmax.f32 v29, v22  }
0x361: {  	v22 =	vmin.f32 v29, v22;
	v29 =	vmax.f32 v23, v30;
	v23 =	vmin.f32 v23, v30  }
0x362: {  	v33 =	vmin.f32 v16, v17;
	v34 =	vmax.f32 v20, v26;
	v30 =	vmax.f32 v19, v24  }
0x363: {  	v35 =	vmin.f32 v25, v28;
	v36 =	vmax.f32 v31, v27;
	v37 =	vmin.f32 v21, v18  }
0x364: {  	v24 =	vmin.f32 v19, v24;
	v38 =	vmax.f32 v32, v29;
	v39 =	vmin.f32 v22, v23  }
0x365: {  	v40 =	vmax.f32 v16, v17;
	v25 =	vmax.f32 v25, v28;
	v20 =	vmin.f32 v20, v26  }
0x366: {  	v26 =	vmin.f32 v31, v27;
	v21 =	vmax.f32 v21, v18;
	v27 =	vmin.f32 v32, v29  }
0x367: {  	v19 =	vmin.f32 v33, v35;
	v18 =	vmax.f32 v30, v34;
	v22 =	vmax.f32 v22, v23  }
0x368: {  	v23 =	vmin.f32 v30, v34;
	v16 =	vmax.f32 v36, v38;
	v17 =	vmin.f32 v37, v39  }
0x369: {  	v28 =	vmax.f32 v33, v35;
	v30 =	vmin.f32 v36, v38;
	v33 =	vmax.f32 v37, v39  }
0x36a: {  	v31 =	vmax.f32 v25, v20;
	v29 =	vmax.f32 v40, v24;
	v24 =	vmin.f32 v40, v24  }
0x36b: {  	v25 =	vmin.f32 v25, v20;
	v32 =	vmax.f32 v21, v26;
	v26 =	vmin.f32 v21, v26  }
0x36c: {  	v34 =	vmax.f32 v29, v31;
	v35 =	vmax.f32 v22, v27;
	v36 =	vmin.f32 v22, v27  }
0x36d: {  	v22 =	vmin.f32 v24, v25;
	v21 =	vmax.f32 v32, v35;
	v20 =	vmin.f32 v26, v36  }
.Ltmp7:
0x36e: {  	v29 =	vmin.f32 v29, v31;
	v24 =	vmax.f32 v24, v25;
	v25 =	vmin.f32 v32, v35;
	(pc) =	sbr.rel @p0 .LBB2_17-.Ltmp7, $4  }
0x36f: {  	v35 =	vmax.f32 v24, v23;
	v27 =	vmin.f32 v24, v23;
	v23 =	vmax.f32 v26, v36  }
0x370: {  	v32 =	vmax.f32 v28, v29;
	v31 =	vmin.f32 v28, v29;
	v29 =	vmax.f32 v23, v30  }
0x371: {  	v28 =	vmin.f32 v23, v30;
	v30 =	vmax.f32 v33, v25;
	v24 =	vmin.f32 v33, v25  }
0x372: {  	s20 =	sadd.s32 $0x1000, s20;
	v23 =	vmax.f32 v34, v35;
	v25 =	vmin.f32 v34, v35;
	v26 =	vmax.f32 v32, v27  }
0x373: {  	v27 =	vmin.f32 v32, v27;
	v56 =	vmax.f32 v31, v22  }
0x374: {  	v57 =	vmin.f32 v31, v22;
	v58 =	vmax.f32 v21, v29;
	v59 =	vmin.f32 v21, v29  }
0x375: {  	v60 =	vmax.f32 v30, v28;
	v61 =	vmin.f32 v30, v28;
	v62 =	vmax.f32 v24, v20  }
0x376: {  	v9 =	vmax.f32 v9, v19;
	v0 =	vmax.f32 v0, v18;
	v13 =	vmax.f32 v13, v26  }
0x377: {  	v14 =	vmax.f32 v14, v25;
	v15 =	vmax.f32 v15, v23;
	v63 =	vmin.f32 v24, v20  }
0x378: {  	v1 =	vmax.f32 v1, v17;
	v5 =	vmax.f32 v5, v16;
	v10 =	vmax.f32 v10, v57  }
0x379: {  	v11 =	vmax.f32 v11, v56;
	v12 =	vmax.f32 v12, v27;
	v9 =	vmin.f32 v9, v13  }
0x37a: {  	v2 =	vmax.f32 v2, v63;
	v3 =	vmax.f32 v3, v62;
	v4 =	vmax.f32 v4, v61  }
0x37b: {  	v6 =	vmax.f32 v6, v60;
	v7 =	vmax.f32 v7, v59;
	v8 =	vmax.f32 v8, v58  }
0x37c: {  	p0 =	sne.s32 s19, $0x8;
	v10 =	vmin.f32 v10, v14;
	v11 =	vmin.f32 v11, v15;
	v0 =	vmin.f32 v12, v0  }
.Ltmp8:
0x37d: {  	v1 =	vmin.f32 v1, v6;
	v2 =	vmin.f32 v2, v7;
	v3 =	vmin.f32 v3, v8;
	(pc) =	sbr.rel @p0 .LBB2_2-.Ltmp8, $4  }
0x37e: {  	v4 =	vmin.f32 v4, v5;
	v9 =	vmin.f32 v9, v11;
	v0 =	vmin.f32 v10, v0  }
0x37f: {  	v1 =	vmin.f32 v1, v3;
	v2 =	vmin.f32 v2, v4;
	v0 =	vmin.f32 v9, v0  }
0x380: {  	v1 =	vmin.f32 v1, v2;
	[tilespmem:s18+$0x18060] =	vst v0  }
0x381: {  	[tilespmem:s18+$0x18070] =	vst v1;
	s18 =	smov.u32 s19  }
0x382: {  	s17 =	sadd.s32 $0x1, s17  }
0x383: {  	p0 =	sne.s32 s17, s8  }
.Ltmp9:
0x384: {  	_ = 	snop;
	(pc) =	sbr.rel @p0 .LBB2_1-.Ltmp9, $4  }
0x385: {  	[hbm4b:s7+s14] =	stream.strided.scatter [tilespmem:s15], [sflag:$0x3], $0x400, s9, s14, $0x38;
	[tilespmem:$0x18800] =	vst v63  }
0x386: {  	_ =	swait.ge [sflag:s16], $0x400  }
0x387: {  	[sflag:s16] =	ssyncset.done $0x0  }
0x388: {  	[sflag:s16] =	ssyncadd.s32 $0xFFFFFC00  }
0x389: {  	_ =	sfence.sel $0x180000  }
0x38a: {  	[bflag:$0x0] =	sbarrier.arrive $0xFFFF  }
0x38b: {  	p0 =	sne.s32 s1, $0x0;
	_ =	strace $0x90000047  }
0x38c: {  	s0 =	sadd.s32 @!p0 $0x100000, s0;
	[bflag:$0x2] =	sbarrier.arrive $0xFFFF  }
0x38d: {  	[sflag:s0] =	ssyncadd.tile.s32 @!p0 $0x1;
	_ =	shalt  }
.Lfunc_end2:
_tile_overlayer_lowered:
.L_overlay_start_2:
0x38e: {  	(tag) =	ssettag $0x2  }
0x38f: {  	s0 =	rddreg [dreg:$0x0];
	s2 =	stileid.u32  }
0x390: {  	s1 =	rddreg [dreg:$0x1];
	p0 =	sne.s32 s2, $0x0  }
0x391: {  	s3 =	rddreg [dreg:$0x2];
	[bflag:$0x3] =	sbarrier.arrive $0xFFFF;
	s2 =	simm.s32 @!p0 $0x1C04  }
0x392: {  	[timem:s3], [sflag:s2] =	dma.local @!p0 [hbm:s0], s1  }
0x393: {  	s0 =	simm.s32 @!p0 $0x4  }
0x394: {  	_ =	swait.ge @!p0 [sflag:s0], s1  }
0x395: {  	s1 =	ssub.s32 @!p0 $0x0, s1;
	[sflag:s0] =	ssyncset.done @!p0 $0x0  }
0x396: {  	[sflag:s0] =	ssyncadd.s32 @!p0 s1  }
0x397: {  	[bflag:$0x3] =	sbarrier.arrive $0xFFFF  }
0x398: {  	_ =	shalt  }

</sc_bundles>
